<compile_context>
chip_gen: v7x
topology: tpu7x:2x2x1
jax: 0.10.2.dev20260603
libtpu: 0.0.44.dev20260713+nightly
codegen_flags: <defaults>
</compile_context>

<pallas_src>
import functools

import jax
import jax.numpy as jnp
from jax import lax
from jax.experimental import pallas as pl
from jax.experimental.pallas import tpu as pltpu
from jax.experimental.pallas import tpu_sc as plsc

RAND_NEG_RATIO = 3
LEAST_NEG_PERCENT = 0.05
LOSS_WEIGHT = 1.0

_LANES = 512
_NBLK = 4
_STRIPE = 8
_TC_FRAC_NUM, _TC_FRAC_DEN = 7, 8

_NW = 32
_VEC = 16
_CHUNK = 16384
_UNROLL = 8

_Q = (0.999991828530996, -0.49937259784652266, 0.3252951414015596,
      -0.21029369270422338, 0.1015000471540588, -0.023979573072245318)


def _log1p_poly(u):
    q = jnp.full_like(u, _Q[5])
    for c in (_Q[4], _Q[3], _Q[2], _Q[1], _Q[0]):
        q = q * u + c
    return u * q


def _tc_body(p_ref, l_ref, out_ref, macc_ref, wacc_ref, lacc_ref, *, nblk):
    i = pl.program_id(0)

    @pl.when(i == 0)
    def _init():
        macc_ref[...] = jnp.zeros_like(macc_ref)
        wacc_ref[...] = jnp.zeros_like(wacc_ref)
        lacc_ref[...] = jnp.zeros_like(lacc_ref)

    blk_rows = p_ref.shape[0]
    z = jnp.zeros((_STRIPE, _LANES), jnp.float32)
    macc, wacc, lacc = z, z, z
    for k in range(blk_rows // _STRIPE):
        p = p_ref[k * _STRIPE:(k + 1) * _STRIPE, :]
        l = l_ref[k * _STRIPE:(k + 1) * _STRIPE, :]
        u = jnp.exp(-jnp.abs(p))
        wacc = wacc + jnp.log(u + 1.0)
        macc = macc + (jnp.maximum(p, 0.0) - p * l)
        lacc = lacc + l
    macc_ref[...] += macc
    wacc_ref[...] += wacc
    lacc_ref[...] += lacc

    @pl.when(i == nblk - 1)
    def _fin():
        out_ref[0] = jnp.sum(macc_ref[...]) + jnp.sum(wacc_ref[...])
        out_ref[1] = jnp.sum(lacc_ref[...])


def _tc_partials(p2, l2, tc_rows):
    blk_rows = tc_rows // _NBLK
    return pl.pallas_call(
        functools.partial(_tc_body, nblk=_NBLK),
        grid=(_NBLK,),
        in_specs=[
            pl.BlockSpec((blk_rows, _LANES), lambda i: (i, 0)),
            pl.BlockSpec((blk_rows, _LANES), lambda i: (i, 0)),
        ],
        out_specs=pl.BlockSpec(memory_space=pltpu.SMEM),
        out_shape=jax.ShapeDtypeStruct((2,), jnp.float32),
        scratch_shapes=[
            pltpu.VMEM((_STRIPE, _LANES), jnp.float32),
            pltpu.VMEM((_STRIPE, _LANES), jnp.float32),
            pltpu.VMEM((_STRIPE, _LANES), jnp.float32),
        ],
    )(p2, l2)


def _sc_partials(pred_flat, label_flat, sc_base, sc_elems):
    per_w = sc_elems // _NW
    nchunk = max(per_w // _CHUNK, 1)
    chunk = min(per_w, _CHUNK)
    mesh = plsc.VectorSubcoreMesh(core_axis_name="c", subcore_axis_name="s")

    @functools.partial(
        pl.kernel,
        mesh=mesh,
        out_type=(jax.ShapeDtypeStruct((_NW, _VEC), jnp.float32),
                  jax.ShapeDtypeStruct((_NW, _VEC), jnp.float32)),
        scratch_types=[
            pltpu.VMEM((2, chunk), jnp.float32),
            pltpu.VMEM((2, chunk), jnp.float32),
            pltpu.VMEM((_VEC,), jnp.float32),
            pltpu.VMEM((_VEC,), jnp.float32),
            pltpu.SemaphoreType.DMA,
            pltpu.SemaphoreType.DMA,
        ],
    )
    def k(p_hbm, l_hbm, s_out, n_out, pbuf, lbuf, svec, nvec, psem, lsem):
        cid = lax.axis_index("c")
        sid = lax.axis_index("s")
        wid = sid * 2 + cid
        base = sc_base + wid * per_w

        hp = [None, None]
        hl = [None, None]
        hp[0] = pltpu.async_copy(p_hbm.at[pl.ds(base, chunk)], pbuf.at[0], psem)
        hl[0] = pltpu.async_copy(l_hbm.at[pl.ds(base, chunk)], lbuf.at[0], lsem)

        acc = (jnp.zeros((_VEC,), jnp.float32),
               jnp.zeros((_VEC,), jnp.float32),
               jnp.zeros((_VEC,), jnp.float32))
        for c in range(nchunk):
            cur, nxt = c % 2, (c + 1) % 2
            if c + 1 < nchunk:
                off = base + (c + 1) * chunk
                hp[nxt] = pltpu.async_copy(p_hbm.at[pl.ds(off, chunk)],
                                           pbuf.at[nxt], psem)
                hl[nxt] = pltpu.async_copy(l_hbm.at[pl.ds(off, chunk)],
                                           lbuf.at[nxt], lsem)
            hp[cur].wait()
            hl[cur].wait()

            def body(j, carry, cur=cur):
                am, aw, al = carry
                off = j * (_VEC * _UNROLL)
                for k2 in range(_UNROLL):
                    p = pbuf[cur, pl.ds(off + k2 * _VEC, _VEC)]
                    l = lbuf[cur, pl.ds(off + k2 * _VEC, _VEC)]
                    u = jnp.exp(-jnp.abs(p))
                    am = am + (jnp.maximum(p, 0.0) - p * l)
                    aw = aw + _log1p_poly(u)
                    al = al + l
                return am, aw, al

            acc = lax.fori_loop(0, chunk // (_VEC * _UNROLL), body, acc)

        svec[...] = acc[0] + acc[1]
        nvec[...] = acc[2]
        pltpu.sync_copy(svec, s_out.at[wid])
        pltpu.sync_copy(nvec, n_out.at[wid])

    return k(pred_flat, label_flat)


def kernel(pred, label):
    total = pred.size
    rows = total // _LANES
    tc_rows = rows * _TC_FRAC_NUM // _TC_FRAC_DEN
    sc_base = tc_rows * _LANES
    sc_elems = total - sc_base

    p2 = pred.reshape(rows, _LANES)
    l2 = label.reshape(rows, _LANES)
    tc_out = _tc_partials(p2, l2, tc_rows)
    s_parts, n_parts = _sc_partials(pred.reshape(-1), label.reshape(-1),
                                    sc_base, sc_elems)

    s = tc_out[0] + jnp.sum(s_parts)
    num_pos = tc_out[1] + jnp.sum(n_parts)
    least = float(int(total * LEAST_NEG_PERCENT))
    rand_neg = jnp.maximum(num_pos * float(RAND_NEG_RATIO), least)
    num_sampled_neg = jnp.minimum(rand_neg, float(total) - num_pos)
    balanced = num_pos + num_sampled_neg
    return LOSS_WEIGHT * s / balanced

# --- scband reference (transcript-rebuilt; emitter-appended) ---
"""Pipeline reference for scband-balanced-bcewith-logits-loss-11312943858133 (READ-ONLY COPY).

The authoritative reference and input builder live on the scoring server;
editing this copy changes nothing except your own understanding.
"""

import jax, jax.numpy as jnp
import numpy as np

RAND_NEG_RATIO = 3
LEAST_NEG_PERCENT = 0.05
LOSS_WEIGHT = 1.0


def _bce_with_logits(p, l):
    # numerically stable binary_cross_entropy_with_logits, elementwise
    return jnp.maximum(p, 0.0) - p * l + jnp.log1p(jnp.exp(-jnp.abs(p)))


def setup_inputs(seed: int = 0) -> dict:
    key = jax.random.key(seed)
    k1, k2 = jax.random.split(key)
    pred = jax.random.normal(k1, (16, 1, 512, 512), dtype=jnp.float32)
    label = jax.random.randint(k2, (16, 1, 512, 512), 0, 2).astype(jnp.float32)
    return {"pred": pred, "label": label}


def reference(pred, label):
    flattened_pred = pred.reshape(-1)
    flattened_label = label.reshape(-1)
    total = flattened_label.shape[0]
    pos_mask = flattened_label != 0
    num_pos = jnp.sum(pos_mask.astype(jnp.int32))
    num_neg = total - num_pos
    rand_neg_num = jnp.maximum(num_pos * RAND_NEG_RATIO,
                               int(total * LEAST_NEG_PERCENT))
    num_sampled_neg = jnp.minimum(rand_neg_num, num_neg)
    balanced_count = num_pos + num_sampled_neg
    elem = _bce_with_logits(flattened_pred, flattened_label)
    loss = jnp.sum(elem) / balanced_count.astype(flattened_pred.dtype)
    return LOSS_WEIGHT * loss

if __name__ == "__main__":
    import jax
    _d = setup_inputs()
    print(jax.jit(kernel)(*tuple(_d.values())))

</pallas_src>

<mosaic_0001>
#map = affine_map<(d0, d1) -> (0)>
#map1 = affine_map<(d0, d1) -> (0, 0)>
module attributes {stable_mosaic.version = 14 : i64} {
  func.func @k(%arg0: i32, %arg1: i32, %arg2: memref<4194304xf32, #tpu.memory_space<hbm>>, %arg3: memref<4194304xf32, #tpu.memory_space<hbm>>, %arg4: memref<32x16xf32, #tpu.memory_space<hbm>>, %arg5: memref<32x16xf32, #tpu.memory_space<hbm>>, %arg6: memref<2x16384xf32, #tpu.memory_space<vmem>>, %arg7: memref<2x16384xf32, #tpu.memory_space<vmem>>, %arg8: memref<16xf32, #tpu.memory_space<vmem>>, %arg9: memref<16xf32, #tpu.memory_space<vmem>>, %arg10: memref<!tpu.dma_semaphore, #tpu.memory_space<semaphore_mem>>, %arg11: memref<!tpu.dma_semaphore, #tpu.memory_space<semaphore_mem>>) attributes {dimension_semantics = [#tpu.dimension_semantics<core_parallel>, #tpu.dimension_semantics<subcore_parallel>], iteration_bounds = array<i64: 2, 16>, scalar_prefetch = 0 : i64, scratch_operands = 6 : i64, tpu.core_type = #tpu.core_type<sc_vector_subcore>, window_params = [{transform_indices = #map}, {transform_indices = #map}, {transform_indices = #map1}, {transform_indices = #map1}]} {
    %mul3A = arith.constant 2 : i32
    %mul3A_0 = arith.muli %arg1, %mul3A : i32
    %add3A = arith.addi %mul3A_0, %arg0 : i32
    %mul3A_1 = arith.constant 16384 : i32
    %mul3A_2 = arith.muli %add3A, %mul3A_1 : i32
    %add3A_3 = arith.constant 3670016 : i32
    %add3A_4 = arith.addi %add3A_3, %mul3A_2 : i32
    %dma_start3A = arith.constant 0 : i32
    %dma_start3A_5 = arith.constant 0 : i32
    %dma_start3A_6 = tpu.memref_slice %arg6[%dma_start3A, %dma_start3A_5] : memref<2x16384xf32, #tpu.memory_space<vmem>> -> memref<1x16384xf32, #tpu.memory_space<vmem>>
    %dma_start3A_7 = tpu.memref_squeeze %dma_start3A_6 : memref<1x16384xf32, #tpu.memory_space<vmem>> -> memref<16384xf32, #tpu.memory_space<vmem>>
    %dma_start3A_8 = tpu.memref_slice %arg2[%add3A_4] : memref<4194304xf32, #tpu.memory_space<hbm>> -> memref<16384xf32, #tpu.memory_space<hbm>>
    %dma_start3A_9 = arith.constant 0 : i32
    %dma_start3A_10 = tpu.memref_slice %arg6[%dma_start3A, %dma_start3A_9] : memref<2x16384xf32, #tpu.memory_space<vmem>> -> memref<1x16384xf32, #tpu.memory_space<vmem>>
    %dma_start3A_11 = tpu.memref_squeeze %dma_start3A_10 : memref<1x16384xf32, #tpu.memory_space<vmem>> -> memref<16384xf32, #tpu.memory_space<vmem>>
    %dma_start3A_12 = tpu.memref_slice %arg2[%add3A_4] : memref<4194304xf32, #tpu.memory_space<hbm>> -> memref<16384xf32, #tpu.memory_space<hbm>>
    tpu.enqueue_dma source(%dma_start3A_12 : memref<16384xf32, #tpu.memory_space<hbm>>) target(%dma_start3A_11 : memref<16384xf32, #tpu.memory_space<vmem>>) target_semaphore(%arg10 : memref<!tpu.dma_semaphore, #tpu.memory_space<semaphore_mem>>)
    %dma_start3A_13 = arith.constant 0 : i32
    %dma_start3A_14 = arith.constant 0 : i32
    %dma_start3A_15 = tpu.memref_slice %arg7[%dma_start3A_13, %dma_start3A_14] : memref<2x16384xf32, #tpu.memory_space<vmem>> -> memref<1x16384xf32, #tpu.memory_space<vmem>>
    %dma_start3A_16 = tpu.memref_squeeze %dma_start3A_15 : memref<1x16384xf32, #tpu.memory_space<vmem>> -> memref<16384xf32, #tpu.memory_space<vmem>>
    %dma_start3A_17 = tpu.memref_slice %arg3[%add3A_4] : memref<4194304xf32, #tpu.memory_space<hbm>> -> memref<16384xf32, #tpu.memory_space<hbm>>
    %dma_start3A_18 = arith.constant 0 : i32
    %dma_start3A_19 = tpu.memref_slice %arg7[%dma_start3A_13, %dma_start3A_18] : memref<2x16384xf32, #tpu.memory_space<vmem>> -> memref<1x16384xf32, #tpu.memory_space<vmem>>
    %dma_start3A_20 = tpu.memref_squeeze %dma_start3A_19 : memref<1x16384xf32, #tpu.memory_space<vmem>> -> memref<16384xf32, #tpu.memory_space<vmem>>
    %dma_start3A_21 = tpu.memref_slice %arg3[%add3A_4] : memref<4194304xf32, #tpu.memory_space<hbm>> -> memref<16384xf32, #tpu.memory_space<hbm>>
    tpu.enqueue_dma source(%dma_start3A_21 : memref<16384xf32, #tpu.memory_space<hbm>>) target(%dma_start3A_20 : memref<16384xf32, #tpu.memory_space<vmem>>) target_semaphore(%arg11 : memref<!tpu.dma_semaphore, #tpu.memory_space<semaphore_mem>>)
    %broadcast_in_dim3A = arith.constant 0.000000e+00 : f32
    %broadcast_in_dim3A_22 = vector.broadcast %broadcast_in_dim3A : f32 to vector<16xf32>
    %broadcast_in_dim3A_23 = arith.constant 0.000000e+00 : f32
    %broadcast_in_dim3A_24 = vector.broadcast %broadcast_in_dim3A_23 : f32 to vector<16xf32>
    %broadcast_in_dim3A_25 = arith.constant 0.000000e+00 : f32
    %broadcast_in_dim3A_26 = vector.broadcast %broadcast_in_dim3A_25 : f32 to vector<16xf32>
    %dma_wait3A = arith.constant 0 : i32
    %dma_wait3A_27 = arith.constant 0 : i32
    %dma_wait3A_28 = tpu.memref_slice %arg6[%dma_wait3A, %dma_wait3A_27] : memref<2x16384xf32, #tpu.memory_space<vmem>> -> memref<1x16384xf32, #tpu.memory_space<vmem>>
    %dma_wait3A_29 = tpu.memref_squeeze %dma_wait3A_28 : memref<1x16384xf32, #tpu.memory_space<vmem>> -> memref<16384xf32, #tpu.memory_space<vmem>>
    %dma_wait3A_30 = tpu.memref_slice %arg2[%add3A_4] : memref<4194304xf32, #tpu.memory_space<hbm>> -> memref<16384xf32, #tpu.memory_space<hbm>>
    %dma_wait3A_31 = arith.constant 0 : i32
    %dma_wait3A_32 = tpu.memref_slice %arg6[%dma_wait3A, %dma_wait3A_31] : memref<2x16384xf32, #tpu.memory_space<vmem>> -> memref<1x16384xf32, #tpu.memory_space<vmem>>
    %dma_wait3A_33 = tpu.memref_squeeze %dma_wait3A_32 : memref<1x16384xf32, #tpu.memory_space<vmem>> -> memref<16384xf32, #tpu.memory_space<vmem>>
    %dma_wait3A_34 = tpu.memref_slice %arg2[%add3A_4] : memref<4194304xf32, #tpu.memory_space<hbm>> -> memref<16384xf32, #tpu.memory_space<hbm>>
    tpu.wait_dma2 semaphore(%arg10 : memref<!tpu.dma_semaphore, #tpu.memory_space<semaphore_mem>>) src(%dma_wait3A_34 : memref<16384xf32, #tpu.memory_space<hbm>>) dst(%dma_wait3A_33 : memref<16384xf32, #tpu.memory_space<vmem>>)
    %dma_wait3A_35 = arith.constant 0 : i32
    %dma_wait3A_36 = arith.constant 0 : i32
    %dma_wait3A_37 = tpu.memref_slice %arg7[%dma_wait3A_35, %dma_wait3A_36] : memref<2x16384xf32, #tpu.memory_space<vmem>> -> memref<1x16384xf32, #tpu.memory_space<vmem>>
    %dma_wait3A_38 = tpu.memref_squeeze %dma_wait3A_37 : memref<1x16384xf32, #tpu.memory_space<vmem>> -> memref<16384xf32, #tpu.memory_space<vmem>>
    %dma_wait3A_39 = tpu.memref_slice %arg3[%add3A_4] : memref<4194304xf32, #tpu.memory_space<hbm>> -> memref<16384xf32, #tpu.memory_space<hbm>>
    %dma_wait3A_40 = arith.constant 0 : i32
    %dma_wait3A_41 = tpu.memref_slice %arg7[%dma_wait3A_35, %dma_wait3A_40] : memref<2x16384xf32, #tpu.memory_space<vmem>> -> memref<1x16384xf32, #tpu.memory_space<vmem>>
    %dma_wait3A_42 = tpu.memref_squeeze %dma_wait3A_41 : memref<1x16384xf32, #tpu.memory_space<vmem>> -> memref<16384xf32, #tpu.memory_space<vmem>>
    %dma_wait3A_43 = tpu.memref_slice %arg3[%add3A_4] : memref<4194304xf32, #tpu.memory_space<hbm>> -> memref<16384xf32, #tpu.memory_space<hbm>>
    tpu.wait_dma2 semaphore(%arg11 : memref<!tpu.dma_semaphore, #tpu.memory_space<semaphore_mem>>) src(%dma_wait3A_43 : memref<16384xf32, #tpu.memory_space<hbm>>) dst(%dma_wait3A_42 : memref<16384xf32, #tpu.memory_space<vmem>>)
    %scan3A = arith.constant 0 : i32
    %scan3A_44 = arith.constant 128 : i32
    %scan3A_45 = arith.addi %scan3A, %scan3A_44 : i32
    %scan3A_46 = arith.constant 1 : i32
    %scan3A_47:3 = scf.for %scan3A_57 = %scan3A to %scan3A_45 step %scan3A_46 iter_args(%scan3A_58 = %broadcast_in_dim3A_22, %scan3A_59 = %broadcast_in_dim3A_24, %scan3A_60 = %broadcast_in_dim3A_26) -> (vector<16xf32>, vector<16xf32>, vector<16xf32>)  : i32 {
      %mul3A_61 = arith.constant 128 : i32
      %mul3A_62 = arith.muli %scan3A_57, %mul3A_61 : i32
      %add3A_63 = arith.constant 0 : i32
      %add3A_64 = arith.addi %mul3A_62, %add3A_63 : i32
      %get3A = arith.constant 0 : i32
      %get3A_65 = arith.index_cast %get3A : i32 to index
      %get3A_66 = arith.index_cast %add3A_64 : i32 to index
      %get3A_67 = tpu.vector_load %arg6[%get3A_65, %get3A_66] {strides = array<i32>} : memref<2x16384xf32, #tpu.memory_space<vmem>>, vector<1x16xf32>,
      %get3A_68 = vector.shape_cast %get3A_67 : vector<1x16xf32> to vector<16xf32>
      %add3A_69 = arith.constant 0 : i32
      %add3A_70 = arith.addi %mul3A_62, %add3A_69 : i32
      %get3A_71 = arith.constant 0 : i32
      %get3A_72 = arith.index_cast %get3A_71 : i32 to index
      %get3A_73 = arith.index_cast %add3A_70 : i32 to index
      %get3A_74 = tpu.vector_load %arg7[%get3A_72, %get3A_73] {strides = array<i32>} : memref<2x16384xf32, #tpu.memory_space<vmem>>, vector<1x16xf32>,
      %get3A_75 = vector.shape_cast %get3A_74 : vector<1x16xf32> to vector<16xf32>
      %abs3A = math.absf %get3A_68 : vector<16xf32>
      %neg3A = arith.constant 0.000000e+00 : f32
      %neg3A_76 = vector.broadcast %neg3A : f32 to vector<16xf32>
      %neg3A_77 = arith.subf %neg3A_76, %abs3A : vector<16xf32>
      %exp3A = math.exp %neg3A_77 : vector<16xf32>
      %max3A = arith.constant 0.000000e+00 : f32
      %max3A_78 = vector.broadcast %max3A : f32 to vector<16xf32>
      %max3A_79 = arith.maximumf %get3A_68, %max3A_78 : vector<16xf32>
      %mul3A_80 = arith.mulf %get3A_68, %get3A_75 : vector<16xf32>
      %sub3A = arith.subf %max3A_79, %mul3A_80 : vector<16xf32>
      %add3A_81 = arith.addf %scan3A_58, %sub3A : vector<16xf32>
      %broadcast_in_dim3A_82 = arith.constant -0.0239795726 : f32
      %broadcast_in_dim3A_83 = vector.broadcast %broadcast_in_dim3A_82 : f32 to vector<16xf32>
      %mul3A_84 = arith.mulf %broadcast_in_dim3A_83, %exp3A : vector<16xf32>
      %add3A_85 = arith.constant 0.101500049 : f32
      %add3A_86 = vector.broadcast %add3A_85 : f32 to vector<16xf32>
      %add3A_87 = arith.addf %mul3A_84, %add3A_86 : vector<16xf32>
      %mul3A_88 = arith.mulf %add3A_87, %exp3A : vector<16xf32>
      %add3A_89 = arith.constant -0.210293695 : f32
      %add3A_90 = vector.broadcast %add3A_89 : f32 to vector<16xf32>
      %add3A_91 = arith.addf %mul3A_88, %add3A_90 : vector<16xf32>
      %mul3A_92 = arith.mulf %add3A_91, %exp3A : vector<16xf32>
      %add3A_93 = arith.constant 0.32529515 : f32
      %add3A_94 = vector.broadcast %add3A_93 : f32 to vector<16xf32>
      %add3A_95 = arith.addf %mul3A_92, %add3A_94 : vector<16xf32>
      %mul3A_96 = arith.mulf %add3A_95, %exp3A : vector<16xf32>
      %add3A_97 = arith.constant -0.499372602 : f32
      %add3A_98 = vector.broadcast %add3A_97 : f32 to vector<16xf32>
      %add3A_99 = arith.addf %mul3A_96, %add3A_98 : vector<16xf32>
      %mul3A_100 = arith.mulf %add3A_99, %exp3A : vector<16xf32>
      %add3A_101 = arith.constant 0.999991834 : f32
      %add3A_102 = vector.broadcast %add3A_101 : f32 to vector<16xf32>
      %add3A_103 = arith.addf %mul3A_100, %add3A_102 : vector<16xf32>
      %mul3A_104 = arith.mulf %exp3A, %add3A_103 : vector<16xf32>
      %add3A_105 = arith.addf %scan3A_59, %mul3A_104 : vector<16xf32>
      %add3A_106 = arith.addf %scan3A_60, %get3A_75 : vector<16xf32>
      %add3A_107 = arith.constant 16 : i32
      %add3A_108 = arith.addi %mul3A_62, %add3A_107 : i32
      %get3A_109 = arith.constant 0 : i32
      %get3A_110 = arith.index_cast %get3A_109 : i32 to index
      %get3A_111 = arith.index_cast %add3A_108 : i32 to index
      %get3A_112 = tpu.vector_load %arg6[%get3A_110, %get3A_111] {strides = array<i32>} : memref<2x16384xf32, #tpu.memory_space<vmem>>, vector<1x16xf32>,
      %get3A_113 = vector.shape_cast %get3A_112 : vector<1x16xf32> to vector<16xf32>
      %add3A_114 = arith.constant 16 : i32
      %add3A_115 = arith.addi %mul3A_62, %add3A_114 : i32
      %get3A_116 = arith.constant 0 : i32
      %get3A_117 = arith.index_cast %get3A_116 : i32 to index
      %get3A_118 = arith.index_cast %add3A_115 : i32 to index
      %get3A_119 = tpu.vector_load %arg7[%get3A_117, %get3A_118] {strides = array<i32>} : memref<2x16384xf32, #tpu.memory_space<vmem>>, vector<1x16xf32>,
      %get3A_120 = vector.shape_cast %get3A_119 : vector<1x16xf32> to vector<16xf32>
      %abs3A_121 = math.absf %get3A_113 : vector<16xf32>
      %neg3A_122 = arith.constant 0.000000e+00 : f32
      %neg3A_123 = vector.broadcast %neg3A_122 : f32 to vector<16xf32>
      %neg3A_124 = arith.subf %neg3A_123, %abs3A_121 : vector<16xf32>
      %exp3A_125 = math.exp %neg3A_124 : vector<16xf32>
      %max3A_126 = arith.constant 0.000000e+00 : f32
      %max3A_127 = vector.broadcast %max3A_126 : f32 to vector<16xf32>
      %max3A_128 = arith.maximumf %get3A_113, %max3A_127 : vector<16xf32>
      %mul3A_129 = arith.mulf %get3A_113, %get3A_120 : vector<16xf32>
      %sub3A_130 = arith.subf %max3A_128, %mul3A_129 : vector<16xf32>
      %add3A_131 = arith.addf %add3A_81, %sub3A_130 : vector<16xf32>
      %broadcast_in_dim3A_132 = arith.constant -0.0239795726 : f32
      %broadcast_in_dim3A_133 = vector.broadcast %broadcast_in_dim3A_132 : f32 to vector<16xf32>
      %mul3A_134 = arith.mulf %broadcast_in_dim3A_133, %exp3A_125 : vector<16xf32>
      %add3A_135 = arith.constant 0.101500049 : f32
      %add3A_136 = vector.broadcast %add3A_135 : f32 to vector<16xf32>
      %add3A_137 = arith.addf %mul3A_134, %add3A_136 : vector<16xf32>
      %mul3A_138 = arith.mulf %add3A_137, %exp3A_125 : vector<16xf32>
      %add3A_139 = arith.constant -0.210293695 : f32
      %add3A_140 = vector.broadcast %add3A_139 : f32 to vector<16xf32>
      %add3A_141 = arith.addf %mul3A_138, %add3A_140 : vector<16xf32>
      %mul3A_142 = arith.mulf %add3A_141, %exp3A_125 : vector<16xf32>
      %add3A_143 = arith.constant 0.32529515 : f32
      %add3A_144 = vector.broadcast %add3A_143 : f32 to vector<16xf32>
      %add3A_145 = arith.addf %mul3A_142, %add3A_144 : vector<16xf32>
      %mul3A_146 = arith.mulf %add3A_145, %exp3A_125 : vector<16xf32>
      %add3A_147 = arith.constant -0.499372602 : f32
      %add3A_148 = vector.broadcast %add3A_147 : f32 to vector<16xf32>
      %add3A_149 = arith.addf %mul3A_146, %add3A_148 : vector<16xf32>
      %mul3A_150 = arith.mulf %add3A_149, %exp3A_125 : vector<16xf32>
      %add3A_151 = arith.constant 0.999991834 : f32
      %add3A_152 = vector.broadcast %add3A_151 : f32 to vector<16xf32>
      %add3A_153 = arith.addf %mul3A_150, %add3A_152 : vector<16xf32>
      %mul3A_154 = arith.mulf %exp3A_125, %add3A_153 : vector<16xf32>
      %add3A_155 = arith.addf %add3A_105, %mul3A_154 : vector<16xf32>
      %add3A_156 = arith.addf %add3A_106, %get3A_120 : vector<16xf32>
      %add3A_157 = arith.constant 32 : i32
      %add3A_158 = arith.addi %mul3A_62, %add3A_157 : i32
      %get3A_159 = arith.constant 0 : i32
      %get3A_160 = arith.index_cast %get3A_159 : i32 to index
      %get3A_161 = arith.index_cast %add3A_158 : i32 to index
      %get3A_162 = tpu.vector_load %arg6[%get3A_160, %get3A_161] {strides = array<i32>} : memref<2x16384xf32, #tpu.memory_space<vmem>>, vector<1x16xf32>,
      %get3A_163 = vector.shape_cast %get3A_162 : vector<1x16xf32> to vector<16xf32>
      %add3A_164 = arith.constant 32 : i32
      %add3A_165 = arith.addi %mul3A_62, %add3A_164 : i32
      %get3A_166 = arith.constant 0 : i32
      %get3A_167 = arith.index_cast %get3A_166 : i32 to index
      %get3A_168 = arith.index_cast %add3A_165 : i32 to index
      %get3A_169 = tpu.vector_load %arg7[%get3A_167, %get3A_168] {strides = array<i32>} : memref<2x16384xf32, #tpu.memory_space<vmem>>, vector<1x16xf32>,
      %get3A_170 = vector.shape_cast %get3A_169 : vector<1x16xf32> to vector<16xf32>
      %abs3A_171 = math.absf %get3A_163 : vector<16xf32>
      %neg3A_172 = arith.constant 0.000000e+00 : f32
      %neg3A_173 = vector.broadcast %neg3A_172 : f32 to vector<16xf32>
      %neg3A_174 = arith.subf %neg3A_173, %abs3A_171 : vector<16xf32>
      %exp3A_175 = math.exp %neg3A_174 : vector<16xf32>
      %max3A_176 = arith.constant 0.000000e+00 : f32
      %max3A_177 = vector.broadcast %max3A_176 : f32 to vector<16xf32>
      %max3A_178 = arith.maximumf %get3A_163, %max3A_177 : vector<16xf32>
      %mul3A_179 = arith.mulf %get3A_163, %get3A_170 : vector<16xf32>
      %sub3A_180 = arith.subf %max3A_178, %mul3A_179 : vector<16xf32>
      %add3A_181 = arith.addf %add3A_131, %sub3A_180 : vector<16xf32>
      %broadcast_in_dim3A_182 = arith.constant -0.0239795726 : f32
      %broadcast_in_dim3A_183 = vector.broadcast %broadcast_in_dim3A_182 : f32 to vector<16xf32>
      %mul3A_184 = arith.mulf %broadcast_in_dim3A_183, %exp3A_175 : vector<16xf32>
      %add3A_185 = arith.constant 0.101500049 : f32
      %add3A_186 = vector.broadcast %add3A_185 : f32 to vector<16xf32>
      %add3A_187 = arith.addf %mul3A_184, %add3A_186 : vector<16xf32>
      %mul3A_188 = arith.mulf %add3A_187, %exp3A_175 : vector<16xf32>
      %add3A_189 = arith.constant -0.210293695 : f32
      %add3A_190 = vector.broadcast %add3A_189 : f32 to vector<16xf32>
      %add3A_191 = arith.addf %mul3A_188, %add3A_190 : vector<16xf32>
      %mul3A_192 = arith.mulf %add3A_191, %exp3A_175 : vector<16xf32>
      %add3A_193 = arith.constant 0.32529515 : f32
      %add3A_194 = vector.broadcast %add3A_193 : f32 to vector<16xf32>
      %add3A_195 = arith.addf %mul3A_192, %add3A_194 : vector<16xf32>
      %mul3A_196 = arith.mulf %add3A_195, %exp3A_175 : vector<16xf32>
      %add3A_197 = arith.constant -0.499372602 : f32
      %add3A_198 = vector.broadcast %add3A_197 : f32 to vector<16xf32>
      %add3A_199 = arith.addf %mul3A_196, %add3A_198 : vector<16xf32>
      %mul3A_200 = arith.mulf %add3A_199, %exp3A_175 : vector<16xf32>
      %add3A_201 = arith.constant 0.999991834 : f32
      %add3A_202 = vector.broadcast %add3A_201 : f32 to vector<16xf32>
      %add3A_203 = arith.addf %mul3A_200, %add3A_202 : vector<16xf32>
      %mul3A_204 = arith.mulf %exp3A_175, %add3A_203 : vector<16xf32>
      %add3A_205 = arith.addf %add3A_155, %mul3A_204 : vector<16xf32>
      %add3A_206 = arith.addf %add3A_156, %get3A_170 : vector<16xf32>
      %add3A_207 = arith.constant 48 : i32
      %add3A_208 = arith.addi %mul3A_62, %add3A_207 : i32
      %get3A_209 = arith.constant 0 : i32
      %get3A_210 = arith.index_cast %get3A_209 : i32 to index
      %get3A_211 = arith.index_cast %add3A_208 : i32 to index
      %get3A_212 = tpu.vector_load %arg6[%get3A_210, %get3A_211] {strides = array<i32>} : memref<2x16384xf32, #tpu.memory_space<vmem>>, vector<1x16xf32>,
      %get3A_213 = vector.shape_cast %get3A_212 : vector<1x16xf32> to vector<16xf32>
      %add3A_214 = arith.constant 48 : i32
      %add3A_215 = arith.addi %mul3A_62, %add3A_214 : i32
      %get3A_216 = arith.constant 0 : i32
      %get3A_217 = arith.index_cast %get3A_216 : i32 to index
      %get3A_218 = arith.index_cast %add3A_215 : i32 to index
      %get3A_219 = tpu.vector_load %arg7[%get3A_217, %get3A_218] {strides = array<i32>} : memref<2x16384xf32, #tpu.memory_space<vmem>>, vector<1x16xf32>,
      %get3A_220 = vector.shape_cast %get3A_219 : vector<1x16xf32> to vector<16xf32>
      %abs3A_221 = math.absf %get3A_213 : vector<16xf32>
      %neg3A_222 = arith.constant 0.000000e+00 : f32
      %neg3A_223 = vector.broadcast %neg3A_222 : f32 to vector<16xf32>
      %neg3A_224 = arith.subf %neg3A_223, %abs3A_221 : vector<16xf32>
      %exp3A_225 = math.exp %neg3A_224 : vector<16xf32>
      %max3A_226 = arith.constant 0.000000e+00 : f32
      %max3A_227 = vector.broadcast %max3A_226 : f32 to vector<16xf32>
      %max3A_228 = arith.maximumf %get3A_213, %max3A_227 : vector<16xf32>
      %mul3A_229 = arith.mulf %get3A_213, %get3A_220 : vector<16xf32>
      %sub3A_230 = arith.subf %max3A_228, %mul3A_229 : vector<16xf32>
      %add3A_231 = arith.addf %add3A_181, %sub3A_230 : vector<16xf32>
      %broadcast_in_dim3A_232 = arith.constant -0.0239795726 : f32
      %broadcast_in_dim3A_233 = vector.broadcast %broadcast_in_dim3A_232 : f32 to vector<16xf32>
      %mul3A_234 = arith.mulf %broadcast_in_dim3A_233, %exp3A_225 : vector<16xf32>
      %add3A_235 = arith.constant 0.101500049 : f32
      %add3A_236 = vector.broadcast %add3A_235 : f32 to vector<16xf32>
      %add3A_237 = arith.addf %mul3A_234, %add3A_236 : vector<16xf32>
      %mul3A_238 = arith.mulf %add3A_237, %exp3A_225 : vector<16xf32>
      %add3A_239 = arith.constant -0.210293695 : f32
      %add3A_240 = vector.broadcast %add3A_239 : f32 to vector<16xf32>
      %add3A_241 = arith.addf %mul3A_238, %add3A_240 : vector<16xf32>
      %mul3A_242 = arith.mulf %add3A_241, %exp3A_225 : vector<16xf32>
      %add3A_243 = arith.constant 0.32529515 : f32
      %add3A_244 = vector.broadcast %add3A_243 : f32 to vector<16xf32>
      %add3A_245 = arith.addf %mul3A_242, %add3A_244 : vector<16xf32>
      %mul3A_246 = arith.mulf %add3A_245, %exp3A_225 : vector<16xf32>
      %add3A_247 = arith.constant -0.499372602 : f32
      %add3A_248 = vector.broadcast %add3A_247 : f32 to vector<16xf32>
      %add3A_249 = arith.addf %mul3A_246, %add3A_248 : vector<16xf32>
      %mul3A_250 = arith.mulf %add3A_249, %exp3A_225 : vector<16xf32>
      %add3A_251 = arith.constant 0.999991834 : f32
      %add3A_252 = vector.broadcast %add3A_251 : f32 to vector<16xf32>
      %add3A_253 = arith.addf %mul3A_250, %add3A_252 : vector<16xf32>
      %mul3A_254 = arith.mulf %exp3A_225, %add3A_253 : vector<16xf32>
      %add3A_255 = arith.addf %add3A_205, %mul3A_254 : vector<16xf32>
      %add3A_256 = arith.addf %add3A_206, %get3A_220 : vector<16xf32>
      %add3A_257 = arith.constant 64 : i32
      %add3A_258 = arith.addi %mul3A_62, %add3A_257 : i32
      %get3A_259 = arith.constant 0 : i32
      %get3A_260 = arith.index_cast %get3A_259 : i32 to index
      %get3A_261 = arith.index_cast %add3A_258 : i32 to index
      %get3A_262 = tpu.vector_load %arg6[%get3A_260, %get3A_261] {strides = array<i32>} : memref<2x16384xf32, #tpu.memory_space<vmem>>, vector<1x16xf32>,
      %get3A_263 = vector.shape_cast %get3A_262 : vector<1x16xf32> to vector<16xf32>
      %add3A_264 = arith.constant 64 : i32
      %add3A_265 = arith.addi %mul3A_62, %add3A_264 : i32
      %get3A_266 = arith.constant 0 : i32
      %get3A_267 = arith.index_cast %get3A_266 : i32 to index
      %get3A_268 = arith.index_cast %add3A_265 : i32 to index
      %get3A_269 = tpu.vector_load %arg7[%get3A_267, %get3A_268] {strides = array<i32>} : memref<2x16384xf32, #tpu.memory_space<vmem>>, vector<1x16xf32>,
      %get3A_270 = vector.shape_cast %get3A_269 : vector<1x16xf32> to vector<16xf32>
      %abs3A_271 = math.absf %get3A_263 : vector<16xf32>
      %neg3A_272 = arith.constant 0.000000e+00 : f32
      %neg3A_273 = vector.broadcast %neg3A_272 : f32 to vector<16xf32>
      %neg3A_274 = arith.subf %neg3A_273, %abs3A_271 : vector<16xf32>
      %exp3A_275 = math.exp %neg3A_274 : vector<16xf32>
      %max3A_276 = arith.constant 0.000000e+00 : f32
      %max3A_277 = vector.broadcast %max3A_276 : f32 to vector<16xf32>
      %max3A_278 = arith.maximumf %get3A_263, %max3A_277 : vector<16xf32>
      %mul3A_279 = arith.mulf %get3A_263, %get3A_270 : vector<16xf32>
      %sub3A_280 = arith.subf %max3A_278, %mul3A_279 : vector<16xf32>
      %add3A_281 = arith.addf %add3A_231, %sub3A_280 : vector<16xf32>
      %broadcast_in_dim3A_282 = arith.constant -0.0239795726 : f32
      %broadcast_in_dim3A_283 = vector.broadcast %broadcast_in_dim3A_282 : f32 to vector<16xf32>
      %mul3A_284 = arith.mulf %broadcast_in_dim3A_283, %exp3A_275 : vector<16xf32>
      %add3A_285 = arith.constant 0.101500049 : f32
      %add3A_286 = vector.broadcast %add3A_285 : f32 to vector<16xf32>
      %add3A_287 = arith.addf %mul3A_284, %add3A_286 : vector<16xf32>
      %mul3A_288 = arith.mulf %add3A_287, %exp3A_275 : vector<16xf32>
      %add3A_289 = arith.constant -0.210293695 : f32
      %add3A_290 = vector.broadcast %add3A_289 : f32 to vector<16xf32>
      %add3A_291 = arith.addf %mul3A_288, %add3A_290 : vector<16xf32>
      %mul3A_292 = arith.mulf %add3A_291, %exp3A_275 : vector<16xf32>
      %add3A_293 = arith.constant 0.32529515 : f32
      %add3A_294 = vector.broadcast %add3A_293 : f32 to vector<16xf32>
      %add3A_295 = arith.addf %mul3A_292, %add3A_294 : vector<16xf32>
      %mul3A_296 = arith.mulf %add3A_295, %exp3A_275 : vector<16xf32>
      %add3A_297 = arith.constant -0.499372602 : f32
      %add3A_298 = vector.broadcast %add3A_297 : f32 to vector<16xf32>
      %add3A_299 = arith.addf %mul3A_296, %add3A_298 : vector<16xf32>
      %mul3A_300 = arith.mulf %add3A_299, %exp3A_275 : vector<16xf32>
      %add3A_301 = arith.constant 0.999991834 : f32
      %add3A_302 = vector.broadcast %add3A_301 : f32 to vector<16xf32>
      %add3A_303 = arith.addf %mul3A_300, %add3A_302 : vector<16xf32>
      %mul3A_304 = arith.mulf %exp3A_275, %add3A_303 : vector<16xf32>
      %add3A_305 = arith.addf %add3A_255, %mul3A_304 : vector<16xf32>
      %add3A_306 = arith.addf %add3A_256, %get3A_270 : vector<16xf32>
      %add3A_307 = arith.constant 80 : i32
      %add3A_308 = arith.addi %mul3A_62, %add3A_307 : i32
      %get3A_309 = arith.constant 0 : i32
      %get3A_310 = arith.index_cast %get3A_309 : i32 to index
      %get3A_311 = arith.index_cast %add3A_308 : i32 to index
      %get3A_312 = tpu.vector_load %arg6[%get3A_310, %get3A_311] {strides = array<i32>} : memref<2x16384xf32, #tpu.memory_space<vmem>>, vector<1x16xf32>,
      %get3A_313 = vector.shape_cast %get3A_312 : vector<1x16xf32> to vector<16xf32>
      %add3A_314 = arith.constant 80 : i32
      %add3A_315 = arith.addi %mul3A_62, %add3A_314 : i32
      %get3A_316 = arith.constant 0 : i32
      %get3A_317 = arith.index_cast %get3A_316 : i32 to index
      %get3A_318 = arith.index_cast %add3A_315 : i32 to index
      %get3A_319 = tpu.vector_load %arg7[%get3A_317, %get3A_318] {strides = array<i32>} : memref<2x16384xf32, #tpu.memory_space<vmem>>, vector<1x16xf32>,
      %get3A_320 = vector.shape_cast %get3A_319 : vector<1x16xf32> to vector<16xf32>
      %abs3A_321 = math.absf %get3A_313 : vector<16xf32>
      %neg3A_322 = arith.constant 0.000000e+00 : f32
      %neg3A_323 = vector.broadcast %neg3A_322 : f32 to vector<16xf32>
      %neg3A_324 = arith.subf %neg3A_323, %abs3A_321 : vector<16xf32>
      %exp3A_325 = math.exp %neg3A_324 : vector<16xf32>
      %max3A_326 = arith.constant 0.000000e+00 : f32
      %max3A_327 = vector.broadcast %max3A_326 : f32 to vector<16xf32>
      %max3A_328 = arith.maximumf %get3A_313, %max3A_327 : vector<16xf32>
      %mul3A_329 = arith.mulf %get3A_313, %get3A_320 : vector<16xf32>
      %sub3A_330 = arith.subf %max3A_328, %mul3A_329 : vector<16xf32>
      %add3A_331 = arith.addf %add3A_281, %sub3A_330 : vector<16xf32>
      %broadcast_in_dim3A_332 = arith.constant -0.0239795726 : f32
      %broadcast_in_dim3A_333 = vector.broadcast %broadcast_in_dim3A_332 : f32 to vector<16xf32>
      %mul3A_334 = arith.mulf %broadcast_in_dim3A_333, %exp3A_325 : vector<16xf32>
      %add3A_335 = arith.constant 0.101500049 : f32
      %add3A_336 = vector.broadcast %add3A_335 : f32 to vector<16xf32>
      %add3A_337 = arith.addf %mul3A_334, %add3A_336 : vector<16xf32>
      %mul3A_338 = arith.mulf %add3A_337, %exp3A_325 : vector<16xf32>
      %add3A_339 = arith.constant -0.210293695 : f32
      %add3A_340 = vector.broadcast %add3A_339 : f32 to vector<16xf32>
      %add3A_341 = arith.addf %mul3A_338, %add3A_340 : vector<16xf32>
      %mul3A_342 = arith.mulf %add3A_341, %exp3A_325 : vector<16xf32>
      %add3A_343 = arith.constant 0.32529515 : f32
      %add3A_344 = vector.broadcast %add3A_343 : f32 to vector<16xf32>
      %add3A_345 = arith.addf %mul3A_342, %add3A_344 : vector<16xf32>
      %mul3A_346 = arith.mulf %add3A_345, %exp3A_325 : vector<16xf32>
      %add3A_347 = arith.constant -0.499372602 : f32
      %add3A_348 = vector.broadcast %add3A_347 : f32 to vector<16xf32>
      %add3A_349 = arith.addf %mul3A_346, %add3A_348 : vector<16xf32>
      %mul3A_350 = arith.mulf %add3A_349, %exp3A_325 : vector<16xf32>
      %add3A_351 = arith.constant 0.999991834 : f32
      %add3A_352 = vector.broadcast %add3A_351 : f32 to vector<16xf32>
      %add3A_353 = arith.addf %mul3A_350, %add3A_352 : vector<16xf32>
      %mul3A_354 = arith.mulf %exp3A_325, %add3A_353 : vector<16xf32>
      %add3A_355 = arith.addf %add3A_305, %mul3A_354 : vector<16xf32>
      %add3A_356 = arith.addf %add3A_306, %get3A_320 : vector<16xf32>
      %add3A_357 = arith.constant 96 : i32
      %add3A_358 = arith.addi %mul3A_62, %add3A_357 : i32
      %get3A_359 = arith.constant 0 : i32
      %get3A_360 = arith.index_cast %get3A_359 : i32 to index
      %get3A_361 = arith.index_cast %add3A_358 : i32 to index
      %get3A_362 = tpu.vector_load %arg6[%get3A_360, %get3A_361] {strides = array<i32>} : memref<2x16384xf32, #tpu.memory_space<vmem>>, vector<1x16xf32>,
      %get3A_363 = vector.shape_cast %get3A_362 : vector<1x16xf32> to vector<16xf32>
      %add3A_364 = arith.constant 96 : i32
      %add3A_365 = arith.addi %mul3A_62, %add3A_364 : i32
      %get3A_366 = arith.constant 0 : i32
      %get3A_367 = arith.index_cast %get3A_366 : i32 to index
      %get3A_368 = arith.index_cast %add3A_365 : i32 to index
      %get3A_369 = tpu.vector_load %arg7[%get3A_367, %get3A_368] {strides = array<i32>} : memref<2x16384xf32, #tpu.memory_space<vmem>>, vector<1x16xf32>,
      %get3A_370 = vector.shape_cast %get3A_369 : vector<1x16xf32> to vector<16xf32>
      %abs3A_371 = math.absf %get3A_363 : vector<16xf32>
      %neg3A_372 = arith.constant 0.000000e+00 : f32
      %neg3A_373 = vector.broadcast %neg3A_372 : f32 to vector<16xf32>
      %neg3A_374 = arith.subf %neg3A_373, %abs3A_371 : vector<16xf32>
      %exp3A_375 = math.exp %neg3A_374 : vector<16xf32>
      %max3A_376 = arith.constant 0.000000e+00 : f32
      %max3A_377 = vector.broadcast %max3A_376 : f32 to vector<16xf32>
      %max3A_378 = arith.maximumf %get3A_363, %max3A_377 : vector<16xf32>
      %mul3A_379 = arith.mulf %get3A_363, %get3A_370 : vector<16xf32>
      %sub3A_380 = arith.subf %max3A_378, %mul3A_379 : vector<16xf32>
      %add3A_381 = arith.addf %add3A_331, %sub3A_380 : vector<16xf32>
      %broadcast_in_dim3A_382 = arith.constant -0.0239795726 : f32
      %broadcast_in_dim3A_383 = vector.broadcast %broadcast_in_dim3A_382 : f32 to vector<16xf32>
      %mul3A_384 = arith.mulf %broadcast_in_dim3A_383, %exp3A_375 : vector<16xf32>
      %add3A_385 = arith.constant 0.101500049 : f32
      %add3A_386 = vector.broadcast %add3A_385 : f32 to vector<16xf32>
      %add3A_387 = arith.addf %mul3A_384, %add3A_386 : vector<16xf32>
      %mul3A_388 = arith.mulf %add3A_387, %exp3A_375 : vector<16xf32>
      %add3A_389 = arith.constant -0.210293695 : f32
      %add3A_390 = vector.broadcast %add3A_389 : f32 to vector<16xf32>
      %add3A_391 = arith.addf %mul3A_388, %add3A_390 : vector<16xf32>
      %mul3A_392 = arith.mulf %add3A_391, %exp3A_375 : vector<16xf32>
      %add3A_393 = arith.constant 0.32529515 : f32
      %add3A_394 = vector.broadcast %add3A_393 : f32 to vector<16xf32>
      %add3A_395 = arith.addf %mul3A_392, %add3A_394 : vector<16xf32>
      %mul3A_396 = arith.mulf %add3A_395, %exp3A_375 : vector<16xf32>
      %add3A_397 = arith.constant -0.499372602 : f32
      %add3A_398 = vector.broadcast %add3A_397 : f32 to vector<16xf32>
      %add3A_399 = arith.addf %mul3A_396, %add3A_398 : vector<16xf32>
      %mul3A_400 = arith.mulf %add3A_399, %exp3A_375 : vector<16xf32>
      %add3A_401 = arith.constant 0.999991834 : f32
      %add3A_402 = vector.broadcast %add3A_401 : f32 to vector<16xf32>
      %add3A_403 = arith.addf %mul3A_400, %add3A_402 : vector<16xf32>
      %mul3A_404 = arith.mulf %exp3A_375, %add3A_403 : vector<16xf32>
      %add3A_405 = arith.addf %add3A_355, %mul3A_404 : vector<16xf32>
      %add3A_406 = arith.addf %add3A_356, %get3A_370 : vector<16xf32>
      %add3A_407 = arith.constant 112 : i32
      %add3A_408 = arith.addi %mul3A_62, %add3A_407 : i32
      %get3A_409 = arith.constant 0 : i32
      %get3A_410 = arith.index_cast %get3A_409 : i32 to index
      %get3A_411 = arith.index_cast %add3A_408 : i32 to index
      %get3A_412 = tpu.vector_load %arg6[%get3A_410, %get3A_411] {strides = array<i32>} : memref<2x16384xf32, #tpu.memory_space<vmem>>, vector<1x16xf32>,
      %get3A_413 = vector.shape_cast %get3A_412 : vector<1x16xf32> to vector<16xf32>
      %add3A_414 = arith.constant 112 : i32
      %add3A_415 = arith.addi %mul3A_62, %add3A_414 : i32
      %get3A_416 = arith.constant 0 : i32
      %get3A_417 = arith.index_cast %get3A_416 : i32 to index
      %get3A_418 = arith.index_cast %add3A_415 : i32 to index
      %get3A_419 = tpu.vector_load %arg7[%get3A_417, %get3A_418] {strides = array<i32>} : memref<2x16384xf32, #tpu.memory_space<vmem>>, vector<1x16xf32>,
      %get3A_420 = vector.shape_cast %get3A_419 : vector<1x16xf32> to vector<16xf32>
      %abs3A_421 = math.absf %get3A_413 : vector<16xf32>
      %neg3A_422 = arith.constant 0.000000e+00 : f32
      %neg3A_423 = vector.broadcast %neg3A_422 : f32 to vector<16xf32>
      %neg3A_424 = arith.subf %neg3A_423, %abs3A_421 : vector<16xf32>
      %exp3A_425 = math.exp %neg3A_424 : vector<16xf32>
      %max3A_426 = arith.constant 0.000000e+00 : f32
      %max3A_427 = vector.broadcast %max3A_426 : f32 to vector<16xf32>
      %max3A_428 = arith.maximumf %get3A_413, %max3A_427 : vector<16xf32>
      %mul3A_429 = arith.mulf %get3A_413, %get3A_420 : vector<16xf32>
      %sub3A_430 = arith.subf %max3A_428, %mul3A_429 : vector<16xf32>
      %add3A_431 = arith.addf %add3A_381, %sub3A_430 : vector<16xf32>
      %broadcast_in_dim3A_432 = arith.constant -0.0239795726 : f32
      %broadcast_in_dim3A_433 = vector.broadcast %broadcast_in_dim3A_432 : f32 to vector<16xf32>
      %mul3A_434 = arith.mulf %broadcast_in_dim3A_433, %exp3A_425 : vector<16xf32>
      %add3A_435 = arith.constant 0.101500049 : f32
      %add3A_436 = vector.broadcast %add3A_435 : f32 to vector<16xf32>
      %add3A_437 = arith.addf %mul3A_434, %add3A_436 : vector<16xf32>
      %mul3A_438 = arith.mulf %add3A_437, %exp3A_425 : vector<16xf32>
      %add3A_439 = arith.constant -0.210293695 : f32
      %add3A_440 = vector.broadcast %add3A_439 : f32 to vector<16xf32>
      %add3A_441 = arith.addf %mul3A_438, %add3A_440 : vector<16xf32>
      %mul3A_442 = arith.mulf %add3A_441, %exp3A_425 : vector<16xf32>
      %add3A_443 = arith.constant 0.32529515 : f32
      %add3A_444 = vector.broadcast %add3A_443 : f32 to vector<16xf32>
      %add3A_445 = arith.addf %mul3A_442, %add3A_444 : vector<16xf32>
      %mul3A_446 = arith.mulf %add3A_445, %exp3A_425 : vector<16xf32>
      %add3A_447 = arith.constant -0.499372602 : f32
      %add3A_448 = vector.broadcast %add3A_447 : f32 to vector<16xf32>
      %add3A_449 = arith.addf %mul3A_446, %add3A_448 : vector<16xf32>
      %mul3A_450 = arith.mulf %add3A_449, %exp3A_425 : vector<16xf32>
      %add3A_451 = arith.constant 0.999991834 : f32
      %add3A_452 = vector.broadcast %add3A_451 : f32 to vector<16xf32>
      %add3A_453 = arith.addf %mul3A_450, %add3A_452 : vector<16xf32>
      %mul3A_454 = arith.mulf %exp3A_425, %add3A_453 : vector<16xf32>
      %add3A_455 = arith.addf %add3A_405, %mul3A_454 : vector<16xf32>
      %add3A_456 = arith.addf %add3A_406, %get3A_420 : vector<16xf32>
      scf.yield %add3A_431, %add3A_455, %add3A_456 : vector<16xf32>, vector<16xf32>, vector<16xf32>
    }
    %scan3A_48 = arith.constant 128 : i32
    %add3A_49 = arith.addf %scan3A_47#0, %scan3A_47#1 : vector<16xf32>
    %swap3A = arith.constant 0 : index
    %swap3A_50 = tpu.vector_load %arg8[%swap3A] {strides = array<i32>} : memref<16xf32, #tpu.memory_space<vmem>>, vector<16xf32>,
    %swap3A_51 = vector.shape_cast %swap3A_50 : vector<16xf32> to vector<16xf32>
    %swap3A_52 = vector.shape_cast %add3A_49 : vector<16xf32> to vector<16xf32>
    tpu.vector_store %arg8[%swap3A], %swap3A_52 {strides = array<i32>} : memref<16xf32, #tpu.memory_space<vmem>>, vector<16xf32>,
    %swap3A_53 = arith.constant 0 : index
    %swap3A_54 = tpu.vector_load %arg9[%swap3A_53] {strides = array<i32>} : memref<16xf32, #tpu.memory_space<vmem>>, vector<16xf32>,
    %swap3A_55 = vector.shape_cast %swap3A_54 : vector<16xf32> to vector<16xf32>
    %swap3A_56 = vector.shape_cast %scan3A_47#2 : vector<16xf32> to vector<16xf32>
    tpu.vector_store %arg9[%swap3A_53], %swap3A_56 {strides = array<i32>} : memref<16xf32, #tpu.memory_space<vmem>>, vector<16xf32>,
    "tpu.region"() ({
      %run_scoped3A = tpu.sem_alloc : memref<!tpu.dma_semaphore, #tpu.memory_space<semaphore_mem>>
      %dma_start3A_57 = arith.constant 0 : i32
      %dma_start3A_58 = tpu.memref_slice %arg4[%add3A, %dma_start3A_57] : memref<32x16xf32, #tpu.memory_space<hbm>> -> memref<1x16xf32, #tpu.memory_space<hbm>>
      %dma_start3A_59 = tpu.memref_squeeze %dma_start3A_58 : memref<1x16xf32, #tpu.memory_space<hbm>> -> memref<16xf32, #tpu.memory_space<hbm>>
      %dma_start3A_60 = arith.constant 0 : i32
      %dma_start3A_61 = tpu.memref_slice %arg4[%add3A, %dma_start3A_60] : memref<32x16xf32, #tpu.memory_space<hbm>> -> memref<1x16xf32, #tpu.memory_space<hbm>>
      %dma_start3A_62 = tpu.memref_squeeze %dma_start3A_61 : memref<1x16xf32, #tpu.memory_space<hbm>> -> memref<16xf32, #tpu.memory_space<hbm>>
      tpu.enqueue_dma source(%arg8 : memref<16xf32, #tpu.memory_space<vmem>>) target(%dma_start3A_62 : memref<16xf32, #tpu.memory_space<hbm>>) target_semaphore(%run_scoped3A : memref<!tpu.dma_semaphore, #tpu.memory_space<semaphore_mem>>)
      %dma_wait3A_63 = arith.constant 0 : i32
      %dma_wait3A_64 = tpu.memref_slice %arg4[%add3A, %dma_wait3A_63] : memref<32x16xf32, #tpu.memory_space<hbm>> -> memref<1x16xf32, #tpu.memory_space<hbm>>
      %dma_wait3A_65 = tpu.memref_squeeze %dma_wait3A_64 : memref<1x16xf32, #tpu.memory_space<hbm>> -> memref<16xf32, #tpu.memory_space<hbm>>
      %dma_wait3A_66 = arith.constant 0 : i32
      %dma_wait3A_67 = tpu.memref_slice %arg4[%add3A, %dma_wait3A_66] : memref<32x16xf32, #tpu.memory_space<hbm>> -> memref<1x16xf32, #tpu.memory_space<hbm>>
      %dma_wait3A_68 = tpu.memref_squeeze %dma_wait3A_67 : memref<1x16xf32, #tpu.memory_space<hbm>> -> memref<16xf32, #tpu.memory_space<hbm>>
      tpu.wait_dma2 semaphore(%run_scoped3A : memref<!tpu.dma_semaphore, #tpu.memory_space<semaphore_mem>>) src(%arg8 : memref<16xf32, #tpu.memory_space<vmem>>) dst(%dma_wait3A_68 : memref<16xf32, #tpu.memory_space<hbm>>)
      tpu.yield
    }) : () -> ()
    "tpu.region"() ({
      %run_scoped3A = tpu.sem_alloc : memref<!tpu.dma_semaphore, #tpu.memory_space<semaphore_mem>>
      %dma_start3A_57 = arith.constant 0 : i32
      %dma_start3A_58 = tpu.memref_slice %arg5[%add3A, %dma_start3A_57] : memref<32x16xf32, #tpu.memory_space<hbm>> -> memref<1x16xf32, #tpu.memory_space<hbm>>
      %dma_start3A_59 = tpu.memref_squeeze %dma_start3A_58 : memref<1x16xf32, #tpu.memory_space<hbm>> -> memref<16xf32, #tpu.memory_space<hbm>>
      %dma_start3A_60 = arith.constant 0 : i32
      %dma_start3A_61 = tpu.memref_slice %arg5[%add3A, %dma_start3A_60] : memref<32x16xf32, #tpu.memory_space<hbm>> -> memref<1x16xf32, #tpu.memory_space<hbm>>
      %dma_start3A_62 = tpu.memref_squeeze %dma_start3A_61 : memref<1x16xf32, #tpu.memory_space<hbm>> -> memref<16xf32, #tpu.memory_space<hbm>>
      tpu.enqueue_dma source(%arg9 : memref<16xf32, #tpu.memory_space<vmem>>) target(%dma_start3A_62 : memref<16xf32, #tpu.memory_space<hbm>>) target_semaphore(%run_scoped3A : memref<!tpu.dma_semaphore, #tpu.memory_space<semaphore_mem>>)
      %dma_wait3A_63 = arith.constant 0 : i32
      %dma_wait3A_64 = tpu.memref_slice %arg5[%add3A, %dma_wait3A_63] : memref<32x16xf32, #tpu.memory_space<hbm>> -> memref<1x16xf32, #tpu.memory_space<hbm>>
      %dma_wait3A_65 = tpu.memref_squeeze %dma_wait3A_64 : memref<1x16xf32, #tpu.memory_space<hbm>> -> memref<16xf32, #tpu.memory_space<hbm>>
      %dma_wait3A_66 = arith.constant 0 : i32
      %dma_wait3A_67 = tpu.memref_slice %arg5[%add3A, %dma_wait3A_66] : memref<32x16xf32, #tpu.memory_space<hbm>> -> memref<1x16xf32, #tpu.memory_space<hbm>>
      %dma_wait3A_68 = tpu.memref_squeeze %dma_wait3A_67 : memref<1x16xf32, #tpu.memory_space<hbm>> -> memref<16xf32, #tpu.memory_space<hbm>>
      tpu.wait_dma2 semaphore(%run_scoped3A : memref<!tpu.dma_semaphore, #tpu.memory_space<semaphore_mem>>) src(%arg9 : memref<16xf32, #tpu.memory_space<vmem>>) dst(%dma_wait3A_68 : memref<16xf32, #tpu.memory_space<hbm>>)
      tpu.yield
    }) : () -> ()
    return
  }
}

module attributes {stable_mosaic.version = 14 : i64} {
  func.func @_tc_body(%arg0: i32, %arg1: memref<1792x512xf32, #tpu.memory_space<vmem>>, %arg2: memref<1792x512xf32, #tpu.memory_space<vmem>>, %arg3: memref<2xf32, #tpu.memory_space<smem>>, %arg4: memref<8x512xf32, #tpu.memory_space<vmem>>, %arg5: memref<8x512xf32, #tpu.memory_space<vmem>>, %arg6: memref<8x512xf32, #tpu.memory_space<vmem>>) attributes {dimension_semantics = [#tpu.dimension_semantics<arbitrary>], iteration_bounds = array<i64: 4>, scalar_prefetch = 0 : i64, scratch_operands = 3 : i64, tpu.core_type = #tpu.core_type<tc>, window_params = [{transform_indices = @transform_0, window_bounds = array<i64: 1792, 512>}, {transform_indices = @transform_1, window_bounds = array<i64: 1792, 512>}, {transform_indices = @transform_2, window_bounds = array<i64: 2>}]} {
    %eq3A = arith.constant 0 : i32
    %eq3A_0 = arith.cmpi eq, %arg0, %eq3A : i32
    %convert_element_type3A = arith.extui %eq3A_0 : i1 to i32
    %cond3A = arith.constant 0 : i32
    %cond3A_1 = arith.cmpi ne, %convert_element_type3A, %cond3A : i32
    scf.if %cond3A_1 {
      %broadcast_in_dim3A_5171 = arith.constant 0.000000e+00 : f32
      %broadcast_in_dim3A_5172 = vector.broadcast %broadcast_in_dim3A_5171 : f32 to vector<8x512xf32>
      %swap3A_5173 = arith.constant 0 : index
      %swap3A_5174 = arith.constant 0 : index
      %swap3A_5175 = vector.load %arg4[%swap3A_5173, %swap3A_5174] : memref<8x512xf32, #tpu.memory_space<vmem>>, vector<8x512xf32>
      tpu.vector_store %arg4[%swap3A_5173, %swap3A_5174], %broadcast_in_dim3A_5172 {strides = array<i32>} : memref<8x512xf32, #tpu.memory_space<vmem>>, vector<8x512xf32>,
      %broadcast_in_dim3A_5176 = arith.constant 0.000000e+00 : f32
      %broadcast_in_dim3A_5177 = vector.broadcast %broadcast_in_dim3A_5176 : f32 to vector<8x512xf32>
      %swap3A_5178 = arith.constant 0 : index
      %swap3A_5179 = arith.constant 0 : index
      %swap3A_5180 = vector.load %arg5[%swap3A_5178, %swap3A_5179] : memref<8x512xf32, #tpu.memory_space<vmem>>, vector<8x512xf32>
      tpu.vector_store %arg5[%swap3A_5178, %swap3A_5179], %broadcast_in_dim3A_5177 {strides = array<i32>} : memref<8x512xf32, #tpu.memory_space<vmem>>, vector<8x512xf32>,
      %broadcast_in_dim3A_5181 = arith.constant 0.000000e+00 : f32
      %broadcast_in_dim3A_5182 = vector.broadcast %broadcast_in_dim3A_5181 : f32 to vector<8x512xf32>
      %swap3A_5183 = arith.constant 0 : index
      %swap3A_5184 = arith.constant 0 : index
      %swap3A_5185 = vector.load %arg6[%swap3A_5183, %swap3A_5184] : memref<8x512xf32, #tpu.memory_space<vmem>>, vector<8x512xf32>
      tpu.vector_store %arg6[%swap3A_5183, %swap3A_5184], %broadcast_in_dim3A_5182 {strides = array<i32>} : memref<8x512xf32, #tpu.memory_space<vmem>>, vector<8x512xf32>,
    } else {
    }
    %broadcast_in_dim3A = arith.constant 0.000000e+00 : f32
    %broadcast_in_dim3A_2 = vector.broadcast %broadcast_in_dim3A : f32 to vector<8x512xf32>
    %get3A = arith.constant 0 : index
    %get3A_3 = arith.constant 0 : index
    %get3A_4 = vector.load %arg1[%get3A, %get3A_3] : memref<1792x512xf32, #tpu.memory_space<vmem>>, vector<8x512xf32>
    %get3A_5 = arith.constant 0 : index
    %get3A_6 = arith.constant 0 : index
    %get3A_7 = vector.load %arg2[%get3A_5, %get3A_6] : memref<1792x512xf32, #tpu.memory_space<vmem>>, vector<8x512xf32>
    %abs3A = math.absf %get3A_4 : vector<8x512xf32>
    %neg3A = arith.constant 0.000000e+00 : f32
    %neg3A_8 = vector.broadcast %neg3A : f32 to vector<8x512xf32>
    %neg3A_9 = arith.subf %neg3A_8, %abs3A : vector<8x512xf32>
    %exp3A = math.exp %neg3A_9 : vector<8x512xf32>
    %add3A = arith.constant 1.000000e+00 : f32
    %add3A_10 = vector.broadcast %add3A : f32 to vector<8x512xf32>
    %add3A_11 = arith.addf %exp3A, %add3A_10 : vector<8x512xf32>
    %log3A = math.log %add3A_11 : vector<8x512xf32>
    %add3A_12 = arith.addf %broadcast_in_dim3A_2, %log3A : vector<8x512xf32>
    %max3A = arith.constant 0.000000e+00 : f32
    %max3A_13 = vector.broadcast %max3A : f32 to vector<8x512xf32>
    %max3A_14 = arith.maximumf %get3A_4, %max3A_13 : vector<8x512xf32>
    %mul3A = arith.mulf %get3A_4, %get3A_7 : vector<8x512xf32>
    %sub3A = arith.subf %max3A_14, %mul3A : vector<8x512xf32>
    %add3A_15 = arith.addf %broadcast_in_dim3A_2, %sub3A : vector<8x512xf32>
    %add3A_16 = arith.addf %broadcast_in_dim3A_2, %get3A_7 : vector<8x512xf32>
    %get3A_17 = arith.constant 8 : index
    %get3A_18 = arith.constant 0 : index
    %get3A_19 = vector.load %arg1[%get3A_17, %get3A_18] : memref<1792x512xf32, #tpu.memory_space<vmem>>, vector<8x512xf32>
    %get3A_20 = arith.constant 8 : index
    %get3A_21 = arith.constant 0 : index
    %get3A_22 = vector.load %arg2[%get3A_20, %get3A_21] : memref<1792x512xf32, #tpu.memory_space<vmem>>, vector<8x512xf32>
    %abs3A_23 = math.absf %get3A_19 : vector<8x512xf32>
    %neg3A_24 = arith.constant 0.000000e+00 : f32
    %neg3A_25 = vector.broadcast %neg3A_24 : f32 to vector<8x512xf32>
    %neg3A_26 = arith.subf %neg3A_25, %abs3A_23 : vector<8x512xf32>
    %exp3A_27 = math.exp %neg3A_26 : vector<8x512xf32>
    %add3A_28 = arith.constant 1.000000e+00 : f32
    %add3A_29 = vector.broadcast %add3A_28 : f32 to vector<8x512xf32>
    %add3A_30 = arith.addf %exp3A_27, %add3A_29 : vector<8x512xf32>
    %log3A_31 = math.log %add3A_30 : vector<8x512xf32>
    %add3A_32 = arith.addf %add3A_12, %log3A_31 : vector<8x512xf32>
    %max3A_33 = arith.constant 0.000000e+00 : f32
    %max3A_34 = vector.broadcast %max3A_33 : f32 to vector<8x512xf32>
    %max3A_35 = arith.maximumf %get3A_19, %max3A_34 : vector<8x512xf32>
    %mul3A_36 = arith.mulf %get3A_19, %get3A_22 : vector<8x512xf32>
    %sub3A_37 = arith.subf %max3A_35, %mul3A_36 : vector<8x512xf32>
    %add3A_38 = arith.addf %add3A_15, %sub3A_37 : vector<8x512xf32>
    %add3A_39 = arith.addf %add3A_16, %get3A_22 : vector<8x512xf32>
    %get3A_40 = arith.constant 16 : index
    %get3A_41 = arith.constant 0 : index
    %get3A_42 = vector.load %arg1[%get3A_40, %get3A_41] : memref<1792x512xf32, #tpu.memory_space<vmem>>, vector<8x512xf32>
    %get3A_43 = arith.constant 16 : index
    %get3A_44 = arith.constant 0 : index
    %get3A_45 = vector.load %arg2[%get3A_43, %get3A_44] : memref<1792x512xf32, #tpu.memory_space<vmem>>, vector<8x512xf32>
    %abs3A_46 = math.absf %get3A_42 : vector<8x512xf32>
    %neg3A_47 = arith.constant 0.000000e+00 : f32
    %neg3A_48 = vector.broadcast %neg3A_47 : f32 to vector<8x512xf32>
    %neg3A_49 = arith.subf %neg3A_48, %abs3A_46 : vector<8x512xf32>
    %exp3A_50 = math.exp %neg3A_49 : vector<8x512xf32>
    %add3A_51 = arith.constant 1.000000e+00 : f32
    %add3A_52 = vector.broadcast %add3A_51 : f32 to vector<8x512xf32>
    %add3A_53 = arith.addf %exp3A_50, %add3A_52 : vector<8x512xf32>
    %log3A_54 = math.log %add3A_53 : vector<8x512xf32>
    %add3A_55 = arith.addf %add3A_32, %log3A_54 : vector<8x512xf32>
    %max3A_56 = arith.constant 0.000000e+00 : f32
    %max3A_57 = vector.broadcast %max3A_56 : f32 to vector<8x512xf32>
    %max3A_58 = arith.maximumf %get3A_42, %max3A_57 : vector<8x512xf32>
    %mul3A_59 = arith.mulf %get3A_42, %get3A_45 : vector<8x512xf32>
    %sub3A_60 = arith.subf %max3A_58, %mul3A_59 : vector<8x512xf32>
    %add3A_61 = arith.addf %add3A_38, %sub3A_60 : vector<8x512xf32>
    %add3A_62 = arith.addf %add3A_39, %get3A_45 : vector<8x512xf32>
    %get3A_63 = arith.constant 24 : index
    %get3A_64 = arith.constant 0 : index
    %get3A_65 = vector.load %arg1[%get3A_63, %get3A_64] : memref<1792x512xf32, #tpu.memory_space<vmem>>, vector<8x512xf32>
    %get3A_66 = arith.constant 24 : index
    %get3A_67 = arith.constant 0 : index
    %get3A_68 = vector.load %arg2[%get3A_66, %get3A_67] : memref<1792x512xf32, #tpu.memory_space<vmem>>, vector<8x512xf32>
    %abs3A_69 = math.absf %get3A_65 : vector<8x512xf32>
    %neg3A_70 = arith.constant 0.000000e+00 : f32
    %neg3A_71 = vector.broadcast %neg3A_70 : f32 to vector<8x512xf32>
    %neg3A_72 = arith.subf %neg3A_71, %abs3A_69 : vector<8x512xf32>
    %exp3A_73 = math.exp %neg3A_72 : vector<8x512xf32>
    %add3A_74 = arith.constant 1.000000e+00 : f32
    %add3A_75 = vector.broadcast %add3A_74 : f32 to vector<8x512xf32>
    %add3A_76 = arith.addf %exp3A_73, %add3A_75 : vector<8x512xf32>
    %log3A_77 = math.log %add3A_76 : vector<8x512xf32>
    %add3A_78 = arith.addf %add3A_55, %log3A_77 : vector<8x512xf32>
    %max3A_79 = arith.constant 0.000000e+00 : f32
    %max3A_80 = vector.broadcast %max3A_79 : f32 to vector<8x512xf32>
    %max3A_81 = arith.maximumf %get3A_65, %max3A_80 : vector<8x512xf32>
    %mul3A_82 = arith.mulf %get3A_65, %get3A_68 : vector<8x512xf32>
    %sub3A_83 = arith.subf %max3A_81, %mul3A_82 : vector<8x512xf32>
    %add3A_84 = arith.addf %add3A_61, %sub3A_83 : vector<8x512xf32>
    %add3A_85 = arith.addf %add3A_62, %get3A_68 : vector<8x512xf32>
    %get3A_86 = arith.constant 32 : index
    %get3A_87 = arith.constant 0 : index
    %get3A_88 = vector.load %arg1[%get3A_86, %get3A_87] : memref<1792x512xf32, #tpu.memory_space<vmem>>, vector<8x512xf32>
    %get3A_89 = arith.constant 32 : index
    %get3A_90 = arith.constant 0 : index
    %get3A_91 = vector.load %arg2[%get3A_89, %get3A_90] : memref<1792x512xf32, #tpu.memory_space<vmem>>, vector<8x512xf32>
    %abs3A_92 = math.absf %get3A_88 : vector<8x512xf32>
    %neg3A_93 = arith.constant 0.000000e+00 : f32
    %neg3A_94 = vector.broadcast %neg3A_93 : f32 to vector<8x512xf32>
    %neg3A_95 = arith.subf %neg3A_94, %abs3A_92 : vector<8x512xf32>
    %exp3A_96 = math.exp %neg3A_95 : vector<8x512xf32>
    %add3A_97 = arith.constant 1.000000e+00 : f32
    %add3A_98 = vector.broadcast %add3A_97 : f32 to vector<8x512xf32>
    %add3A_99 = arith.addf %exp3A_96, %add3A_98 : vector<8x512xf32>
    %log3A_100 = math.log %add3A_99 : vector<8x512xf32>
    %add3A_101 = arith.addf %add3A_78, %log3A_100 : vector<8x512xf32>
    %max3A_102 = arith.constant 0.000000e+00 : f32
    %max3A_103 = vector.broadcast %max3A_102 : f32 to vector<8x512xf32>
    %max3A_104 = arith.maximumf %get3A_88, %max3A_103 : vector<8x512xf32>
    %mul3A_105 = arith.mulf %get3A_88, %get3A_91 : vector<8x512xf32>
    %sub3A_106 = arith.subf %max3A_104, %mul3A_105 : vector<8x512xf32>
    %add3A_107 = arith.addf %add3A_84, %sub3A_106 : vector<8x512xf32>
    %add3A_108 = arith.addf %add3A_85, %get3A_91 : vector<8x512xf32>
    %get3A_109 = arith.constant 40 : index
    %get3A_110 = arith.constant 0 : index
    %get3A_111 = vector.load %arg1[%get3A_109, %get3A_110] : memref<1792x512xf32, #tpu.memory_space<vmem>>, vector<8x512xf32>
    %get3A_112 = arith.constant 40 : index
    %get3A_113 = arith.constant 0 : index
    %get3A_114 = vector.load %arg2[%get3A_112, %get3A_113] : memref<1792x512xf32, #tpu.memory_space<vmem>>, vector<8x512xf32>
    %abs3A_115 = math.absf %get3A_111 : vector<8x512xf32>
    %neg3A_116 = arith.constant 0.000000e+00 : f32
    %neg3A_117 = vector.broadcast %neg3A_116 : f32 to vector<8x512xf32>
    %neg3A_118 = arith.subf %neg3A_117, %abs3A_115 : vector<8x512xf32>
    %exp3A_119 = math.exp %neg3A_118 : vector<8x512xf32>
    %add3A_120 = arith.constant 1.000000e+00 : f32
    %add3A_121 = vector.broadcast %add3A_120 : f32 to vector<8x512xf32>
    %add3A_122 = arith.addf %exp3A_119, %add3A_121 : vector<8x512xf32>
    %log3A_123 = math.log %add3A_122 : vector<8x512xf32>
    %add3A_124 = arith.addf %add3A_101, %log3A_123 : vector<8x512xf32>
    %max3A_125 = arith.constant 0.000000e+00 : f32
    %max3A_126 = vector.broadcast %max3A_125 : f32 to vector<8x512xf32>
    %max3A_127 = arith.maximumf %get3A_111, %max3A_126 : vector<8x512xf32>
    %mul3A_128 = arith.mulf %get3A_111, %get3A_114 : vector<8x512xf32>
    %sub3A_129 = arith.subf %max3A_127, %mul3A_128 : vector<8x512xf32>
    %add3A_130 = arith.addf %add3A_107, %sub3A_129 : vector<8x512xf32>
    %add3A_131 = arith.addf %add3A_108, %get3A_114 : vector<8x512xf32>
    %get3A_132 = arith.constant 48 : index
    %get3A_133 = arith.constant 0 : index
    %get3A_134 = vector.load %arg1[%get3A_132, %get3A_133] : memref<1792x512xf32, #tpu.memory_space<vmem>>, vector<8x512xf32>
    %get3A_135 = arith.constant 48 : index
    %get3A_136 = arith.constant 0 : index
    %get3A_137 = vector.load %arg2[%get3A_135, %get3A_136] : memref<1792x512xf32, #tpu.memory_space<vmem>>, vector<8x512xf32>
    %abs3A_138 = math.absf %get3A_134 : vector<8x512xf32>
    %neg3A_139 = arith.constant 0.000000e+00 : f32
    %neg3A_140 = vector.broadcast %neg3A_139 : f32 to vector<8x512xf32>
    %neg3A_141 = arith.subf %neg3A_140, %abs3A_138 : vector<8x512xf32>
    %exp3A_142 = math.exp %neg3A_141 : vector<8x512xf32>
    %add3A_143 = arith.constant 1.000000e+00 : f32
    %add3A_144 = vector.broadcast %add3A_143 : f32 to vector<8x512xf32>
    %add3A_145 = arith.addf %exp3A_142, %add3A_144 : vector<8x512xf32>
    %log3A_146 = math.log %add3A_145 : vector<8x512xf32>
    %add3A_147 = arith.addf %add3A_124, %log3A_146 : vector<8x512xf32>
    %max3A_148 = arith.constant 0.000000e+00 : f32
    %max3A_149 = vector.broadcast %max3A_148 : f32 to vector<8x512xf32>
    %max3A_150 = arith.maximumf %get3A_134, %max3A_149 : vector<8x512xf32>
    %mul3A_151 = arith.mulf %get3A_134, %get3A_137 : vector<8x512xf32>
    %sub3A_152 = arith.subf %max3A_150, %mul3A_151 : vector<8x512xf32>
    %add3A_153 = arith.addf %add3A_130, %sub3A_152 : vector<8x512xf32>
    %add3A_154 = arith.addf %add3A_131, %get3A_137 : vector<8x512xf32>
    %get3A_155 = arith.constant 56 : index
    %get3A_156 = arith.constant 0 : index
    %get3A_157 = vector.load %arg1[%get3A_155, %get3A_156] : memref<1792x512xf32, #tpu.memory_space<vmem>>, vector<8x512xf32>
    %get3A_158 = arith.constant 56 : index
    %get3A_159 = arith.constant 0 : index
    %get3A_160 = vector.load %arg2[%get3A_158, %get3A_159] : memref<1792x512xf32, #tpu.memory_space<vmem>>, vector<8x512xf32>
    %abs3A_161 = math.absf %get3A_157 : vector<8x512xf32>
    %neg3A_162 = arith.constant 0.000000e+00 : f32
    %neg3A_163 = vector.broadcast %neg3A_162 : f32 to vector<8x512xf32>
    %neg3A_164 = arith.subf %neg3A_163, %abs3A_161 : vector<8x512xf32>
    %exp3A_165 = math.exp %neg3A_164 : vector<8x512xf32>
    %add3A_166 = arith.constant 1.000000e+00 : f32
    %add3A_167 = vector.broadcast %add3A_166 : f32 to vector<8x512xf32>
    %add3A_168 = arith.addf %exp3A_165, %add3A_167 : vector<8x512xf32>
    %log3A_169 = math.log %add3A_168 : vector<8x512xf32>
    %add3A_170 = arith.addf %add3A_147, %log3A_169 : vector<8x512xf32>
    %max3A_171 = arith.constant 0.000000e+00 : f32
    %max3A_172 = vector.broadcast %max3A_171 : f32 to vector<8x512xf32>
    %max3A_173 = arith.maximumf %get3A_157, %max3A_172 : vector<8x512xf32>
    %mul3A_174 = arith.mulf %get3A_157, %get3A_160 : vector<8x512xf32>
    %sub3A_175 = arith.subf %max3A_173, %mul3A_174 : vector<8x512xf32>
    %add3A_176 = arith.addf %add3A_153, %sub3A_175 : vector<8x512xf32>
    %add3A_177 = arith.addf %add3A_154, %get3A_160 : vector<8x512xf32>
    %get3A_178 = arith.constant 64 : index
    %get3A_179 = arith.constant 0 : index
    %get3A_180 = vector.load %arg1[%get3A_178, %get3A_179] : memref<1792x512xf32, #tpu.memory_space<vmem>>, vector<8x512xf32>
    %get3A_181 = arith.constant 64 : index
    %get3A_182 = arith.constant 0 : index
    %get3A_183 = vector.load %arg2[%get3A_181, %get3A_182] : memref<1792x512xf32, #tpu.memory_space<vmem>>, vector<8x512xf32>
    %abs3A_184 = math.absf %get3A_180 : vector<8x512xf32>
    %neg3A_185 = arith.constant 0.000000e+00 : f32
    %neg3A_186 = vector.broadcast %neg3A_185 : f32 to vector<8x512xf32>
    %neg3A_187 = arith.subf %neg3A_186, %abs3A_184 : vector<8x512xf32>
    %exp3A_188 = math.exp %neg3A_187 : vector<8x512xf32>
    %add3A_189 = arith.constant 1.000000e+00 : f32
    %add3A_190 = vector.broadcast %add3A_189 : f32 to vector<8x512xf32>
    %add3A_191 = arith.addf %exp3A_188, %add3A_190 : vector<8x512xf32>
    %log3A_192 = math.log %add3A_191 : vector<8x512xf32>
    %add3A_193 = arith.addf %add3A_170, %log3A_192 : vector<8x512xf32>
    %max3A_194 = arith.constant 0.000000e+00 : f32
    %max3A_195 = vector.broadcast %max3A_194 : f32 to vector<8x512xf32>
    %max3A_196 = arith.maximumf %get3A_180, %max3A_195 : vector<8x512xf32>
    %mul3A_197 = arith.mulf %get3A_180, %get3A_183 : vector<8x512xf32>
    %sub3A_198 = arith.subf %max3A_196, %mul3A_197 : vector<8x512xf32>
    %add3A_199 = arith.addf %add3A_176, %sub3A_198 : vector<8x512xf32>
    %add3A_200 = arith.addf %add3A_177, %get3A_183 : vector<8x512xf32>
    %get3A_201 = arith.constant 72 : index
    %get3A_202 = arith.constant 0 : index
    %get3A_203 = vector.load %arg1[%get3A_201, %get3A_202] : memref<1792x512xf32, #tpu.memory_space<vmem>>, vector<8x512xf32>
    %get3A_204 = arith.constant 72 : index
    %get3A_205 = arith.constant 0 : index
    %get3A_206 = vector.load %arg2[%get3A_204, %get3A_205] : memref<1792x512xf32, #tpu.memory_space<vmem>>, vector<8x512xf32>
    %abs3A_207 = math.absf %get3A_203 : vector<8x512xf32>
    %neg3A_208 = arith.constant 0.000000e+00 : f32
    %neg3A_209 = vector.broadcast %neg3A_208 : f32 to vector<8x512xf32>
    %neg3A_210 = arith.subf %neg3A_209, %abs3A_207 : vector<8x512xf32>
    %exp3A_211 = math.exp %neg3A_210 : vector<8x512xf32>
    %add3A_212 = arith.constant 1.000000e+00 : f32
    %add3A_213 = vector.broadcast %add3A_212 : f32 to vector<8x512xf32>
    %add3A_214 = arith.addf %exp3A_211, %add3A_213 : vector<8x512xf32>
    %log3A_215 = math.log %add3A_214 : vector<8x512xf32>
    %add3A_216 = arith.addf %add3A_193, %log3A_215 : vector<8x512xf32>
    %max3A_217 = arith.constant 0.000000e+00 : f32
    %max3A_218 = vector.broadcast %max3A_217 : f32 to vector<8x512xf32>
    %max3A_219 = arith.maximumf %get3A_203, %max3A_218 : vector<8x512xf32>
    %mul3A_220 = arith.mulf %get3A_203, %get3A_206 : vector<8x512xf32>
    %sub3A_221 = arith.subf %max3A_219, %mul3A_220 : vector<8x512xf32>
    %add3A_222 = arith.addf %add3A_199, %sub3A_221 : vector<8x512xf32>
    %add3A_223 = arith.addf %add3A_200, %get3A_206 : vector<8x512xf32>
    %get3A_224 = arith.constant 80 : index
    %get3A_225 = arith.constant 0 : index
    %get3A_226 = vector.load %arg1[%get3A_224, %get3A_225] : memref<1792x512xf32, #tpu.memory_space<vmem>>, vector<8x512xf32>
    %get3A_227 = arith.constant 80 : index
    %get3A_228 = arith.constant 0 : index
    %get3A_229 = vector.load %arg2[%get3A_227, %get3A_228] : memref<1792x512xf32, #tpu.memory_space<vmem>>, vector<8x512xf32>
    %abs3A_230 = math.absf %get3A_226 : vector<8x512xf32>
    %neg3A_231 = arith.constant 0.000000e+00 : f32
    %neg3A_232 = vector.broadcast %neg3A_231 : f32 to vector<8x512xf32>
    %neg3A_233 = arith.subf %neg3A_232, %abs3A_230 : vector<8x512xf32>
    %exp3A_234 = math.exp %neg3A_233 : vector<8x512xf32>
    %add3A_235 = arith.constant 1.000000e+00 : f32
    %add3A_236 = vector.broadcast %add3A_235 : f32 to vector<8x512xf32>
    %add3A_237 = arith.addf %exp3A_234, %add3A_236 : vector<8x512xf32>
    %log3A_238 = math.log %add3A_237 : vector<8x512xf32>
    %add3A_239 = arith.addf %add3A_216, %log3A_238 : vector<8x512xf32>
    %max3A_240 = arith.constant 0.000000e+00 : f32
    %max3A_241 = vector.broadcast %max3A_240 : f32 to vector<8x512xf32>
    %max3A_242 = arith.maximumf %get3A_226, %max3A_241 : vector<8x512xf32>
    %mul3A_243 = arith.mulf %get3A_226, %get3A_229 : vector<8x512xf32>
    %sub3A_244 = arith.subf %max3A_242, %mul3A_243 : vector<8x512xf32>
    %add3A_245 = arith.addf %add3A_222, %sub3A_244 : vector<8x512xf32>
    %add3A_246 = arith.addf %add3A_223, %get3A_229 : vector<8x512xf32>
    %get3A_247 = arith.constant 88 : index
    %get3A_248 = arith.constant 0 : index
    %get3A_249 = vector.load %arg1[%get3A_247, %get3A_248] : memref<1792x512xf32, #tpu.memory_space<vmem>>, vector<8x512xf32>
    %get3A_250 = arith.constant 88 : index
    %get3A_251 = arith.constant 0 : index
    %get3A_252 = vector.load %arg2[%get3A_250, %get3A_251] : memref<1792x512xf32, #tpu.memory_space<vmem>>, vector<8x512xf32>
    %abs3A_253 = math.absf %get3A_249 : vector<8x512xf32>
    %neg3A_254 = arith.constant 0.000000e+00 : f32
    %neg3A_255 = vector.broadcast %neg3A_254 : f32 to vector<8x512xf32>
    %neg3A_256 = arith.subf %neg3A_255, %abs3A_253 : vector<8x512xf32>
    %exp3A_257 = math.exp %neg3A_256 : vector<8x512xf32>
    %add3A_258 = arith.constant 1.000000e+00 : f32
    %add3A_259 = vector.broadcast %add3A_258 : f32 to vector<8x512xf32>
    %add3A_260 = arith.addf %exp3A_257, %add3A_259 : vector<8x512xf32>
    %log3A_261 = math.log %add3A_260 : vector<8x512xf32>
    %add3A_262 = arith.addf %add3A_239, %log3A_261 : vector<8x512xf32>
    %max3A_263 = arith.constant 0.000000e+00 : f32
    %max3A_264 = vector.broadcast %max3A_263 : f32 to vector<8x512xf32>
    %max3A_265 = arith.maximumf %get3A_249, %max3A_264 : vector<8x512xf32>
    %mul3A_266 = arith.mulf %get3A_249, %get3A_252 : vector<8x512xf32>
    %sub3A_267 = arith.subf %max3A_265, %mul3A_266 : vector<8x512xf32>
    %add3A_268 = arith.addf %add3A_245, %sub3A_267 : vector<8x512xf32>
    %add3A_269 = arith.addf %add3A_246, %get3A_252 : vector<8x512xf32>
    %get3A_270 = arith.constant 96 : index
    %get3A_271 = arith.constant 0 : index
    %get3A_272 = vector.load %arg1[%get3A_270, %get3A_271] : memref<1792x512xf32, #tpu.memory_space<vmem>>, vector<8x512xf32>
    %get3A_273 = arith.constant 96 : index
    %get3A_274 = arith.constant 0 : index
    %get3A_275 = vector.load %arg2[%get3A_273, %get3A_274] : memref<1792x512xf32, #tpu.memory_space<vmem>>, vector<8x512xf32>
    %abs3A_276 = math.absf %get3A_272 : vector<8x512xf32>
    %neg3A_277 = arith.constant 0.000000e+00 : f32
    %neg3A_278 = vector.broadcast %neg3A_277 : f32 to vector<8x512xf32>
    %neg3A_279 = arith.subf %neg3A_278, %abs3A_276 : vector<8x512xf32>
    %exp3A_280 = math.exp %neg3A_279 : vector<8x512xf32>
    %add3A_281 = arith.constant 1.000000e+00 : f32
    %add3A_282 = vector.broadcast %add3A_281 : f32 to vector<8x512xf32>
    %add3A_283 = arith.addf %exp3A_280, %add3A_282 : vector<8x512xf32>
    %log3A_284 = math.log %add3A_283 : vector<8x512xf32>
    %add3A_285 = arith.addf %add3A_262, %log3A_284 : vector<8x512xf32>
    %max3A_286 = arith.constant 0.000000e+00 : f32
    %max3A_287 = vector.broadcast %max3A_286 : f32 to vector<8x512xf32>
    %max3A_288 = arith.maximumf %get3A_272, %max3A_287 : vector<8x512xf32>
    %mul3A_289 = arith.mulf %get3A_272, %get3A_275 : vector<8x512xf32>
    %sub3A_290 = arith.subf %max3A_288, %mul3A_289 : vector<8x512xf32>
    %add3A_291 = arith.addf %add3A_268, %sub3A_290 : vector<8x512xf32>
    %add3A_292 = arith.addf %add3A_269, %get3A_275 : vector<8x512xf32>
    %get3A_293 = arith.constant 104 : index
    %get3A_294 = arith.constant 0 : index
    %get3A_295 = vector.load %arg1[%get3A_293, %get3A_294] : memref<1792x512xf32, #tpu.memory_space<vmem>>, vector<8x512xf32>
    %get3A_296 = arith.constant 104 : index
    %get3A_297 = arith.constant 0 : index
    %get3A_298 = vector.load %arg2[%get3A_296, %get3A_297] : memref<1792x512xf32, #tpu.memory_space<vmem>>, vector<8x512xf32>
    %abs3A_299 = math.absf %get3A_295 : vector<8x512xf32>
    %neg3A_300 = arith.constant 0.000000e+00 : f32
    %neg3A_301 = vector.broadcast %neg3A_300 : f32 to vector<8x512xf32>
    %neg3A_302 = arith.subf %neg3A_301, %abs3A_299 : vector<8x512xf32>
    %exp3A_303 = math.exp %neg3A_302 : vector<8x512xf32>
    %add3A_304 = arith.constant 1.000000e+00 : f32
    %add3A_305 = vector.broadcast %add3A_304 : f32 to vector<8x512xf32>
    %add3A_306 = arith.addf %exp3A_303, %add3A_305 : vector<8x512xf32>
    %log3A_307 = math.log %add3A_306 : vector<8x512xf32>
    %add3A_308 = arith.addf %add3A_285, %log3A_307 : vector<8x512xf32>
    %max3A_309 = arith.constant 0.000000e+00 : f32
    %max3A_310 = vector.broadcast %max3A_309 : f32 to vector<8x512xf32>
    %max3A_311 = arith.maximumf %get3A_295, %max3A_310 : vector<8x512xf32>
    %mul3A_312 = arith.mulf %get3A_295, %get3A_298 : vector<8x512xf32>
    %sub3A_313 = arith.subf %max3A_311, %mul3A_312 : vector<8x512xf32>
    %add3A_314 = arith.addf %add3A_291, %sub3A_313 : vector<8x512xf32>
    %add3A_315 = arith.addf %add3A_292, %get3A_298 : vector<8x512xf32>
    %get3A_316 = arith.constant 112 : index
    %get3A_317 = arith.constant 0 : index
    %get3A_318 = vector.load %arg1[%get3A_316, %get3A_317] : memref<1792x512xf32, #tpu.memory_space<vmem>>, vector<8x512xf32>
    %get3A_319 = arith.constant 112 : index
    %get3A_320 = arith.constant 0 : index
    %get3A_321 = vector.load %arg2[%get3A_319, %get3A_320] : memref<1792x512xf32, #tpu.memory_space<vmem>>, vector<8x512xf32>
    %abs3A_322 = math.absf %get3A_318 : vector<8x512xf32>
    %neg3A_323 = arith.constant 0.000000e+00 : f32
    %neg3A_324 = vector.broadcast %neg3A_323 : f32 to vector<8x512xf32>
    %neg3A_325 = arith.subf %neg3A_324, %abs3A_322 : vector<8x512xf32>
    %exp3A_326 = math.exp %neg3A_325 : vector<8x512xf32>
    %add3A_327 = arith.constant 1.000000e+00 : f32
    %add3A_328 = vector.broadcast %add3A_327 : f32 to vector<8x512xf32>
    %add3A_329 = arith.addf %exp3A_326, %add3A_328 : vector<8x512xf32>
    %log3A_330 = math.log %add3A_329 : vector<8x512xf32>
    %add3A_331 = arith.addf %add3A_308, %log3A_330 : vector<8x512xf32>
    %max3A_332 = arith.constant 0.000000e+00 : f32
    %max3A_333 = vector.broadcast %max3A_332 : f32 to vector<8x512xf32>
    %max3A_334 = arith.maximumf %get3A_318, %max3A_333 : vector<8x512xf32>
    %mul3A_335 = arith.mulf %get3A_318, %get3A_321 : vector<8x512xf32>
    %sub3A_336 = arith.subf %max3A_334, %mul3A_335 : vector<8x512xf32>
    %add3A_337 = arith.addf %add3A_314, %sub3A_336 : vector<8x512xf32>
    %add3A_338 = arith.addf %add3A_315, %get3A_321 : vector<8x512xf32>
    %get3A_339 = arith.constant 120 : index
    %get3A_340 = arith.constant 0 : index
    %get3A_341 = vector.load %arg1[%get3A_339, %get3A_340] : memref<1792x512xf32, #tpu.memory_space<vmem>>, vector<8x512xf32>
    %get3A_342 = arith.constant 120 : index
    %get3A_343 = arith.constant 0 : index
    %get3A_344 = vector.load %arg2[%get3A_342, %get3A_343] : memref<1792x512xf32, #tpu.memory_space<vmem>>, vector<8x512xf32>
    %abs3A_345 = math.absf %get3A_341 : vector<8x512xf32>
    %neg3A_346 = arith.constant 0.000000e+00 : f32
    %neg3A_347 = vector.broadcast %neg3A_346 : f32 to vector<8x512xf32>
    %neg3A_348 = arith.subf %neg3A_347, %abs3A_345 : vector<8x512xf32>
    %exp3A_349 = math.exp %neg3A_348 : vector<8x512xf32>
    %add3A_350 = arith.constant 1.000000e+00 : f32
    %add3A_351 = vector.broadcast %add3A_350 : f32 to vector<8x512xf32>
    %add3A_352 = arith.addf %exp3A_349, %add3A_351 : vector<8x512xf32>
    %log3A_353 = math.log %add3A_352 : vector<8x512xf32>
    %add3A_354 = arith.addf %add3A_331, %log3A_353 : vector<8x512xf32>
    %max3A_355 = arith.constant 0.000000e+00 : f32
    %max3A_356 = vector.broadcast %max3A_355 : f32 to vector<8x512xf32>
    %max3A_357 = arith.maximumf %get3A_341, %max3A_356 : vector<8x512xf32>
    %mul3A_358 = arith.mulf %get3A_341, %get3A_344 : vector<8x512xf32>
    %sub3A_359 = arith.subf %max3A_357, %mul3A_358 : vector<8x512xf32>
    %add3A_360 = arith.addf %add3A_337, %sub3A_359 : vector<8x512xf32>
    %add3A_361 = arith.addf %add3A_338, %get3A_344 : vector<8x512xf32>
    %get3A_362 = arith.constant 128 : index
    %get3A_363 = arith.constant 0 : index
    %get3A_364 = vector.load %arg1[%get3A_362, %get3A_363] : memref<1792x512xf32, #tpu.memory_space<vmem>>, vector<8x512xf32>
    %get3A_365 = arith.constant 128 : index
    %get3A_366 = arith.constant 0 : index
    %get3A_367 = vector.load %arg2[%get3A_365, %get3A_366] : memref<1792x512xf32, #tpu.memory_space<vmem>>, vector<8x512xf32>
    %abs3A_368 = math.absf %get3A_364 : vector<8x512xf32>
    %neg3A_369 = arith.constant 0.000000e+00 : f32
    %neg3A_370 = vector.broadcast %neg3A_369 : f32 to vector<8x512xf32>
    %neg3A_371 = arith.subf %neg3A_370, %abs3A_368 : vector<8x512xf32>
    %exp3A_372 = math.exp %neg3A_371 : vector<8x512xf32>
    %add3A_373 = arith.constant 1.000000e+00 : f32
    %add3A_374 = vector.broadcast %add3A_373 : f32 to vector<8x512xf32>
    %add3A_375 = arith.addf %exp3A_372, %add3A_374 : vector<8x512xf32>
    %log3A_376 = math.log %add3A_375 : vector<8x512xf32>
    %add3A_377 = arith.addf %add3A_354, %log3A_376 : vector<8x512xf32>
    %max3A_378 = arith.constant 0.000000e+00 : f32
    %max3A_379 = vector.broadcast %max3A_378 : f32 to vector<8x512xf32>
    %max3A_380 = arith.maximumf %get3A_364, %max3A_379 : vector<8x512xf32>
    %mul3A_381 = arith.mulf %get3A_364, %get3A_367 : vector<8x512xf32>
    %sub3A_382 = arith.subf %max3A_380, %mul3A_381 : vector<8x512xf32>
    %add3A_383 = arith.addf %add3A_360, %sub3A_382 : vector<8x512xf32>
    %add3A_384 = arith.addf %add3A_361, %get3A_367 : vector<8x512xf32>
    %get3A_385 = arith.constant 136 : index
    %get3A_386 = arith.constant 0 : index
    %get3A_387 = vector.load %arg1[%get3A_385, %get3A_386] : memref<1792x512xf32, #tpu.memory_space<vmem>>, vector<8x512xf32>
    %get3A_388 = arith.constant 136 : index
    %get3A_389 = arith.constant 0 : index
    %get3A_390 = vector.load %arg2[%get3A_388, %get3A_389] : memref<1792x512xf32, #tpu.memory_space<vmem>>, vector<8x512xf32>
    %abs3A_391 = math.absf %get3A_387 : vector<8x512xf32>
    %neg3A_392 = arith.constant 0.000000e+00 : f32
    %neg3A_393 = vector.broadcast %neg3A_392 : f32 to vector<8x512xf32>
    %neg3A_394 = arith.subf %neg3A_393, %abs3A_391 : vector<8x512xf32>
    %exp3A_395 = math.exp %neg3A_394 : vector<8x512xf32>
    %add3A_396 = arith.constant 1.000000e+00 : f32
    %add3A_397 = vector.broadcast %add3A_396 : f32 to vector<8x512xf32>
    %add3A_398 = arith.addf %exp3A_395, %add3A_397 : vector<8x512xf32>
    %log3A_399 = math.log %add3A_398 : vector<8x512xf32>
    %add3A_400 = arith.addf %add3A_377, %log3A_399 : vector<8x512xf32>
    %max3A_401 = arith.constant 0.000000e+00 : f32
    %max3A_402 = vector.broadcast %max3A_401 : f32 to vector<8x512xf32>
    %max3A_403 = arith.maximumf %get3A_387, %max3A_402 : vector<8x512xf32>
    %mul3A_404 = arith.mulf %get3A_387, %get3A_390 : vector<8x512xf32>
    %sub3A_405 = arith.subf %max3A_403, %mul3A_404 : vector<8x512xf32>
    %add3A_406 = arith.addf %add3A_383, %sub3A_405 : vector<8x512xf32>
    %add3A_407 = arith.addf %add3A_384, %get3A_390 : vector<8x512xf32>
    %get3A_408 = arith.constant 144 : index
    %get3A_409 = arith.constant 0 : index
    %get3A_410 = vector.load %arg1[%get3A_408, %get3A_409] : memref<1792x512xf32, #tpu.memory_space<vmem>>, vector<8x512xf32>
    %get3A_411 = arith.constant 144 : index
    %get3A_412 = arith.constant 0 : index
    %get3A_413 = vector.load %arg2[%get3A_411, %get3A_412] : memref<1792x512xf32, #tpu.memory_space<vmem>>, vector<8x512xf32>
    %abs3A_414 = math.absf %get3A_410 : vector<8x512xf32>
    %neg3A_415 = arith.constant 0.000000e+00 : f32
    %neg3A_416 = vector.broadcast %neg3A_415 : f32 to vector<8x512xf32>
    %neg3A_417 = arith.subf %neg3A_416, %abs3A_414 : vector<8x512xf32>
    %exp3A_418 = math.exp %neg3A_417 : vector<8x512xf32>
    %add3A_419 = arith.constant 1.000000e+00 : f32
    %add3A_420 = vector.broadcast %add3A_419 : f32 to vector<8x512xf32>
    %add3A_421 = arith.addf %exp3A_418, %add3A_420 : vector<8x512xf32>
    %log3A_422 = math.log %add3A_421 : vector<8x512xf32>
    %add3A_423 = arith.addf %add3A_400, %log3A_422 : vector<8x512xf32>
    %max3A_424 = arith.constant 0.000000e+00 : f32
    %max3A_425 = vector.broadcast %max3A_424 : f32 to vector<8x512xf32>
    %max3A_426 = arith.maximumf %get3A_410, %max3A_425 : vector<8x512xf32>
    %mul3A_427 = arith.mulf %get3A_410, %get3A_413 : vector<8x512xf32>
    %sub3A_428 = arith.subf %max3A_426, %mul3A_427 : vector<8x512xf32>
    %add3A_429 = arith.addf %add3A_406, %sub3A_428 : vector<8x512xf32>
    %add3A_430 = arith.addf %add3A_407, %get3A_413 : vector<8x512xf32>
    %get3A_431 = arith.constant 152 : index
    %get3A_432 = arith.constant 0 : index
    %get3A_433 = vector.load %arg1[%get3A_431, %get3A_432] : memref<1792x512xf32, #tpu.memory_space<vmem>>, vector<8x512xf32>
    %get3A_434 = arith.constant 152 : index
    %get3A_435 = arith.constant 0 : index
    %get3A_436 = vector.load %arg2[%get3A_434, %get3A_435] : memref<1792x512xf32, #tpu.memory_space<vmem>>, vector<8x512xf32>
    %abs3A_437 = math.absf %get3A_433 : vector<8x512xf32>
    %neg3A_438 = arith.constant 0.000000e+00 : f32
    %neg3A_439 = vector.broadcast %neg3A_438 : f32 to vector<8x512xf32>
    %neg3A_440 = arith.subf %neg3A_439, %abs3A_437 : vector<8x512xf32>
    %exp3A_441 = math.exp %neg3A_440 : vector<8x512xf32>
    %add3A_442 = arith.constant 1.000000e+00 : f32
    %add3A_443 = vector.broadcast %add3A_442 : f32 to vector<8x512xf32>
    %add3A_444 = arith.addf %exp3A_441, %add3A_443 : vector<8x512xf32>
    %log3A_445 = math.log %add3A_444 : vector<8x512xf32>
    %add3A_446 = arith.addf %add3A_423, %log3A_445 : vector<8x512xf32>
    %max3A_447 = arith.constant 0.000000e+00 : f32
    %max3A_448 = vector.broadcast %max3A_447 : f32 to vector<8x512xf32>
    %max3A_449 = arith.maximumf %get3A_433, %max3A_448 : vector<8x512xf32>
    %mul3A_450 = arith.mulf %get3A_433, %get3A_436 : vector<8x512xf32>
    %sub3A_451 = arith.subf %max3A_449, %mul3A_450 : vector<8x512xf32>
    %add3A_452 = arith.addf %add3A_429, %sub3A_451 : vector<8x512xf32>
    %add3A_453 = arith.addf %add3A_430, %get3A_436 : vector<8x512xf32>
    %get3A_454 = arith.constant 160 : index
    %get3A_455 = arith.constant 0 : index
    %get3A_456 = vector.load %arg1[%get3A_454, %get3A_455] : memref<1792x512xf32, #tpu.memory_space<vmem>>, vector<8x512xf32>
    %get3A_457 = arith.constant 160 : index
    %get3A_458 = arith.constant 0 : index
    %get3A_459 = vector.load %arg2[%get3A_457, %get3A_458] : memref<1792x512xf32, #tpu.memory_space<vmem>>, vector<8x512xf32>
    %abs3A_460 = math.absf %get3A_456 : vector<8x512xf32>
    %neg3A_461 = arith.constant 0.000000e+00 : f32
    %neg3A_462 = vector.broadcast %neg3A_461 : f32 to vector<8x512xf32>
    %neg3A_463 = arith.subf %neg3A_462, %abs3A_460 : vector<8x512xf32>
    %exp3A_464 = math.exp %neg3A_463 : vector<8x512xf32>
    %add3A_465 = arith.constant 1.000000e+00 : f32
    %add3A_466 = vector.broadcast %add3A_465 : f32 to vector<8x512xf32>
    %add3A_467 = arith.addf %exp3A_464, %add3A_466 : vector<8x512xf32>
    %log3A_468 = math.log %add3A_467 : vector<8x512xf32>
    %add3A_469 = arith.addf %add3A_446, %log3A_468 : vector<8x512xf32>
    %max3A_470 = arith.constant 0.000000e+00 : f32
    %max3A_471 = vector.broadcast %max3A_470 : f32 to vector<8x512xf32>
    %max3A_472 = arith.maximumf %get3A_456, %max3A_471 : vector<8x512xf32>
    %mul3A_473 = arith.mulf %get3A_456, %get3A_459 : vector<8x512xf32>
    %sub3A_474 = arith.subf %max3A_472, %mul3A_473 : vector<8x512xf32>
    %add3A_475 = arith.addf %add3A_452, %sub3A_474 : vector<8x512xf32>
    %add3A_476 = arith.addf %add3A_453, %get3A_459 : vector<8x512xf32>
    %get3A_477 = arith.constant 168 : index
    %get3A_478 = arith.constant 0 : index
    %get3A_479 = vector.load %arg1[%get3A_477, %get3A_478] : memref<1792x512xf32, #tpu.memory_space<vmem>>, vector<8x512xf32>
    %get3A_480 = arith.constant 168 : index
    %get3A_481 = arith.constant 0 : index
    %get3A_482 = vector.load %arg2[%get3A_480, %get3A_481] : memref<1792x512xf32, #tpu.memory_space<vmem>>, vector<8x512xf32>
    %abs3A_483 = math.absf %get3A_479 : vector<8x512xf32>
    %neg3A_484 = arith.constant 0.000000e+00 : f32
    %neg3A_485 = vector.broadcast %neg3A_484 : f32 to vector<8x512xf32>
    %neg3A_486 = arith.subf %neg3A_485, %abs3A_483 : vector<8x512xf32>
    %exp3A_487 = math.exp %neg3A_486 : vector<8x512xf32>
    %add3A_488 = arith.constant 1.000000e+00 : f32
    %add3A_489 = vector.broadcast %add3A_488 : f32 to vector<8x512xf32>
    %add3A_490 = arith.addf %exp3A_487, %add3A_489 : vector<8x512xf32>
    %log3A_491 = math.log %add3A_490 : vector<8x512xf32>
    %add3A_492 = arith.addf %add3A_469, %log3A_491 : vector<8x512xf32>
    %max3A_493 = arith.constant 0.000000e+00 : f32
    %max3A_494 = vector.broadcast %max3A_493 : f32 to vector<8x512xf32>
    %max3A_495 = arith.maximumf %get3A_479, %max3A_494 : vector<8x512xf32>
    %mul3A_496 = arith.mulf %get3A_479, %get3A_482 : vector<8x512xf32>
    %sub3A_497 = arith.subf %max3A_495, %mul3A_496 : vector<8x512xf32>
    %add3A_498 = arith.addf %add3A_475, %sub3A_497 : vector<8x512xf32>
    %add3A_499 = arith.addf %add3A_476, %get3A_482 : vector<8x512xf32>
    %get3A_500 = arith.constant 176 : index
    %get3A_501 = arith.constant 0 : index
    %get3A_502 = vector.load %arg1[%get3A_500, %get3A_501] : memref<1792x512xf32, #tpu.memory_space<vmem>>, vector<8x512xf32>
    %get3A_503 = arith.constant 176 : index
    %get3A_504 = arith.constant 0 : index
    %get3A_505 = vector.load %arg2[%get3A_503, %get3A_504] : memref<1792x512xf32, #tpu.memory_space<vmem>>, vector<8x512xf32>
    %abs3A_506 = math.absf %get3A_502 : vector<8x512xf32>
    %neg3A_507 = arith.constant 0.000000e+00 : f32
    %neg3A_508 = vector.broadcast %neg3A_507 : f32 to vector<8x512xf32>
    %neg3A_509 = arith.subf %neg3A_508, %abs3A_506 : vector<8x512xf32>
    %exp3A_510 = math.exp %neg3A_509 : vector<8x512xf32>
    %add3A_511 = arith.constant 1.000000e+00 : f32
    %add3A_512 = vector.broadcast %add3A_511 : f32 to vector<8x512xf32>
    %add3A_513 = arith.addf %exp3A_510, %add3A_512 : vector<8x512xf32>
    %log3A_514 = math.log %add3A_513 : vector<8x512xf32>
    %add3A_515 = arith.addf %add3A_492, %log3A_514 : vector<8x512xf32>
    %max3A_516 = arith.constant 0.000000e+00 : f32
    %max3A_517 = vector.broadcast %max3A_516 : f32 to vector<8x512xf32>
    %max3A_518 = arith.maximumf %get3A_502, %max3A_517 : vector<8x512xf32>
    %mul3A_519 = arith.mulf %get3A_502, %get3A_505 : vector<8x512xf32>
    %sub3A_520 = arith.subf %max3A_518, %mul3A_519 : vector<8x512xf32>
    %add3A_521 = arith.addf %add3A_498, %sub3A_520 : vector<8x512xf32>
    %add3A_522 = arith.addf %add3A_499, %get3A_505 : vector<8x512xf32>
    %get3A_523 = arith.constant 184 : index
    %get3A_524 = arith.constant 0 : index
    %get3A_525 = vector.load %arg1[%get3A_523, %get3A_524] : memref<1792x512xf32, #tpu.memory_space<vmem>>, vector<8x512xf32>
    %get3A_526 = arith.constant 184 : index
    %get3A_527 = arith.constant 0 : index
    %get3A_528 = vector.load %arg2[%get3A_526, %get3A_527] : memref<1792x512xf32, #tpu.memory_space<vmem>>, vector<8x512xf32>
    %abs3A_529 = math.absf %get3A_525 : vector<8x512xf32>
    %neg3A_530 = arith.constant 0.000000e+00 : f32
    %neg3A_531 = vector.broadcast %neg3A_530 : f32 to vector<8x512xf32>
    %neg3A_532 = arith.subf %neg3A_531, %abs3A_529 : vector<8x512xf32>
    %exp3A_533 = math.exp %neg3A_532 : vector<8x512xf32>
    %add3A_534 = arith.constant 1.000000e+00 : f32
    %add3A_535 = vector.broadcast %add3A_534 : f32 to vector<8x512xf32>
    %add3A_536 = arith.addf %exp3A_533, %add3A_535 : vector<8x512xf32>
    %log3A_537 = math.log %add3A_536 : vector<8x512xf32>
    %add3A_538 = arith.addf %add3A_515, %log3A_537 : vector<8x512xf32>
    %max3A_539 = arith.constant 0.000000e+00 : f32
    %max3A_540 = vector.broadcast %max3A_539 : f32 to vector<8x512xf32>
    %max3A_541 = arith.maximumf %get3A_525, %max3A_540 : vector<8x512xf32>
    %mul3A_542 = arith.mulf %get3A_525, %get3A_528 : vector<8x512xf32>
    %sub3A_543 = arith.subf %max3A_541, %mul3A_542 : vector<8x512xf32>
    %add3A_544 = arith.addf %add3A_521, %sub3A_543 : vector<8x512xf32>
    %add3A_545 = arith.addf %add3A_522, %get3A_528 : vector<8x512xf32>
    %get3A_546 = arith.constant 192 : index
    %get3A_547 = arith.constant 0 : index
    %get3A_548 = vector.load %arg1[%get3A_546, %get3A_547] : memref<1792x512xf32, #tpu.memory_space<vmem>>, vector<8x512xf32>
    %get3A_549 = arith.constant 192 : index
    %get3A_550 = arith.constant 0 : index
    %get3A_551 = vector.load %arg2[%get3A_549, %get3A_550] : memref<1792x512xf32, #tpu.memory_space<vmem>>, vector<8x512xf32>
    %abs3A_552 = math.absf %get3A_548 : vector<8x512xf32>
    %neg3A_553 = arith.constant 0.000000e+00 : f32
    %neg3A_554 = vector.broadcast %neg3A_553 : f32 to vector<8x512xf32>
    %neg3A_555 = arith.subf %neg3A_554, %abs3A_552 : vector<8x512xf32>
    %exp3A_556 = math.exp %neg3A_555 : vector<8x512xf32>
    %add3A_557 = arith.constant 1.000000e+00 : f32
    %add3A_558 = vector.broadcast %add3A_557 : f32 to vector<8x512xf32>
    %add3A_559 = arith.addf %exp3A_556, %add3A_558 : vector<8x512xf32>
    %log3A_560 = math.log %add3A_559 : vector<8x512xf32>
    %add3A_561 = arith.addf %add3A_538, %log3A_560 : vector<8x512xf32>
    %max3A_562 = arith.constant 0.000000e+00 : f32
    %max3A_563 = vector.broadcast %max3A_562 : f32 to vector<8x512xf32>
    %max3A_564 = arith.maximumf %get3A_548, %max3A_563 : vector<8x512xf32>
    %mul3A_565 = arith.mulf %get3A_548, %get3A_551 : vector<8x512xf32>
    %sub3A_566 = arith.subf %max3A_564, %mul3A_565 : vector<8x512xf32>
    %add3A_567 = arith.addf %add3A_544, %sub3A_566 : vector<8x512xf32>
    %add3A_568 = arith.addf %add3A_545, %get3A_551 : vector<8x512xf32>
    %get3A_569 = arith.constant 200 : index
    %get3A_570 = arith.constant 0 : index
    %get3A_571 = vector.load %arg1[%get3A_569, %get3A_570] : memref<1792x512xf32, #tpu.memory_space<vmem>>, vector<8x512xf32>
    %get3A_572 = arith.constant 200 : index
    %get3A_573 = arith.constant 0 : index
    %get3A_574 = vector.load %arg2[%get3A_572, %get3A_573] : memref<1792x512xf32, #tpu.memory_space<vmem>>, vector<8x512xf32>
    %abs3A_575 = math.absf %get3A_571 : vector<8x512xf32>
    %neg3A_576 = arith.constant 0.000000e+00 : f32
    %neg3A_577 = vector.broadcast %neg3A_576 : f32 to vector<8x512xf32>
    %neg3A_578 = arith.subf %neg3A_577, %abs3A_575 : vector<8x512xf32>
    %exp3A_579 = math.exp %neg3A_578 : vector<8x512xf32>
    %add3A_580 = arith.constant 1.000000e+00 : f32
    %add3A_581 = vector.broadcast %add3A_580 : f32 to vector<8x512xf32>
    %add3A_582 = arith.addf %exp3A_579, %add3A_581 : vector<8x512xf32>
    %log3A_583 = math.log %add3A_582 : vector<8x512xf32>
    %add3A_584 = arith.addf %add3A_561, %log3A_583 : vector<8x512xf32>
    %max3A_585 = arith.constant 0.000000e+00 : f32
    %max3A_586 = vector.broadcast %max3A_585 : f32 to vector<8x512xf32>
    %max3A_587 = arith.maximumf %get3A_571, %max3A_586 : vector<8x512xf32>
    %mul3A_588 = arith.mulf %get3A_571, %get3A_574 : vector<8x512xf32>
    %sub3A_589 = arith.subf %max3A_587, %mul3A_588 : vector<8x512xf32>
    %add3A_590 = arith.addf %add3A_567, %sub3A_589 : vector<8x512xf32>
    %add3A_591 = arith.addf %add3A_568, %get3A_574 : vector<8x512xf32>
    %get3A_592 = arith.constant 208 : index
    %get3A_593 = arith.constant 0 : index
    %get3A_594 = vector.load %arg1[%get3A_592, %get3A_593] : memref<1792x512xf32, #tpu.memory_space<vmem>>, vector<8x512xf32>
    %get3A_595 = arith.constant 208 : index
    %get3A_596 = arith.constant 0 : index
    %get3A_597 = vector.load %arg2[%get3A_595, %get3A_596] : memref<1792x512xf32, #tpu.memory_space<vmem>>, vector<8x512xf32>
    %abs3A_598 = math.absf %get3A_594 : vector<8x512xf32>
    %neg3A_599 = arith.constant 0.000000e+00 : f32
    %neg3A_600 = vector.broadcast %neg3A_599 : f32 to vector<8x512xf32>
    %neg3A_601 = arith.subf %neg3A_600, %abs3A_598 : vector<8x512xf32>
    %exp3A_602 = math.exp %neg3A_601 : vector<8x512xf32>
    %add3A_603 = arith.constant 1.000000e+00 : f32
    %add3A_604 = vector.broadcast %add3A_603 : f32 to vector<8x512xf32>
    %add3A_605 = arith.addf %exp3A_602, %add3A_604 : vector<8x512xf32>
    %log3A_606 = math.log %add3A_605 : vector<8x512xf32>
    %add3A_607 = arith.addf %add3A_584, %log3A_606 : vector<8x512xf32>
    %max3A_608 = arith.constant 0.000000e+00 : f32
    %max3A_609 = vector.broadcast %max3A_608 : f32 to vector<8x512xf32>
    %max3A_610 = arith.maximumf %get3A_594, %max3A_609 : vector<8x512xf32>
    %mul3A_611 = arith.mulf %get3A_594, %get3A_597 : vector<8x512xf32>
    %sub3A_612 = arith.subf %max3A_610, %mul3A_611 : vector<8x512xf32>
    %add3A_613 = arith.addf %add3A_590, %sub3A_612 : vector<8x512xf32>
    %add3A_614 = arith.addf %add3A_591, %get3A_597 : vector<8x512xf32>
    %get3A_615 = arith.constant 216 : index
    %get3A_616 = arith.constant 0 : index
    %get3A_617 = vector.load %arg1[%get3A_615, %get3A_616] : memref<1792x512xf32, #tpu.memory_space<vmem>>, vector<8x512xf32>
    %get3A_618 = arith.constant 216 : index
    %get3A_619 = arith.constant 0 : index
    %get3A_620 = vector.load %arg2[%get3A_618, %get3A_619] : memref<1792x512xf32, #tpu.memory_space<vmem>>, vector<8x512xf32>
    %abs3A_621 = math.absf %get3A_617 : vector<8x512xf32>
    %neg3A_622 = arith.constant 0.000000e+00 : f32
    %neg3A_623 = vector.broadcast %neg3A_622 : f32 to vector<8x512xf32>
    %neg3A_624 = arith.subf %neg3A_623, %abs3A_621 : vector<8x512xf32>
    %exp3A_625 = math.exp %neg3A_624 : vector<8x512xf32>
    %add3A_626 = arith.constant 1.000000e+00 : f32
    %add3A_627 = vector.broadcast %add3A_626 : f32 to vector<8x512xf32>
    %add3A_628 = arith.addf %exp3A_625, %add3A_627 : vector<8x512xf32>
    %log3A_629 = math.log %add3A_628 : vector<8x512xf32>
    %add3A_630 = arith.addf %add3A_607, %log3A_629 : vector<8x512xf32>
    %max3A_631 = arith.constant 0.000000e+00 : f32
    %max3A_632 = vector.broadcast %max3A_631 : f32 to vector<8x512xf32>
    %max3A_633 = arith.maximumf %get3A_617, %max3A_632 : vector<8x512xf32>
    %mul3A_634 = arith.mulf %get3A_617, %get3A_620 : vector<8x512xf32>
    %sub3A_635 = arith.subf %max3A_633, %mul3A_634 : vector<8x512xf32>
    %add3A_636 = arith.addf %add3A_613, %sub3A_635 : vector<8x512xf32>
    %add3A_637 = arith.addf %add3A_614, %get3A_620 : vector<8x512xf32>
    %get3A_638 = arith.constant 224 : index
    %get3A_639 = arith.constant 0 : index
    %get3A_640 = vector.load %arg1[%get3A_638, %get3A_639] : memref<1792x512xf32, #tpu.memory_space<vmem>>, vector<8x512xf32>
    %get3A_641 = arith.constant 224 : index
    %get3A_642 = arith.constant 0 : index
    %get3A_643 = vector.load %arg2[%get3A_641, %get3A_642] : memref<1792x512xf32, #tpu.memory_space<vmem>>, vector<8x512xf32>
    %abs3A_644 = math.absf %get3A_640 : vector<8x512xf32>
    %neg3A_645 = arith.constant 0.000000e+00 : f32
    %neg3A_646 = vector.broadcast %neg3A_645 : f32 to vector<8x512xf32>
    %neg3A_647 = arith.subf %neg3A_646, %abs3A_644 : vector<8x512xf32>
    %exp3A_648 = math.exp %neg3A_647 : vector<8x512xf32>
    %add3A_649 = arith.constant 1.000000e+00 : f32
    %add3A_650 = vector.broadcast %add3A_649 : f32 to vector<8x512xf32>
    %add3A_651 = arith.addf %exp3A_648, %add3A_650 : vector<8x512xf32>
    %log3A_652 = math.log %add3A_651 : vector<8x512xf32>
    %add3A_653 = arith.addf %add3A_630, %log3A_652 : vector<8x512xf32>
    %max3A_654 = arith.constant 0.000000e+00 : f32
    %max3A_655 = vector.broadcast %max3A_654 : f32 to vector<8x512xf32>
    %max3A_656 = arith.maximumf %get3A_640, %max3A_655 : vector<8x512xf32>
    %mul3A_657 = arith.mulf %get3A_640, %get3A_643 : vector<8x512xf32>
    %sub3A_658 = arith.subf %max3A_656, %mul3A_657 : vector<8x512xf32>
    %add3A_659 = arith.addf %add3A_636, %sub3A_658 : vector<8x512xf32>
    %add3A_660 = arith.addf %add3A_637, %get3A_643 : vector<8x512xf32>
    %get3A_661 = arith.constant 232 : index
    %get3A_662 = arith.constant 0 : index
    %get3A_663 = vector.load %arg1[%get3A_661, %get3A_662] : memref<1792x512xf32, #tpu.memory_space<vmem>>, vector<8x512xf32>
    %get3A_664 = arith.constant 232 : index
    %get3A_665 = arith.constant 0 : index
    %get3A_666 = vector.load %arg2[%get3A_664, %get3A_665] : memref<1792x512xf32, #tpu.memory_space<vmem>>, vector<8x512xf32>
    %abs3A_667 = math.absf %get3A_663 : vector<8x512xf32>
    %neg3A_668 = arith.constant 0.000000e+00 : f32
    %neg3A_669 = vector.broadcast %neg3A_668 : f32 to vector<8x512xf32>
    %neg3A_670 = arith.subf %neg3A_669, %abs3A_667 : vector<8x512xf32>
    %exp3A_671 = math.exp %neg3A_670 : vector<8x512xf32>
    %add3A_672 = arith.constant 1.000000e+00 : f32
    %add3A_673 = vector.broadcast %add3A_672 : f32 to vector<8x512xf32>
    %add3A_674 = arith.addf %exp3A_671, %add3A_673 : vector<8x512xf32>
    %log3A_675 = math.log %add3A_674 : vector<8x512xf32>
    %add3A_676 = arith.addf %add3A_653, %log3A_675 : vector<8x512xf32>
    %max3A_677 = arith.constant 0.000000e+00 : f32
    %max3A_678 = vector.broadcast %max3A_677 : f32 to vector<8x512xf32>
    %max3A_679 = arith.maximumf %get3A_663, %max3A_678 : vector<8x512xf32>
    %mul3A_680 = arith.mulf %get3A_663, %get3A_666 : vector<8x512xf32>
    %sub3A_681 = arith.subf %max3A_679, %mul3A_680 : vector<8x512xf32>
    %add3A_682 = arith.addf %add3A_659, %sub3A_681 : vector<8x512xf32>
    %add3A_683 = arith.addf %add3A_660, %get3A_666 : vector<8x512xf32>
    %get3A_684 = arith.constant 240 : index
    %get3A_685 = arith.constant 0 : index
    %get3A_686 = vector.load %arg1[%get3A_684, %get3A_685] : memref<1792x512xf32, #tpu.memory_space<vmem>>, vector<8x512xf32>
    %get3A_687 = arith.constant 240 : index
    %get3A_688 = arith.constant 0 : index
    %get3A_689 = vector.load %arg2[%get3A_687, %get3A_688] : memref<1792x512xf32, #tpu.memory_space<vmem>>, vector<8x512xf32>
    %abs3A_690 = math.absf %get3A_686 : vector<8x512xf32>
    %neg3A_691 = arith.constant 0.000000e+00 : f32
    %neg3A_692 = vector.broadcast %neg3A_691 : f32 to vector<8x512xf32>
    %neg3A_693 = arith.subf %neg3A_692, %abs3A_690 : vector<8x512xf32>
    %exp3A_694 = math.exp %neg3A_693 : vector<8x512xf32>
    %add3A_695 = arith.constant 1.000000e+00 : f32
    %add3A_696 = vector.broadcast %add3A_695 : f32 to vector<8x512xf32>
    %add3A_697 = arith.addf %exp3A_694, %add3A_696 : vector<8x512xf32>
    %log3A_698 = math.log %add3A_697 : vector<8x512xf32>
    %add3A_699 = arith.addf %add3A_676, %log3A_698 : vector<8x512xf32>
    %max3A_700 = arith.constant 0.000000e+00 : f32
    %max3A_701 = vector.broadcast %max3A_700 : f32 to vector<8x512xf32>
    %max3A_702 = arith.maximumf %get3A_686, %max3A_701 : vector<8x512xf32>
    %mul3A_703 = arith.mulf %get3A_686, %get3A_689 : vector<8x512xf32>
    %sub3A_704 = arith.subf %max3A_702, %mul3A_703 : vector<8x512xf32>
    %add3A_705 = arith.addf %add3A_682, %sub3A_704 : vector<8x512xf32>
    %add3A_706 = arith.addf %add3A_683, %get3A_689 : vector<8x512xf32>
    %get3A_707 = arith.constant 248 : index
    %get3A_708 = arith.constant 0 : index
    %get3A_709 = vector.load %arg1[%get3A_707, %get3A_708] : memref<1792x512xf32, #tpu.memory_space<vmem>>, vector<8x512xf32>
    %get3A_710 = arith.constant 248 : index
    %get3A_711 = arith.constant 0 : index
    %get3A_712 = vector.load %arg2[%get3A_710, %get3A_711] : memref<1792x512xf32, #tpu.memory_space<vmem>>, vector<8x512xf32>
    %abs3A_713 = math.absf %get3A_709 : vector<8x512xf32>
    %neg3A_714 = arith.constant 0.000000e+00 : f32
    %neg3A_715 = vector.broadcast %neg3A_714 : f32 to vector<8x512xf32>
    %neg3A_716 = arith.subf %neg3A_715, %abs3A_713 : vector<8x512xf32>
    %exp3A_717 = math.exp %neg3A_716 : vector<8x512xf32>
    %add3A_718 = arith.constant 1.000000e+00 : f32
    %add3A_719 = vector.broadcast %add3A_718 : f32 to vector<8x512xf32>
    %add3A_720 = arith.addf %exp3A_717, %add3A_719 : vector<8x512xf32>
    %log3A_721 = math.log %add3A_720 : vector<8x512xf32>
    %add3A_722 = arith.addf %add3A_699, %log3A_721 : vector<8x512xf32>
    %max3A_723 = arith.constant 0.000000e+00 : f32
    %max3A_724 = vector.broadcast %max3A_723 : f32 to vector<8x512xf32>
    %max3A_725 = arith.maximumf %get3A_709, %max3A_724 : vector<8x512xf32>
    %mul3A_726 = arith.mulf %get3A_709, %get3A_712 : vector<8x512xf32>
    %sub3A_727 = arith.subf %max3A_725, %mul3A_726 : vector<8x512xf32>
    %add3A_728 = arith.addf %add3A_705, %sub3A_727 : vector<8x512xf32>
    %add3A_729 = arith.addf %add3A_706, %get3A_712 : vector<8x512xf32>
    %get3A_730 = arith.constant 256 : index
    %get3A_731 = arith.constant 0 : index
    %get3A_732 = vector.load %arg1[%get3A_730, %get3A_731] : memref<1792x512xf32, #tpu.memory_space<vmem>>, vector<8x512xf32>
    %get3A_733 = arith.constant 256 : index
    %get3A_734 = arith.constant 0 : index
    %get3A_735 = vector.load %arg2[%get3A_733, %get3A_734] : memref<1792x512xf32, #tpu.memory_space<vmem>>, vector<8x512xf32>
    %abs3A_736 = math.absf %get3A_732 : vector<8x512xf32>
    %neg3A_737 = arith.constant 0.000000e+00 : f32
    %neg3A_738 = vector.broadcast %neg3A_737 : f32 to vector<8x512xf32>
    %neg3A_739 = arith.subf %neg3A_738, %abs3A_736 : vector<8x512xf32>
    %exp3A_740 = math.exp %neg3A_739 : vector<8x512xf32>
    %add3A_741 = arith.constant 1.000000e+00 : f32
    %add3A_742 = vector.broadcast %add3A_741 : f32 to vector<8x512xf32>
    %add3A_743 = arith.addf %exp3A_740, %add3A_742 : vector<8x512xf32>
    %log3A_744 = math.log %add3A_743 : vector<8x512xf32>
    %add3A_745 = arith.addf %add3A_722, %log3A_744 : vector<8x512xf32>
    %max3A_746 = arith.constant 0.000000e+00 : f32
    %max3A_747 = vector.broadcast %max3A_746 : f32 to vector<8x512xf32>
    %max3A_748 = arith.maximumf %get3A_732, %max3A_747 : vector<8x512xf32>
    %mul3A_749 = arith.mulf %get3A_732, %get3A_735 : vector<8x512xf32>
    %sub3A_750 = arith.subf %max3A_748, %mul3A_749 : vector<8x512xf32>
    %add3A_751 = arith.addf %add3A_728, %sub3A_750 : vector<8x512xf32>
    %add3A_752 = arith.addf %add3A_729, %get3A_735 : vector<8x512xf32>
    %get3A_753 = arith.constant 264 : index
    %get3A_754 = arith.constant 0 : index
    %get3A_755 = vector.load %arg1[%get3A_753, %get3A_754] : memref<1792x512xf32, #tpu.memory_space<vmem>>, vector<8x512xf32>
    %get3A_756 = arith.constant 264 : index
    %get3A_757 = arith.constant 0 : index
    %get3A_758 = vector.load %arg2[%get3A_756, %get3A_757] : memref<1792x512xf32, #tpu.memory_space<vmem>>, vector<8x512xf32>
    %abs3A_759 = math.absf %get3A_755 : vector<8x512xf32>
    %neg3A_760 = arith.constant 0.000000e+00 : f32
    %neg3A_761 = vector.broadcast %neg3A_760 : f32 to vector<8x512xf32>
    %neg3A_762 = arith.subf %neg3A_761, %abs3A_759 : vector<8x512xf32>
    %exp3A_763 = math.exp %neg3A_762 : vector<8x512xf32>
    %add3A_764 = arith.constant 1.000000e+00 : f32
    %add3A_765 = vector.broadcast %add3A_764 : f32 to vector<8x512xf32>
    %add3A_766 = arith.addf %exp3A_763, %add3A_765 : vector<8x512xf32>
    %log3A_767 = math.log %add3A_766 : vector<8x512xf32>
    %add3A_768 = arith.addf %add3A_745, %log3A_767 : vector<8x512xf32>
    %max3A_769 = arith.constant 0.000000e+00 : f32
    %max3A_770 = vector.broadcast %max3A_769 : f32 to vector<8x512xf32>
    %max3A_771 = arith.maximumf %get3A_755, %max3A_770 : vector<8x512xf32>
    %mul3A_772 = arith.mulf %get3A_755, %get3A_758 : vector<8x512xf32>
    %sub3A_773 = arith.subf %max3A_771, %mul3A_772 : vector<8x512xf32>
    %add3A_774 = arith.addf %add3A_751, %sub3A_773 : vector<8x512xf32>
    %add3A_775 = arith.addf %add3A_752, %get3A_758 : vector<8x512xf32>
    %get3A_776 = arith.constant 272 : index
    %get3A_777 = arith.constant 0 : index
    %get3A_778 = vector.load %arg1[%get3A_776, %get3A_777] : memref<1792x512xf32, #tpu.memory_space<vmem>>, vector<8x512xf32>
    %get3A_779 = arith.constant 272 : index
    %get3A_780 = arith.constant 0 : index
    %get3A_781 = vector.load %arg2[%get3A_779, %get3A_780] : memref<1792x512xf32, #tpu.memory_space<vmem>>, vector<8x512xf32>
    %abs3A_782 = math.absf %get3A_778 : vector<8x512xf32>
    %neg3A_783 = arith.constant 0.000000e+00 : f32
    %neg3A_784 = vector.broadcast %neg3A_783 : f32 to vector<8x512xf32>
    %neg3A_785 = arith.subf %neg3A_784, %abs3A_782 : vector<8x512xf32>
    %exp3A_786 = math.exp %neg3A_785 : vector<8x512xf32>
    %add3A_787 = arith.constant 1.000000e+00 : f32
    %add3A_788 = vector.broadcast %add3A_787 : f32 to vector<8x512xf32>
    %add3A_789 = arith.addf %exp3A_786, %add3A_788 : vector<8x512xf32>
    %log3A_790 = math.log %add3A_789 : vector<8x512xf32>
    %add3A_791 = arith.addf %add3A_768, %log3A_790 : vector<8x512xf32>
    %max3A_792 = arith.constant 0.000000e+00 : f32
    %max3A_793 = vector.broadcast %max3A_792 : f32 to vector<8x512xf32>
    %max3A_794 = arith.maximumf %get3A_778, %max3A_793 : vector<8x512xf32>
    %mul3A_795 = arith.mulf %get3A_778, %get3A_781 : vector<8x512xf32>
    %sub3A_796 = arith.subf %max3A_794, %mul3A_795 : vector<8x512xf32>
    %add3A_797 = arith.addf %add3A_774, %sub3A_796 : vector<8x512xf32>
    %add3A_798 = arith.addf %add3A_775, %get3A_781 : vector<8x512xf32>
    %get3A_799 = arith.constant 280 : index
    %get3A_800 = arith.constant 0 : index
    %get3A_801 = vector.load %arg1[%get3A_799, %get3A_800] : memref<1792x512xf32, #tpu.memory_space<vmem>>, vector<8x512xf32>
    %get3A_802 = arith.constant 280 : index
    %get3A_803 = arith.constant 0 : index
    %get3A_804 = vector.load %arg2[%get3A_802, %get3A_803] : memref<1792x512xf32, #tpu.memory_space<vmem>>, vector<8x512xf32>
    %abs3A_805 = math.absf %get3A_801 : vector<8x512xf32>
    %neg3A_806 = arith.constant 0.000000e+00 : f32
    %neg3A_807 = vector.broadcast %neg3A_806 : f32 to vector<8x512xf32>
    %neg3A_808 = arith.subf %neg3A_807, %abs3A_805 : vector<8x512xf32>
    %exp3A_809 = math.exp %neg3A_808 : vector<8x512xf32>
    %add3A_810 = arith.constant 1.000000e+00 : f32
    %add3A_811 = vector.broadcast %add3A_810 : f32 to vector<8x512xf32>
    %add3A_812 = arith.addf %exp3A_809, %add3A_811 : vector<8x512xf32>
    %log3A_813 = math.log %add3A_812 : vector<8x512xf32>
    %add3A_814 = arith.addf %add3A_791, %log3A_813 : vector<8x512xf32>
    %max3A_815 = arith.constant 0.000000e+00 : f32
    %max3A_816 = vector.broadcast %max3A_815 : f32 to vector<8x512xf32>
    %max3A_817 = arith.maximumf %get3A_801, %max3A_816 : vector<8x512xf32>
    %mul3A_818 = arith.mulf %get3A_801, %get3A_804 : vector<8x512xf32>
    %sub3A_819 = arith.subf %max3A_817, %mul3A_818 : vector<8x512xf32>
    %add3A_820 = arith.addf %add3A_797, %sub3A_819 : vector<8x512xf32>
    %add3A_821 = arith.addf %add3A_798, %get3A_804 : vector<8x512xf32>
    %get3A_822 = arith.constant 288 : index
    %get3A_823 = arith.constant 0 : index
    %get3A_824 = vector.load %arg1[%get3A_822, %get3A_823] : memref<1792x512xf32, #tpu.memory_space<vmem>>, vector<8x512xf32>
    %get3A_825 = arith.constant 288 : index
    %get3A_826 = arith.constant 0 : index
    %get3A_827 = vector.load %arg2[%get3A_825, %get3A_826] : memref<1792x512xf32, #tpu.memory_space<vmem>>, vector<8x512xf32>
    %abs3A_828 = math.absf %get3A_824 : vector<8x512xf32>
    %neg3A_829 = arith.constant 0.000000e+00 : f32
    %neg3A_830 = vector.broadcast %neg3A_829 : f32 to vector<8x512xf32>
    %neg3A_831 = arith.subf %neg3A_830, %abs3A_828 : vector<8x512xf32>
    %exp3A_832 = math.exp %neg3A_831 : vector<8x512xf32>
    %add3A_833 = arith.constant 1.000000e+00 : f32
    %add3A_834 = vector.broadcast %add3A_833 : f32 to vector<8x512xf32>
    %add3A_835 = arith.addf %exp3A_832, %add3A_834 : vector<8x512xf32>
    %log3A_836 = math.log %add3A_835 : vector<8x512xf32>
    %add3A_837 = arith.addf %add3A_814, %log3A_836 : vector<8x512xf32>
    %max3A_838 = arith.constant 0.000000e+00 : f32
    %max3A_839 = vector.broadcast %max3A_838 : f32 to vector<8x512xf32>
    %max3A_840 = arith.maximumf %get3A_824, %max3A_839 : vector<8x512xf32>
    %mul3A_841 = arith.mulf %get3A_824, %get3A_827 : vector<8x512xf32>
    %sub3A_842 = arith.subf %max3A_840, %mul3A_841 : vector<8x512xf32>
    %add3A_843 = arith.addf %add3A_820, %sub3A_842 : vector<8x512xf32>
    %add3A_844 = arith.addf %add3A_821, %get3A_827 : vector<8x512xf32>
    %get3A_845 = arith.constant 296 : index
    %get3A_846 = arith.constant 0 : index
    %get3A_847 = vector.load %arg1[%get3A_845, %get3A_846] : memref<1792x512xf32, #tpu.memory_space<vmem>>, vector<8x512xf32>
    %get3A_848 = arith.constant 296 : index
    %get3A_849 = arith.constant 0 : index
    %get3A_850 = vector.load %arg2[%get3A_848, %get3A_849] : memref<1792x512xf32, #tpu.memory_space<vmem>>, vector<8x512xf32>
    %abs3A_851 = math.absf %get3A_847 : vector<8x512xf32>
    %neg3A_852 = arith.constant 0.000000e+00 : f32
    %neg3A_853 = vector.broadcast %neg3A_852 : f32 to vector<8x512xf32>
    %neg3A_854 = arith.subf %neg3A_853, %abs3A_851 : vector<8x512xf32>
    %exp3A_855 = math.exp %neg3A_854 : vector<8x512xf32>
    %add3A_856 = arith.constant 1.000000e+00 : f32
    %add3A_857 = vector.broadcast %add3A_856 : f32 to vector<8x512xf32>
    %add3A_858 = arith.addf %exp3A_855, %add3A_857 : vector<8x512xf32>
    %log3A_859 = math.log %add3A_858 : vector<8x512xf32>
    %add3A_860 = arith.addf %add3A_837, %log3A_859 : vector<8x512xf32>
    %max3A_861 = arith.constant 0.000000e+00 : f32
    %max3A_862 = vector.broadcast %max3A_861 : f32 to vector<8x512xf32>
    %max3A_863 = arith.maximumf %get3A_847, %max3A_862 : vector<8x512xf32>
    %mul3A_864 = arith.mulf %get3A_847, %get3A_850 : vector<8x512xf32>
    %sub3A_865 = arith.subf %max3A_863, %mul3A_864 : vector<8x512xf32>
    %add3A_866 = arith.addf %add3A_843, %sub3A_865 : vector<8x512xf32>
    %add3A_867 = arith.addf %add3A_844, %get3A_850 : vector<8x512xf32>
    %get3A_868 = arith.constant 304 : index
    %get3A_869 = arith.constant 0 : index
    %get3A_870 = vector.load %arg1[%get3A_868, %get3A_869] : memref<1792x512xf32, #tpu.memory_space<vmem>>, vector<8x512xf32>
    %get3A_871 = arith.constant 304 : index
    %get3A_872 = arith.constant 0 : index
    %get3A_873 = vector.load %arg2[%get3A_871, %get3A_872] : memref<1792x512xf32, #tpu.memory_space<vmem>>, vector<8x512xf32>
    %abs3A_874 = math.absf %get3A_870 : vector<8x512xf32>
    %neg3A_875 = arith.constant 0.000000e+00 : f32
    %neg3A_876 = vector.broadcast %neg3A_875 : f32 to vector<8x512xf32>
    %neg3A_877 = arith.subf %neg3A_876, %abs3A_874 : vector<8x512xf32>
    %exp3A_878 = math.exp %neg3A_877 : vector<8x512xf32>
    %add3A_879 = arith.constant 1.000000e+00 : f32
    %add3A_880 = vector.broadcast %add3A_879 : f32 to vector<8x512xf32>
    %add3A_881 = arith.addf %exp3A_878, %add3A_880 : vector<8x512xf32>
    %log3A_882 = math.log %add3A_881 : vector<8x512xf32>
    %add3A_883 = arith.addf %add3A_860, %log3A_882 : vector<8x512xf32>
    %max3A_884 = arith.constant 0.000000e+00 : f32
    %max3A_885 = vector.broadcast %max3A_884 : f32 to vector<8x512xf32>
    %max3A_886 = arith.maximumf %get3A_870, %max3A_885 : vector<8x512xf32>
    %mul3A_887 = arith.mulf %get3A_870, %get3A_873 : vector<8x512xf32>
    %sub3A_888 = arith.subf %max3A_886, %mul3A_887 : vector<8x512xf32>
    %add3A_889 = arith.addf %add3A_866, %sub3A_888 : vector<8x512xf32>
    %add3A_890 = arith.addf %add3A_867, %get3A_873 : vector<8x512xf32>
    %get3A_891 = arith.constant 312 : index
    %get3A_892 = arith.constant 0 : index
    %get3A_893 = vector.load %arg1[%get3A_891, %get3A_892] : memref<1792x512xf32, #tpu.memory_space<vmem>>, vector<8x512xf32>
    %get3A_894 = arith.constant 312 : index
    %get3A_895 = arith.constant 0 : index
    %get3A_896 = vector.load %arg2[%get3A_894, %get3A_895] : memref<1792x512xf32, #tpu.memory_space<vmem>>, vector<8x512xf32>
    %abs3A_897 = math.absf %get3A_893 : vector<8x512xf32>
    %neg3A_898 = arith.constant 0.000000e+00 : f32
    %neg3A_899 = vector.broadcast %neg3A_898 : f32 to vector<8x512xf32>
    %neg3A_900 = arith.subf %neg3A_899, %abs3A_897 : vector<8x512xf32>
    %exp3A_901 = math.exp %neg3A_900 : vector<8x512xf32>
    %add3A_902 = arith.constant 1.000000e+00 : f32
    %add3A_903 = vector.broadcast %add3A_902 : f32 to vector<8x512xf32>
    %add3A_904 = arith.addf %exp3A_901, %add3A_903 : vector<8x512xf32>
    %log3A_905 = math.log %add3A_904 : vector<8x512xf32>
    %add3A_906 = arith.addf %add3A_883, %log3A_905 : vector<8x512xf32>
    %max3A_907 = arith.constant 0.000000e+00 : f32
    %max3A_908 = vector.broadcast %max3A_907 : f32 to vector<8x512xf32>
    %max3A_909 = arith.maximumf %get3A_893, %max3A_908 : vector<8x512xf32>
    %mul3A_910 = arith.mulf %get3A_893, %get3A_896 : vector<8x512xf32>
    %sub3A_911 = arith.subf %max3A_909, %mul3A_910 : vector<8x512xf32>
    %add3A_912 = arith.addf %add3A_889, %sub3A_911 : vector<8x512xf32>
    %add3A_913 = arith.addf %add3A_890, %get3A_896 : vector<8x512xf32>
    %get3A_914 = arith.constant 320 : index
    %get3A_915 = arith.constant 0 : index
    %get3A_916 = vector.load %arg1[%get3A_914, %get3A_915] : memref<1792x512xf32, #tpu.memory_space<vmem>>, vector<8x512xf32>
    %get3A_917 = arith.constant 320 : index
    %get3A_918 = arith.constant 0 : index
    %get3A_919 = vector.load %arg2[%get3A_917, %get3A_918] : memref<1792x512xf32, #tpu.memory_space<vmem>>, vector<8x512xf32>
    %abs3A_920 = math.absf %get3A_916 : vector<8x512xf32>
    %neg3A_921 = arith.constant 0.000000e+00 : f32
    %neg3A_922 = vector.broadcast %neg3A_921 : f32 to vector<8x512xf32>
    %neg3A_923 = arith.subf %neg3A_922, %abs3A_920 : vector<8x512xf32>
    %exp3A_924 = math.exp %neg3A_923 : vector<8x512xf32>
    %add3A_925 = arith.constant 1.000000e+00 : f32
    %add3A_926 = vector.broadcast %add3A_925 : f32 to vector<8x512xf32>
    %add3A_927 = arith.addf %exp3A_924, %add3A_926 : vector<8x512xf32>
    %log3A_928 = math.log %add3A_927 : vector<8x512xf32>
    %add3A_929 = arith.addf %add3A_906, %log3A_928 : vector<8x512xf32>
    %max3A_930 = arith.constant 0.000000e+00 : f32
    %max3A_931 = vector.broadcast %max3A_930 : f32 to vector<8x512xf32>
    %max3A_932 = arith.maximumf %get3A_916, %max3A_931 : vector<8x512xf32>
    %mul3A_933 = arith.mulf %get3A_916, %get3A_919 : vector<8x512xf32>
    %sub3A_934 = arith.subf %max3A_932, %mul3A_933 : vector<8x512xf32>
    %add3A_935 = arith.addf %add3A_912, %sub3A_934 : vector<8x512xf32>
    %add3A_936 = arith.addf %add3A_913, %get3A_919 : vector<8x512xf32>
    %get3A_937 = arith.constant 328 : index
    %get3A_938 = arith.constant 0 : index
    %get3A_939 = vector.load %arg1[%get3A_937, %get3A_938] : memref<1792x512xf32, #tpu.memory_space<vmem>>, vector<8x512xf32>
    %get3A_940 = arith.constant 328 : index
    %get3A_941 = arith.constant 0 : index
    %get3A_942 = vector.load %arg2[%get3A_940, %get3A_941] : memref<1792x512xf32, #tpu.memory_space<vmem>>, vector<8x512xf32>
    %abs3A_943 = math.absf %get3A_939 : vector<8x512xf32>
    %neg3A_944 = arith.constant 0.000000e+00 : f32
    %neg3A_945 = vector.broadcast %neg3A_944 : f32 to vector<8x512xf32>
    %neg3A_946 = arith.subf %neg3A_945, %abs3A_943 : vector<8x512xf32>
    %exp3A_947 = math.exp %neg3A_946 : vector<8x512xf32>
    %add3A_948 = arith.constant 1.000000e+00 : f32
    %add3A_949 = vector.broadcast %add3A_948 : f32 to vector<8x512xf32>
    %add3A_950 = arith.addf %exp3A_947, %add3A_949 : vector<8x512xf32>
    %log3A_951 = math.log %add3A_950 : vector<8x512xf32>
    %add3A_952 = arith.addf %add3A_929, %log3A_951 : vector<8x512xf32>
    %max3A_953 = arith.constant 0.000000e+00 : f32
    %max3A_954 = vector.broadcast %max3A_953 : f32 to vector<8x512xf32>
    %max3A_955 = arith.maximumf %get3A_939, %max3A_954 : vector<8x512xf32>
    %mul3A_956 = arith.mulf %get3A_939, %get3A_942 : vector<8x512xf32>
    %sub3A_957 = arith.subf %max3A_955, %mul3A_956 : vector<8x512xf32>
    %add3A_958 = arith.addf %add3A_935, %sub3A_957 : vector<8x512xf32>
    %add3A_959 = arith.addf %add3A_936, %get3A_942 : vector<8x512xf32>
    %get3A_960 = arith.constant 336 : index
    %get3A_961 = arith.constant 0 : index
    %get3A_962 = vector.load %arg1[%get3A_960, %get3A_961] : memref<1792x512xf32, #tpu.memory_space<vmem>>, vector<8x512xf32>
    %get3A_963 = arith.constant 336 : index
    %get3A_964 = arith.constant 0 : index
    %get3A_965 = vector.load %arg2[%get3A_963, %get3A_964] : memref<1792x512xf32, #tpu.memory_space<vmem>>, vector<8x512xf32>
    %abs3A_966 = math.absf %get3A_962 : vector<8x512xf32>
    %neg3A_967 = arith.constant 0.000000e+00 : f32
    %neg3A_968 = vector.broadcast %neg3A_967 : f32 to vector<8x512xf32>
    %neg3A_969 = arith.subf %neg3A_968, %abs3A_966 : vector<8x512xf32>
    %exp3A_970 = math.exp %neg3A_969 : vector<8x512xf32>
    %add3A_971 = arith.constant 1.000000e+00 : f32
    %add3A_972 = vector.broadcast %add3A_971 : f32 to vector<8x512xf32>
    %add3A_973 = arith.addf %exp3A_970, %add3A_972 : vector<8x512xf32>
    %log3A_974 = math.log %add3A_973 : vector<8x512xf32>
    %add3A_975 = arith.addf %add3A_952, %log3A_974 : vector<8x512xf32>
    %max3A_976 = arith.constant 0.000000e+00 : f32
    %max3A_977 = vector.broadcast %max3A_976 : f32 to vector<8x512xf32>
    %max3A_978 = arith.maximumf %get3A_962, %max3A_977 : vector<8x512xf32>
    %mul3A_979 = arith.mulf %get3A_962, %get3A_965 : vector<8x512xf32>
    %sub3A_980 = arith.subf %max3A_978, %mul3A_979 : vector<8x512xf32>
    %add3A_981 = arith.addf %add3A_958, %sub3A_980 : vector<8x512xf32>
    %add3A_982 = arith.addf %add3A_959, %get3A_965 : vector<8x512xf32>
    %get3A_983 = arith.constant 344 : index
    %get3A_984 = arith.constant 0 : index
    %get3A_985 = vector.load %arg1[%get3A_983, %get3A_984] : memref<1792x512xf32, #tpu.memory_space<vmem>>, vector<8x512xf32>
    %get3A_986 = arith.constant 344 : index
    %get3A_987 = arith.constant 0 : index
    %get3A_988 = vector.load %arg2[%get3A_986, %get3A_987] : memref<1792x512xf32, #tpu.memory_space<vmem>>, vector<8x512xf32>
    %abs3A_989 = math.absf %get3A_985 : vector<8x512xf32>
    %neg3A_990 = arith.constant 0.000000e+00 : f32
    %neg3A_991 = vector.broadcast %neg3A_990 : f32 to vector<8x512xf32>
    %neg3A_992 = arith.subf %neg3A_991, %abs3A_989 : vector<8x512xf32>
    %exp3A_993 = math.exp %neg3A_992 : vector<8x512xf32>
    %add3A_994 = arith.constant 1.000000e+00 : f32
    %add3A_995 = vector.broadcast %add3A_994 : f32 to vector<8x512xf32>
    %add3A_996 = arith.addf %exp3A_993, %add3A_995 : vector<8x512xf32>
    %log3A_997 = math.log %add3A_996 : vector<8x512xf32>
    %add3A_998 = arith.addf %add3A_975, %log3A_997 : vector<8x512xf32>
    %max3A_999 = arith.constant 0.000000e+00 : f32
    %max3A_1000 = vector.broadcast %max3A_999 : f32 to vector<8x512xf32>
    %max3A_1001 = arith.maximumf %get3A_985, %max3A_1000 : vector<8x512xf32>
    %mul3A_1002 = arith.mulf %get3A_985, %get3A_988 : vector<8x512xf32>
    %sub3A_1003 = arith.subf %max3A_1001, %mul3A_1002 : vector<8x512xf32>
    %add3A_1004 = arith.addf %add3A_981, %sub3A_1003 : vector<8x512xf32>
    %add3A_1005 = arith.addf %add3A_982, %get3A_988 : vector<8x512xf32>
    %get3A_1006 = arith.constant 352 : index
    %get3A_1007 = arith.constant 0 : index
    %get3A_1008 = vector.load %arg1[%get3A_1006, %get3A_1007] : memref<1792x512xf32, #tpu.memory_space<vmem>>, vector<8x512xf32>
    %get3A_1009 = arith.constant 352 : index
    %get3A_1010 = arith.constant 0 : index
    %get3A_1011 = vector.load %arg2[%get3A_1009, %get3A_1010] : memref<1792x512xf32, #tpu.memory_space<vmem>>, vector<8x512xf32>
    %abs3A_1012 = math.absf %get3A_1008 : vector<8x512xf32>
    %neg3A_1013 = arith.constant 0.000000e+00 : f32
    %neg3A_1014 = vector.broadcast %neg3A_1013 : f32 to vector<8x512xf32>
    %neg3A_1015 = arith.subf %neg3A_1014, %abs3A_1012 : vector<8x512xf32>
    %exp3A_1016 = math.exp %neg3A_1015 : vector<8x512xf32>
    %add3A_1017 = arith.constant 1.000000e+00 : f32
    %add3A_1018 = vector.broadcast %add3A_1017 : f32 to vector<8x512xf32>
    %add3A_1019 = arith.addf %exp3A_1016, %add3A_1018 : vector<8x512xf32>
    %log3A_1020 = math.log %add3A_1019 : vector<8x512xf32>
    %add3A_1021 = arith.addf %add3A_998, %log3A_1020 : vector<8x512xf32>
    %max3A_1022 = arith.constant 0.000000e+00 : f32
    %max3A_1023 = vector.broadcast %max3A_1022 : f32 to vector<8x512xf32>
    %max3A_1024 = arith.maximumf %get3A_1008, %max3A_1023 : vector<8x512xf32>
    %mul3A_1025 = arith.mulf %get3A_1008, %get3A_1011 : vector<8x512xf32>
    %sub3A_1026 = arith.subf %max3A_1024, %mul3A_1025 : vector<8x512xf32>
    %add3A_1027 = arith.addf %add3A_1004, %sub3A_1026 : vector<8x512xf32>
    %add3A_1028 = arith.addf %add3A_1005, %get3A_1011 : vector<8x512xf32>
    %get3A_1029 = arith.constant 360 : index
    %get3A_1030 = arith.constant 0 : index
    %get3A_1031 = vector.load %arg1[%get3A_1029, %get3A_1030] : memref<1792x512xf32, #tpu.memory_space<vmem>>, vector<8x512xf32>
    %get3A_1032 = arith.constant 360 : index
    %get3A_1033 = arith.constant 0 : index
    %get3A_1034 = vector.load %arg2[%get3A_1032, %get3A_1033] : memref<1792x512xf32, #tpu.memory_space<vmem>>, vector<8x512xf32>
    %abs3A_1035 = math.absf %get3A_1031 : vector<8x512xf32>
    %neg3A_1036 = arith.constant 0.000000e+00 : f32
    %neg3A_1037 = vector.broadcast %neg3A_1036 : f32 to vector<8x512xf32>
    %neg3A_1038 = arith.subf %neg3A_1037, %abs3A_1035 : vector<8x512xf32>
    %exp3A_1039 = math.exp %neg3A_1038 : vector<8x512xf32>
    %add3A_1040 = arith.constant 1.000000e+00 : f32
    %add3A_1041 = vector.broadcast %add3A_1040 : f32 to vector<8x512xf32>
    %add3A_1042 = arith.addf %exp3A_1039, %add3A_1041 : vector<8x512xf32>
    %log3A_1043 = math.log %add3A_1042 : vector<8x512xf32>
    %add3A_1044 = arith.addf %add3A_1021, %log3A_1043 : vector<8x512xf32>
    %max3A_1045 = arith.constant 0.000000e+00 : f32
    %max3A_1046 = vector.broadcast %max3A_1045 : f32 to vector<8x512xf32>
    %max3A_1047 = arith.maximumf %get3A_1031, %max3A_1046 : vector<8x512xf32>
    %mul3A_1048 = arith.mulf %get3A_1031, %get3A_1034 : vector<8x512xf32>
    %sub3A_1049 = arith.subf %max3A_1047, %mul3A_1048 : vector<8x512xf32>
    %add3A_1050 = arith.addf %add3A_1027, %sub3A_1049 : vector<8x512xf32>
    %add3A_1051 = arith.addf %add3A_1028, %get3A_1034 : vector<8x512xf32>
    %get3A_1052 = arith.constant 368 : index
    %get3A_1053 = arith.constant 0 : index
    %get3A_1054 = vector.load %arg1[%get3A_1052, %get3A_1053] : memref<1792x512xf32, #tpu.memory_space<vmem>>, vector<8x512xf32>
    %get3A_1055 = arith.constant 368 : index
    %get3A_1056 = arith.constant 0 : index
    %get3A_1057 = vector.load %arg2[%get3A_1055, %get3A_1056] : memref<1792x512xf32, #tpu.memory_space<vmem>>, vector<8x512xf32>
    %abs3A_1058 = math.absf %get3A_1054 : vector<8x512xf32>
    %neg3A_1059 = arith.constant 0.000000e+00 : f32
    %neg3A_1060 = vector.broadcast %neg3A_1059 : f32 to vector<8x512xf32>
    %neg3A_1061 = arith.subf %neg3A_1060, %abs3A_1058 : vector<8x512xf32>
    %exp3A_1062 = math.exp %neg3A_1061 : vector<8x512xf32>
    %add3A_1063 = arith.constant 1.000000e+00 : f32
    %add3A_1064 = vector.broadcast %add3A_1063 : f32 to vector<8x512xf32>
    %add3A_1065 = arith.addf %exp3A_1062, %add3A_1064 : vector<8x512xf32>
    %log3A_1066 = math.log %add3A_1065 : vector<8x512xf32>
    %add3A_1067 = arith.addf %add3A_1044, %log3A_1066 : vector<8x512xf32>
    %max3A_1068 = arith.constant 0.000000e+00 : f32
    %max3A_1069 = vector.broadcast %max3A_1068 : f32 to vector<8x512xf32>
    %max3A_1070 = arith.maximumf %get3A_1054, %max3A_1069 : vector<8x512xf32>
    %mul3A_1071 = arith.mulf %get3A_1054, %get3A_1057 : vector<8x512xf32>
    %sub3A_1072 = arith.subf %max3A_1070, %mul3A_1071 : vector<8x512xf32>
    %add3A_1073 = arith.addf %add3A_1050, %sub3A_1072 : vector<8x512xf32>
    %add3A_1074 = arith.addf %add3A_1051, %get3A_1057 : vector<8x512xf32>
    %get3A_1075 = arith.constant 376 : index
    %get3A_1076 = arith.constant 0 : index
    %get3A_1077 = vector.load %arg1[%get3A_1075, %get3A_1076] : memref<1792x512xf32, #tpu.memory_space<vmem>>, vector<8x512xf32>
    %get3A_1078 = arith.constant 376 : index
    %get3A_1079 = arith.constant 0 : index
    %get3A_1080 = vector.load %arg2[%get3A_1078, %get3A_1079] : memref<1792x512xf32, #tpu.memory_space<vmem>>, vector<8x512xf32>
    %abs3A_1081 = math.absf %get3A_1077 : vector<8x512xf32>
    %neg3A_1082 = arith.constant 0.000000e+00 : f32
    %neg3A_1083 = vector.broadcast %neg3A_1082 : f32 to vector<8x512xf32>
    %neg3A_1084 = arith.subf %neg3A_1083, %abs3A_1081 : vector<8x512xf32>
    %exp3A_1085 = math.exp %neg3A_1084 : vector<8x512xf32>
    %add3A_1086 = arith.constant 1.000000e+00 : f32
    %add3A_1087 = vector.broadcast %add3A_1086 : f32 to vector<8x512xf32>
    %add3A_1088 = arith.addf %exp3A_1085, %add3A_1087 : vector<8x512xf32>
    %log3A_1089 = math.log %add3A_1088 : vector<8x512xf32>
    %add3A_1090 = arith.addf %add3A_1067, %log3A_1089 : vector<8x512xf32>
    %max3A_1091 = arith.constant 0.000000e+00 : f32
    %max3A_1092 = vector.broadcast %max3A_1091 : f32 to vector<8x512xf32>
    %max3A_1093 = arith.maximumf %get3A_1077, %max3A_1092 : vector<8x512xf32>
    %mul3A_1094 = arith.mulf %get3A_1077, %get3A_1080 : vector<8x512xf32>
    %sub3A_1095 = arith.subf %max3A_1093, %mul3A_1094 : vector<8x512xf32>
    %add3A_1096 = arith.addf %add3A_1073, %sub3A_1095 : vector<8x512xf32>
    %add3A_1097 = arith.addf %add3A_1074, %get3A_1080 : vector<8x512xf32>
    %get3A_1098 = arith.constant 384 : index
    %get3A_1099 = arith.constant 0 : index
    %get3A_1100 = vector.load %arg1[%get3A_1098, %get3A_1099] : memref<1792x512xf32, #tpu.memory_space<vmem>>, vector<8x512xf32>
    %get3A_1101 = arith.constant 384 : index
    %get3A_1102 = arith.constant 0 : index
    %get3A_1103 = vector.load %arg2[%get3A_1101, %get3A_1102] : memref<1792x512xf32, #tpu.memory_space<vmem>>, vector<8x512xf32>
    %abs3A_1104 = math.absf %get3A_1100 : vector<8x512xf32>
    %neg3A_1105 = arith.constant 0.000000e+00 : f32
    %neg3A_1106 = vector.broadcast %neg3A_1105 : f32 to vector<8x512xf32>
    %neg3A_1107 = arith.subf %neg3A_1106, %abs3A_1104 : vector<8x512xf32>
    %exp3A_1108 = math.exp %neg3A_1107 : vector<8x512xf32>
    %add3A_1109 = arith.constant 1.000000e+00 : f32
    %add3A_1110 = vector.broadcast %add3A_1109 : f32 to vector<8x512xf32>
    %add3A_1111 = arith.addf %exp3A_1108, %add3A_1110 : vector<8x512xf32>
    %log3A_1112 = math.log %add3A_1111 : vector<8x512xf32>
    %add3A_1113 = arith.addf %add3A_1090, %log3A_1112 : vector<8x512xf32>
    %max3A_1114 = arith.constant 0.000000e+00 : f32
    %max3A_1115 = vector.broadcast %max3A_1114 : f32 to vector<8x512xf32>
    %max3A_1116 = arith.maximumf %get3A_1100, %max3A_1115 : vector<8x512xf32>
    %mul3A_1117 = arith.mulf %get3A_1100, %get3A_1103 : vector<8x512xf32>
    %sub3A_1118 = arith.subf %max3A_1116, %mul3A_1117 : vector<8x512xf32>
    %add3A_1119 = arith.addf %add3A_1096, %sub3A_1118 : vector<8x512xf32>
    %add3A_1120 = arith.addf %add3A_1097, %get3A_1103 : vector<8x512xf32>
    %get3A_1121 = arith.constant 392 : index
    %get3A_1122 = arith.constant 0 : index
    %get3A_1123 = vector.load %arg1[%get3A_1121, %get3A_1122] : memref<1792x512xf32, #tpu.memory_space<vmem>>, vector<8x512xf32>
    %get3A_1124 = arith.constant 392 : index
    %get3A_1125 = arith.constant 0 : index
    %get3A_1126 = vector.load %arg2[%get3A_1124, %get3A_1125] : memref<1792x512xf32, #tpu.memory_space<vmem>>, vector<8x512xf32>
    %abs3A_1127 = math.absf %get3A_1123 : vector<8x512xf32>
    %neg3A_1128 = arith.constant 0.000000e+00 : f32
    %neg3A_1129 = vector.broadcast %neg3A_1128 : f32 to vector<8x512xf32>
    %neg3A_1130 = arith.subf %neg3A_1129, %abs3A_1127 : vector<8x512xf32>
    %exp3A_1131 = math.exp %neg3A_1130 : vector<8x512xf32>
    %add3A_1132 = arith.constant 1.000000e+00 : f32
    %add3A_1133 = vector.broadcast %add3A_1132 : f32 to vector<8x512xf32>
    %add3A_1134 = arith.addf %exp3A_1131, %add3A_1133 : vector<8x512xf32>
    %log3A_1135 = math.log %add3A_1134 : vector<8x512xf32>
    %add3A_1136 = arith.addf %add3A_1113, %log3A_1135 : vector<8x512xf32>
    %max3A_1137 = arith.constant 0.000000e+00 : f32
    %max3A_1138 = vector.broadcast %max3A_1137 : f32 to vector<8x512xf32>
    %max3A_1139 = arith.maximumf %get3A_1123, %max3A_1138 : vector<8x512xf32>
    %mul3A_1140 = arith.mulf %get3A_1123, %get3A_1126 : vector<8x512xf32>
    %sub3A_1141 = arith.subf %max3A_1139, %mul3A_1140 : vector<8x512xf32>
    %add3A_1142 = arith.addf %add3A_1119, %sub3A_1141 : vector<8x512xf32>
    %add3A_1143 = arith.addf %add3A_1120, %get3A_1126 : vector<8x512xf32>
    %get3A_1144 = arith.constant 400 : index
    %get3A_1145 = arith.constant 0 : index
    %get3A_1146 = vector.load %arg1[%get3A_1144, %get3A_1145] : memref<1792x512xf32, #tpu.memory_space<vmem>>, vector<8x512xf32>
    %get3A_1147 = arith.constant 400 : index
    %get3A_1148 = arith.constant 0 : index
    %get3A_1149 = vector.load %arg2[%get3A_1147, %get3A_1148] : memref<1792x512xf32, #tpu.memory_space<vmem>>, vector<8x512xf32>
    %abs3A_1150 = math.absf %get3A_1146 : vector<8x512xf32>
    %neg3A_1151 = arith.constant 0.000000e+00 : f32
    %neg3A_1152 = vector.broadcast %neg3A_1151 : f32 to vector<8x512xf32>
    %neg3A_1153 = arith.subf %neg3A_1152, %abs3A_1150 : vector<8x512xf32>
    %exp3A_1154 = math.exp %neg3A_1153 : vector<8x512xf32>
    %add3A_1155 = arith.constant 1.000000e+00 : f32
    %add3A_1156 = vector.broadcast %add3A_1155 : f32 to vector<8x512xf32>
    %add3A_1157 = arith.addf %exp3A_1154, %add3A_1156 : vector<8x512xf32>
    %log3A_1158 = math.log %add3A_1157 : vector<8x512xf32>
    %add3A_1159 = arith.addf %add3A_1136, %log3A_1158 : vector<8x512xf32>
    %max3A_1160 = arith.constant 0.000000e+00 : f32
    %max3A_1161 = vector.broadcast %max3A_1160 : f32 to vector<8x512xf32>
    %max3A_1162 = arith.maximumf %get3A_1146, %max3A_1161 : vector<8x512xf32>
    %mul3A_1163 = arith.mulf %get3A_1146, %get3A_1149 : vector<8x512xf32>
    %sub3A_1164 = arith.subf %max3A_1162, %mul3A_1163 : vector<8x512xf32>
    %add3A_1165 = arith.addf %add3A_1142, %sub3A_1164 : vector<8x512xf32>
    %add3A_1166 = arith.addf %add3A_1143, %get3A_1149 : vector<8x512xf32>
    %get3A_1167 = arith.constant 408 : index
    %get3A_1168 = arith.constant 0 : index
    %get3A_1169 = vector.load %arg1[%get3A_1167, %get3A_1168] : memref<1792x512xf32, #tpu.memory_space<vmem>>, vector<8x512xf32>
    %get3A_1170 = arith.constant 408 : index
    %get3A_1171 = arith.constant 0 : index
    %get3A_1172 = vector.load %arg2[%get3A_1170, %get3A_1171] : memref<1792x512xf32, #tpu.memory_space<vmem>>, vector<8x512xf32>
    %abs3A_1173 = math.absf %get3A_1169 : vector<8x512xf32>
    %neg3A_1174 = arith.constant 0.000000e+00 : f32
    %neg3A_1175 = vector.broadcast %neg3A_1174 : f32 to vector<8x512xf32>
    %neg3A_1176 = arith.subf %neg3A_1175, %abs3A_1173 : vector<8x512xf32>
    %exp3A_1177 = math.exp %neg3A_1176 : vector<8x512xf32>
    %add3A_1178 = arith.constant 1.000000e+00 : f32
    %add3A_1179 = vector.broadcast %add3A_1178 : f32 to vector<8x512xf32>
    %add3A_1180 = arith.addf %exp3A_1177, %add3A_1179 : vector<8x512xf32>
    %log3A_1181 = math.log %add3A_1180 : vector<8x512xf32>
    %add3A_1182 = arith.addf %add3A_1159, %log3A_1181 : vector<8x512xf32>
    %max3A_1183 = arith.constant 0.000000e+00 : f32
    %max3A_1184 = vector.broadcast %max3A_1183 : f32 to vector<8x512xf32>
    %max3A_1185 = arith.maximumf %get3A_1169, %max3A_1184 : vector<8x512xf32>
    %mul3A_1186 = arith.mulf %get3A_1169, %get3A_1172 : vector<8x512xf32>
    %sub3A_1187 = arith.subf %max3A_1185, %mul3A_1186 : vector<8x512xf32>
    %add3A_1188 = arith.addf %add3A_1165, %sub3A_1187 : vector<8x512xf32>
    %add3A_1189 = arith.addf %add3A_1166, %get3A_1172 : vector<8x512xf32>
    %get3A_1190 = arith.constant 416 : index
    %get3A_1191 = arith.constant 0 : index
    %get3A_1192 = vector.load %arg1[%get3A_1190, %get3A_1191] : memref<1792x512xf32, #tpu.memory_space<vmem>>, vector<8x512xf32>
    %get3A_1193 = arith.constant 416 : index
    %get3A_1194 = arith.constant 0 : index
    %get3A_1195 = vector.load %arg2[%get3A_1193, %get3A_1194] : memref<1792x512xf32, #tpu.memory_space<vmem>>, vector<8x512xf32>
    %abs3A_1196 = math.absf %get3A_1192 : vector<8x512xf32>
    %neg3A_1197 = arith.constant 0.000000e+00 : f32
    %neg3A_1198 = vector.broadcast %neg3A_1197 : f32 to vector<8x512xf32>
    %neg3A_1199 = arith.subf %neg3A_1198, %abs3A_1196 : vector<8x512xf32>
    %exp3A_1200 = math.exp %neg3A_1199 : vector<8x512xf32>
    %add3A_1201 = arith.constant 1.000000e+00 : f32
    %add3A_1202 = vector.broadcast %add3A_1201 : f32 to vector<8x512xf32>
    %add3A_1203 = arith.addf %exp3A_1200, %add3A_1202 : vector<8x512xf32>
    %log3A_1204 = math.log %add3A_1203 : vector<8x512xf32>
    %add3A_1205 = arith.addf %add3A_1182, %log3A_1204 : vector<8x512xf32>
    %max3A_1206 = arith.constant 0.000000e+00 : f32
    %max3A_1207 = vector.broadcast %max3A_1206 : f32 to vector<8x512xf32>
    %max3A_1208 = arith.maximumf %get3A_1192, %max3A_1207 : vector<8x512xf32>
    %mul3A_1209 = arith.mulf %get3A_1192, %get3A_1195 : vector<8x512xf32>
    %sub3A_1210 = arith.subf %max3A_1208, %mul3A_1209 : vector<8x512xf32>
    %add3A_1211 = arith.addf %add3A_1188, %sub3A_1210 : vector<8x512xf32>
    %add3A_1212 = arith.addf %add3A_1189, %get3A_1195 : vector<8x512xf32>
    %get3A_1213 = arith.constant 424 : index
    %get3A_1214 = arith.constant 0 : index
    %get3A_1215 = vector.load %arg1[%get3A_1213, %get3A_1214] : memref<1792x512xf32, #tpu.memory_space<vmem>>, vector<8x512xf32>
    %get3A_1216 = arith.constant 424 : index
    %get3A_1217 = arith.constant 0 : index
    %get3A_1218 = vector.load %arg2[%get3A_1216, %get3A_1217] : memref<1792x512xf32, #tpu.memory_space<vmem>>, vector<8x512xf32>
    %abs3A_1219 = math.absf %get3A_1215 : vector<8x512xf32>
    %neg3A_1220 = arith.constant 0.000000e+00 : f32
    %neg3A_1221 = vector.broadcast %neg3A_1220 : f32 to vector<8x512xf32>
    %neg3A_1222 = arith.subf %neg3A_1221, %abs3A_1219 : vector<8x512xf32>
    %exp3A_1223 = math.exp %neg3A_1222 : vector<8x512xf32>
    %add3A_1224 = arith.constant 1.000000e+00 : f32
    %add3A_1225 = vector.broadcast %add3A_1224 : f32 to vector<8x512xf32>
    %add3A_1226 = arith.addf %exp3A_1223, %add3A_1225 : vector<8x512xf32>
    %log3A_1227 = math.log %add3A_1226 : vector<8x512xf32>
    %add3A_1228 = arith.addf %add3A_1205, %log3A_1227 : vector<8x512xf32>
    %max3A_1229 = arith.constant 0.000000e+00 : f32
    %max3A_1230 = vector.broadcast %max3A_1229 : f32 to vector<8x512xf32>
    %max3A_1231 = arith.maximumf %get3A_1215, %max3A_1230 : vector<8x512xf32>
    %mul3A_1232 = arith.mulf %get3A_1215, %get3A_1218 : vector<8x512xf32>
    %sub3A_1233 = arith.subf %max3A_1231, %mul3A_1232 : vector<8x512xf32>
    %add3A_1234 = arith.addf %add3A_1211, %sub3A_1233 : vector<8x512xf32>
    %add3A_1235 = arith.addf %add3A_1212, %get3A_1218 : vector<8x512xf32>
    %get3A_1236 = arith.constant 432 : index
    %get3A_1237 = arith.constant 0 : index
    %get3A_1238 = vector.load %arg1[%get3A_1236, %get3A_1237] : memref<1792x512xf32, #tpu.memory_space<vmem>>, vector<8x512xf32>
    %get3A_1239 = arith.constant 432 : index
    %get3A_1240 = arith.constant 0 : index
    %get3A_1241 = vector.load %arg2[%get3A_1239, %get3A_1240] : memref<1792x512xf32, #tpu.memory_space<vmem>>, vector<8x512xf32>
    %abs3A_1242 = math.absf %get3A_1238 : vector<8x512xf32>
    %neg3A_1243 = arith.constant 0.000000e+00 : f32
    %neg3A_1244 = vector.broadcast %neg3A_1243 : f32 to vector<8x512xf32>
    %neg3A_1245 = arith.subf %neg3A_1244, %abs3A_1242 : vector<8x512xf32>
    %exp3A_1246 = math.exp %neg3A_1245 : vector<8x512xf32>
    %add3A_1247 = arith.constant 1.000000e+00 : f32
    %add3A_1248 = vector.broadcast %add3A_1247 : f32 to vector<8x512xf32>
    %add3A_1249 = arith.addf %exp3A_1246, %add3A_1248 : vector<8x512xf32>
    %log3A_1250 = math.log %add3A_1249 : vector<8x512xf32>
    %add3A_1251 = arith.addf %add3A_1228, %log3A_1250 : vector<8x512xf32>
    %max3A_1252 = arith.constant 0.000000e+00 : f32
    %max3A_1253 = vector.broadcast %max3A_1252 : f32 to vector<8x512xf32>
    %max3A_1254 = arith.maximumf %get3A_1238, %max3A_1253 : vector<8x512xf32>
    %mul3A_1255 = arith.mulf %get3A_1238, %get3A_1241 : vector<8x512xf32>
    %sub3A_1256 = arith.subf %max3A_1254, %mul3A_1255 : vector<8x512xf32>
    %add3A_1257 = arith.addf %add3A_1234, %sub3A_1256 : vector<8x512xf32>
    %add3A_1258 = arith.addf %add3A_1235, %get3A_1241 : vector<8x512xf32>
    %get3A_1259 = arith.constant 440 : index
    %get3A_1260 = arith.constant 0 : index
    %get3A_1261 = vector.load %arg1[%get3A_1259, %get3A_1260] : memref<1792x512xf32, #tpu.memory_space<vmem>>, vector<8x512xf32>
    %get3A_1262 = arith.constant 440 : index
    %get3A_1263 = arith.constant 0 : index
    %get3A_1264 = vector.load %arg2[%get3A_1262, %get3A_1263] : memref<1792x512xf32, #tpu.memory_space<vmem>>, vector<8x512xf32>
    %abs3A_1265 = math.absf %get3A_1261 : vector<8x512xf32>
    %neg3A_1266 = arith.constant 0.000000e+00 : f32
    %neg3A_1267 = vector.broadcast %neg3A_1266 : f32 to vector<8x512xf32>
    %neg3A_1268 = arith.subf %neg3A_1267, %abs3A_1265 : vector<8x512xf32>
    %exp3A_1269 = math.exp %neg3A_1268 : vector<8x512xf32>
    %add3A_1270 = arith.constant 1.000000e+00 : f32
    %add3A_1271 = vector.broadcast %add3A_1270 : f32 to vector<8x512xf32>
    %add3A_1272 = arith.addf %exp3A_1269, %add3A_1271 : vector<8x512xf32>
    %log3A_1273 = math.log %add3A_1272 : vector<8x512xf32>
    %add3A_1274 = arith.addf %add3A_1251, %log3A_1273 : vector<8x512xf32>
    %max3A_1275 = arith.constant 0.000000e+00 : f32
    %max3A_1276 = vector.broadcast %max3A_1275 : f32 to vector<8x512xf32>
    %max3A_1277 = arith.maximumf %get3A_1261, %max3A_1276 : vector<8x512xf32>
    %mul3A_1278 = arith.mulf %get3A_1261, %get3A_1264 : vector<8x512xf32>
    %sub3A_1279 = arith.subf %max3A_1277, %mul3A_1278 : vector<8x512xf32>
    %add3A_1280 = arith.addf %add3A_1257, %sub3A_1279 : vector<8x512xf32>
    %add3A_1281 = arith.addf %add3A_1258, %get3A_1264 : vector<8x512xf32>
    %get3A_1282 = arith.constant 448 : index
    %get3A_1283 = arith.constant 0 : index
    %get3A_1284 = vector.load %arg1[%get3A_1282, %get3A_1283] : memref<1792x512xf32, #tpu.memory_space<vmem>>, vector<8x512xf32>
    %get3A_1285 = arith.constant 448 : index
    %get3A_1286 = arith.constant 0 : index
    %get3A_1287 = vector.load %arg2[%get3A_1285, %get3A_1286] : memref<1792x512xf32, #tpu.memory_space<vmem>>, vector<8x512xf32>
    %abs3A_1288 = math.absf %get3A_1284 : vector<8x512xf32>
    %neg3A_1289 = arith.constant 0.000000e+00 : f32
    %neg3A_1290 = vector.broadcast %neg3A_1289 : f32 to vector<8x512xf32>
    %neg3A_1291 = arith.subf %neg3A_1290, %abs3A_1288 : vector<8x512xf32>
    %exp3A_1292 = math.exp %neg3A_1291 : vector<8x512xf32>
    %add3A_1293 = arith.constant 1.000000e+00 : f32
    %add3A_1294 = vector.broadcast %add3A_1293 : f32 to vector<8x512xf32>
    %add3A_1295 = arith.addf %exp3A_1292, %add3A_1294 : vector<8x512xf32>
    %log3A_1296 = math.log %add3A_1295 : vector<8x512xf32>
    %add3A_1297 = arith.addf %add3A_1274, %log3A_1296 : vector<8x512xf32>
    %max3A_1298 = arith.constant 0.000000e+00 : f32
    %max3A_1299 = vector.broadcast %max3A_1298 : f32 to vector<8x512xf32>
    %max3A_1300 = arith.maximumf %get3A_1284, %max3A_1299 : vector<8x512xf32>
    %mul3A_1301 = arith.mulf %get3A_1284, %get3A_1287 : vector<8x512xf32>
    %sub3A_1302 = arith.subf %max3A_1300, %mul3A_1301 : vector<8x512xf32>
    %add3A_1303 = arith.addf %add3A_1280, %sub3A_1302 : vector<8x512xf32>
    %add3A_1304 = arith.addf %add3A_1281, %get3A_1287 : vector<8x512xf32>
    %get3A_1305 = arith.constant 456 : index
    %get3A_1306 = arith.constant 0 : index
    %get3A_1307 = vector.load %arg1[%get3A_1305, %get3A_1306] : memref<1792x512xf32, #tpu.memory_space<vmem>>, vector<8x512xf32>
    %get3A_1308 = arith.constant 456 : index
    %get3A_1309 = arith.constant 0 : index
    %get3A_1310 = vector.load %arg2[%get3A_1308, %get3A_1309] : memref<1792x512xf32, #tpu.memory_space<vmem>>, vector<8x512xf32>
    %abs3A_1311 = math.absf %get3A_1307 : vector<8x512xf32>
    %neg3A_1312 = arith.constant 0.000000e+00 : f32
    %neg3A_1313 = vector.broadcast %neg3A_1312 : f32 to vector<8x512xf32>
    %neg3A_1314 = arith.subf %neg3A_1313, %abs3A_1311 : vector<8x512xf32>
    %exp3A_1315 = math.exp %neg3A_1314 : vector<8x512xf32>
    %add3A_1316 = arith.constant 1.000000e+00 : f32
    %add3A_1317 = vector.broadcast %add3A_1316 : f32 to vector<8x512xf32>
    %add3A_1318 = arith.addf %exp3A_1315, %add3A_1317 : vector<8x512xf32>
    %log3A_1319 = math.log %add3A_1318 : vector<8x512xf32>
    %add3A_1320 = arith.addf %add3A_1297, %log3A_1319 : vector<8x512xf32>
    %max3A_1321 = arith.constant 0.000000e+00 : f32
    %max3A_1322 = vector.broadcast %max3A_1321 : f32 to vector<8x512xf32>
    %max3A_1323 = arith.maximumf %get3A_1307, %max3A_1322 : vector<8x512xf32>
    %mul3A_1324 = arith.mulf %get3A_1307, %get3A_1310 : vector<8x512xf32>
    %sub3A_1325 = arith.subf %max3A_1323, %mul3A_1324 : vector<8x512xf32>
    %add3A_1326 = arith.addf %add3A_1303, %sub3A_1325 : vector<8x512xf32>
    %add3A_1327 = arith.addf %add3A_1304, %get3A_1310 : vector<8x512xf32>
    %get3A_1328 = arith.constant 464 : index
    %get3A_1329 = arith.constant 0 : index
    %get3A_1330 = vector.load %arg1[%get3A_1328, %get3A_1329] : memref<1792x512xf32, #tpu.memory_space<vmem>>, vector<8x512xf32>
    %get3A_1331 = arith.constant 464 : index
    %get3A_1332 = arith.constant 0 : index
    %get3A_1333 = vector.load %arg2[%get3A_1331, %get3A_1332] : memref<1792x512xf32, #tpu.memory_space<vmem>>, vector<8x512xf32>
    %abs3A_1334 = math.absf %get3A_1330 : vector<8x512xf32>
    %neg3A_1335 = arith.constant 0.000000e+00 : f32
    %neg3A_1336 = vector.broadcast %neg3A_1335 : f32 to vector<8x512xf32>
    %neg3A_1337 = arith.subf %neg3A_1336, %abs3A_1334 : vector<8x512xf32>
    %exp3A_1338 = math.exp %neg3A_1337 : vector<8x512xf32>
    %add3A_1339 = arith.constant 1.000000e+00 : f32
    %add3A_1340 = vector.broadcast %add3A_1339 : f32 to vector<8x512xf32>
    %add3A_1341 = arith.addf %exp3A_1338, %add3A_1340 : vector<8x512xf32>
    %log3A_1342 = math.log %add3A_1341 : vector<8x512xf32>
    %add3A_1343 = arith.addf %add3A_1320, %log3A_1342 : vector<8x512xf32>
    %max3A_1344 = arith.constant 0.000000e+00 : f32
    %max3A_1345 = vector.broadcast %max3A_1344 : f32 to vector<8x512xf32>
    %max3A_1346 = arith.maximumf %get3A_1330, %max3A_1345 : vector<8x512xf32>
    %mul3A_1347 = arith.mulf %get3A_1330, %get3A_1333 : vector<8x512xf32>
    %sub3A_1348 = arith.subf %max3A_1346, %mul3A_1347 : vector<8x512xf32>
    %add3A_1349 = arith.addf %add3A_1326, %sub3A_1348 : vector<8x512xf32>
    %add3A_1350 = arith.addf %add3A_1327, %get3A_1333 : vector<8x512xf32>
    %get3A_1351 = arith.constant 472 : index
    %get3A_1352 = arith.constant 0 : index
    %get3A_1353 = vector.load %arg1[%get3A_1351, %get3A_1352] : memref<1792x512xf32, #tpu.memory_space<vmem>>, vector<8x512xf32>
    %get3A_1354 = arith.constant 472 : index
    %get3A_1355 = arith.constant 0 : index
    %get3A_1356 = vector.load %arg2[%get3A_1354, %get3A_1355] : memref<1792x512xf32, #tpu.memory_space<vmem>>, vector<8x512xf32>
    %abs3A_1357 = math.absf %get3A_1353 : vector<8x512xf32>
    %neg3A_1358 = arith.constant 0.000000e+00 : f32
    %neg3A_1359 = vector.broadcast %neg3A_1358 : f32 to vector<8x512xf32>
    %neg3A_1360 = arith.subf %neg3A_1359, %abs3A_1357 : vector<8x512xf32>
    %exp3A_1361 = math.exp %neg3A_1360 : vector<8x512xf32>
    %add3A_1362 = arith.constant 1.000000e+00 : f32
    %add3A_1363 = vector.broadcast %add3A_1362 : f32 to vector<8x512xf32>
    %add3A_1364 = arith.addf %exp3A_1361, %add3A_1363 : vector<8x512xf32>
    %log3A_1365 = math.log %add3A_1364 : vector<8x512xf32>
    %add3A_1366 = arith.addf %add3A_1343, %log3A_1365 : vector<8x512xf32>
    %max3A_1367 = arith.constant 0.000000e+00 : f32
    %max3A_1368 = vector.broadcast %max3A_1367 : f32 to vector<8x512xf32>
    %max3A_1369 = arith.maximumf %get3A_1353, %max3A_1368 : vector<8x512xf32>
    %mul3A_1370 = arith.mulf %get3A_1353, %get3A_1356 : vector<8x512xf32>
    %sub3A_1371 = arith.subf %max3A_1369, %mul3A_1370 : vector<8x512xf32>
    %add3A_1372 = arith.addf %add3A_1349, %sub3A_1371 : vector<8x512xf32>
    %add3A_1373 = arith.addf %add3A_1350, %get3A_1356 : vector<8x512xf32>
    %get3A_1374 = arith.constant 480 : index
    %get3A_1375 = arith.constant 0 : index
    %get3A_1376 = vector.load %arg1[%get3A_1374, %get3A_1375] : memref<1792x512xf32, #tpu.memory_space<vmem>>, vector<8x512xf32>
    %get3A_1377 = arith.constant 480 : index
    %get3A_1378 = arith.constant 0 : index
    %get3A_1379 = vector.load %arg2[%get3A_1377, %get3A_1378] : memref<1792x512xf32, #tpu.memory_space<vmem>>, vector<8x512xf32>
    %abs3A_1380 = math.absf %get3A_1376 : vector<8x512xf32>
    %neg3A_1381 = arith.constant 0.000000e+00 : f32
    %neg3A_1382 = vector.broadcast %neg3A_1381 : f32 to vector<8x512xf32>
    %neg3A_1383 = arith.subf %neg3A_1382, %abs3A_1380 : vector<8x512xf32>
    %exp3A_1384 = math.exp %neg3A_1383 : vector<8x512xf32>
    %add3A_1385 = arith.constant 1.000000e+00 : f32
    %add3A_1386 = vector.broadcast %add3A_1385 : f32 to vector<8x512xf32>
    %add3A_1387 = arith.addf %exp3A_1384, %add3A_1386 : vector<8x512xf32>
    %log3A_1388 = math.log %add3A_1387 : vector<8x512xf32>
    %add3A_1389 = arith.addf %add3A_1366, %log3A_1388 : vector<8x512xf32>
    %max3A_1390 = arith.constant 0.000000e+00 : f32
    %max3A_1391 = vector.broadcast %max3A_1390 : f32 to vector<8x512xf32>
    %max3A_1392 = arith.maximumf %get3A_1376, %max3A_1391 : vector<8x512xf32>
    %mul3A_1393 = arith.mulf %get3A_1376, %get3A_1379 : vector<8x512xf32>
    %sub3A_1394 = arith.subf %max3A_1392, %mul3A_1393 : vector<8x512xf32>
    %add3A_1395 = arith.addf %add3A_1372, %sub3A_1394 : vector<8x512xf32>
    %add3A_1396 = arith.addf %add3A_1373, %get3A_1379 : vector<8x512xf32>
    %get3A_1397 = arith.constant 488 : index
    %get3A_1398 = arith.constant 0 : index
    %get3A_1399 = vector.load %arg1[%get3A_1397, %get3A_1398] : memref<1792x512xf32, #tpu.memory_space<vmem>>, vector<8x512xf32>
    %get3A_1400 = arith.constant 488 : index
    %get3A_1401 = arith.constant 0 : index
    %get3A_1402 = vector.load %arg2[%get3A_1400, %get3A_1401] : memref<1792x512xf32, #tpu.memory_space<vmem>>, vector<8x512xf32>
    %abs3A_1403 = math.absf %get3A_1399 : vector<8x512xf32>
    %neg3A_1404 = arith.constant 0.000000e+00 : f32
    %neg3A_1405 = vector.broadcast %neg3A_1404 : f32 to vector<8x512xf32>
    %neg3A_1406 = arith.subf %neg3A_1405, %abs3A_1403 : vector<8x512xf32>
    %exp3A_1407 = math.exp %neg3A_1406 : vector<8x512xf32>
    %add3A_1408 = arith.constant 1.000000e+00 : f32
    %add3A_1409 = vector.broadcast %add3A_1408 : f32 to vector<8x512xf32>
    %add3A_1410 = arith.addf %exp3A_1407, %add3A_1409 : vector<8x512xf32>
    %log3A_1411 = math.log %add3A_1410 : vector<8x512xf32>
    %add3A_1412 = arith.addf %add3A_1389, %log3A_1411 : vector<8x512xf32>
    %max3A_1413 = arith.constant 0.000000e+00 : f32
    %max3A_1414 = vector.broadcast %max3A_1413 : f32 to vector<8x512xf32>
    %max3A_1415 = arith.maximumf %get3A_1399, %max3A_1414 : vector<8x512xf32>
    %mul3A_1416 = arith.mulf %get3A_1399, %get3A_1402 : vector<8x512xf32>
    %sub3A_1417 = arith.subf %max3A_1415, %mul3A_1416 : vector<8x512xf32>
    %add3A_1418 = arith.addf %add3A_1395, %sub3A_1417 : vector<8x512xf32>
    %add3A_1419 = arith.addf %add3A_1396, %get3A_1402 : vector<8x512xf32>
    %get3A_1420 = arith.constant 496 : index
    %get3A_1421 = arith.constant 0 : index
    %get3A_1422 = vector.load %arg1[%get3A_1420, %get3A_1421] : memref<1792x512xf32, #tpu.memory_space<vmem>>, vector<8x512xf32>
    %get3A_1423 = arith.constant 496 : index
    %get3A_1424 = arith.constant 0 : index
    %get3A_1425 = vector.load %arg2[%get3A_1423, %get3A_1424] : memref<1792x512xf32, #tpu.memory_space<vmem>>, vector<8x512xf32>
    %abs3A_1426 = math.absf %get3A_1422 : vector<8x512xf32>
    %neg3A_1427 = arith.constant 0.000000e+00 : f32
    %neg3A_1428 = vector.broadcast %neg3A_1427 : f32 to vector<8x512xf32>
    %neg3A_1429 = arith.subf %neg3A_1428, %abs3A_1426 : vector<8x512xf32>
    %exp3A_1430 = math.exp %neg3A_1429 : vector<8x512xf32>
    %add3A_1431 = arith.constant 1.000000e+00 : f32
    %add3A_1432 = vector.broadcast %add3A_1431 : f32 to vector<8x512xf32>
    %add3A_1433 = arith.addf %exp3A_1430, %add3A_1432 : vector<8x512xf32>
    %log3A_1434 = math.log %add3A_1433 : vector<8x512xf32>
    %add3A_1435 = arith.addf %add3A_1412, %log3A_1434 : vector<8x512xf32>
    %max3A_1436 = arith.constant 0.000000e+00 : f32
    %max3A_1437 = vector.broadcast %max3A_1436 : f32 to vector<8x512xf32>
    %max3A_1438 = arith.maximumf %get3A_1422, %max3A_1437 : vector<8x512xf32>
    %mul3A_1439 = arith.mulf %get3A_1422, %get3A_1425 : vector<8x512xf32>
    %sub3A_1440 = arith.subf %max3A_1438, %mul3A_1439 : vector<8x512xf32>
    %add3A_1441 = arith.addf %add3A_1418, %sub3A_1440 : vector<8x512xf32>
    %add3A_1442 = arith.addf %add3A_1419, %get3A_1425 : vector<8x512xf32>
    %get3A_1443 = arith.constant 504 : index
    %get3A_1444 = arith.constant 0 : index
    %get3A_1445 = vector.load %arg1[%get3A_1443, %get3A_1444] : memref<1792x512xf32, #tpu.memory_space<vmem>>, vector<8x512xf32>
    %get3A_1446 = arith.constant 504 : index
    %get3A_1447 = arith.constant 0 : index
    %get3A_1448 = vector.load %arg2[%get3A_1446, %get3A_1447] : memref<1792x512xf32, #tpu.memory_space<vmem>>, vector<8x512xf32>
    %abs3A_1449 = math.absf %get3A_1445 : vector<8x512xf32>
    %neg3A_1450 = arith.constant 0.000000e+00 : f32
    %neg3A_1451 = vector.broadcast %neg3A_1450 : f32 to vector<8x512xf32>
    %neg3A_1452 = arith.subf %neg3A_1451, %abs3A_1449 : vector<8x512xf32>
    %exp3A_1453 = math.exp %neg3A_1452 : vector<8x512xf32>
    %add3A_1454 = arith.constant 1.000000e+00 : f32
    %add3A_1455 = vector.broadcast %add3A_1454 : f32 to vector<8x512xf32>
    %add3A_1456 = arith.addf %exp3A_1453, %add3A_1455 : vector<8x512xf32>
    %log3A_1457 = math.log %add3A_1456 : vector<8x512xf32>
    %add3A_1458 = arith.addf %add3A_1435, %log3A_1457 : vector<8x512xf32>
    %max3A_1459 = arith.constant 0.000000e+00 : f32
    %max3A_1460 = vector.broadcast %max3A_1459 : f32 to vector<8x512xf32>
    %max3A_1461 = arith.maximumf %get3A_1445, %max3A_1460 : vector<8x512xf32>
    %mul3A_1462 = arith.mulf %get3A_1445, %get3A_1448 : vector<8x512xf32>
    %sub3A_1463 = arith.subf %max3A_1461, %mul3A_1462 : vector<8x512xf32>
    %add3A_1464 = arith.addf %add3A_1441, %sub3A_1463 : vector<8x512xf32>
    %add3A_1465 = arith.addf %add3A_1442, %get3A_1448 : vector<8x512xf32>
    %get3A_1466 = arith.constant 512 : index
    %get3A_1467 = arith.constant 0 : index
    %get3A_1468 = vector.load %arg1[%get3A_1466, %get3A_1467] : memref<1792x512xf32, #tpu.memory_space<vmem>>, vector<8x512xf32>
    %get3A_1469 = arith.constant 512 : index
    %get3A_1470 = arith.constant 0 : index
    %get3A_1471 = vector.load %arg2[%get3A_1469, %get3A_1470] : memref<1792x512xf32, #tpu.memory_space<vmem>>, vector<8x512xf32>
    %abs3A_1472 = math.absf %get3A_1468 : vector<8x512xf32>
    %neg3A_1473 = arith.constant 0.000000e+00 : f32
    %neg3A_1474 = vector.broadcast %neg3A_1473 : f32 to vector<8x512xf32>
    %neg3A_1475 = arith.subf %neg3A_1474, %abs3A_1472 : vector<8x512xf32>
    %exp3A_1476 = math.exp %neg3A_1475 : vector<8x512xf32>
    %add3A_1477 = arith.constant 1.000000e+00 : f32
    %add3A_1478 = vector.broadcast %add3A_1477 : f32 to vector<8x512xf32>
    %add3A_1479 = arith.addf %exp3A_1476, %add3A_1478 : vector<8x512xf32>
    %log3A_1480 = math.log %add3A_1479 : vector<8x512xf32>
    %add3A_1481 = arith.addf %add3A_1458, %log3A_1480 : vector<8x512xf32>
    %max3A_1482 = arith.constant 0.000000e+00 : f32
    %max3A_1483 = vector.broadcast %max3A_1482 : f32 to vector<8x512xf32>
    %max3A_1484 = arith.maximumf %get3A_1468, %max3A_1483 : vector<8x512xf32>
    %mul3A_1485 = arith.mulf %get3A_1468, %get3A_1471 : vector<8x512xf32>
    %sub3A_1486 = arith.subf %max3A_1484, %mul3A_1485 : vector<8x512xf32>
    %add3A_1487 = arith.addf %add3A_1464, %sub3A_1486 : vector<8x512xf32>
    %add3A_1488 = arith.addf %add3A_1465, %get3A_1471 : vector<8x512xf32>
    %get3A_1489 = arith.constant 520 : index
    %get3A_1490 = arith.constant 0 : index
    %get3A_1491 = vector.load %arg1[%get3A_1489, %get3A_1490] : memref<1792x512xf32, #tpu.memory_space<vmem>>, vector<8x512xf32>
    %get3A_1492 = arith.constant 520 : index
    %get3A_1493 = arith.constant 0 : index
    %get3A_1494 = vector.load %arg2[%get3A_1492, %get3A_1493] : memref<1792x512xf32, #tpu.memory_space<vmem>>, vector<8x512xf32>
    %abs3A_1495 = math.absf %get3A_1491 : vector<8x512xf32>
    %neg3A_1496 = arith.constant 0.000000e+00 : f32
    %neg3A_1497 = vector.broadcast %neg3A_1496 : f32 to vector<8x512xf32>
    %neg3A_1498 = arith.subf %neg3A_1497, %abs3A_1495 : vector<8x512xf32>
    %exp3A_1499 = math.exp %neg3A_1498 : vector<8x512xf32>
    %add3A_1500 = arith.constant 1.000000e+00 : f32
    %add3A_1501 = vector.broadcast %add3A_1500 : f32 to vector<8x512xf32>
    %add3A_1502 = arith.addf %exp3A_1499, %add3A_1501 : vector<8x512xf32>
    %log3A_1503 = math.log %add3A_1502 : vector<8x512xf32>
    %add3A_1504 = arith.addf %add3A_1481, %log3A_1503 : vector<8x512xf32>
    %max3A_1505 = arith.constant 0.000000e+00 : f32
    %max3A_1506 = vector.broadcast %max3A_1505 : f32 to vector<8x512xf32>
    %max3A_1507 = arith.maximumf %get3A_1491, %max3A_1506 : vector<8x512xf32>
    %mul3A_1508 = arith.mulf %get3A_1491, %get3A_1494 : vector<8x512xf32>
    %sub3A_1509 = arith.subf %max3A_1507, %mul3A_1508 : vector<8x512xf32>
    %add3A_1510 = arith.addf %add3A_1487, %sub3A_1509 : vector<8x512xf32>
    %add3A_1511 = arith.addf %add3A_1488, %get3A_1494 : vector<8x512xf32>
    %get3A_1512 = arith.constant 528 : index
    %get3A_1513 = arith.constant 0 : index
    %get3A_1514 = vector.load %arg1[%get3A_1512, %get3A_1513] : memref<1792x512xf32, #tpu.memory_space<vmem>>, vector<8x512xf32>
    %get3A_1515 = arith.constant 528 : index
    %get3A_1516 = arith.constant 0 : index
    %get3A_1517 = vector.load %arg2[%get3A_1515, %get3A_1516] : memref<1792x512xf32, #tpu.memory_space<vmem>>, vector<8x512xf32>
    %abs3A_1518 = math.absf %get3A_1514 : vector<8x512xf32>
    %neg3A_1519 = arith.constant 0.000000e+00 : f32
    %neg3A_1520 = vector.broadcast %neg3A_1519 : f32 to vector<8x512xf32>
    %neg3A_1521 = arith.subf %neg3A_1520, %abs3A_1518 : vector<8x512xf32>
    %exp3A_1522 = math.exp %neg3A_1521 : vector<8x512xf32>
    %add3A_1523 = arith.constant 1.000000e+00 : f32
    %add3A_1524 = vector.broadcast %add3A_1523 : f32 to vector<8x512xf32>
    %add3A_1525 = arith.addf %exp3A_1522, %add3A_1524 : vector<8x512xf32>
    %log3A_1526 = math.log %add3A_1525 : vector<8x512xf32>
    %add3A_1527 = arith.addf %add3A_1504, %log3A_1526 : vector<8x512xf32>
    %max3A_1528 = arith.constant 0.000000e+00 : f32
    %max3A_1529 = vector.broadcast %max3A_1528 : f32 to vector<8x512xf32>
    %max3A_1530 = arith.maximumf %get3A_1514, %max3A_1529 : vector<8x512xf32>
    %mul3A_1531 = arith.mulf %get3A_1514, %get3A_1517 : vector<8x512xf32>
    %sub3A_1532 = arith.subf %max3A_1530, %mul3A_1531 : vector<8x512xf32>
    %add3A_1533 = arith.addf %add3A_1510, %sub3A_1532 : vector<8x512xf32>
    %add3A_1534 = arith.addf %add3A_1511, %get3A_1517 : vector<8x512xf32>
    %get3A_1535 = arith.constant 536 : index
    %get3A_1536 = arith.constant 0 : index
    %get3A_1537 = vector.load %arg1[%get3A_1535, %get3A_1536] : memref<1792x512xf32, #tpu.memory_space<vmem>>, vector<8x512xf32>
    %get3A_1538 = arith.constant 536 : index
    %get3A_1539 = arith.constant 0 : index
    %get3A_1540 = vector.load %arg2[%get3A_1538, %get3A_1539] : memref<1792x512xf32, #tpu.memory_space<vmem>>, vector<8x512xf32>
    %abs3A_1541 = math.absf %get3A_1537 : vector<8x512xf32>
    %neg3A_1542 = arith.constant 0.000000e+00 : f32
    %neg3A_1543 = vector.broadcast %neg3A_1542 : f32 to vector<8x512xf32>
    %neg3A_1544 = arith.subf %neg3A_1543, %abs3A_1541 : vector<8x512xf32>
    %exp3A_1545 = math.exp %neg3A_1544 : vector<8x512xf32>
    %add3A_1546 = arith.constant 1.000000e+00 : f32
    %add3A_1547 = vector.broadcast %add3A_1546 : f32 to vector<8x512xf32>
    %add3A_1548 = arith.addf %exp3A_1545, %add3A_1547 : vector<8x512xf32>
    %log3A_1549 = math.log %add3A_1548 : vector<8x512xf32>
    %add3A_1550 = arith.addf %add3A_1527, %log3A_1549 : vector<8x512xf32>
    %max3A_1551 = arith.constant 0.000000e+00 : f32
    %max3A_1552 = vector.broadcast %max3A_1551 : f32 to vector<8x512xf32>
    %max3A_1553 = arith.maximumf %get3A_1537, %max3A_1552 : vector<8x512xf32>
    %mul3A_1554 = arith.mulf %get3A_1537, %get3A_1540 : vector<8x512xf32>
    %sub3A_1555 = arith.subf %max3A_1553, %mul3A_1554 : vector<8x512xf32>
    %add3A_1556 = arith.addf %add3A_1533, %sub3A_1555 : vector<8x512xf32>
    %add3A_1557 = arith.addf %add3A_1534, %get3A_1540 : vector<8x512xf32>
    %get3A_1558 = arith.constant 544 : index
    %get3A_1559 = arith.constant 0 : index
    %get3A_1560 = vector.load %arg1[%get3A_1558, %get3A_1559] : memref<1792x512xf32, #tpu.memory_space<vmem>>, vector<8x512xf32>
    %get3A_1561 = arith.constant 544 : index
    %get3A_1562 = arith.constant 0 : index
    %get3A_1563 = vector.load %arg2[%get3A_1561, %get3A_1562] : memref<1792x512xf32, #tpu.memory_space<vmem>>, vector<8x512xf32>
    %abs3A_1564 = math.absf %get3A_1560 : vector<8x512xf32>
    %neg3A_1565 = arith.constant 0.000000e+00 : f32
    %neg3A_1566 = vector.broadcast %neg3A_1565 : f32 to vector<8x512xf32>
    %neg3A_1567 = arith.subf %neg3A_1566, %abs3A_1564 : vector<8x512xf32>
    %exp3A_1568 = math.exp %neg3A_1567 : vector<8x512xf32>
    %add3A_1569 = arith.constant 1.000000e+00 : f32
    %add3A_1570 = vector.broadcast %add3A_1569 : f32 to vector<8x512xf32>
    %add3A_1571 = arith.addf %exp3A_1568, %add3A_1570 : vector<8x512xf32>
    %log3A_1572 = math.log %add3A_1571 : vector<8x512xf32>
    %add3A_1573 = arith.addf %add3A_1550, %log3A_1572 : vector<8x512xf32>
    %max3A_1574 = arith.constant 0.000000e+00 : f32
    %max3A_1575 = vector.broadcast %max3A_1574 : f32 to vector<8x512xf32>
    %max3A_1576 = arith.maximumf %get3A_1560, %max3A_1575 : vector<8x512xf32>
    %mul3A_1577 = arith.mulf %get3A_1560, %get3A_1563 : vector<8x512xf32>
    %sub3A_1578 = arith.subf %max3A_1576, %mul3A_1577 : vector<8x512xf32>
    %add3A_1579 = arith.addf %add3A_1556, %sub3A_1578 : vector<8x512xf32>
    %add3A_1580 = arith.addf %add3A_1557, %get3A_1563 : vector<8x512xf32>
    %get3A_1581 = arith.constant 552 : index
    %get3A_1582 = arith.constant 0 : index
    %get3A_1583 = vector.load %arg1[%get3A_1581, %get3A_1582] : memref<1792x512xf32, #tpu.memory_space<vmem>>, vector<8x512xf32>
    %get3A_1584 = arith.constant 552 : index
    %get3A_1585 = arith.constant 0 : index
    %get3A_1586 = vector.load %arg2[%get3A_1584, %get3A_1585] : memref<1792x512xf32, #tpu.memory_space<vmem>>, vector<8x512xf32>
    %abs3A_1587 = math.absf %get3A_1583 : vector<8x512xf32>
    %neg3A_1588 = arith.constant 0.000000e+00 : f32
    %neg3A_1589 = vector.broadcast %neg3A_1588 : f32 to vector<8x512xf32>
    %neg3A_1590 = arith.subf %neg3A_1589, %abs3A_1587 : vector<8x512xf32>
    %exp3A_1591 = math.exp %neg3A_1590 : vector<8x512xf32>
    %add3A_1592 = arith.constant 1.000000e+00 : f32
    %add3A_1593 = vector.broadcast %add3A_1592 : f32 to vector<8x512xf32>
    %add3A_1594 = arith.addf %exp3A_1591, %add3A_1593 : vector<8x512xf32>
    %log3A_1595 = math.log %add3A_1594 : vector<8x512xf32>
    %add3A_1596 = arith.addf %add3A_1573, %log3A_1595 : vector<8x512xf32>
    %max3A_1597 = arith.constant 0.000000e+00 : f32
    %max3A_1598 = vector.broadcast %max3A_1597 : f32 to vector<8x512xf32>
    %max3A_1599 = arith.maximumf %get3A_1583, %max3A_1598 : vector<8x512xf32>
    %mul3A_1600 = arith.mulf %get3A_1583, %get3A_1586 : vector<8x512xf32>
    %sub3A_1601 = arith.subf %max3A_1599, %mul3A_1600 : vector<8x512xf32>
    %add3A_1602 = arith.addf %add3A_1579, %sub3A_1601 : vector<8x512xf32>
    %add3A_1603 = arith.addf %add3A_1580, %get3A_1586 : vector<8x512xf32>
    %get3A_1604 = arith.constant 560 : index
    %get3A_1605 = arith.constant 0 : index
    %get3A_1606 = vector.load %arg1[%get3A_1604, %get3A_1605] : memref<1792x512xf32, #tpu.memory_space<vmem>>, vector<8x512xf32>
    %get3A_1607 = arith.constant 560 : index
    %get3A_1608 = arith.constant 0 : index
    %get3A_1609 = vector.load %arg2[%get3A_1607, %get3A_1608] : memref<1792x512xf32, #tpu.memory_space<vmem>>, vector<8x512xf32>
    %abs3A_1610 = math.absf %get3A_1606 : vector<8x512xf32>
    %neg3A_1611 = arith.constant 0.000000e+00 : f32
    %neg3A_1612 = vector.broadcast %neg3A_1611 : f32 to vector<8x512xf32>
    %neg3A_1613 = arith.subf %neg3A_1612, %abs3A_1610 : vector<8x512xf32>
    %exp3A_1614 = math.exp %neg3A_1613 : vector<8x512xf32>
    %add3A_1615 = arith.constant 1.000000e+00 : f32
    %add3A_1616 = vector.broadcast %add3A_1615 : f32 to vector<8x512xf32>
    %add3A_1617 = arith.addf %exp3A_1614, %add3A_1616 : vector<8x512xf32>
    %log3A_1618 = math.log %add3A_1617 : vector<8x512xf32>
    %add3A_1619 = arith.addf %add3A_1596, %log3A_1618 : vector<8x512xf32>
    %max3A_1620 = arith.constant 0.000000e+00 : f32
    %max3A_1621 = vector.broadcast %max3A_1620 : f32 to vector<8x512xf32>
    %max3A_1622 = arith.maximumf %get3A_1606, %max3A_1621 : vector<8x512xf32>
    %mul3A_1623 = arith.mulf %get3A_1606, %get3A_1609 : vector<8x512xf32>
    %sub3A_1624 = arith.subf %max3A_1622, %mul3A_1623 : vector<8x512xf32>
    %add3A_1625 = arith.addf %add3A_1602, %sub3A_1624 : vector<8x512xf32>
    %add3A_1626 = arith.addf %add3A_1603, %get3A_1609 : vector<8x512xf32>
    %get3A_1627 = arith.constant 568 : index
    %get3A_1628 = arith.constant 0 : index
    %get3A_1629 = vector.load %arg1[%get3A_1627, %get3A_1628] : memref<1792x512xf32, #tpu.memory_space<vmem>>, vector<8x512xf32>
    %get3A_1630 = arith.constant 568 : index
    %get3A_1631 = arith.constant 0 : index
    %get3A_1632 = vector.load %arg2[%get3A_1630, %get3A_1631] : memref<1792x512xf32, #tpu.memory_space<vmem>>, vector<8x512xf32>
    %abs3A_1633 = math.absf %get3A_1629 : vector<8x512xf32>
    %neg3A_1634 = arith.constant 0.000000e+00 : f32
    %neg3A_1635 = vector.broadcast %neg3A_1634 : f32 to vector<8x512xf32>
    %neg3A_1636 = arith.subf %neg3A_1635, %abs3A_1633 : vector<8x512xf32>
    %exp3A_1637 = math.exp %neg3A_1636 : vector<8x512xf32>
    %add3A_1638 = arith.constant 1.000000e+00 : f32
    %add3A_1639 = vector.broadcast %add3A_1638 : f32 to vector<8x512xf32>
    %add3A_1640 = arith.addf %exp3A_1637, %add3A_1639 : vector<8x512xf32>
    %log3A_1641 = math.log %add3A_1640 : vector<8x512xf32>
    %add3A_1642 = arith.addf %add3A_1619, %log3A_1641 : vector<8x512xf32>
    %max3A_1643 = arith.constant 0.000000e+00 : f32
    %max3A_1644 = vector.broadcast %max3A_1643 : f32 to vector<8x512xf32>
    %max3A_1645 = arith.maximumf %get3A_1629, %max3A_1644 : vector<8x512xf32>
    %mul3A_1646 = arith.mulf %get3A_1629, %get3A_1632 : vector<8x512xf32>
    %sub3A_1647 = arith.subf %max3A_1645, %mul3A_1646 : vector<8x512xf32>
    %add3A_1648 = arith.addf %add3A_1625, %sub3A_1647 : vector<8x512xf32>
    %add3A_1649 = arith.addf %add3A_1626, %get3A_1632 : vector<8x512xf32>
    %get3A_1650 = arith.constant 576 : index
    %get3A_1651 = arith.constant 0 : index
    %get3A_1652 = vector.load %arg1[%get3A_1650, %get3A_1651] : memref<1792x512xf32, #tpu.memory_space<vmem>>, vector<8x512xf32>
    %get3A_1653 = arith.constant 576 : index
    %get3A_1654 = arith.constant 0 : index
    %get3A_1655 = vector.load %arg2[%get3A_1653, %get3A_1654] : memref<1792x512xf32, #tpu.memory_space<vmem>>, vector<8x512xf32>
    %abs3A_1656 = math.absf %get3A_1652 : vector<8x512xf32>
    %neg3A_1657 = arith.constant 0.000000e+00 : f32
    %neg3A_1658 = vector.broadcast %neg3A_1657 : f32 to vector<8x512xf32>
    %neg3A_1659 = arith.subf %neg3A_1658, %abs3A_1656 : vector<8x512xf32>
    %exp3A_1660 = math.exp %neg3A_1659 : vector<8x512xf32>
    %add3A_1661 = arith.constant 1.000000e+00 : f32
    %add3A_1662 = vector.broadcast %add3A_1661 : f32 to vector<8x512xf32>
    %add3A_1663 = arith.addf %exp3A_1660, %add3A_1662 : vector<8x512xf32>
    %log3A_1664 = math.log %add3A_1663 : vector<8x512xf32>
    %add3A_1665 = arith.addf %add3A_1642, %log3A_1664 : vector<8x512xf32>
    %max3A_1666 = arith.constant 0.000000e+00 : f32
    %max3A_1667 = vector.broadcast %max3A_1666 : f32 to vector<8x512xf32>
    %max3A_1668 = arith.maximumf %get3A_1652, %max3A_1667 : vector<8x512xf32>
    %mul3A_1669 = arith.mulf %get3A_1652, %get3A_1655 : vector<8x512xf32>
    %sub3A_1670 = arith.subf %max3A_1668, %mul3A_1669 : vector<8x512xf32>
    %add3A_1671 = arith.addf %add3A_1648, %sub3A_1670 : vector<8x512xf32>
    %add3A_1672 = arith.addf %add3A_1649, %get3A_1655 : vector<8x512xf32>
    %get3A_1673 = arith.constant 584 : index
    %get3A_1674 = arith.constant 0 : index
    %get3A_1675 = vector.load %arg1[%get3A_1673, %get3A_1674] : memref<1792x512xf32, #tpu.memory_space<vmem>>, vector<8x512xf32>
    %get3A_1676 = arith.constant 584 : index
    %get3A_1677 = arith.constant 0 : index
    %get3A_1678 = vector.load %arg2[%get3A_1676, %get3A_1677] : memref<1792x512xf32, #tpu.memory_space<vmem>>, vector<8x512xf32>
    %abs3A_1679 = math.absf %get3A_1675 : vector<8x512xf32>
    %neg3A_1680 = arith.constant 0.000000e+00 : f32
    %neg3A_1681 = vector.broadcast %neg3A_1680 : f32 to vector<8x512xf32>
    %neg3A_1682 = arith.subf %neg3A_1681, %abs3A_1679 : vector<8x512xf32>
    %exp3A_1683 = math.exp %neg3A_1682 : vector<8x512xf32>
    %add3A_1684 = arith.constant 1.000000e+00 : f32
    %add3A_1685 = vector.broadcast %add3A_1684 : f32 to vector<8x512xf32>
    %add3A_1686 = arith.addf %exp3A_1683, %add3A_1685 : vector<8x512xf32>
    %log3A_1687 = math.log %add3A_1686 : vector<8x512xf32>
    %add3A_1688 = arith.addf %add3A_1665, %log3A_1687 : vector<8x512xf32>
    %max3A_1689 = arith.constant 0.000000e+00 : f32
    %max3A_1690 = vector.broadcast %max3A_1689 : f32 to vector<8x512xf32>
    %max3A_1691 = arith.maximumf %get3A_1675, %max3A_1690 : vector<8x512xf32>
    %mul3A_1692 = arith.mulf %get3A_1675, %get3A_1678 : vector<8x512xf32>
    %sub3A_1693 = arith.subf %max3A_1691, %mul3A_1692 : vector<8x512xf32>
    %add3A_1694 = arith.addf %add3A_1671, %sub3A_1693 : vector<8x512xf32>
    %add3A_1695 = arith.addf %add3A_1672, %get3A_1678 : vector<8x512xf32>
    %get3A_1696 = arith.constant 592 : index
    %get3A_1697 = arith.constant 0 : index
    %get3A_1698 = vector.load %arg1[%get3A_1696, %get3A_1697] : memref<1792x512xf32, #tpu.memory_space<vmem>>, vector<8x512xf32>
    %get3A_1699 = arith.constant 592 : index
    %get3A_1700 = arith.constant 0 : index
    %get3A_1701 = vector.load %arg2[%get3A_1699, %get3A_1700] : memref<1792x512xf32, #tpu.memory_space<vmem>>, vector<8x512xf32>
    %abs3A_1702 = math.absf %get3A_1698 : vector<8x512xf32>
    %neg3A_1703 = arith.constant 0.000000e+00 : f32
    %neg3A_1704 = vector.broadcast %neg3A_1703 : f32 to vector<8x512xf32>
    %neg3A_1705 = arith.subf %neg3A_1704, %abs3A_1702 : vector<8x512xf32>
    %exp3A_1706 = math.exp %neg3A_1705 : vector<8x512xf32>
    %add3A_1707 = arith.constant 1.000000e+00 : f32
    %add3A_1708 = vector.broadcast %add3A_1707 : f32 to vector<8x512xf32>
    %add3A_1709 = arith.addf %exp3A_1706, %add3A_1708 : vector<8x512xf32>
    %log3A_1710 = math.log %add3A_1709 : vector<8x512xf32>
    %add3A_1711 = arith.addf %add3A_1688, %log3A_1710 : vector<8x512xf32>
    %max3A_1712 = arith.constant 0.000000e+00 : f32
    %max3A_1713 = vector.broadcast %max3A_1712 : f32 to vector<8x512xf32>
    %max3A_1714 = arith.maximumf %get3A_1698, %max3A_1713 : vector<8x512xf32>
    %mul3A_1715 = arith.mulf %get3A_1698, %get3A_1701 : vector<8x512xf32>
    %sub3A_1716 = arith.subf %max3A_1714, %mul3A_1715 : vector<8x512xf32>
    %add3A_1717 = arith.addf %add3A_1694, %sub3A_1716 : vector<8x512xf32>
    %add3A_1718 = arith.addf %add3A_1695, %get3A_1701 : vector<8x512xf32>
    %get3A_1719 = arith.constant 600 : index
    %get3A_1720 = arith.constant 0 : index
    %get3A_1721 = vector.load %arg1[%get3A_1719, %get3A_1720] : memref<1792x512xf32, #tpu.memory_space<vmem>>, vector<8x512xf32>
    %get3A_1722 = arith.constant 600 : index
    %get3A_1723 = arith.constant 0 : index
    %get3A_1724 = vector.load %arg2[%get3A_1722, %get3A_1723] : memref<1792x512xf32, #tpu.memory_space<vmem>>, vector<8x512xf32>
    %abs3A_1725 = math.absf %get3A_1721 : vector<8x512xf32>
    %neg3A_1726 = arith.constant 0.000000e+00 : f32
    %neg3A_1727 = vector.broadcast %neg3A_1726 : f32 to vector<8x512xf32>
    %neg3A_1728 = arith.subf %neg3A_1727, %abs3A_1725 : vector<8x512xf32>
    %exp3A_1729 = math.exp %neg3A_1728 : vector<8x512xf32>
    %add3A_1730 = arith.constant 1.000000e+00 : f32
    %add3A_1731 = vector.broadcast %add3A_1730 : f32 to vector<8x512xf32>
    %add3A_1732 = arith.addf %exp3A_1729, %add3A_1731 : vector<8x512xf32>
    %log3A_1733 = math.log %add3A_1732 : vector<8x512xf32>
    %add3A_1734 = arith.addf %add3A_1711, %log3A_1733 : vector<8x512xf32>
    %max3A_1735 = arith.constant 0.000000e+00 : f32
    %max3A_1736 = vector.broadcast %max3A_1735 : f32 to vector<8x512xf32>
    %max3A_1737 = arith.maximumf %get3A_1721, %max3A_1736 : vector<8x512xf32>
    %mul3A_1738 = arith.mulf %get3A_1721, %get3A_1724 : vector<8x512xf32>
    %sub3A_1739 = arith.subf %max3A_1737, %mul3A_1738 : vector<8x512xf32>
    %add3A_1740 = arith.addf %add3A_1717, %sub3A_1739 : vector<8x512xf32>
    %add3A_1741 = arith.addf %add3A_1718, %get3A_1724 : vector<8x512xf32>
    %get3A_1742 = arith.constant 608 : index
    %get3A_1743 = arith.constant 0 : index
    %get3A_1744 = vector.load %arg1[%get3A_1742, %get3A_1743] : memref<1792x512xf32, #tpu.memory_space<vmem>>, vector<8x512xf32>
    %get3A_1745 = arith.constant 608 : index
    %get3A_1746 = arith.constant 0 : index
    %get3A_1747 = vector.load %arg2[%get3A_1745, %get3A_1746] : memref<1792x512xf32, #tpu.memory_space<vmem>>, vector<8x512xf32>
    %abs3A_1748 = math.absf %get3A_1744 : vector<8x512xf32>
    %neg3A_1749 = arith.constant 0.000000e+00 : f32
    %neg3A_1750 = vector.broadcast %neg3A_1749 : f32 to vector<8x512xf32>
    %neg3A_1751 = arith.subf %neg3A_1750, %abs3A_1748 : vector<8x512xf32>
    %exp3A_1752 = math.exp %neg3A_1751 : vector<8x512xf32>
    %add3A_1753 = arith.constant 1.000000e+00 : f32
    %add3A_1754 = vector.broadcast %add3A_1753 : f32 to vector<8x512xf32>
    %add3A_1755 = arith.addf %exp3A_1752, %add3A_1754 : vector<8x512xf32>
    %log3A_1756 = math.log %add3A_1755 : vector<8x512xf32>
    %add3A_1757 = arith.addf %add3A_1734, %log3A_1756 : vector<8x512xf32>
    %max3A_1758 = arith.constant 0.000000e+00 : f32
    %max3A_1759 = vector.broadcast %max3A_1758 : f32 to vector<8x512xf32>
    %max3A_1760 = arith.maximumf %get3A_1744, %max3A_1759 : vector<8x512xf32>
    %mul3A_1761 = arith.mulf %get3A_1744, %get3A_1747 : vector<8x512xf32>
    %sub3A_1762 = arith.subf %max3A_1760, %mul3A_1761 : vector<8x512xf32>
    %add3A_1763 = arith.addf %add3A_1740, %sub3A_1762 : vector<8x512xf32>
    %add3A_1764 = arith.addf %add3A_1741, %get3A_1747 : vector<8x512xf32>
    %get3A_1765 = arith.constant 616 : index
    %get3A_1766 = arith.constant 0 : index
    %get3A_1767 = vector.load %arg1[%get3A_1765, %get3A_1766] : memref<1792x512xf32, #tpu.memory_space<vmem>>, vector<8x512xf32>
    %get3A_1768 = arith.constant 616 : index
    %get3A_1769 = arith.constant 0 : index
    %get3A_1770 = vector.load %arg2[%get3A_1768, %get3A_1769] : memref<1792x512xf32, #tpu.memory_space<vmem>>, vector<8x512xf32>
    %abs3A_1771 = math.absf %get3A_1767 : vector<8x512xf32>
    %neg3A_1772 = arith.constant 0.000000e+00 : f32
    %neg3A_1773 = vector.broadcast %neg3A_1772 : f32 to vector<8x512xf32>
    %neg3A_1774 = arith.subf %neg3A_1773, %abs3A_1771 : vector<8x512xf32>
    %exp3A_1775 = math.exp %neg3A_1774 : vector<8x512xf32>
    %add3A_1776 = arith.constant 1.000000e+00 : f32
    %add3A_1777 = vector.broadcast %add3A_1776 : f32 to vector<8x512xf32>
    %add3A_1778 = arith.addf %exp3A_1775, %add3A_1777 : vector<8x512xf32>
    %log3A_1779 = math.log %add3A_1778 : vector<8x512xf32>
    %add3A_1780 = arith.addf %add3A_1757, %log3A_1779 : vector<8x512xf32>
    %max3A_1781 = arith.constant 0.000000e+00 : f32
    %max3A_1782 = vector.broadcast %max3A_1781 : f32 to vector<8x512xf32>
    %max3A_1783 = arith.maximumf %get3A_1767, %max3A_1782 : vector<8x512xf32>
    %mul3A_1784 = arith.mulf %get3A_1767, %get3A_1770 : vector<8x512xf32>
    %sub3A_1785 = arith.subf %max3A_1783, %mul3A_1784 : vector<8x512xf32>
    %add3A_1786 = arith.addf %add3A_1763, %sub3A_1785 : vector<8x512xf32>
    %add3A_1787 = arith.addf %add3A_1764, %get3A_1770 : vector<8x512xf32>
    %get3A_1788 = arith.constant 624 : index
    %get3A_1789 = arith.constant 0 : index
    %get3A_1790 = vector.load %arg1[%get3A_1788, %get3A_1789] : memref<1792x512xf32, #tpu.memory_space<vmem>>, vector<8x512xf32>
    %get3A_1791 = arith.constant 624 : index
    %get3A_1792 = arith.constant 0 : index
    %get3A_1793 = vector.load %arg2[%get3A_1791, %get3A_1792] : memref<1792x512xf32, #tpu.memory_space<vmem>>, vector<8x512xf32>
    %abs3A_1794 = math.absf %get3A_1790 : vector<8x512xf32>
    %neg3A_1795 = arith.constant 0.000000e+00 : f32
    %neg3A_1796 = vector.broadcast %neg3A_1795 : f32 to vector<8x512xf32>
    %neg3A_1797 = arith.subf %neg3A_1796, %abs3A_1794 : vector<8x512xf32>
    %exp3A_1798 = math.exp %neg3A_1797 : vector<8x512xf32>
    %add3A_1799 = arith.constant 1.000000e+00 : f32
    %add3A_1800 = vector.broadcast %add3A_1799 : f32 to vector<8x512xf32>
    %add3A_1801 = arith.addf %exp3A_1798, %add3A_1800 : vector<8x512xf32>
    %log3A_1802 = math.log %add3A_1801 : vector<8x512xf32>
    %add3A_1803 = arith.addf %add3A_1780, %log3A_1802 : vector<8x512xf32>
    %max3A_1804 = arith.constant 0.000000e+00 : f32
    %max3A_1805 = vector.broadcast %max3A_1804 : f32 to vector<8x512xf32>
    %max3A_1806 = arith.maximumf %get3A_1790, %max3A_1805 : vector<8x512xf32>
    %mul3A_1807 = arith.mulf %get3A_1790, %get3A_1793 : vector<8x512xf32>
    %sub3A_1808 = arith.subf %max3A_1806, %mul3A_1807 : vector<8x512xf32>
    %add3A_1809 = arith.addf %add3A_1786, %sub3A_1808 : vector<8x512xf32>
    %add3A_1810 = arith.addf %add3A_1787, %get3A_1793 : vector<8x512xf32>
    %get3A_1811 = arith.constant 632 : index
    %get3A_1812 = arith.constant 0 : index
    %get3A_1813 = vector.load %arg1[%get3A_1811, %get3A_1812] : memref<1792x512xf32, #tpu.memory_space<vmem>>, vector<8x512xf32>
    %get3A_1814 = arith.constant 632 : index
    %get3A_1815 = arith.constant 0 : index
    %get3A_1816 = vector.load %arg2[%get3A_1814, %get3A_1815] : memref<1792x512xf32, #tpu.memory_space<vmem>>, vector<8x512xf32>
    %abs3A_1817 = math.absf %get3A_1813 : vector<8x512xf32>
    %neg3A_1818 = arith.constant 0.000000e+00 : f32
    %neg3A_1819 = vector.broadcast %neg3A_1818 : f32 to vector<8x512xf32>
    %neg3A_1820 = arith.subf %neg3A_1819, %abs3A_1817 : vector<8x512xf32>
    %exp3A_1821 = math.exp %neg3A_1820 : vector<8x512xf32>
    %add3A_1822 = arith.constant 1.000000e+00 : f32
    %add3A_1823 = vector.broadcast %add3A_1822 : f32 to vector<8x512xf32>
    %add3A_1824 = arith.addf %exp3A_1821, %add3A_1823 : vector<8x512xf32>
    %log3A_1825 = math.log %add3A_1824 : vector<8x512xf32>
    %add3A_1826 = arith.addf %add3A_1803, %log3A_1825 : vector<8x512xf32>
    %max3A_1827 = arith.constant 0.000000e+00 : f32
    %max3A_1828 = vector.broadcast %max3A_1827 : f32 to vector<8x512xf32>
    %max3A_1829 = arith.maximumf %get3A_1813, %max3A_1828 : vector<8x512xf32>
    %mul3A_1830 = arith.mulf %get3A_1813, %get3A_1816 : vector<8x512xf32>
    %sub3A_1831 = arith.subf %max3A_1829, %mul3A_1830 : vector<8x512xf32>
    %add3A_1832 = arith.addf %add3A_1809, %sub3A_1831 : vector<8x512xf32>
    %add3A_1833 = arith.addf %add3A_1810, %get3A_1816 : vector<8x512xf32>
    %get3A_1834 = arith.constant 640 : index
    %get3A_1835 = arith.constant 0 : index
    %get3A_1836 = vector.load %arg1[%get3A_1834, %get3A_1835] : memref<1792x512xf32, #tpu.memory_space<vmem>>, vector<8x512xf32>
    %get3A_1837 = arith.constant 640 : index
    %get3A_1838 = arith.constant 0 : index
    %get3A_1839 = vector.load %arg2[%get3A_1837, %get3A_1838] : memref<1792x512xf32, #tpu.memory_space<vmem>>, vector<8x512xf32>
    %abs3A_1840 = math.absf %get3A_1836 : vector<8x512xf32>
    %neg3A_1841 = arith.constant 0.000000e+00 : f32
    %neg3A_1842 = vector.broadcast %neg3A_1841 : f32 to vector<8x512xf32>
    %neg3A_1843 = arith.subf %neg3A_1842, %abs3A_1840 : vector<8x512xf32>
    %exp3A_1844 = math.exp %neg3A_1843 : vector<8x512xf32>
    %add3A_1845 = arith.constant 1.000000e+00 : f32
    %add3A_1846 = vector.broadcast %add3A_1845 : f32 to vector<8x512xf32>
    %add3A_1847 = arith.addf %exp3A_1844, %add3A_1846 : vector<8x512xf32>
    %log3A_1848 = math.log %add3A_1847 : vector<8x512xf32>
    %add3A_1849 = arith.addf %add3A_1826, %log3A_1848 : vector<8x512xf32>
    %max3A_1850 = arith.constant 0.000000e+00 : f32
    %max3A_1851 = vector.broadcast %max3A_1850 : f32 to vector<8x512xf32>
    %max3A_1852 = arith.maximumf %get3A_1836, %max3A_1851 : vector<8x512xf32>
    %mul3A_1853 = arith.mulf %get3A_1836, %get3A_1839 : vector<8x512xf32>
    %sub3A_1854 = arith.subf %max3A_1852, %mul3A_1853 : vector<8x512xf32>
    %add3A_1855 = arith.addf %add3A_1832, %sub3A_1854 : vector<8x512xf32>
    %add3A_1856 = arith.addf %add3A_1833, %get3A_1839 : vector<8x512xf32>
    %get3A_1857 = arith.constant 648 : index
    %get3A_1858 = arith.constant 0 : index
    %get3A_1859 = vector.load %arg1[%get3A_1857, %get3A_1858] : memref<1792x512xf32, #tpu.memory_space<vmem>>, vector<8x512xf32>
    %get3A_1860 = arith.constant 648 : index
    %get3A_1861 = arith.constant 0 : index
    %get3A_1862 = vector.load %arg2[%get3A_1860, %get3A_1861] : memref<1792x512xf32, #tpu.memory_space<vmem>>, vector<8x512xf32>
    %abs3A_1863 = math.absf %get3A_1859 : vector<8x512xf32>
    %neg3A_1864 = arith.constant 0.000000e+00 : f32
    %neg3A_1865 = vector.broadcast %neg3A_1864 : f32 to vector<8x512xf32>
    %neg3A_1866 = arith.subf %neg3A_1865, %abs3A_1863 : vector<8x512xf32>
    %exp3A_1867 = math.exp %neg3A_1866 : vector<8x512xf32>
    %add3A_1868 = arith.constant 1.000000e+00 : f32
    %add3A_1869 = vector.broadcast %add3A_1868 : f32 to vector<8x512xf32>
    %add3A_1870 = arith.addf %exp3A_1867, %add3A_1869 : vector<8x512xf32>
    %log3A_1871 = math.log %add3A_1870 : vector<8x512xf32>
    %add3A_1872 = arith.addf %add3A_1849, %log3A_1871 : vector<8x512xf32>
    %max3A_1873 = arith.constant 0.000000e+00 : f32
    %max3A_1874 = vector.broadcast %max3A_1873 : f32 to vector<8x512xf32>
    %max3A_1875 = arith.maximumf %get3A_1859, %max3A_1874 : vector<8x512xf32>
    %mul3A_1876 = arith.mulf %get3A_1859, %get3A_1862 : vector<8x512xf32>
    %sub3A_1877 = arith.subf %max3A_1875, %mul3A_1876 : vector<8x512xf32>
    %add3A_1878 = arith.addf %add3A_1855, %sub3A_1877 : vector<8x512xf32>
    %add3A_1879 = arith.addf %add3A_1856, %get3A_1862 : vector<8x512xf32>
    %get3A_1880 = arith.constant 656 : index
    %get3A_1881 = arith.constant 0 : index
    %get3A_1882 = vector.load %arg1[%get3A_1880, %get3A_1881] : memref<1792x512xf32, #tpu.memory_space<vmem>>, vector<8x512xf32>
    %get3A_1883 = arith.constant 656 : index
    %get3A_1884 = arith.constant 0 : index
    %get3A_1885 = vector.load %arg2[%get3A_1883, %get3A_1884] : memref<1792x512xf32, #tpu.memory_space<vmem>>, vector<8x512xf32>
    %abs3A_1886 = math.absf %get3A_1882 : vector<8x512xf32>
    %neg3A_1887 = arith.constant 0.000000e+00 : f32
    %neg3A_1888 = vector.broadcast %neg3A_1887 : f32 to vector<8x512xf32>
    %neg3A_1889 = arith.subf %neg3A_1888, %abs3A_1886 : vector<8x512xf32>
    %exp3A_1890 = math.exp %neg3A_1889 : vector<8x512xf32>
    %add3A_1891 = arith.constant 1.000000e+00 : f32
    %add3A_1892 = vector.broadcast %add3A_1891 : f32 to vector<8x512xf32>
    %add3A_1893 = arith.addf %exp3A_1890, %add3A_1892 : vector<8x512xf32>
    %log3A_1894 = math.log %add3A_1893 : vector<8x512xf32>
    %add3A_1895 = arith.addf %add3A_1872, %log3A_1894 : vector<8x512xf32>
    %max3A_1896 = arith.constant 0.000000e+00 : f32
    %max3A_1897 = vector.broadcast %max3A_1896 : f32 to vector<8x512xf32>
    %max3A_1898 = arith.maximumf %get3A_1882, %max3A_1897 : vector<8x512xf32>
    %mul3A_1899 = arith.mulf %get3A_1882, %get3A_1885 : vector<8x512xf32>
    %sub3A_1900 = arith.subf %max3A_1898, %mul3A_1899 : vector<8x512xf32>
    %add3A_1901 = arith.addf %add3A_1878, %sub3A_1900 : vector<8x512xf32>
    %add3A_1902 = arith.addf %add3A_1879, %get3A_1885 : vector<8x512xf32>
    %get3A_1903 = arith.constant 664 : index
    %get3A_1904 = arith.constant 0 : index
    %get3A_1905 = vector.load %arg1[%get3A_1903, %get3A_1904] : memref<1792x512xf32, #tpu.memory_space<vmem>>, vector<8x512xf32>
    %get3A_1906 = arith.constant 664 : index
    %get3A_1907 = arith.constant 0 : index
    %get3A_1908 = vector.load %arg2[%get3A_1906, %get3A_1907] : memref<1792x512xf32, #tpu.memory_space<vmem>>, vector<8x512xf32>
    %abs3A_1909 = math.absf %get3A_1905 : vector<8x512xf32>
    %neg3A_1910 = arith.constant 0.000000e+00 : f32
    %neg3A_1911 = vector.broadcast %neg3A_1910 : f32 to vector<8x512xf32>
    %neg3A_1912 = arith.subf %neg3A_1911, %abs3A_1909 : vector<8x512xf32>
    %exp3A_1913 = math.exp %neg3A_1912 : vector<8x512xf32>
    %add3A_1914 = arith.constant 1.000000e+00 : f32
    %add3A_1915 = vector.broadcast %add3A_1914 : f32 to vector<8x512xf32>
    %add3A_1916 = arith.addf %exp3A_1913, %add3A_1915 : vector<8x512xf32>
    %log3A_1917 = math.log %add3A_1916 : vector<8x512xf32>
    %add3A_1918 = arith.addf %add3A_1895, %log3A_1917 : vector<8x512xf32>
    %max3A_1919 = arith.constant 0.000000e+00 : f32
    %max3A_1920 = vector.broadcast %max3A_1919 : f32 to vector<8x512xf32>
    %max3A_1921 = arith.maximumf %get3A_1905, %max3A_1920 : vector<8x512xf32>
    %mul3A_1922 = arith.mulf %get3A_1905, %get3A_1908 : vector<8x512xf32>
    %sub3A_1923 = arith.subf %max3A_1921, %mul3A_1922 : vector<8x512xf32>
    %add3A_1924 = arith.addf %add3A_1901, %sub3A_1923 : vector<8x512xf32>
    %add3A_1925 = arith.addf %add3A_1902, %get3A_1908 : vector<8x512xf32>
    %get3A_1926 = arith.constant 672 : index
    %get3A_1927 = arith.constant 0 : index
    %get3A_1928 = vector.load %arg1[%get3A_1926, %get3A_1927] : memref<1792x512xf32, #tpu.memory_space<vmem>>, vector<8x512xf32>
    %get3A_1929 = arith.constant 672 : index
    %get3A_1930 = arith.constant 0 : index
    %get3A_1931 = vector.load %arg2[%get3A_1929, %get3A_1930] : memref<1792x512xf32, #tpu.memory_space<vmem>>, vector<8x512xf32>
    %abs3A_1932 = math.absf %get3A_1928 : vector<8x512xf32>
    %neg3A_1933 = arith.constant 0.000000e+00 : f32
    %neg3A_1934 = vector.broadcast %neg3A_1933 : f32 to vector<8x512xf32>
    %neg3A_1935 = arith.subf %neg3A_1934, %abs3A_1932 : vector<8x512xf32>
    %exp3A_1936 = math.exp %neg3A_1935 : vector<8x512xf32>
    %add3A_1937 = arith.constant 1.000000e+00 : f32
    %add3A_1938 = vector.broadcast %add3A_1937 : f32 to vector<8x512xf32>
    %add3A_1939 = arith.addf %exp3A_1936, %add3A_1938 : vector<8x512xf32>
    %log3A_1940 = math.log %add3A_1939 : vector<8x512xf32>
    %add3A_1941 = arith.addf %add3A_1918, %log3A_1940 : vector<8x512xf32>
    %max3A_1942 = arith.constant 0.000000e+00 : f32
    %max3A_1943 = vector.broadcast %max3A_1942 : f32 to vector<8x512xf32>
    %max3A_1944 = arith.maximumf %get3A_1928, %max3A_1943 : vector<8x512xf32>
    %mul3A_1945 = arith.mulf %get3A_1928, %get3A_1931 : vector<8x512xf32>
    %sub3A_1946 = arith.subf %max3A_1944, %mul3A_1945 : vector<8x512xf32>
    %add3A_1947 = arith.addf %add3A_1924, %sub3A_1946 : vector<8x512xf32>
    %add3A_1948 = arith.addf %add3A_1925, %get3A_1931 : vector<8x512xf32>
    %get3A_1949 = arith.constant 680 : index
    %get3A_1950 = arith.constant 0 : index
    %get3A_1951 = vector.load %arg1[%get3A_1949, %get3A_1950] : memref<1792x512xf32, #tpu.memory_space<vmem>>, vector<8x512xf32>
    %get3A_1952 = arith.constant 680 : index
    %get3A_1953 = arith.constant 0 : index
    %get3A_1954 = vector.load %arg2[%get3A_1952, %get3A_1953] : memref<1792x512xf32, #tpu.memory_space<vmem>>, vector<8x512xf32>
    %abs3A_1955 = math.absf %get3A_1951 : vector<8x512xf32>
    %neg3A_1956 = arith.constant 0.000000e+00 : f32
    %neg3A_1957 = vector.broadcast %neg3A_1956 : f32 to vector<8x512xf32>
    %neg3A_1958 = arith.subf %neg3A_1957, %abs3A_1955 : vector<8x512xf32>
    %exp3A_1959 = math.exp %neg3A_1958 : vector<8x512xf32>
    %add3A_1960 = arith.constant 1.000000e+00 : f32
    %add3A_1961 = vector.broadcast %add3A_1960 : f32 to vector<8x512xf32>
    %add3A_1962 = arith.addf %exp3A_1959, %add3A_1961 : vector<8x512xf32>
    %log3A_1963 = math.log %add3A_1962 : vector<8x512xf32>
    %add3A_1964 = arith.addf %add3A_1941, %log3A_1963 : vector<8x512xf32>
    %max3A_1965 = arith.constant 0.000000e+00 : f32
    %max3A_1966 = vector.broadcast %max3A_1965 : f32 to vector<8x512xf32>
    %max3A_1967 = arith.maximumf %get3A_1951, %max3A_1966 : vector<8x512xf32>
    %mul3A_1968 = arith.mulf %get3A_1951, %get3A_1954 : vector<8x512xf32>
    %sub3A_1969 = arith.subf %max3A_1967, %mul3A_1968 : vector<8x512xf32>
    %add3A_1970 = arith.addf %add3A_1947, %sub3A_1969 : vector<8x512xf32>
    %add3A_1971 = arith.addf %add3A_1948, %get3A_1954 : vector<8x512xf32>
    %get3A_1972 = arith.constant 688 : index
    %get3A_1973 = arith.constant 0 : index
    %get3A_1974 = vector.load %arg1[%get3A_1972, %get3A_1973] : memref<1792x512xf32, #tpu.memory_space<vmem>>, vector<8x512xf32>
    %get3A_1975 = arith.constant 688 : index
    %get3A_1976 = arith.constant 0 : index
    %get3A_1977 = vector.load %arg2[%get3A_1975, %get3A_1976] : memref<1792x512xf32, #tpu.memory_space<vmem>>, vector<8x512xf32>
    %abs3A_1978 = math.absf %get3A_1974 : vector<8x512xf32>
    %neg3A_1979 = arith.constant 0.000000e+00 : f32
    %neg3A_1980 = vector.broadcast %neg3A_1979 : f32 to vector<8x512xf32>
    %neg3A_1981 = arith.subf %neg3A_1980, %abs3A_1978 : vector<8x512xf32>
    %exp3A_1982 = math.exp %neg3A_1981 : vector<8x512xf32>
    %add3A_1983 = arith.constant 1.000000e+00 : f32
    %add3A_1984 = vector.broadcast %add3A_1983 : f32 to vector<8x512xf32>
    %add3A_1985 = arith.addf %exp3A_1982, %add3A_1984 : vector<8x512xf32>
    %log3A_1986 = math.log %add3A_1985 : vector<8x512xf32>
    %add3A_1987 = arith.addf %add3A_1964, %log3A_1986 : vector<8x512xf32>
    %max3A_1988 = arith.constant 0.000000e+00 : f32
    %max3A_1989 = vector.broadcast %max3A_1988 : f32 to vector<8x512xf32>
    %max3A_1990 = arith.maximumf %get3A_1974, %max3A_1989 : vector<8x512xf32>
    %mul3A_1991 = arith.mulf %get3A_1974, %get3A_1977 : vector<8x512xf32>
    %sub3A_1992 = arith.subf %max3A_1990, %mul3A_1991 : vector<8x512xf32>
    %add3A_1993 = arith.addf %add3A_1970, %sub3A_1992 : vector<8x512xf32>
    %add3A_1994 = arith.addf %add3A_1971, %get3A_1977 : vector<8x512xf32>
    %get3A_1995 = arith.constant 696 : index
    %get3A_1996 = arith.constant 0 : index
    %get3A_1997 = vector.load %arg1[%get3A_1995, %get3A_1996] : memref<1792x512xf32, #tpu.memory_space<vmem>>, vector<8x512xf32>
    %get3A_1998 = arith.constant 696 : index
    %get3A_1999 = arith.constant 0 : index
    %get3A_2000 = vector.load %arg2[%get3A_1998, %get3A_1999] : memref<1792x512xf32, #tpu.memory_space<vmem>>, vector<8x512xf32>
    %abs3A_2001 = math.absf %get3A_1997 : vector<8x512xf32>
    %neg3A_2002 = arith.constant 0.000000e+00 : f32
    %neg3A_2003 = vector.broadcast %neg3A_2002 : f32 to vector<8x512xf32>
    %neg3A_2004 = arith.subf %neg3A_2003, %abs3A_2001 : vector<8x512xf32>
    %exp3A_2005 = math.exp %neg3A_2004 : vector<8x512xf32>
    %add3A_2006 = arith.constant 1.000000e+00 : f32
    %add3A_2007 = vector.broadcast %add3A_2006 : f32 to vector<8x512xf32>
    %add3A_2008 = arith.addf %exp3A_2005, %add3A_2007 : vector<8x512xf32>
    %log3A_2009 = math.log %add3A_2008 : vector<8x512xf32>
    %add3A_2010 = arith.addf %add3A_1987, %log3A_2009 : vector<8x512xf32>
    %max3A_2011 = arith.constant 0.000000e+00 : f32
    %max3A_2012 = vector.broadcast %max3A_2011 : f32 to vector<8x512xf32>
    %max3A_2013 = arith.maximumf %get3A_1997, %max3A_2012 : vector<8x512xf32>
    %mul3A_2014 = arith.mulf %get3A_1997, %get3A_2000 : vector<8x512xf32>
    %sub3A_2015 = arith.subf %max3A_2013, %mul3A_2014 : vector<8x512xf32>
    %add3A_2016 = arith.addf %add3A_1993, %sub3A_2015 : vector<8x512xf32>
    %add3A_2017 = arith.addf %add3A_1994, %get3A_2000 : vector<8x512xf32>
    %get3A_2018 = arith.constant 704 : index
    %get3A_2019 = arith.constant 0 : index
    %get3A_2020 = vector.load %arg1[%get3A_2018, %get3A_2019] : memref<1792x512xf32, #tpu.memory_space<vmem>>, vector<8x512xf32>
    %get3A_2021 = arith.constant 704 : index
    %get3A_2022 = arith.constant 0 : index
    %get3A_2023 = vector.load %arg2[%get3A_2021, %get3A_2022] : memref<1792x512xf32, #tpu.memory_space<vmem>>, vector<8x512xf32>
    %abs3A_2024 = math.absf %get3A_2020 : vector<8x512xf32>
    %neg3A_2025 = arith.constant 0.000000e+00 : f32
    %neg3A_2026 = vector.broadcast %neg3A_2025 : f32 to vector<8x512xf32>
    %neg3A_2027 = arith.subf %neg3A_2026, %abs3A_2024 : vector<8x512xf32>
    %exp3A_2028 = math.exp %neg3A_2027 : vector<8x512xf32>
    %add3A_2029 = arith.constant 1.000000e+00 : f32
    %add3A_2030 = vector.broadcast %add3A_2029 : f32 to vector<8x512xf32>
    %add3A_2031 = arith.addf %exp3A_2028, %add3A_2030 : vector<8x512xf32>
    %log3A_2032 = math.log %add3A_2031 : vector<8x512xf32>
    %add3A_2033 = arith.addf %add3A_2010, %log3A_2032 : vector<8x512xf32>
    %max3A_2034 = arith.constant 0.000000e+00 : f32
    %max3A_2035 = vector.broadcast %max3A_2034 : f32 to vector<8x512xf32>
    %max3A_2036 = arith.maximumf %get3A_2020, %max3A_2035 : vector<8x512xf32>
    %mul3A_2037 = arith.mulf %get3A_2020, %get3A_2023 : vector<8x512xf32>
    %sub3A_2038 = arith.subf %max3A_2036, %mul3A_2037 : vector<8x512xf32>
    %add3A_2039 = arith.addf %add3A_2016, %sub3A_2038 : vector<8x512xf32>
    %add3A_2040 = arith.addf %add3A_2017, %get3A_2023 : vector<8x512xf32>
    %get3A_2041 = arith.constant 712 : index
    %get3A_2042 = arith.constant 0 : index
    %get3A_2043 = vector.load %arg1[%get3A_2041, %get3A_2042] : memref<1792x512xf32, #tpu.memory_space<vmem>>, vector<8x512xf32>
    %get3A_2044 = arith.constant 712 : index
    %get3A_2045 = arith.constant 0 : index
    %get3A_2046 = vector.load %arg2[%get3A_2044, %get3A_2045] : memref<1792x512xf32, #tpu.memory_space<vmem>>, vector<8x512xf32>
    %abs3A_2047 = math.absf %get3A_2043 : vector<8x512xf32>
    %neg3A_2048 = arith.constant 0.000000e+00 : f32
    %neg3A_2049 = vector.broadcast %neg3A_2048 : f32 to vector<8x512xf32>
    %neg3A_2050 = arith.subf %neg3A_2049, %abs3A_2047 : vector<8x512xf32>
    %exp3A_2051 = math.exp %neg3A_2050 : vector<8x512xf32>
    %add3A_2052 = arith.constant 1.000000e+00 : f32
    %add3A_2053 = vector.broadcast %add3A_2052 : f32 to vector<8x512xf32>
    %add3A_2054 = arith.addf %exp3A_2051, %add3A_2053 : vector<8x512xf32>
    %log3A_2055 = math.log %add3A_2054 : vector<8x512xf32>
    %add3A_2056 = arith.addf %add3A_2033, %log3A_2055 : vector<8x512xf32>
    %max3A_2057 = arith.constant 0.000000e+00 : f32
    %max3A_2058 = vector.broadcast %max3A_2057 : f32 to vector<8x512xf32>
    %max3A_2059 = arith.maximumf %get3A_2043, %max3A_2058 : vector<8x512xf32>
    %mul3A_2060 = arith.mulf %get3A_2043, %get3A_2046 : vector<8x512xf32>
    %sub3A_2061 = arith.subf %max3A_2059, %mul3A_2060 : vector<8x512xf32>
    %add3A_2062 = arith.addf %add3A_2039, %sub3A_2061 : vector<8x512xf32>
    %add3A_2063 = arith.addf %add3A_2040, %get3A_2046 : vector<8x512xf32>
    %get3A_2064 = arith.constant 720 : index
    %get3A_2065 = arith.constant 0 : index
    %get3A_2066 = vector.load %arg1[%get3A_2064, %get3A_2065] : memref<1792x512xf32, #tpu.memory_space<vmem>>, vector<8x512xf32>
    %get3A_2067 = arith.constant 720 : index
    %get3A_2068 = arith.constant 0 : index
    %get3A_2069 = vector.load %arg2[%get3A_2067, %get3A_2068] : memref<1792x512xf32, #tpu.memory_space<vmem>>, vector<8x512xf32>
    %abs3A_2070 = math.absf %get3A_2066 : vector<8x512xf32>
    %neg3A_2071 = arith.constant 0.000000e+00 : f32
    %neg3A_2072 = vector.broadcast %neg3A_2071 : f32 to vector<8x512xf32>
    %neg3A_2073 = arith.subf %neg3A_2072, %abs3A_2070 : vector<8x512xf32>
    %exp3A_2074 = math.exp %neg3A_2073 : vector<8x512xf32>
    %add3A_2075 = arith.constant 1.000000e+00 : f32
    %add3A_2076 = vector.broadcast %add3A_2075 : f32 to vector<8x512xf32>
    %add3A_2077 = arith.addf %exp3A_2074, %add3A_2076 : vector<8x512xf32>
    %log3A_2078 = math.log %add3A_2077 : vector<8x512xf32>
    %add3A_2079 = arith.addf %add3A_2056, %log3A_2078 : vector<8x512xf32>
    %max3A_2080 = arith.constant 0.000000e+00 : f32
    %max3A_2081 = vector.broadcast %max3A_2080 : f32 to vector<8x512xf32>
    %max3A_2082 = arith.maximumf %get3A_2066, %max3A_2081 : vector<8x512xf32>
    %mul3A_2083 = arith.mulf %get3A_2066, %get3A_2069 : vector<8x512xf32>
    %sub3A_2084 = arith.subf %max3A_2082, %mul3A_2083 : vector<8x512xf32>
    %add3A_2085 = arith.addf %add3A_2062, %sub3A_2084 : vector<8x512xf32>
    %add3A_2086 = arith.addf %add3A_2063, %get3A_2069 : vector<8x512xf32>
    %get3A_2087 = arith.constant 728 : index
    %get3A_2088 = arith.constant 0 : index
    %get3A_2089 = vector.load %arg1[%get3A_2087, %get3A_2088] : memref<1792x512xf32, #tpu.memory_space<vmem>>, vector<8x512xf32>
    %get3A_2090 = arith.constant 728 : index
    %get3A_2091 = arith.constant 0 : index
    %get3A_2092 = vector.load %arg2[%get3A_2090, %get3A_2091] : memref<1792x512xf32, #tpu.memory_space<vmem>>, vector<8x512xf32>
    %abs3A_2093 = math.absf %get3A_2089 : vector<8x512xf32>
    %neg3A_2094 = arith.constant 0.000000e+00 : f32
    %neg3A_2095 = vector.broadcast %neg3A_2094 : f32 to vector<8x512xf32>
    %neg3A_2096 = arith.subf %neg3A_2095, %abs3A_2093 : vector<8x512xf32>
    %exp3A_2097 = math.exp %neg3A_2096 : vector<8x512xf32>
    %add3A_2098 = arith.constant 1.000000e+00 : f32
    %add3A_2099 = vector.broadcast %add3A_2098 : f32 to vector<8x512xf32>
    %add3A_2100 = arith.addf %exp3A_2097, %add3A_2099 : vector<8x512xf32>
    %log3A_2101 = math.log %add3A_2100 : vector<8x512xf32>
    %add3A_2102 = arith.addf %add3A_2079, %log3A_2101 : vector<8x512xf32>
    %max3A_2103 = arith.constant 0.000000e+00 : f32
    %max3A_2104 = vector.broadcast %max3A_2103 : f32 to vector<8x512xf32>
    %max3A_2105 = arith.maximumf %get3A_2089, %max3A_2104 : vector<8x512xf32>
    %mul3A_2106 = arith.mulf %get3A_2089, %get3A_2092 : vector<8x512xf32>
    %sub3A_2107 = arith.subf %max3A_2105, %mul3A_2106 : vector<8x512xf32>
    %add3A_2108 = arith.addf %add3A_2085, %sub3A_2107 : vector<8x512xf32>
    %add3A_2109 = arith.addf %add3A_2086, %get3A_2092 : vector<8x512xf32>
    %get3A_2110 = arith.constant 736 : index
    %get3A_2111 = arith.constant 0 : index
    %get3A_2112 = vector.load %arg1[%get3A_2110, %get3A_2111] : memref<1792x512xf32, #tpu.memory_space<vmem>>, vector<8x512xf32>
    %get3A_2113 = arith.constant 736 : index
    %get3A_2114 = arith.constant 0 : index
    %get3A_2115 = vector.load %arg2[%get3A_2113, %get3A_2114] : memref<1792x512xf32, #tpu.memory_space<vmem>>, vector<8x512xf32>
    %abs3A_2116 = math.absf %get3A_2112 : vector<8x512xf32>
    %neg3A_2117 = arith.constant 0.000000e+00 : f32
    %neg3A_2118 = vector.broadcast %neg3A_2117 : f32 to vector<8x512xf32>
    %neg3A_2119 = arith.subf %neg3A_2118, %abs3A_2116 : vector<8x512xf32>
    %exp3A_2120 = math.exp %neg3A_2119 : vector<8x512xf32>
    %add3A_2121 = arith.constant 1.000000e+00 : f32
    %add3A_2122 = vector.broadcast %add3A_2121 : f32 to vector<8x512xf32>
    %add3A_2123 = arith.addf %exp3A_2120, %add3A_2122 : vector<8x512xf32>
    %log3A_2124 = math.log %add3A_2123 : vector<8x512xf32>
    %add3A_2125 = arith.addf %add3A_2102, %log3A_2124 : vector<8x512xf32>
    %max3A_2126 = arith.constant 0.000000e+00 : f32
    %max3A_2127 = vector.broadcast %max3A_2126 : f32 to vector<8x512xf32>
    %max3A_2128 = arith.maximumf %get3A_2112, %max3A_2127 : vector<8x512xf32>
    %mul3A_2129 = arith.mulf %get3A_2112, %get3A_2115 : vector<8x512xf32>
    %sub3A_2130 = arith.subf %max3A_2128, %mul3A_2129 : vector<8x512xf32>
    %add3A_2131 = arith.addf %add3A_2108, %sub3A_2130 : vector<8x512xf32>
    %add3A_2132 = arith.addf %add3A_2109, %get3A_2115 : vector<8x512xf32>
    %get3A_2133 = arith.constant 744 : index
    %get3A_2134 = arith.constant 0 : index
    %get3A_2135 = vector.load %arg1[%get3A_2133, %get3A_2134] : memref<1792x512xf32, #tpu.memory_space<vmem>>, vector<8x512xf32>
    %get3A_2136 = arith.constant 744 : index
    %get3A_2137 = arith.constant 0 : index
    %get3A_2138 = vector.load %arg2[%get3A_2136, %get3A_2137] : memref<1792x512xf32, #tpu.memory_space<vmem>>, vector<8x512xf32>
    %abs3A_2139 = math.absf %get3A_2135 : vector<8x512xf32>
    %neg3A_2140 = arith.constant 0.000000e+00 : f32
    %neg3A_2141 = vector.broadcast %neg3A_2140 : f32 to vector<8x512xf32>
    %neg3A_2142 = arith.subf %neg3A_2141, %abs3A_2139 : vector<8x512xf32>
    %exp3A_2143 = math.exp %neg3A_2142 : vector<8x512xf32>
    %add3A_2144 = arith.constant 1.000000e+00 : f32
    %add3A_2145 = vector.broadcast %add3A_2144 : f32 to vector<8x512xf32>
    %add3A_2146 = arith.addf %exp3A_2143, %add3A_2145 : vector<8x512xf32>
    %log3A_2147 = math.log %add3A_2146 : vector<8x512xf32>
    %add3A_2148 = arith.addf %add3A_2125, %log3A_2147 : vector<8x512xf32>
    %max3A_2149 = arith.constant 0.000000e+00 : f32
    %max3A_2150 = vector.broadcast %max3A_2149 : f32 to vector<8x512xf32>
    %max3A_2151 = arith.maximumf %get3A_2135, %max3A_2150 : vector<8x512xf32>
    %mul3A_2152 = arith.mulf %get3A_2135, %get3A_2138 : vector<8x512xf32>
    %sub3A_2153 = arith.subf %max3A_2151, %mul3A_2152 : vector<8x512xf32>
    %add3A_2154 = arith.addf %add3A_2131, %sub3A_2153 : vector<8x512xf32>
    %add3A_2155 = arith.addf %add3A_2132, %get3A_2138 : vector<8x512xf32>
    %get3A_2156 = arith.constant 752 : index
    %get3A_2157 = arith.constant 0 : index
    %get3A_2158 = vector.load %arg1[%get3A_2156, %get3A_2157] : memref<1792x512xf32, #tpu.memory_space<vmem>>, vector<8x512xf32>
    %get3A_2159 = arith.constant 752 : index
    %get3A_2160 = arith.constant 0 : index
    %get3A_2161 = vector.load %arg2[%get3A_2159, %get3A_2160] : memref<1792x512xf32, #tpu.memory_space<vmem>>, vector<8x512xf32>
    %abs3A_2162 = math.absf %get3A_2158 : vector<8x512xf32>
    %neg3A_2163 = arith.constant 0.000000e+00 : f32
    %neg3A_2164 = vector.broadcast %neg3A_2163 : f32 to vector<8x512xf32>
    %neg3A_2165 = arith.subf %neg3A_2164, %abs3A_2162 : vector<8x512xf32>
    %exp3A_2166 = math.exp %neg3A_2165 : vector<8x512xf32>
    %add3A_2167 = arith.constant 1.000000e+00 : f32
    %add3A_2168 = vector.broadcast %add3A_2167 : f32 to vector<8x512xf32>
    %add3A_2169 = arith.addf %exp3A_2166, %add3A_2168 : vector<8x512xf32>
    %log3A_2170 = math.log %add3A_2169 : vector<8x512xf32>
    %add3A_2171 = arith.addf %add3A_2148, %log3A_2170 : vector<8x512xf32>
    %max3A_2172 = arith.constant 0.000000e+00 : f32
    %max3A_2173 = vector.broadcast %max3A_2172 : f32 to vector<8x512xf32>
    %max3A_2174 = arith.maximumf %get3A_2158, %max3A_2173 : vector<8x512xf32>
    %mul3A_2175 = arith.mulf %get3A_2158, %get3A_2161 : vector<8x512xf32>
    %sub3A_2176 = arith.subf %max3A_2174, %mul3A_2175 : vector<8x512xf32>
    %add3A_2177 = arith.addf %add3A_2154, %sub3A_2176 : vector<8x512xf32>
    %add3A_2178 = arith.addf %add3A_2155, %get3A_2161 : vector<8x512xf32>
    %get3A_2179 = arith.constant 760 : index
    %get3A_2180 = arith.constant 0 : index
    %get3A_2181 = vector.load %arg1[%get3A_2179, %get3A_2180] : memref<1792x512xf32, #tpu.memory_space<vmem>>, vector<8x512xf32>
    %get3A_2182 = arith.constant 760 : index
    %get3A_2183 = arith.constant 0 : index
    %get3A_2184 = vector.load %arg2[%get3A_2182, %get3A_2183] : memref<1792x512xf32, #tpu.memory_space<vmem>>, vector<8x512xf32>
    %abs3A_2185 = math.absf %get3A_2181 : vector<8x512xf32>
    %neg3A_2186 = arith.constant 0.000000e+00 : f32
    %neg3A_2187 = vector.broadcast %neg3A_2186 : f32 to vector<8x512xf32>
    %neg3A_2188 = arith.subf %neg3A_2187, %abs3A_2185 : vector<8x512xf32>
    %exp3A_2189 = math.exp %neg3A_2188 : vector<8x512xf32>
    %add3A_2190 = arith.constant 1.000000e+00 : f32
    %add3A_2191 = vector.broadcast %add3A_2190 : f32 to vector<8x512xf32>
    %add3A_2192 = arith.addf %exp3A_2189, %add3A_2191 : vector<8x512xf32>
    %log3A_2193 = math.log %add3A_2192 : vector<8x512xf32>
    %add3A_2194 = arith.addf %add3A_2171, %log3A_2193 : vector<8x512xf32>
    %max3A_2195 = arith.constant 0.000000e+00 : f32
    %max3A_2196 = vector.broadcast %max3A_2195 : f32 to vector<8x512xf32>
    %max3A_2197 = arith.maximumf %get3A_2181, %max3A_2196 : vector<8x512xf32>
    %mul3A_2198 = arith.mulf %get3A_2181, %get3A_2184 : vector<8x512xf32>
    %sub3A_2199 = arith.subf %max3A_2197, %mul3A_2198 : vector<8x512xf32>
    %add3A_2200 = arith.addf %add3A_2177, %sub3A_2199 : vector<8x512xf32>
    %add3A_2201 = arith.addf %add3A_2178, %get3A_2184 : vector<8x512xf32>
    %get3A_2202 = arith.constant 768 : index
    %get3A_2203 = arith.constant 0 : index
    %get3A_2204 = vector.load %arg1[%get3A_2202, %get3A_2203] : memref<1792x512xf32, #tpu.memory_space<vmem>>, vector<8x512xf32>
    %get3A_2205 = arith.constant 768 : index
    %get3A_2206 = arith.constant 0 : index
    %get3A_2207 = vector.load %arg2[%get3A_2205, %get3A_2206] : memref<1792x512xf32, #tpu.memory_space<vmem>>, vector<8x512xf32>
    %abs3A_2208 = math.absf %get3A_2204 : vector<8x512xf32>
    %neg3A_2209 = arith.constant 0.000000e+00 : f32
    %neg3A_2210 = vector.broadcast %neg3A_2209 : f32 to vector<8x512xf32>
    %neg3A_2211 = arith.subf %neg3A_2210, %abs3A_2208 : vector<8x512xf32>
    %exp3A_2212 = math.exp %neg3A_2211 : vector<8x512xf32>
    %add3A_2213 = arith.constant 1.000000e+00 : f32
    %add3A_2214 = vector.broadcast %add3A_2213 : f32 to vector<8x512xf32>
    %add3A_2215 = arith.addf %exp3A_2212, %add3A_2214 : vector<8x512xf32>
    %log3A_2216 = math.log %add3A_2215 : vector<8x512xf32>
    %add3A_2217 = arith.addf %add3A_2194, %log3A_2216 : vector<8x512xf32>
    %max3A_2218 = arith.constant 0.000000e+00 : f32
    %max3A_2219 = vector.broadcast %max3A_2218 : f32 to vector<8x512xf32>
    %max3A_2220 = arith.maximumf %get3A_2204, %max3A_2219 : vector<8x512xf32>
    %mul3A_2221 = arith.mulf %get3A_2204, %get3A_2207 : vector<8x512xf32>
    %sub3A_2222 = arith.subf %max3A_2220, %mul3A_2221 : vector<8x512xf32>
    %add3A_2223 = arith.addf %add3A_2200, %sub3A_2222 : vector<8x512xf32>
    %add3A_2224 = arith.addf %add3A_2201, %get3A_2207 : vector<8x512xf32>
    %get3A_2225 = arith.constant 776 : index
    %get3A_2226 = arith.constant 0 : index
    %get3A_2227 = vector.load %arg1[%get3A_2225, %get3A_2226] : memref<1792x512xf32, #tpu.memory_space<vmem>>, vector<8x512xf32>
    %get3A_2228 = arith.constant 776 : index
    %get3A_2229 = arith.constant 0 : index
    %get3A_2230 = vector.load %arg2[%get3A_2228, %get3A_2229] : memref<1792x512xf32, #tpu.memory_space<vmem>>, vector<8x512xf32>
    %abs3A_2231 = math.absf %get3A_2227 : vector<8x512xf32>
    %neg3A_2232 = arith.constant 0.000000e+00 : f32
    %neg3A_2233 = vector.broadcast %neg3A_2232 : f32 to vector<8x512xf32>
    %neg3A_2234 = arith.subf %neg3A_2233, %abs3A_2231 : vector<8x512xf32>
    %exp3A_2235 = math.exp %neg3A_2234 : vector<8x512xf32>
    %add3A_2236 = arith.constant 1.000000e+00 : f32
    %add3A_2237 = vector.broadcast %add3A_2236 : f32 to vector<8x512xf32>
    %add3A_2238 = arith.addf %exp3A_2235, %add3A_2237 : vector<8x512xf32>
    %log3A_2239 = math.log %add3A_2238 : vector<8x512xf32>
    %add3A_2240 = arith.addf %add3A_2217, %log3A_2239 : vector<8x512xf32>
    %max3A_2241 = arith.constant 0.000000e+00 : f32
    %max3A_2242 = vector.broadcast %max3A_2241 : f32 to vector<8x512xf32>
    %max3A_2243 = arith.maximumf %get3A_2227, %max3A_2242 : vector<8x512xf32>
    %mul3A_2244 = arith.mulf %get3A_2227, %get3A_2230 : vector<8x512xf32>
    %sub3A_2245 = arith.subf %max3A_2243, %mul3A_2244 : vector<8x512xf32>
    %add3A_2246 = arith.addf %add3A_2223, %sub3A_2245 : vector<8x512xf32>
    %add3A_2247 = arith.addf %add3A_2224, %get3A_2230 : vector<8x512xf32>
    %get3A_2248 = arith.constant 784 : index
    %get3A_2249 = arith.constant 0 : index
    %get3A_2250 = vector.load %arg1[%get3A_2248, %get3A_2249] : memref<1792x512xf32, #tpu.memory_space<vmem>>, vector<8x512xf32>
    %get3A_2251 = arith.constant 784 : index
    %get3A_2252 = arith.constant 0 : index
    %get3A_2253 = vector.load %arg2[%get3A_2251, %get3A_2252] : memref<1792x512xf32, #tpu.memory_space<vmem>>, vector<8x512xf32>
    %abs3A_2254 = math.absf %get3A_2250 : vector<8x512xf32>
    %neg3A_2255 = arith.constant 0.000000e+00 : f32
    %neg3A_2256 = vector.broadcast %neg3A_2255 : f32 to vector<8x512xf32>
    %neg3A_2257 = arith.subf %neg3A_2256, %abs3A_2254 : vector<8x512xf32>
    %exp3A_2258 = math.exp %neg3A_2257 : vector<8x512xf32>
    %add3A_2259 = arith.constant 1.000000e+00 : f32
    %add3A_2260 = vector.broadcast %add3A_2259 : f32 to vector<8x512xf32>
    %add3A_2261 = arith.addf %exp3A_2258, %add3A_2260 : vector<8x512xf32>
    %log3A_2262 = math.log %add3A_2261 : vector<8x512xf32>
    %add3A_2263 = arith.addf %add3A_2240, %log3A_2262 : vector<8x512xf32>
    %max3A_2264 = arith.constant 0.000000e+00 : f32
    %max3A_2265 = vector.broadcast %max3A_2264 : f32 to vector<8x512xf32>
    %max3A_2266 = arith.maximumf %get3A_2250, %max3A_2265 : vector<8x512xf32>
    %mul3A_2267 = arith.mulf %get3A_2250, %get3A_2253 : vector<8x512xf32>
    %sub3A_2268 = arith.subf %max3A_2266, %mul3A_2267 : vector<8x512xf32>
    %add3A_2269 = arith.addf %add3A_2246, %sub3A_2268 : vector<8x512xf32>
    %add3A_2270 = arith.addf %add3A_2247, %get3A_2253 : vector<8x512xf32>
    %get3A_2271 = arith.constant 792 : index
    %get3A_2272 = arith.constant 0 : index
    %get3A_2273 = vector.load %arg1[%get3A_2271, %get3A_2272] : memref<1792x512xf32, #tpu.memory_space<vmem>>, vector<8x512xf32>
    %get3A_2274 = arith.constant 792 : index
    %get3A_2275 = arith.constant 0 : index
    %get3A_2276 = vector.load %arg2[%get3A_2274, %get3A_2275] : memref<1792x512xf32, #tpu.memory_space<vmem>>, vector<8x512xf32>
    %abs3A_2277 = math.absf %get3A_2273 : vector<8x512xf32>
    %neg3A_2278 = arith.constant 0.000000e+00 : f32
    %neg3A_2279 = vector.broadcast %neg3A_2278 : f32 to vector<8x512xf32>
    %neg3A_2280 = arith.subf %neg3A_2279, %abs3A_2277 : vector<8x512xf32>
    %exp3A_2281 = math.exp %neg3A_2280 : vector<8x512xf32>
    %add3A_2282 = arith.constant 1.000000e+00 : f32
    %add3A_2283 = vector.broadcast %add3A_2282 : f32 to vector<8x512xf32>
    %add3A_2284 = arith.addf %exp3A_2281, %add3A_2283 : vector<8x512xf32>
    %log3A_2285 = math.log %add3A_2284 : vector<8x512xf32>
    %add3A_2286 = arith.addf %add3A_2263, %log3A_2285 : vector<8x512xf32>
    %max3A_2287 = arith.constant 0.000000e+00 : f32
    %max3A_2288 = vector.broadcast %max3A_2287 : f32 to vector<8x512xf32>
    %max3A_2289 = arith.maximumf %get3A_2273, %max3A_2288 : vector<8x512xf32>
    %mul3A_2290 = arith.mulf %get3A_2273, %get3A_2276 : vector<8x512xf32>
    %sub3A_2291 = arith.subf %max3A_2289, %mul3A_2290 : vector<8x512xf32>
    %add3A_2292 = arith.addf %add3A_2269, %sub3A_2291 : vector<8x512xf32>
    %add3A_2293 = arith.addf %add3A_2270, %get3A_2276 : vector<8x512xf32>
    %get3A_2294 = arith.constant 800 : index
    %get3A_2295 = arith.constant 0 : index
    %get3A_2296 = vector.load %arg1[%get3A_2294, %get3A_2295] : memref<1792x512xf32, #tpu.memory_space<vmem>>, vector<8x512xf32>
    %get3A_2297 = arith.constant 800 : index
    %get3A_2298 = arith.constant 0 : index
    %get3A_2299 = vector.load %arg2[%get3A_2297, %get3A_2298] : memref<1792x512xf32, #tpu.memory_space<vmem>>, vector<8x512xf32>
    %abs3A_2300 = math.absf %get3A_2296 : vector<8x512xf32>
    %neg3A_2301 = arith.constant 0.000000e+00 : f32
    %neg3A_2302 = vector.broadcast %neg3A_2301 : f32 to vector<8x512xf32>
    %neg3A_2303 = arith.subf %neg3A_2302, %abs3A_2300 : vector<8x512xf32>
    %exp3A_2304 = math.exp %neg3A_2303 : vector<8x512xf32>
    %add3A_2305 = arith.constant 1.000000e+00 : f32
    %add3A_2306 = vector.broadcast %add3A_2305 : f32 to vector<8x512xf32>
    %add3A_2307 = arith.addf %exp3A_2304, %add3A_2306 : vector<8x512xf32>
    %log3A_2308 = math.log %add3A_2307 : vector<8x512xf32>
    %add3A_2309 = arith.addf %add3A_2286, %log3A_2308 : vector<8x512xf32>
    %max3A_2310 = arith.constant 0.000000e+00 : f32
    %max3A_2311 = vector.broadcast %max3A_2310 : f32 to vector<8x512xf32>
    %max3A_2312 = arith.maximumf %get3A_2296, %max3A_2311 : vector<8x512xf32>
    %mul3A_2313 = arith.mulf %get3A_2296, %get3A_2299 : vector<8x512xf32>
    %sub3A_2314 = arith.subf %max3A_2312, %mul3A_2313 : vector<8x512xf32>
    %add3A_2315 = arith.addf %add3A_2292, %sub3A_2314 : vector<8x512xf32>
    %add3A_2316 = arith.addf %add3A_2293, %get3A_2299 : vector<8x512xf32>
    %get3A_2317 = arith.constant 808 : index
    %get3A_2318 = arith.constant 0 : index
    %get3A_2319 = vector.load %arg1[%get3A_2317, %get3A_2318] : memref<1792x512xf32, #tpu.memory_space<vmem>>, vector<8x512xf32>
    %get3A_2320 = arith.constant 808 : index
    %get3A_2321 = arith.constant 0 : index
    %get3A_2322 = vector.load %arg2[%get3A_2320, %get3A_2321] : memref<1792x512xf32, #tpu.memory_space<vmem>>, vector<8x512xf32>
    %abs3A_2323 = math.absf %get3A_2319 : vector<8x512xf32>
    %neg3A_2324 = arith.constant 0.000000e+00 : f32
    %neg3A_2325 = vector.broadcast %neg3A_2324 : f32 to vector<8x512xf32>
    %neg3A_2326 = arith.subf %neg3A_2325, %abs3A_2323 : vector<8x512xf32>
    %exp3A_2327 = math.exp %neg3A_2326 : vector<8x512xf32>
    %add3A_2328 = arith.constant 1.000000e+00 : f32
    %add3A_2329 = vector.broadcast %add3A_2328 : f32 to vector<8x512xf32>
    %add3A_2330 = arith.addf %exp3A_2327, %add3A_2329 : vector<8x512xf32>
    %log3A_2331 = math.log %add3A_2330 : vector<8x512xf32>
    %add3A_2332 = arith.addf %add3A_2309, %log3A_2331 : vector<8x512xf32>
    %max3A_2333 = arith.constant 0.000000e+00 : f32
    %max3A_2334 = vector.broadcast %max3A_2333 : f32 to vector<8x512xf32>
    %max3A_2335 = arith.maximumf %get3A_2319, %max3A_2334 : vector<8x512xf32>
    %mul3A_2336 = arith.mulf %get3A_2319, %get3A_2322 : vector<8x512xf32>
    %sub3A_2337 = arith.subf %max3A_2335, %mul3A_2336 : vector<8x512xf32>
    %add3A_2338 = arith.addf %add3A_2315, %sub3A_2337 : vector<8x512xf32>
    %add3A_2339 = arith.addf %add3A_2316, %get3A_2322 : vector<8x512xf32>
    %get3A_2340 = arith.constant 816 : index
    %get3A_2341 = arith.constant 0 : index
    %get3A_2342 = vector.load %arg1[%get3A_2340, %get3A_2341] : memref<1792x512xf32, #tpu.memory_space<vmem>>, vector<8x512xf32>
    %get3A_2343 = arith.constant 816 : index
    %get3A_2344 = arith.constant 0 : index
    %get3A_2345 = vector.load %arg2[%get3A_2343, %get3A_2344] : memref<1792x512xf32, #tpu.memory_space<vmem>>, vector<8x512xf32>
    %abs3A_2346 = math.absf %get3A_2342 : vector<8x512xf32>
    %neg3A_2347 = arith.constant 0.000000e+00 : f32
    %neg3A_2348 = vector.broadcast %neg3A_2347 : f32 to vector<8x512xf32>
    %neg3A_2349 = arith.subf %neg3A_2348, %abs3A_2346 : vector<8x512xf32>
    %exp3A_2350 = math.exp %neg3A_2349 : vector<8x512xf32>
    %add3A_2351 = arith.constant 1.000000e+00 : f32
    %add3A_2352 = vector.broadcast %add3A_2351 : f32 to vector<8x512xf32>
    %add3A_2353 = arith.addf %exp3A_2350, %add3A_2352 : vector<8x512xf32>
    %log3A_2354 = math.log %add3A_2353 : vector<8x512xf32>
    %add3A_2355 = arith.addf %add3A_2332, %log3A_2354 : vector<8x512xf32>
    %max3A_2356 = arith.constant 0.000000e+00 : f32
    %max3A_2357 = vector.broadcast %max3A_2356 : f32 to vector<8x512xf32>
    %max3A_2358 = arith.maximumf %get3A_2342, %max3A_2357 : vector<8x512xf32>
    %mul3A_2359 = arith.mulf %get3A_2342, %get3A_2345 : vector<8x512xf32>
    %sub3A_2360 = arith.subf %max3A_2358, %mul3A_2359 : vector<8x512xf32>
    %add3A_2361 = arith.addf %add3A_2338, %sub3A_2360 : vector<8x512xf32>
    %add3A_2362 = arith.addf %add3A_2339, %get3A_2345 : vector<8x512xf32>
    %get3A_2363 = arith.constant 824 : index
    %get3A_2364 = arith.constant 0 : index
    %get3A_2365 = vector.load %arg1[%get3A_2363, %get3A_2364] : memref<1792x512xf32, #tpu.memory_space<vmem>>, vector<8x512xf32>
    %get3A_2366 = arith.constant 824 : index
    %get3A_2367 = arith.constant 0 : index
    %get3A_2368 = vector.load %arg2[%get3A_2366, %get3A_2367] : memref<1792x512xf32, #tpu.memory_space<vmem>>, vector<8x512xf32>
    %abs3A_2369 = math.absf %get3A_2365 : vector<8x512xf32>
    %neg3A_2370 = arith.constant 0.000000e+00 : f32
    %neg3A_2371 = vector.broadcast %neg3A_2370 : f32 to vector<8x512xf32>
    %neg3A_2372 = arith.subf %neg3A_2371, %abs3A_2369 : vector<8x512xf32>
    %exp3A_2373 = math.exp %neg3A_2372 : vector<8x512xf32>
    %add3A_2374 = arith.constant 1.000000e+00 : f32
    %add3A_2375 = vector.broadcast %add3A_2374 : f32 to vector<8x512xf32>
    %add3A_2376 = arith.addf %exp3A_2373, %add3A_2375 : vector<8x512xf32>
    %log3A_2377 = math.log %add3A_2376 : vector<8x512xf32>
    %add3A_2378 = arith.addf %add3A_2355, %log3A_2377 : vector<8x512xf32>
    %max3A_2379 = arith.constant 0.000000e+00 : f32
    %max3A_2380 = vector.broadcast %max3A_2379 : f32 to vector<8x512xf32>
    %max3A_2381 = arith.maximumf %get3A_2365, %max3A_2380 : vector<8x512xf32>
    %mul3A_2382 = arith.mulf %get3A_2365, %get3A_2368 : vector<8x512xf32>
    %sub3A_2383 = arith.subf %max3A_2381, %mul3A_2382 : vector<8x512xf32>
    %add3A_2384 = arith.addf %add3A_2361, %sub3A_2383 : vector<8x512xf32>
    %add3A_2385 = arith.addf %add3A_2362, %get3A_2368 : vector<8x512xf32>
    %get3A_2386 = arith.constant 832 : index
    %get3A_2387 = arith.constant 0 : index
    %get3A_2388 = vector.load %arg1[%get3A_2386, %get3A_2387] : memref<1792x512xf32, #tpu.memory_space<vmem>>, vector<8x512xf32>
    %get3A_2389 = arith.constant 832 : index
    %get3A_2390 = arith.constant 0 : index
    %get3A_2391 = vector.load %arg2[%get3A_2389, %get3A_2390] : memref<1792x512xf32, #tpu.memory_space<vmem>>, vector<8x512xf32>
    %abs3A_2392 = math.absf %get3A_2388 : vector<8x512xf32>
    %neg3A_2393 = arith.constant 0.000000e+00 : f32
    %neg3A_2394 = vector.broadcast %neg3A_2393 : f32 to vector<8x512xf32>
    %neg3A_2395 = arith.subf %neg3A_2394, %abs3A_2392 : vector<8x512xf32>
    %exp3A_2396 = math.exp %neg3A_2395 : vector<8x512xf32>
    %add3A_2397 = arith.constant 1.000000e+00 : f32
    %add3A_2398 = vector.broadcast %add3A_2397 : f32 to vector<8x512xf32>
    %add3A_2399 = arith.addf %exp3A_2396, %add3A_2398 : vector<8x512xf32>
    %log3A_2400 = math.log %add3A_2399 : vector<8x512xf32>
    %add3A_2401 = arith.addf %add3A_2378, %log3A_2400 : vector<8x512xf32>
    %max3A_2402 = arith.constant 0.000000e+00 : f32
    %max3A_2403 = vector.broadcast %max3A_2402 : f32 to vector<8x512xf32>
    %max3A_2404 = arith.maximumf %get3A_2388, %max3A_2403 : vector<8x512xf32>
    %mul3A_2405 = arith.mulf %get3A_2388, %get3A_2391 : vector<8x512xf32>
    %sub3A_2406 = arith.subf %max3A_2404, %mul3A_2405 : vector<8x512xf32>
    %add3A_2407 = arith.addf %add3A_2384, %sub3A_2406 : vector<8x512xf32>
    %add3A_2408 = arith.addf %add3A_2385, %get3A_2391 : vector<8x512xf32>
    %get3A_2409 = arith.constant 840 : index
    %get3A_2410 = arith.constant 0 : index
    %get3A_2411 = vector.load %arg1[%get3A_2409, %get3A_2410] : memref<1792x512xf32, #tpu.memory_space<vmem>>, vector<8x512xf32>
    %get3A_2412 = arith.constant 840 : index
    %get3A_2413 = arith.constant 0 : index
    %get3A_2414 = vector.load %arg2[%get3A_2412, %get3A_2413] : memref<1792x512xf32, #tpu.memory_space<vmem>>, vector<8x512xf32>
    %abs3A_2415 = math.absf %get3A_2411 : vector<8x512xf32>
    %neg3A_2416 = arith.constant 0.000000e+00 : f32
    %neg3A_2417 = vector.broadcast %neg3A_2416 : f32 to vector<8x512xf32>
    %neg3A_2418 = arith.subf %neg3A_2417, %abs3A_2415 : vector<8x512xf32>
    %exp3A_2419 = math.exp %neg3A_2418 : vector<8x512xf32>
    %add3A_2420 = arith.constant 1.000000e+00 : f32
    %add3A_2421 = vector.broadcast %add3A_2420 : f32 to vector<8x512xf32>
    %add3A_2422 = arith.addf %exp3A_2419, %add3A_2421 : vector<8x512xf32>
    %log3A_2423 = math.log %add3A_2422 : vector<8x512xf32>
    %add3A_2424 = arith.addf %add3A_2401, %log3A_2423 : vector<8x512xf32>
    %max3A_2425 = arith.constant 0.000000e+00 : f32
    %max3A_2426 = vector.broadcast %max3A_2425 : f32 to vector<8x512xf32>
    %max3A_2427 = arith.maximumf %get3A_2411, %max3A_2426 : vector<8x512xf32>
    %mul3A_2428 = arith.mulf %get3A_2411, %get3A_2414 : vector<8x512xf32>
    %sub3A_2429 = arith.subf %max3A_2427, %mul3A_2428 : vector<8x512xf32>
    %add3A_2430 = arith.addf %add3A_2407, %sub3A_2429 : vector<8x512xf32>
    %add3A_2431 = arith.addf %add3A_2408, %get3A_2414 : vector<8x512xf32>
    %get3A_2432 = arith.constant 848 : index
    %get3A_2433 = arith.constant 0 : index
    %get3A_2434 = vector.load %arg1[%get3A_2432, %get3A_2433] : memref<1792x512xf32, #tpu.memory_space<vmem>>, vector<8x512xf32>
    %get3A_2435 = arith.constant 848 : index
    %get3A_2436 = arith.constant 0 : index
    %get3A_2437 = vector.load %arg2[%get3A_2435, %get3A_2436] : memref<1792x512xf32, #tpu.memory_space<vmem>>, vector<8x512xf32>
    %abs3A_2438 = math.absf %get3A_2434 : vector<8x512xf32>
    %neg3A_2439 = arith.constant 0.000000e+00 : f32
    %neg3A_2440 = vector.broadcast %neg3A_2439 : f32 to vector<8x512xf32>
    %neg3A_2441 = arith.subf %neg3A_2440, %abs3A_2438 : vector<8x512xf32>
    %exp3A_2442 = math.exp %neg3A_2441 : vector<8x512xf32>
    %add3A_2443 = arith.constant 1.000000e+00 : f32
    %add3A_2444 = vector.broadcast %add3A_2443 : f32 to vector<8x512xf32>
    %add3A_2445 = arith.addf %exp3A_2442, %add3A_2444 : vector<8x512xf32>
    %log3A_2446 = math.log %add3A_2445 : vector<8x512xf32>
    %add3A_2447 = arith.addf %add3A_2424, %log3A_2446 : vector<8x512xf32>
    %max3A_2448 = arith.constant 0.000000e+00 : f32
    %max3A_2449 = vector.broadcast %max3A_2448 : f32 to vector<8x512xf32>
    %max3A_2450 = arith.maximumf %get3A_2434, %max3A_2449 : vector<8x512xf32>
    %mul3A_2451 = arith.mulf %get3A_2434, %get3A_2437 : vector<8x512xf32>
    %sub3A_2452 = arith.subf %max3A_2450, %mul3A_2451 : vector<8x512xf32>
    %add3A_2453 = arith.addf %add3A_2430, %sub3A_2452 : vector<8x512xf32>
    %add3A_2454 = arith.addf %add3A_2431, %get3A_2437 : vector<8x512xf32>
    %get3A_2455 = arith.constant 856 : index
    %get3A_2456 = arith.constant 0 : index
    %get3A_2457 = vector.load %arg1[%get3A_2455, %get3A_2456] : memref<1792x512xf32, #tpu.memory_space<vmem>>, vector<8x512xf32>
    %get3A_2458 = arith.constant 856 : index
    %get3A_2459 = arith.constant 0 : index
    %get3A_2460 = vector.load %arg2[%get3A_2458, %get3A_2459] : memref<1792x512xf32, #tpu.memory_space<vmem>>, vector<8x512xf32>
    %abs3A_2461 = math.absf %get3A_2457 : vector<8x512xf32>
    %neg3A_2462 = arith.constant 0.000000e+00 : f32
    %neg3A_2463 = vector.broadcast %neg3A_2462 : f32 to vector<8x512xf32>
    %neg3A_2464 = arith.subf %neg3A_2463, %abs3A_2461 : vector<8x512xf32>
    %exp3A_2465 = math.exp %neg3A_2464 : vector<8x512xf32>
    %add3A_2466 = arith.constant 1.000000e+00 : f32
    %add3A_2467 = vector.broadcast %add3A_2466 : f32 to vector<8x512xf32>
    %add3A_2468 = arith.addf %exp3A_2465, %add3A_2467 : vector<8x512xf32>
    %log3A_2469 = math.log %add3A_2468 : vector<8x512xf32>
    %add3A_2470 = arith.addf %add3A_2447, %log3A_2469 : vector<8x512xf32>
    %max3A_2471 = arith.constant 0.000000e+00 : f32
    %max3A_2472 = vector.broadcast %max3A_2471 : f32 to vector<8x512xf32>
    %max3A_2473 = arith.maximumf %get3A_2457, %max3A_2472 : vector<8x512xf32>
    %mul3A_2474 = arith.mulf %get3A_2457, %get3A_2460 : vector<8x512xf32>
    %sub3A_2475 = arith.subf %max3A_2473, %mul3A_2474 : vector<8x512xf32>
    %add3A_2476 = arith.addf %add3A_2453, %sub3A_2475 : vector<8x512xf32>
    %add3A_2477 = arith.addf %add3A_2454, %get3A_2460 : vector<8x512xf32>
    %get3A_2478 = arith.constant 864 : index
    %get3A_2479 = arith.constant 0 : index
    %get3A_2480 = vector.load %arg1[%get3A_2478, %get3A_2479] : memref<1792x512xf32, #tpu.memory_space<vmem>>, vector<8x512xf32>
    %get3A_2481 = arith.constant 864 : index
    %get3A_2482 = arith.constant 0 : index
    %get3A_2483 = vector.load %arg2[%get3A_2481, %get3A_2482] : memref<1792x512xf32, #tpu.memory_space<vmem>>, vector<8x512xf32>
    %abs3A_2484 = math.absf %get3A_2480 : vector<8x512xf32>
    %neg3A_2485 = arith.constant 0.000000e+00 : f32
    %neg3A_2486 = vector.broadcast %neg3A_2485 : f32 to vector<8x512xf32>
    %neg3A_2487 = arith.subf %neg3A_2486, %abs3A_2484 : vector<8x512xf32>
    %exp3A_2488 = math.exp %neg3A_2487 : vector<8x512xf32>
    %add3A_2489 = arith.constant 1.000000e+00 : f32
    %add3A_2490 = vector.broadcast %add3A_2489 : f32 to vector<8x512xf32>
    %add3A_2491 = arith.addf %exp3A_2488, %add3A_2490 : vector<8x512xf32>
    %log3A_2492 = math.log %add3A_2491 : vector<8x512xf32>
    %add3A_2493 = arith.addf %add3A_2470, %log3A_2492 : vector<8x512xf32>
    %max3A_2494 = arith.constant 0.000000e+00 : f32
    %max3A_2495 = vector.broadcast %max3A_2494 : f32 to vector<8x512xf32>
    %max3A_2496 = arith.maximumf %get3A_2480, %max3A_2495 : vector<8x512xf32>
    %mul3A_2497 = arith.mulf %get3A_2480, %get3A_2483 : vector<8x512xf32>
    %sub3A_2498 = arith.subf %max3A_2496, %mul3A_2497 : vector<8x512xf32>
    %add3A_2499 = arith.addf %add3A_2476, %sub3A_2498 : vector<8x512xf32>
    %add3A_2500 = arith.addf %add3A_2477, %get3A_2483 : vector<8x512xf32>
    %get3A_2501 = arith.constant 872 : index
    %get3A_2502 = arith.constant 0 : index
    %get3A_2503 = vector.load %arg1[%get3A_2501, %get3A_2502] : memref<1792x512xf32, #tpu.memory_space<vmem>>, vector<8x512xf32>
    %get3A_2504 = arith.constant 872 : index
    %get3A_2505 = arith.constant 0 : index
    %get3A_2506 = vector.load %arg2[%get3A_2504, %get3A_2505] : memref<1792x512xf32, #tpu.memory_space<vmem>>, vector<8x512xf32>
    %abs3A_2507 = math.absf %get3A_2503 : vector<8x512xf32>
    %neg3A_2508 = arith.constant 0.000000e+00 : f32
    %neg3A_2509 = vector.broadcast %neg3A_2508 : f32 to vector<8x512xf32>
    %neg3A_2510 = arith.subf %neg3A_2509, %abs3A_2507 : vector<8x512xf32>
    %exp3A_2511 = math.exp %neg3A_2510 : vector<8x512xf32>
    %add3A_2512 = arith.constant 1.000000e+00 : f32
    %add3A_2513 = vector.broadcast %add3A_2512 : f32 to vector<8x512xf32>
    %add3A_2514 = arith.addf %exp3A_2511, %add3A_2513 : vector<8x512xf32>
    %log3A_2515 = math.log %add3A_2514 : vector<8x512xf32>
    %add3A_2516 = arith.addf %add3A_2493, %log3A_2515 : vector<8x512xf32>
    %max3A_2517 = arith.constant 0.000000e+00 : f32
    %max3A_2518 = vector.broadcast %max3A_2517 : f32 to vector<8x512xf32>
    %max3A_2519 = arith.maximumf %get3A_2503, %max3A_2518 : vector<8x512xf32>
    %mul3A_2520 = arith.mulf %get3A_2503, %get3A_2506 : vector<8x512xf32>
    %sub3A_2521 = arith.subf %max3A_2519, %mul3A_2520 : vector<8x512xf32>
    %add3A_2522 = arith.addf %add3A_2499, %sub3A_2521 : vector<8x512xf32>
    %add3A_2523 = arith.addf %add3A_2500, %get3A_2506 : vector<8x512xf32>
    %get3A_2524 = arith.constant 880 : index
    %get3A_2525 = arith.constant 0 : index
    %get3A_2526 = vector.load %arg1[%get3A_2524, %get3A_2525] : memref<1792x512xf32, #tpu.memory_space<vmem>>, vector<8x512xf32>
    %get3A_2527 = arith.constant 880 : index
    %get3A_2528 = arith.constant 0 : index
    %get3A_2529 = vector.load %arg2[%get3A_2527, %get3A_2528] : memref<1792x512xf32, #tpu.memory_space<vmem>>, vector<8x512xf32>
    %abs3A_2530 = math.absf %get3A_2526 : vector<8x512xf32>
    %neg3A_2531 = arith.constant 0.000000e+00 : f32
    %neg3A_2532 = vector.broadcast %neg3A_2531 : f32 to vector<8x512xf32>
    %neg3A_2533 = arith.subf %neg3A_2532, %abs3A_2530 : vector<8x512xf32>
    %exp3A_2534 = math.exp %neg3A_2533 : vector<8x512xf32>
    %add3A_2535 = arith.constant 1.000000e+00 : f32
    %add3A_2536 = vector.broadcast %add3A_2535 : f32 to vector<8x512xf32>
    %add3A_2537 = arith.addf %exp3A_2534, %add3A_2536 : vector<8x512xf32>
    %log3A_2538 = math.log %add3A_2537 : vector<8x512xf32>
    %add3A_2539 = arith.addf %add3A_2516, %log3A_2538 : vector<8x512xf32>
    %max3A_2540 = arith.constant 0.000000e+00 : f32
    %max3A_2541 = vector.broadcast %max3A_2540 : f32 to vector<8x512xf32>
    %max3A_2542 = arith.maximumf %get3A_2526, %max3A_2541 : vector<8x512xf32>
    %mul3A_2543 = arith.mulf %get3A_2526, %get3A_2529 : vector<8x512xf32>
    %sub3A_2544 = arith.subf %max3A_2542, %mul3A_2543 : vector<8x512xf32>
    %add3A_2545 = arith.addf %add3A_2522, %sub3A_2544 : vector<8x512xf32>
    %add3A_2546 = arith.addf %add3A_2523, %get3A_2529 : vector<8x512xf32>
    %get3A_2547 = arith.constant 888 : index
    %get3A_2548 = arith.constant 0 : index
    %get3A_2549 = vector.load %arg1[%get3A_2547, %get3A_2548] : memref<1792x512xf32, #tpu.memory_space<vmem>>, vector<8x512xf32>
    %get3A_2550 = arith.constant 888 : index
    %get3A_2551 = arith.constant 0 : index
    %get3A_2552 = vector.load %arg2[%get3A_2550, %get3A_2551] : memref<1792x512xf32, #tpu.memory_space<vmem>>, vector<8x512xf32>
    %abs3A_2553 = math.absf %get3A_2549 : vector<8x512xf32>
    %neg3A_2554 = arith.constant 0.000000e+00 : f32
    %neg3A_2555 = vector.broadcast %neg3A_2554 : f32 to vector<8x512xf32>
    %neg3A_2556 = arith.subf %neg3A_2555, %abs3A_2553 : vector<8x512xf32>
    %exp3A_2557 = math.exp %neg3A_2556 : vector<8x512xf32>
    %add3A_2558 = arith.constant 1.000000e+00 : f32
    %add3A_2559 = vector.broadcast %add3A_2558 : f32 to vector<8x512xf32>
    %add3A_2560 = arith.addf %exp3A_2557, %add3A_2559 : vector<8x512xf32>
    %log3A_2561 = math.log %add3A_2560 : vector<8x512xf32>
    %add3A_2562 = arith.addf %add3A_2539, %log3A_2561 : vector<8x512xf32>
    %max3A_2563 = arith.constant 0.000000e+00 : f32
    %max3A_2564 = vector.broadcast %max3A_2563 : f32 to vector<8x512xf32>
    %max3A_2565 = arith.maximumf %get3A_2549, %max3A_2564 : vector<8x512xf32>
    %mul3A_2566 = arith.mulf %get3A_2549, %get3A_2552 : vector<8x512xf32>
    %sub3A_2567 = arith.subf %max3A_2565, %mul3A_2566 : vector<8x512xf32>
    %add3A_2568 = arith.addf %add3A_2545, %sub3A_2567 : vector<8x512xf32>
    %add3A_2569 = arith.addf %add3A_2546, %get3A_2552 : vector<8x512xf32>
    %get3A_2570 = arith.constant 896 : index
    %get3A_2571 = arith.constant 0 : index
    %get3A_2572 = vector.load %arg1[%get3A_2570, %get3A_2571] : memref<1792x512xf32, #tpu.memory_space<vmem>>, vector<8x512xf32>
    %get3A_2573 = arith.constant 896 : index
    %get3A_2574 = arith.constant 0 : index
    %get3A_2575 = vector.load %arg2[%get3A_2573, %get3A_2574] : memref<1792x512xf32, #tpu.memory_space<vmem>>, vector<8x512xf32>
    %abs3A_2576 = math.absf %get3A_2572 : vector<8x512xf32>
    %neg3A_2577 = arith.constant 0.000000e+00 : f32
    %neg3A_2578 = vector.broadcast %neg3A_2577 : f32 to vector<8x512xf32>
    %neg3A_2579 = arith.subf %neg3A_2578, %abs3A_2576 : vector<8x512xf32>
    %exp3A_2580 = math.exp %neg3A_2579 : vector<8x512xf32>
    %add3A_2581 = arith.constant 1.000000e+00 : f32
    %add3A_2582 = vector.broadcast %add3A_2581 : f32 to vector<8x512xf32>
    %add3A_2583 = arith.addf %exp3A_2580, %add3A_2582 : vector<8x512xf32>
    %log3A_2584 = math.log %add3A_2583 : vector<8x512xf32>
    %add3A_2585 = arith.addf %add3A_2562, %log3A_2584 : vector<8x512xf32>
    %max3A_2586 = arith.constant 0.000000e+00 : f32
    %max3A_2587 = vector.broadcast %max3A_2586 : f32 to vector<8x512xf32>
    %max3A_2588 = arith.maximumf %get3A_2572, %max3A_2587 : vector<8x512xf32>
    %mul3A_2589 = arith.mulf %get3A_2572, %get3A_2575 : vector<8x512xf32>
    %sub3A_2590 = arith.subf %max3A_2588, %mul3A_2589 : vector<8x512xf32>
    %add3A_2591 = arith.addf %add3A_2568, %sub3A_2590 : vector<8x512xf32>
    %add3A_2592 = arith.addf %add3A_2569, %get3A_2575 : vector<8x512xf32>
    %get3A_2593 = arith.constant 904 : index
    %get3A_2594 = arith.constant 0 : index
    %get3A_2595 = vector.load %arg1[%get3A_2593, %get3A_2594] : memref<1792x512xf32, #tpu.memory_space<vmem>>, vector<8x512xf32>
    %get3A_2596 = arith.constant 904 : index
    %get3A_2597 = arith.constant 0 : index
    %get3A_2598 = vector.load %arg2[%get3A_2596, %get3A_2597] : memref<1792x512xf32, #tpu.memory_space<vmem>>, vector<8x512xf32>
    %abs3A_2599 = math.absf %get3A_2595 : vector<8x512xf32>
    %neg3A_2600 = arith.constant 0.000000e+00 : f32
    %neg3A_2601 = vector.broadcast %neg3A_2600 : f32 to vector<8x512xf32>
    %neg3A_2602 = arith.subf %neg3A_2601, %abs3A_2599 : vector<8x512xf32>
    %exp3A_2603 = math.exp %neg3A_2602 : vector<8x512xf32>
    %add3A_2604 = arith.constant 1.000000e+00 : f32
    %add3A_2605 = vector.broadcast %add3A_2604 : f32 to vector<8x512xf32>
    %add3A_2606 = arith.addf %exp3A_2603, %add3A_2605 : vector<8x512xf32>
    %log3A_2607 = math.log %add3A_2606 : vector<8x512xf32>
    %add3A_2608 = arith.addf %add3A_2585, %log3A_2607 : vector<8x512xf32>
    %max3A_2609 = arith.constant 0.000000e+00 : f32
    %max3A_2610 = vector.broadcast %max3A_2609 : f32 to vector<8x512xf32>
    %max3A_2611 = arith.maximumf %get3A_2595, %max3A_2610 : vector<8x512xf32>
    %mul3A_2612 = arith.mulf %get3A_2595, %get3A_2598 : vector<8x512xf32>
    %sub3A_2613 = arith.subf %max3A_2611, %mul3A_2612 : vector<8x512xf32>
    %add3A_2614 = arith.addf %add3A_2591, %sub3A_2613 : vector<8x512xf32>
    %add3A_2615 = arith.addf %add3A_2592, %get3A_2598 : vector<8x512xf32>
    %get3A_2616 = arith.constant 912 : index
    %get3A_2617 = arith.constant 0 : index
    %get3A_2618 = vector.load %arg1[%get3A_2616, %get3A_2617] : memref<1792x512xf32, #tpu.memory_space<vmem>>, vector<8x512xf32>
    %get3A_2619 = arith.constant 912 : index
    %get3A_2620 = arith.constant 0 : index
    %get3A_2621 = vector.load %arg2[%get3A_2619, %get3A_2620] : memref<1792x512xf32, #tpu.memory_space<vmem>>, vector<8x512xf32>
    %abs3A_2622 = math.absf %get3A_2618 : vector<8x512xf32>
    %neg3A_2623 = arith.constant 0.000000e+00 : f32
    %neg3A_2624 = vector.broadcast %neg3A_2623 : f32 to vector<8x512xf32>
    %neg3A_2625 = arith.subf %neg3A_2624, %abs3A_2622 : vector<8x512xf32>
    %exp3A_2626 = math.exp %neg3A_2625 : vector<8x512xf32>
    %add3A_2627 = arith.constant 1.000000e+00 : f32
    %add3A_2628 = vector.broadcast %add3A_2627 : f32 to vector<8x512xf32>
    %add3A_2629 = arith.addf %exp3A_2626, %add3A_2628 : vector<8x512xf32>
    %log3A_2630 = math.log %add3A_2629 : vector<8x512xf32>
    %add3A_2631 = arith.addf %add3A_2608, %log3A_2630 : vector<8x512xf32>
    %max3A_2632 = arith.constant 0.000000e+00 : f32
    %max3A_2633 = vector.broadcast %max3A_2632 : f32 to vector<8x512xf32>
    %max3A_2634 = arith.maximumf %get3A_2618, %max3A_2633 : vector<8x512xf32>
    %mul3A_2635 = arith.mulf %get3A_2618, %get3A_2621 : vector<8x512xf32>
    %sub3A_2636 = arith.subf %max3A_2634, %mul3A_2635 : vector<8x512xf32>
    %add3A_2637 = arith.addf %add3A_2614, %sub3A_2636 : vector<8x512xf32>
    %add3A_2638 = arith.addf %add3A_2615, %get3A_2621 : vector<8x512xf32>
    %get3A_2639 = arith.constant 920 : index
    %get3A_2640 = arith.constant 0 : index
    %get3A_2641 = vector.load %arg1[%get3A_2639, %get3A_2640] : memref<1792x512xf32, #tpu.memory_space<vmem>>, vector<8x512xf32>
    %get3A_2642 = arith.constant 920 : index
    %get3A_2643 = arith.constant 0 : index
    %get3A_2644 = vector.load %arg2[%get3A_2642, %get3A_2643] : memref<1792x512xf32, #tpu.memory_space<vmem>>, vector<8x512xf32>
    %abs3A_2645 = math.absf %get3A_2641 : vector<8x512xf32>
    %neg3A_2646 = arith.constant 0.000000e+00 : f32
    %neg3A_2647 = vector.broadcast %neg3A_2646 : f32 to vector<8x512xf32>
    %neg3A_2648 = arith.subf %neg3A_2647, %abs3A_2645 : vector<8x512xf32>
    %exp3A_2649 = math.exp %neg3A_2648 : vector<8x512xf32>
    %add3A_2650 = arith.constant 1.000000e+00 : f32
    %add3A_2651 = vector.broadcast %add3A_2650 : f32 to vector<8x512xf32>
    %add3A_2652 = arith.addf %exp3A_2649, %add3A_2651 : vector<8x512xf32>
    %log3A_2653 = math.log %add3A_2652 : vector<8x512xf32>
    %add3A_2654 = arith.addf %add3A_2631, %log3A_2653 : vector<8x512xf32>
    %max3A_2655 = arith.constant 0.000000e+00 : f32
    %max3A_2656 = vector.broadcast %max3A_2655 : f32 to vector<8x512xf32>
    %max3A_2657 = arith.maximumf %get3A_2641, %max3A_2656 : vector<8x512xf32>
    %mul3A_2658 = arith.mulf %get3A_2641, %get3A_2644 : vector<8x512xf32>
    %sub3A_2659 = arith.subf %max3A_2657, %mul3A_2658 : vector<8x512xf32>
    %add3A_2660 = arith.addf %add3A_2637, %sub3A_2659 : vector<8x512xf32>
    %add3A_2661 = arith.addf %add3A_2638, %get3A_2644 : vector<8x512xf32>
    %get3A_2662 = arith.constant 928 : index
    %get3A_2663 = arith.constant 0 : index
    %get3A_2664 = vector.load %arg1[%get3A_2662, %get3A_2663] : memref<1792x512xf32, #tpu.memory_space<vmem>>, vector<8x512xf32>
    %get3A_2665 = arith.constant 928 : index
    %get3A_2666 = arith.constant 0 : index
    %get3A_2667 = vector.load %arg2[%get3A_2665, %get3A_2666] : memref<1792x512xf32, #tpu.memory_space<vmem>>, vector<8x512xf32>
    %abs3A_2668 = math.absf %get3A_2664 : vector<8x512xf32>
    %neg3A_2669 = arith.constant 0.000000e+00 : f32
    %neg3A_2670 = vector.broadcast %neg3A_2669 : f32 to vector<8x512xf32>
    %neg3A_2671 = arith.subf %neg3A_2670, %abs3A_2668 : vector<8x512xf32>
    %exp3A_2672 = math.exp %neg3A_2671 : vector<8x512xf32>
    %add3A_2673 = arith.constant 1.000000e+00 : f32
    %add3A_2674 = vector.broadcast %add3A_2673 : f32 to vector<8x512xf32>
    %add3A_2675 = arith.addf %exp3A_2672, %add3A_2674 : vector<8x512xf32>
    %log3A_2676 = math.log %add3A_2675 : vector<8x512xf32>
    %add3A_2677 = arith.addf %add3A_2654, %log3A_2676 : vector<8x512xf32>
    %max3A_2678 = arith.constant 0.000000e+00 : f32
    %max3A_2679 = vector.broadcast %max3A_2678 : f32 to vector<8x512xf32>
    %max3A_2680 = arith.maximumf %get3A_2664, %max3A_2679 : vector<8x512xf32>
    %mul3A_2681 = arith.mulf %get3A_2664, %get3A_2667 : vector<8x512xf32>
    %sub3A_2682 = arith.subf %max3A_2680, %mul3A_2681 : vector<8x512xf32>
    %add3A_2683 = arith.addf %add3A_2660, %sub3A_2682 : vector<8x512xf32>
    %add3A_2684 = arith.addf %add3A_2661, %get3A_2667 : vector<8x512xf32>
    %get3A_2685 = arith.constant 936 : index
    %get3A_2686 = arith.constant 0 : index
    %get3A_2687 = vector.load %arg1[%get3A_2685, %get3A_2686] : memref<1792x512xf32, #tpu.memory_space<vmem>>, vector<8x512xf32>
    %get3A_2688 = arith.constant 936 : index
    %get3A_2689 = arith.constant 0 : index
    %get3A_2690 = vector.load %arg2[%get3A_2688, %get3A_2689] : memref<1792x512xf32, #tpu.memory_space<vmem>>, vector<8x512xf32>
    %abs3A_2691 = math.absf %get3A_2687 : vector<8x512xf32>
    %neg3A_2692 = arith.constant 0.000000e+00 : f32
    %neg3A_2693 = vector.broadcast %neg3A_2692 : f32 to vector<8x512xf32>
    %neg3A_2694 = arith.subf %neg3A_2693, %abs3A_2691 : vector<8x512xf32>
    %exp3A_2695 = math.exp %neg3A_2694 : vector<8x512xf32>
    %add3A_2696 = arith.constant 1.000000e+00 : f32
    %add3A_2697 = vector.broadcast %add3A_2696 : f32 to vector<8x512xf32>
    %add3A_2698 = arith.addf %exp3A_2695, %add3A_2697 : vector<8x512xf32>
    %log3A_2699 = math.log %add3A_2698 : vector<8x512xf32>
    %add3A_2700 = arith.addf %add3A_2677, %log3A_2699 : vector<8x512xf32>
    %max3A_2701 = arith.constant 0.000000e+00 : f32
    %max3A_2702 = vector.broadcast %max3A_2701 : f32 to vector<8x512xf32>
    %max3A_2703 = arith.maximumf %get3A_2687, %max3A_2702 : vector<8x512xf32>
    %mul3A_2704 = arith.mulf %get3A_2687, %get3A_2690 : vector<8x512xf32>
    %sub3A_2705 = arith.subf %max3A_2703, %mul3A_2704 : vector<8x512xf32>
    %add3A_2706 = arith.addf %add3A_2683, %sub3A_2705 : vector<8x512xf32>
    %add3A_2707 = arith.addf %add3A_2684, %get3A_2690 : vector<8x512xf32>
    %get3A_2708 = arith.constant 944 : index
    %get3A_2709 = arith.constant 0 : index
    %get3A_2710 = vector.load %arg1[%get3A_2708, %get3A_2709] : memref<1792x512xf32, #tpu.memory_space<vmem>>, vector<8x512xf32>
    %get3A_2711 = arith.constant 944 : index
    %get3A_2712 = arith.constant 0 : index
    %get3A_2713 = vector.load %arg2[%get3A_2711, %get3A_2712] : memref<1792x512xf32, #tpu.memory_space<vmem>>, vector<8x512xf32>
    %abs3A_2714 = math.absf %get3A_2710 : vector<8x512xf32>
    %neg3A_2715 = arith.constant 0.000000e+00 : f32
    %neg3A_2716 = vector.broadcast %neg3A_2715 : f32 to vector<8x512xf32>
    %neg3A_2717 = arith.subf %neg3A_2716, %abs3A_2714 : vector<8x512xf32>
    %exp3A_2718 = math.exp %neg3A_2717 : vector<8x512xf32>
    %add3A_2719 = arith.constant 1.000000e+00 : f32
    %add3A_2720 = vector.broadcast %add3A_2719 : f32 to vector<8x512xf32>
    %add3A_2721 = arith.addf %exp3A_2718, %add3A_2720 : vector<8x512xf32>
    %log3A_2722 = math.log %add3A_2721 : vector<8x512xf32>
    %add3A_2723 = arith.addf %add3A_2700, %log3A_2722 : vector<8x512xf32>
    %max3A_2724 = arith.constant 0.000000e+00 : f32
    %max3A_2725 = vector.broadcast %max3A_2724 : f32 to vector<8x512xf32>
    %max3A_2726 = arith.maximumf %get3A_2710, %max3A_2725 : vector<8x512xf32>
    %mul3A_2727 = arith.mulf %get3A_2710, %get3A_2713 : vector<8x512xf32>
    %sub3A_2728 = arith.subf %max3A_2726, %mul3A_2727 : vector<8x512xf32>
    %add3A_2729 = arith.addf %add3A_2706, %sub3A_2728 : vector<8x512xf32>
    %add3A_2730 = arith.addf %add3A_2707, %get3A_2713 : vector<8x512xf32>
    %get3A_2731 = arith.constant 952 : index
    %get3A_2732 = arith.constant 0 : index
    %get3A_2733 = vector.load %arg1[%get3A_2731, %get3A_2732] : memref<1792x512xf32, #tpu.memory_space<vmem>>, vector<8x512xf32>
    %get3A_2734 = arith.constant 952 : index
    %get3A_2735 = arith.constant 0 : index
    %get3A_2736 = vector.load %arg2[%get3A_2734, %get3A_2735] : memref<1792x512xf32, #tpu.memory_space<vmem>>, vector<8x512xf32>
    %abs3A_2737 = math.absf %get3A_2733 : vector<8x512xf32>
    %neg3A_2738 = arith.constant 0.000000e+00 : f32
    %neg3A_2739 = vector.broadcast %neg3A_2738 : f32 to vector<8x512xf32>
    %neg3A_2740 = arith.subf %neg3A_2739, %abs3A_2737 : vector<8x512xf32>
    %exp3A_2741 = math.exp %neg3A_2740 : vector<8x512xf32>
    %add3A_2742 = arith.constant 1.000000e+00 : f32
    %add3A_2743 = vector.broadcast %add3A_2742 : f32 to vector<8x512xf32>
    %add3A_2744 = arith.addf %exp3A_2741, %add3A_2743 : vector<8x512xf32>
    %log3A_2745 = math.log %add3A_2744 : vector<8x512xf32>
    %add3A_2746 = arith.addf %add3A_2723, %log3A_2745 : vector<8x512xf32>
    %max3A_2747 = arith.constant 0.000000e+00 : f32
    %max3A_2748 = vector.broadcast %max3A_2747 : f32 to vector<8x512xf32>
    %max3A_2749 = arith.maximumf %get3A_2733, %max3A_2748 : vector<8x512xf32>
    %mul3A_2750 = arith.mulf %get3A_2733, %get3A_2736 : vector<8x512xf32>
    %sub3A_2751 = arith.subf %max3A_2749, %mul3A_2750 : vector<8x512xf32>
    %add3A_2752 = arith.addf %add3A_2729, %sub3A_2751 : vector<8x512xf32>
    %add3A_2753 = arith.addf %add3A_2730, %get3A_2736 : vector<8x512xf32>
    %get3A_2754 = arith.constant 960 : index
    %get3A_2755 = arith.constant 0 : index
    %get3A_2756 = vector.load %arg1[%get3A_2754, %get3A_2755] : memref<1792x512xf32, #tpu.memory_space<vmem>>, vector<8x512xf32>
    %get3A_2757 = arith.constant 960 : index
    %get3A_2758 = arith.constant 0 : index
    %get3A_2759 = vector.load %arg2[%get3A_2757, %get3A_2758] : memref<1792x512xf32, #tpu.memory_space<vmem>>, vector<8x512xf32>
    %abs3A_2760 = math.absf %get3A_2756 : vector<8x512xf32>
    %neg3A_2761 = arith.constant 0.000000e+00 : f32
    %neg3A_2762 = vector.broadcast %neg3A_2761 : f32 to vector<8x512xf32>
    %neg3A_2763 = arith.subf %neg3A_2762, %abs3A_2760 : vector<8x512xf32>
    %exp3A_2764 = math.exp %neg3A_2763 : vector<8x512xf32>
    %add3A_2765 = arith.constant 1.000000e+00 : f32
    %add3A_2766 = vector.broadcast %add3A_2765 : f32 to vector<8x512xf32>
    %add3A_2767 = arith.addf %exp3A_2764, %add3A_2766 : vector<8x512xf32>
    %log3A_2768 = math.log %add3A_2767 : vector<8x512xf32>
    %add3A_2769 = arith.addf %add3A_2746, %log3A_2768 : vector<8x512xf32>
    %max3A_2770 = arith.constant 0.000000e+00 : f32
    %max3A_2771 = vector.broadcast %max3A_2770 : f32 to vector<8x512xf32>
    %max3A_2772 = arith.maximumf %get3A_2756, %max3A_2771 : vector<8x512xf32>
    %mul3A_2773 = arith.mulf %get3A_2756, %get3A_2759 : vector<8x512xf32>
    %sub3A_2774 = arith.subf %max3A_2772, %mul3A_2773 : vector<8x512xf32>
    %add3A_2775 = arith.addf %add3A_2752, %sub3A_2774 : vector<8x512xf32>
    %add3A_2776 = arith.addf %add3A_2753, %get3A_2759 : vector<8x512xf32>
    %get3A_2777 = arith.constant 968 : index
    %get3A_2778 = arith.constant 0 : index
    %get3A_2779 = vector.load %arg1[%get3A_2777, %get3A_2778] : memref<1792x512xf32, #tpu.memory_space<vmem>>, vector<8x512xf32>
    %get3A_2780 = arith.constant 968 : index
    %get3A_2781 = arith.constant 0 : index
    %get3A_2782 = vector.load %arg2[%get3A_2780, %get3A_2781] : memref<1792x512xf32, #tpu.memory_space<vmem>>, vector<8x512xf32>
    %abs3A_2783 = math.absf %get3A_2779 : vector<8x512xf32>
    %neg3A_2784 = arith.constant 0.000000e+00 : f32
    %neg3A_2785 = vector.broadcast %neg3A_2784 : f32 to vector<8x512xf32>
    %neg3A_2786 = arith.subf %neg3A_2785, %abs3A_2783 : vector<8x512xf32>
    %exp3A_2787 = math.exp %neg3A_2786 : vector<8x512xf32>
    %add3A_2788 = arith.constant 1.000000e+00 : f32
    %add3A_2789 = vector.broadcast %add3A_2788 : f32 to vector<8x512xf32>
    %add3A_2790 = arith.addf %exp3A_2787, %add3A_2789 : vector<8x512xf32>
    %log3A_2791 = math.log %add3A_2790 : vector<8x512xf32>
    %add3A_2792 = arith.addf %add3A_2769, %log3A_2791 : vector<8x512xf32>
    %max3A_2793 = arith.constant 0.000000e+00 : f32
    %max3A_2794 = vector.broadcast %max3A_2793 : f32 to vector<8x512xf32>
    %max3A_2795 = arith.maximumf %get3A_2779, %max3A_2794 : vector<8x512xf32>
    %mul3A_2796 = arith.mulf %get3A_2779, %get3A_2782 : vector<8x512xf32>
    %sub3A_2797 = arith.subf %max3A_2795, %mul3A_2796 : vector<8x512xf32>
    %add3A_2798 = arith.addf %add3A_2775, %sub3A_2797 : vector<8x512xf32>
    %add3A_2799 = arith.addf %add3A_2776, %get3A_2782 : vector<8x512xf32>
    %get3A_2800 = arith.constant 976 : index
    %get3A_2801 = arith.constant 0 : index
    %get3A_2802 = vector.load %arg1[%get3A_2800, %get3A_2801] : memref<1792x512xf32, #tpu.memory_space<vmem>>, vector<8x512xf32>
    %get3A_2803 = arith.constant 976 : index
    %get3A_2804 = arith.constant 0 : index
    %get3A_2805 = vector.load %arg2[%get3A_2803, %get3A_2804] : memref<1792x512xf32, #tpu.memory_space<vmem>>, vector<8x512xf32>
    %abs3A_2806 = math.absf %get3A_2802 : vector<8x512xf32>
    %neg3A_2807 = arith.constant 0.000000e+00 : f32
    %neg3A_2808 = vector.broadcast %neg3A_2807 : f32 to vector<8x512xf32>
    %neg3A_2809 = arith.subf %neg3A_2808, %abs3A_2806 : vector<8x512xf32>
    %exp3A_2810 = math.exp %neg3A_2809 : vector<8x512xf32>
    %add3A_2811 = arith.constant 1.000000e+00 : f32
    %add3A_2812 = vector.broadcast %add3A_2811 : f32 to vector<8x512xf32>
    %add3A_2813 = arith.addf %exp3A_2810, %add3A_2812 : vector<8x512xf32>
    %log3A_2814 = math.log %add3A_2813 : vector<8x512xf32>
    %add3A_2815 = arith.addf %add3A_2792, %log3A_2814 : vector<8x512xf32>
    %max3A_2816 = arith.constant 0.000000e+00 : f32
    %max3A_2817 = vector.broadcast %max3A_2816 : f32 to vector<8x512xf32>
    %max3A_2818 = arith.maximumf %get3A_2802, %max3A_2817 : vector<8x512xf32>
    %mul3A_2819 = arith.mulf %get3A_2802, %get3A_2805 : vector<8x512xf32>
    %sub3A_2820 = arith.subf %max3A_2818, %mul3A_2819 : vector<8x512xf32>
    %add3A_2821 = arith.addf %add3A_2798, %sub3A_2820 : vector<8x512xf32>
    %add3A_2822 = arith.addf %add3A_2799, %get3A_2805 : vector<8x512xf32>
    %get3A_2823 = arith.constant 984 : index
    %get3A_2824 = arith.constant 0 : index
    %get3A_2825 = vector.load %arg1[%get3A_2823, %get3A_2824] : memref<1792x512xf32, #tpu.memory_space<vmem>>, vector<8x512xf32>
    %get3A_2826 = arith.constant 984 : index
    %get3A_2827 = arith.constant 0 : index
    %get3A_2828 = vector.load %arg2[%get3A_2826, %get3A_2827] : memref<1792x512xf32, #tpu.memory_space<vmem>>, vector<8x512xf32>
    %abs3A_2829 = math.absf %get3A_2825 : vector<8x512xf32>
    %neg3A_2830 = arith.constant 0.000000e+00 : f32
    %neg3A_2831 = vector.broadcast %neg3A_2830 : f32 to vector<8x512xf32>
    %neg3A_2832 = arith.subf %neg3A_2831, %abs3A_2829 : vector<8x512xf32>
    %exp3A_2833 = math.exp %neg3A_2832 : vector<8x512xf32>
    %add3A_2834 = arith.constant 1.000000e+00 : f32
    %add3A_2835 = vector.broadcast %add3A_2834 : f32 to vector<8x512xf32>
    %add3A_2836 = arith.addf %exp3A_2833, %add3A_2835 : vector<8x512xf32>
    %log3A_2837 = math.log %add3A_2836 : vector<8x512xf32>
    %add3A_2838 = arith.addf %add3A_2815, %log3A_2837 : vector<8x512xf32>
    %max3A_2839 = arith.constant 0.000000e+00 : f32
    %max3A_2840 = vector.broadcast %max3A_2839 : f32 to vector<8x512xf32>
    %max3A_2841 = arith.maximumf %get3A_2825, %max3A_2840 : vector<8x512xf32>
    %mul3A_2842 = arith.mulf %get3A_2825, %get3A_2828 : vector<8x512xf32>
    %sub3A_2843 = arith.subf %max3A_2841, %mul3A_2842 : vector<8x512xf32>
    %add3A_2844 = arith.addf %add3A_2821, %sub3A_2843 : vector<8x512xf32>
    %add3A_2845 = arith.addf %add3A_2822, %get3A_2828 : vector<8x512xf32>
    %get3A_2846 = arith.constant 992 : index
    %get3A_2847 = arith.constant 0 : index
    %get3A_2848 = vector.load %arg1[%get3A_2846, %get3A_2847] : memref<1792x512xf32, #tpu.memory_space<vmem>>, vector<8x512xf32>
    %get3A_2849 = arith.constant 992 : index
    %get3A_2850 = arith.constant 0 : index
    %get3A_2851 = vector.load %arg2[%get3A_2849, %get3A_2850] : memref<1792x512xf32, #tpu.memory_space<vmem>>, vector<8x512xf32>
    %abs3A_2852 = math.absf %get3A_2848 : vector<8x512xf32>
    %neg3A_2853 = arith.constant 0.000000e+00 : f32
    %neg3A_2854 = vector.broadcast %neg3A_2853 : f32 to vector<8x512xf32>
    %neg3A_2855 = arith.subf %neg3A_2854, %abs3A_2852 : vector<8x512xf32>
    %exp3A_2856 = math.exp %neg3A_2855 : vector<8x512xf32>
    %add3A_2857 = arith.constant 1.000000e+00 : f32
    %add3A_2858 = vector.broadcast %add3A_2857 : f32 to vector<8x512xf32>
    %add3A_2859 = arith.addf %exp3A_2856, %add3A_2858 : vector<8x512xf32>
    %log3A_2860 = math.log %add3A_2859 : vector<8x512xf32>
    %add3A_2861 = arith.addf %add3A_2838, %log3A_2860 : vector<8x512xf32>
    %max3A_2862 = arith.constant 0.000000e+00 : f32
    %max3A_2863 = vector.broadcast %max3A_2862 : f32 to vector<8x512xf32>
    %max3A_2864 = arith.maximumf %get3A_2848, %max3A_2863 : vector<8x512xf32>
    %mul3A_2865 = arith.mulf %get3A_2848, %get3A_2851 : vector<8x512xf32>
    %sub3A_2866 = arith.subf %max3A_2864, %mul3A_2865 : vector<8x512xf32>
    %add3A_2867 = arith.addf %add3A_2844, %sub3A_2866 : vector<8x512xf32>
    %add3A_2868 = arith.addf %add3A_2845, %get3A_2851 : vector<8x512xf32>
    %get3A_2869 = arith.constant 1000 : index
    %get3A_2870 = arith.constant 0 : index
    %get3A_2871 = vector.load %arg1[%get3A_2869, %get3A_2870] : memref<1792x512xf32, #tpu.memory_space<vmem>>, vector<8x512xf32>
    %get3A_2872 = arith.constant 1000 : index
    %get3A_2873 = arith.constant 0 : index
    %get3A_2874 = vector.load %arg2[%get3A_2872, %get3A_2873] : memref<1792x512xf32, #tpu.memory_space<vmem>>, vector<8x512xf32>
    %abs3A_2875 = math.absf %get3A_2871 : vector<8x512xf32>
    %neg3A_2876 = arith.constant 0.000000e+00 : f32
    %neg3A_2877 = vector.broadcast %neg3A_2876 : f32 to vector<8x512xf32>
    %neg3A_2878 = arith.subf %neg3A_2877, %abs3A_2875 : vector<8x512xf32>
    %exp3A_2879 = math.exp %neg3A_2878 : vector<8x512xf32>
    %add3A_2880 = arith.constant 1.000000e+00 : f32
    %add3A_2881 = vector.broadcast %add3A_2880 : f32 to vector<8x512xf32>
    %add3A_2882 = arith.addf %exp3A_2879, %add3A_2881 : vector<8x512xf32>
    %log3A_2883 = math.log %add3A_2882 : vector<8x512xf32>
    %add3A_2884 = arith.addf %add3A_2861, %log3A_2883 : vector<8x512xf32>
    %max3A_2885 = arith.constant 0.000000e+00 : f32
    %max3A_2886 = vector.broadcast %max3A_2885 : f32 to vector<8x512xf32>
    %max3A_2887 = arith.maximumf %get3A_2871, %max3A_2886 : vector<8x512xf32>
    %mul3A_2888 = arith.mulf %get3A_2871, %get3A_2874 : vector<8x512xf32>
    %sub3A_2889 = arith.subf %max3A_2887, %mul3A_2888 : vector<8x512xf32>
    %add3A_2890 = arith.addf %add3A_2867, %sub3A_2889 : vector<8x512xf32>
    %add3A_2891 = arith.addf %add3A_2868, %get3A_2874 : vector<8x512xf32>
    %get3A_2892 = arith.constant 1008 : index
    %get3A_2893 = arith.constant 0 : index
    %get3A_2894 = vector.load %arg1[%get3A_2892, %get3A_2893] : memref<1792x512xf32, #tpu.memory_space<vmem>>, vector<8x512xf32>
    %get3A_2895 = arith.constant 1008 : index
    %get3A_2896 = arith.constant 0 : index
    %get3A_2897 = vector.load %arg2[%get3A_2895, %get3A_2896] : memref<1792x512xf32, #tpu.memory_space<vmem>>, vector<8x512xf32>
    %abs3A_2898 = math.absf %get3A_2894 : vector<8x512xf32>
    %neg3A_2899 = arith.constant 0.000000e+00 : f32
    %neg3A_2900 = vector.broadcast %neg3A_2899 : f32 to vector<8x512xf32>
    %neg3A_2901 = arith.subf %neg3A_2900, %abs3A_2898 : vector<8x512xf32>
    %exp3A_2902 = math.exp %neg3A_2901 : vector<8x512xf32>
    %add3A_2903 = arith.constant 1.000000e+00 : f32
    %add3A_2904 = vector.broadcast %add3A_2903 : f32 to vector<8x512xf32>
    %add3A_2905 = arith.addf %exp3A_2902, %add3A_2904 : vector<8x512xf32>
    %log3A_2906 = math.log %add3A_2905 : vector<8x512xf32>
    %add3A_2907 = arith.addf %add3A_2884, %log3A_2906 : vector<8x512xf32>
    %max3A_2908 = arith.constant 0.000000e+00 : f32
    %max3A_2909 = vector.broadcast %max3A_2908 : f32 to vector<8x512xf32>
    %max3A_2910 = arith.maximumf %get3A_2894, %max3A_2909 : vector<8x512xf32>
    %mul3A_2911 = arith.mulf %get3A_2894, %get3A_2897 : vector<8x512xf32>
    %sub3A_2912 = arith.subf %max3A_2910, %mul3A_2911 : vector<8x512xf32>
    %add3A_2913 = arith.addf %add3A_2890, %sub3A_2912 : vector<8x512xf32>
    %add3A_2914 = arith.addf %add3A_2891, %get3A_2897 : vector<8x512xf32>
    %get3A_2915 = arith.constant 1016 : index
    %get3A_2916 = arith.constant 0 : index
    %get3A_2917 = vector.load %arg1[%get3A_2915, %get3A_2916] : memref<1792x512xf32, #tpu.memory_space<vmem>>, vector<8x512xf32>
    %get3A_2918 = arith.constant 1016 : index
    %get3A_2919 = arith.constant 0 : index
    %get3A_2920 = vector.load %arg2[%get3A_2918, %get3A_2919] : memref<1792x512xf32, #tpu.memory_space<vmem>>, vector<8x512xf32>
    %abs3A_2921 = math.absf %get3A_2917 : vector<8x512xf32>
    %neg3A_2922 = arith.constant 0.000000e+00 : f32
    %neg3A_2923 = vector.broadcast %neg3A_2922 : f32 to vector<8x512xf32>
    %neg3A_2924 = arith.subf %neg3A_2923, %abs3A_2921 : vector<8x512xf32>
    %exp3A_2925 = math.exp %neg3A_2924 : vector<8x512xf32>
    %add3A_2926 = arith.constant 1.000000e+00 : f32
    %add3A_2927 = vector.broadcast %add3A_2926 : f32 to vector<8x512xf32>
    %add3A_2928 = arith.addf %exp3A_2925, %add3A_2927 : vector<8x512xf32>
    %log3A_2929 = math.log %add3A_2928 : vector<8x512xf32>
    %add3A_2930 = arith.addf %add3A_2907, %log3A_2929 : vector<8x512xf32>
    %max3A_2931 = arith.constant 0.000000e+00 : f32
    %max3A_2932 = vector.broadcast %max3A_2931 : f32 to vector<8x512xf32>
    %max3A_2933 = arith.maximumf %get3A_2917, %max3A_2932 : vector<8x512xf32>
    %mul3A_2934 = arith.mulf %get3A_2917, %get3A_2920 : vector<8x512xf32>
    %sub3A_2935 = arith.subf %max3A_2933, %mul3A_2934 : vector<8x512xf32>
    %add3A_2936 = arith.addf %add3A_2913, %sub3A_2935 : vector<8x512xf32>
    %add3A_2937 = arith.addf %add3A_2914, %get3A_2920 : vector<8x512xf32>
    %get3A_2938 = arith.constant 1024 : index
    %get3A_2939 = arith.constant 0 : index
    %get3A_2940 = vector.load %arg1[%get3A_2938, %get3A_2939] : memref<1792x512xf32, #tpu.memory_space<vmem>>, vector<8x512xf32>
    %get3A_2941 = arith.constant 1024 : index
    %get3A_2942 = arith.constant 0 : index
    %get3A_2943 = vector.load %arg2[%get3A_2941, %get3A_2942] : memref<1792x512xf32, #tpu.memory_space<vmem>>, vector<8x512xf32>
    %abs3A_2944 = math.absf %get3A_2940 : vector<8x512xf32>
    %neg3A_2945 = arith.constant 0.000000e+00 : f32
    %neg3A_2946 = vector.broadcast %neg3A_2945 : f32 to vector<8x512xf32>
    %neg3A_2947 = arith.subf %neg3A_2946, %abs3A_2944 : vector<8x512xf32>
    %exp3A_2948 = math.exp %neg3A_2947 : vector<8x512xf32>
    %add3A_2949 = arith.constant 1.000000e+00 : f32
    %add3A_2950 = vector.broadcast %add3A_2949 : f32 to vector<8x512xf32>
    %add3A_2951 = arith.addf %exp3A_2948, %add3A_2950 : vector<8x512xf32>
    %log3A_2952 = math.log %add3A_2951 : vector<8x512xf32>
    %add3A_2953 = arith.addf %add3A_2930, %log3A_2952 : vector<8x512xf32>
    %max3A_2954 = arith.constant 0.000000e+00 : f32
    %max3A_2955 = vector.broadcast %max3A_2954 : f32 to vector<8x512xf32>
    %max3A_2956 = arith.maximumf %get3A_2940, %max3A_2955 : vector<8x512xf32>
    %mul3A_2957 = arith.mulf %get3A_2940, %get3A_2943 : vector<8x512xf32>
    %sub3A_2958 = arith.subf %max3A_2956, %mul3A_2957 : vector<8x512xf32>
    %add3A_2959 = arith.addf %add3A_2936, %sub3A_2958 : vector<8x512xf32>
    %add3A_2960 = arith.addf %add3A_2937, %get3A_2943 : vector<8x512xf32>
    %get3A_2961 = arith.constant 1032 : index
    %get3A_2962 = arith.constant 0 : index
    %get3A_2963 = vector.load %arg1[%get3A_2961, %get3A_2962] : memref<1792x512xf32, #tpu.memory_space<vmem>>, vector<8x512xf32>
    %get3A_2964 = arith.constant 1032 : index
    %get3A_2965 = arith.constant 0 : index
    %get3A_2966 = vector.load %arg2[%get3A_2964, %get3A_2965] : memref<1792x512xf32, #tpu.memory_space<vmem>>, vector<8x512xf32>
    %abs3A_2967 = math.absf %get3A_2963 : vector<8x512xf32>
    %neg3A_2968 = arith.constant 0.000000e+00 : f32
    %neg3A_2969 = vector.broadcast %neg3A_2968 : f32 to vector<8x512xf32>
    %neg3A_2970 = arith.subf %neg3A_2969, %abs3A_2967 : vector<8x512xf32>
    %exp3A_2971 = math.exp %neg3A_2970 : vector<8x512xf32>
    %add3A_2972 = arith.constant 1.000000e+00 : f32
    %add3A_2973 = vector.broadcast %add3A_2972 : f32 to vector<8x512xf32>
    %add3A_2974 = arith.addf %exp3A_2971, %add3A_2973 : vector<8x512xf32>
    %log3A_2975 = math.log %add3A_2974 : vector<8x512xf32>
    %add3A_2976 = arith.addf %add3A_2953, %log3A_2975 : vector<8x512xf32>
    %max3A_2977 = arith.constant 0.000000e+00 : f32
    %max3A_2978 = vector.broadcast %max3A_2977 : f32 to vector<8x512xf32>
    %max3A_2979 = arith.maximumf %get3A_2963, %max3A_2978 : vector<8x512xf32>
    %mul3A_2980 = arith.mulf %get3A_2963, %get3A_2966 : vector<8x512xf32>
    %sub3A_2981 = arith.subf %max3A_2979, %mul3A_2980 : vector<8x512xf32>
    %add3A_2982 = arith.addf %add3A_2959, %sub3A_2981 : vector<8x512xf32>
    %add3A_2983 = arith.addf %add3A_2960, %get3A_2966 : vector<8x512xf32>
    %get3A_2984 = arith.constant 1040 : index
    %get3A_2985 = arith.constant 0 : index
    %get3A_2986 = vector.load %arg1[%get3A_2984, %get3A_2985] : memref<1792x512xf32, #tpu.memory_space<vmem>>, vector<8x512xf32>
    %get3A_2987 = arith.constant 1040 : index
    %get3A_2988 = arith.constant 0 : index
    %get3A_2989 = vector.load %arg2[%get3A_2987, %get3A_2988] : memref<1792x512xf32, #tpu.memory_space<vmem>>, vector<8x512xf32>
    %abs3A_2990 = math.absf %get3A_2986 : vector<8x512xf32>
    %neg3A_2991 = arith.constant 0.000000e+00 : f32
    %neg3A_2992 = vector.broadcast %neg3A_2991 : f32 to vector<8x512xf32>
    %neg3A_2993 = arith.subf %neg3A_2992, %abs3A_2990 : vector<8x512xf32>
    %exp3A_2994 = math.exp %neg3A_2993 : vector<8x512xf32>
    %add3A_2995 = arith.constant 1.000000e+00 : f32
    %add3A_2996 = vector.broadcast %add3A_2995 : f32 to vector<8x512xf32>
    %add3A_2997 = arith.addf %exp3A_2994, %add3A_2996 : vector<8x512xf32>
    %log3A_2998 = math.log %add3A_2997 : vector<8x512xf32>
    %add3A_2999 = arith.addf %add3A_2976, %log3A_2998 : vector<8x512xf32>
    %max3A_3000 = arith.constant 0.000000e+00 : f32
    %max3A_3001 = vector.broadcast %max3A_3000 : f32 to vector<8x512xf32>
    %max3A_3002 = arith.maximumf %get3A_2986, %max3A_3001 : vector<8x512xf32>
    %mul3A_3003 = arith.mulf %get3A_2986, %get3A_2989 : vector<8x512xf32>
    %sub3A_3004 = arith.subf %max3A_3002, %mul3A_3003 : vector<8x512xf32>
    %add3A_3005 = arith.addf %add3A_2982, %sub3A_3004 : vector<8x512xf32>
    %add3A_3006 = arith.addf %add3A_2983, %get3A_2989 : vector<8x512xf32>
    %get3A_3007 = arith.constant 1048 : index
    %get3A_3008 = arith.constant 0 : index
    %get3A_3009 = vector.load %arg1[%get3A_3007, %get3A_3008] : memref<1792x512xf32, #tpu.memory_space<vmem>>, vector<8x512xf32>
    %get3A_3010 = arith.constant 1048 : index
    %get3A_3011 = arith.constant 0 : index
    %get3A_3012 = vector.load %arg2[%get3A_3010, %get3A_3011] : memref<1792x512xf32, #tpu.memory_space<vmem>>, vector<8x512xf32>
    %abs3A_3013 = math.absf %get3A_3009 : vector<8x512xf32>
    %neg3A_3014 = arith.constant 0.000000e+00 : f32
    %neg3A_3015 = vector.broadcast %neg3A_3014 : f32 to vector<8x512xf32>
    %neg3A_3016 = arith.subf %neg3A_3015, %abs3A_3013 : vector<8x512xf32>
    %exp3A_3017 = math.exp %neg3A_3016 : vector<8x512xf32>
    %add3A_3018 = arith.constant 1.000000e+00 : f32
    %add3A_3019 = vector.broadcast %add3A_3018 : f32 to vector<8x512xf32>
    %add3A_3020 = arith.addf %exp3A_3017, %add3A_3019 : vector<8x512xf32>
    %log3A_3021 = math.log %add3A_3020 : vector<8x512xf32>
    %add3A_3022 = arith.addf %add3A_2999, %log3A_3021 : vector<8x512xf32>
    %max3A_3023 = arith.constant 0.000000e+00 : f32
    %max3A_3024 = vector.broadcast %max3A_3023 : f32 to vector<8x512xf32>
    %max3A_3025 = arith.maximumf %get3A_3009, %max3A_3024 : vector<8x512xf32>
    %mul3A_3026 = arith.mulf %get3A_3009, %get3A_3012 : vector<8x512xf32>
    %sub3A_3027 = arith.subf %max3A_3025, %mul3A_3026 : vector<8x512xf32>
    %add3A_3028 = arith.addf %add3A_3005, %sub3A_3027 : vector<8x512xf32>
    %add3A_3029 = arith.addf %add3A_3006, %get3A_3012 : vector<8x512xf32>
    %get3A_3030 = arith.constant 1056 : index
    %get3A_3031 = arith.constant 0 : index
    %get3A_3032 = vector.load %arg1[%get3A_3030, %get3A_3031] : memref<1792x512xf32, #tpu.memory_space<vmem>>, vector<8x512xf32>
    %get3A_3033 = arith.constant 1056 : index
    %get3A_3034 = arith.constant 0 : index
    %get3A_3035 = vector.load %arg2[%get3A_3033, %get3A_3034] : memref<1792x512xf32, #tpu.memory_space<vmem>>, vector<8x512xf32>
    %abs3A_3036 = math.absf %get3A_3032 : vector<8x512xf32>
    %neg3A_3037 = arith.constant 0.000000e+00 : f32
    %neg3A_3038 = vector.broadcast %neg3A_3037 : f32 to vector<8x512xf32>
    %neg3A_3039 = arith.subf %neg3A_3038, %abs3A_3036 : vector<8x512xf32>
    %exp3A_3040 = math.exp %neg3A_3039 : vector<8x512xf32>
    %add3A_3041 = arith.constant 1.000000e+00 : f32
    %add3A_3042 = vector.broadcast %add3A_3041 : f32 to vector<8x512xf32>
    %add3A_3043 = arith.addf %exp3A_3040, %add3A_3042 : vector<8x512xf32>
    %log3A_3044 = math.log %add3A_3043 : vector<8x512xf32>
    %add3A_3045 = arith.addf %add3A_3022, %log3A_3044 : vector<8x512xf32>
    %max3A_3046 = arith.constant 0.000000e+00 : f32
    %max3A_3047 = vector.broadcast %max3A_3046 : f32 to vector<8x512xf32>
    %max3A_3048 = arith.maximumf %get3A_3032, %max3A_3047 : vector<8x512xf32>
    %mul3A_3049 = arith.mulf %get3A_3032, %get3A_3035 : vector<8x512xf32>
    %sub3A_3050 = arith.subf %max3A_3048, %mul3A_3049 : vector<8x512xf32>
    %add3A_3051 = arith.addf %add3A_3028, %sub3A_3050 : vector<8x512xf32>
    %add3A_3052 = arith.addf %add3A_3029, %get3A_3035 : vector<8x512xf32>
    %get3A_3053 = arith.constant 1064 : index
    %get3A_3054 = arith.constant 0 : index
    %get3A_3055 = vector.load %arg1[%get3A_3053, %get3A_3054] : memref<1792x512xf32, #tpu.memory_space<vmem>>, vector<8x512xf32>
    %get3A_3056 = arith.constant 1064 : index
    %get3A_3057 = arith.constant 0 : index
    %get3A_3058 = vector.load %arg2[%get3A_3056, %get3A_3057] : memref<1792x512xf32, #tpu.memory_space<vmem>>, vector<8x512xf32>
    %abs3A_3059 = math.absf %get3A_3055 : vector<8x512xf32>
    %neg3A_3060 = arith.constant 0.000000e+00 : f32
    %neg3A_3061 = vector.broadcast %neg3A_3060 : f32 to vector<8x512xf32>
    %neg3A_3062 = arith.subf %neg3A_3061, %abs3A_3059 : vector<8x512xf32>
    %exp3A_3063 = math.exp %neg3A_3062 : vector<8x512xf32>
    %add3A_3064 = arith.constant 1.000000e+00 : f32
    %add3A_3065 = vector.broadcast %add3A_3064 : f32 to vector<8x512xf32>
    %add3A_3066 = arith.addf %exp3A_3063, %add3A_3065 : vector<8x512xf32>
    %log3A_3067 = math.log %add3A_3066 : vector<8x512xf32>
    %add3A_3068 = arith.addf %add3A_3045, %log3A_3067 : vector<8x512xf32>
    %max3A_3069 = arith.constant 0.000000e+00 : f32
    %max3A_3070 = vector.broadcast %max3A_3069 : f32 to vector<8x512xf32>
    %max3A_3071 = arith.maximumf %get3A_3055, %max3A_3070 : vector<8x512xf32>
    %mul3A_3072 = arith.mulf %get3A_3055, %get3A_3058 : vector<8x512xf32>
    %sub3A_3073 = arith.subf %max3A_3071, %mul3A_3072 : vector<8x512xf32>
    %add3A_3074 = arith.addf %add3A_3051, %sub3A_3073 : vector<8x512xf32>
    %add3A_3075 = arith.addf %add3A_3052, %get3A_3058 : vector<8x512xf32>
    %get3A_3076 = arith.constant 1072 : index
    %get3A_3077 = arith.constant 0 : index
    %get3A_3078 = vector.load %arg1[%get3A_3076, %get3A_3077] : memref<1792x512xf32, #tpu.memory_space<vmem>>, vector<8x512xf32>
    %get3A_3079 = arith.constant 1072 : index
    %get3A_3080 = arith.constant 0 : index
    %get3A_3081 = vector.load %arg2[%get3A_3079, %get3A_3080] : memref<1792x512xf32, #tpu.memory_space<vmem>>, vector<8x512xf32>
    %abs3A_3082 = math.absf %get3A_3078 : vector<8x512xf32>
    %neg3A_3083 = arith.constant 0.000000e+00 : f32
    %neg3A_3084 = vector.broadcast %neg3A_3083 : f32 to vector<8x512xf32>
    %neg3A_3085 = arith.subf %neg3A_3084, %abs3A_3082 : vector<8x512xf32>
    %exp3A_3086 = math.exp %neg3A_3085 : vector<8x512xf32>
    %add3A_3087 = arith.constant 1.000000e+00 : f32
    %add3A_3088 = vector.broadcast %add3A_3087 : f32 to vector<8x512xf32>
    %add3A_3089 = arith.addf %exp3A_3086, %add3A_3088 : vector<8x512xf32>
    %log3A_3090 = math.log %add3A_3089 : vector<8x512xf32>
    %add3A_3091 = arith.addf %add3A_3068, %log3A_3090 : vector<8x512xf32>
    %max3A_3092 = arith.constant 0.000000e+00 : f32
    %max3A_3093 = vector.broadcast %max3A_3092 : f32 to vector<8x512xf32>
    %max3A_3094 = arith.maximumf %get3A_3078, %max3A_3093 : vector<8x512xf32>
    %mul3A_3095 = arith.mulf %get3A_3078, %get3A_3081 : vector<8x512xf32>
    %sub3A_3096 = arith.subf %max3A_3094, %mul3A_3095 : vector<8x512xf32>
    %add3A_3097 = arith.addf %add3A_3074, %sub3A_3096 : vector<8x512xf32>
    %add3A_3098 = arith.addf %add3A_3075, %get3A_3081 : vector<8x512xf32>
    %get3A_3099 = arith.constant 1080 : index
    %get3A_3100 = arith.constant 0 : index
    %get3A_3101 = vector.load %arg1[%get3A_3099, %get3A_3100] : memref<1792x512xf32, #tpu.memory_space<vmem>>, vector<8x512xf32>
    %get3A_3102 = arith.constant 1080 : index
    %get3A_3103 = arith.constant 0 : index
    %get3A_3104 = vector.load %arg2[%get3A_3102, %get3A_3103] : memref<1792x512xf32, #tpu.memory_space<vmem>>, vector<8x512xf32>
    %abs3A_3105 = math.absf %get3A_3101 : vector<8x512xf32>
    %neg3A_3106 = arith.constant 0.000000e+00 : f32
    %neg3A_3107 = vector.broadcast %neg3A_3106 : f32 to vector<8x512xf32>
    %neg3A_3108 = arith.subf %neg3A_3107, %abs3A_3105 : vector<8x512xf32>
    %exp3A_3109 = math.exp %neg3A_3108 : vector<8x512xf32>
    %add3A_3110 = arith.constant 1.000000e+00 : f32
    %add3A_3111 = vector.broadcast %add3A_3110 : f32 to vector<8x512xf32>
    %add3A_3112 = arith.addf %exp3A_3109, %add3A_3111 : vector<8x512xf32>
    %log3A_3113 = math.log %add3A_3112 : vector<8x512xf32>
    %add3A_3114 = arith.addf %add3A_3091, %log3A_3113 : vector<8x512xf32>
    %max3A_3115 = arith.constant 0.000000e+00 : f32
    %max3A_3116 = vector.broadcast %max3A_3115 : f32 to vector<8x512xf32>
    %max3A_3117 = arith.maximumf %get3A_3101, %max3A_3116 : vector<8x512xf32>
    %mul3A_3118 = arith.mulf %get3A_3101, %get3A_3104 : vector<8x512xf32>
    %sub3A_3119 = arith.subf %max3A_3117, %mul3A_3118 : vector<8x512xf32>
    %add3A_3120 = arith.addf %add3A_3097, %sub3A_3119 : vector<8x512xf32>
    %add3A_3121 = arith.addf %add3A_3098, %get3A_3104 : vector<8x512xf32>
    %get3A_3122 = arith.constant 1088 : index
    %get3A_3123 = arith.constant 0 : index
    %get3A_3124 = vector.load %arg1[%get3A_3122, %get3A_3123] : memref<1792x512xf32, #tpu.memory_space<vmem>>, vector<8x512xf32>
    %get3A_3125 = arith.constant 1088 : index
    %get3A_3126 = arith.constant 0 : index
    %get3A_3127 = vector.load %arg2[%get3A_3125, %get3A_3126] : memref<1792x512xf32, #tpu.memory_space<vmem>>, vector<8x512xf32>
    %abs3A_3128 = math.absf %get3A_3124 : vector<8x512xf32>
    %neg3A_3129 = arith.constant 0.000000e+00 : f32
    %neg3A_3130 = vector.broadcast %neg3A_3129 : f32 to vector<8x512xf32>
    %neg3A_3131 = arith.subf %neg3A_3130, %abs3A_3128 : vector<8x512xf32>
    %exp3A_3132 = math.exp %neg3A_3131 : vector<8x512xf32>
    %add3A_3133 = arith.constant 1.000000e+00 : f32
    %add3A_3134 = vector.broadcast %add3A_3133 : f32 to vector<8x512xf32>
    %add3A_3135 = arith.addf %exp3A_3132, %add3A_3134 : vector<8x512xf32>
    %log3A_3136 = math.log %add3A_3135 : vector<8x512xf32>
    %add3A_3137 = arith.addf %add3A_3114, %log3A_3136 : vector<8x512xf32>
    %max3A_3138 = arith.constant 0.000000e+00 : f32
    %max3A_3139 = vector.broadcast %max3A_3138 : f32 to vector<8x512xf32>
    %max3A_3140 = arith.maximumf %get3A_3124, %max3A_3139 : vector<8x512xf32>
    %mul3A_3141 = arith.mulf %get3A_3124, %get3A_3127 : vector<8x512xf32>
    %sub3A_3142 = arith.subf %max3A_3140, %mul3A_3141 : vector<8x512xf32>
    %add3A_3143 = arith.addf %add3A_3120, %sub3A_3142 : vector<8x512xf32>
    %add3A_3144 = arith.addf %add3A_3121, %get3A_3127 : vector<8x512xf32>
    %get3A_3145 = arith.constant 1096 : index
    %get3A_3146 = arith.constant 0 : index
    %get3A_3147 = vector.load %arg1[%get3A_3145, %get3A_3146] : memref<1792x512xf32, #tpu.memory_space<vmem>>, vector<8x512xf32>
    %get3A_3148 = arith.constant 1096 : index
    %get3A_3149 = arith.constant 0 : index
    %get3A_3150 = vector.load %arg2[%get3A_3148, %get3A_3149] : memref<1792x512xf32, #tpu.memory_space<vmem>>, vector<8x512xf32>
    %abs3A_3151 = math.absf %get3A_3147 : vector<8x512xf32>
    %neg3A_3152 = arith.constant 0.000000e+00 : f32
    %neg3A_3153 = vector.broadcast %neg3A_3152 : f32 to vector<8x512xf32>
    %neg3A_3154 = arith.subf %neg3A_3153, %abs3A_3151 : vector<8x512xf32>
    %exp3A_3155 = math.exp %neg3A_3154 : vector<8x512xf32>
    %add3A_3156 = arith.constant 1.000000e+00 : f32
    %add3A_3157 = vector.broadcast %add3A_3156 : f32 to vector<8x512xf32>
    %add3A_3158 = arith.addf %exp3A_3155, %add3A_3157 : vector<8x512xf32>
    %log3A_3159 = math.log %add3A_3158 : vector<8x512xf32>
    %add3A_3160 = arith.addf %add3A_3137, %log3A_3159 : vector<8x512xf32>
    %max3A_3161 = arith.constant 0.000000e+00 : f32
    %max3A_3162 = vector.broadcast %max3A_3161 : f32 to vector<8x512xf32>
    %max3A_3163 = arith.maximumf %get3A_3147, %max3A_3162 : vector<8x512xf32>
    %mul3A_3164 = arith.mulf %get3A_3147, %get3A_3150 : vector<8x512xf32>
    %sub3A_3165 = arith.subf %max3A_3163, %mul3A_3164 : vector<8x512xf32>
    %add3A_3166 = arith.addf %add3A_3143, %sub3A_3165 : vector<8x512xf32>
    %add3A_3167 = arith.addf %add3A_3144, %get3A_3150 : vector<8x512xf32>
    %get3A_3168 = arith.constant 1104 : index
    %get3A_3169 = arith.constant 0 : index
    %get3A_3170 = vector.load %arg1[%get3A_3168, %get3A_3169] : memref<1792x512xf32, #tpu.memory_space<vmem>>, vector<8x512xf32>
    %get3A_3171 = arith.constant 1104 : index
    %get3A_3172 = arith.constant 0 : index
    %get3A_3173 = vector.load %arg2[%get3A_3171, %get3A_3172] : memref<1792x512xf32, #tpu.memory_space<vmem>>, vector<8x512xf32>
    %abs3A_3174 = math.absf %get3A_3170 : vector<8x512xf32>
    %neg3A_3175 = arith.constant 0.000000e+00 : f32
    %neg3A_3176 = vector.broadcast %neg3A_3175 : f32 to vector<8x512xf32>
    %neg3A_3177 = arith.subf %neg3A_3176, %abs3A_3174 : vector<8x512xf32>
    %exp3A_3178 = math.exp %neg3A_3177 : vector<8x512xf32>
    %add3A_3179 = arith.constant 1.000000e+00 : f32
    %add3A_3180 = vector.broadcast %add3A_3179 : f32 to vector<8x512xf32>
    %add3A_3181 = arith.addf %exp3A_3178, %add3A_3180 : vector<8x512xf32>
    %log3A_3182 = math.log %add3A_3181 : vector<8x512xf32>
    %add3A_3183 = arith.addf %add3A_3160, %log3A_3182 : vector<8x512xf32>
    %max3A_3184 = arith.constant 0.000000e+00 : f32
    %max3A_3185 = vector.broadcast %max3A_3184 : f32 to vector<8x512xf32>
    %max3A_3186 = arith.maximumf %get3A_3170, %max3A_3185 : vector<8x512xf32>
    %mul3A_3187 = arith.mulf %get3A_3170, %get3A_3173 : vector<8x512xf32>
    %sub3A_3188 = arith.subf %max3A_3186, %mul3A_3187 : vector<8x512xf32>
    %add3A_3189 = arith.addf %add3A_3166, %sub3A_3188 : vector<8x512xf32>
    %add3A_3190 = arith.addf %add3A_3167, %get3A_3173 : vector<8x512xf32>
    %get3A_3191 = arith.constant 1112 : index
    %get3A_3192 = arith.constant 0 : index
    %get3A_3193 = vector.load %arg1[%get3A_3191, %get3A_3192] : memref<1792x512xf32, #tpu.memory_space<vmem>>, vector<8x512xf32>
    %get3A_3194 = arith.constant 1112 : index
    %get3A_3195 = arith.constant 0 : index
    %get3A_3196 = vector.load %arg2[%get3A_3194, %get3A_3195] : memref<1792x512xf32, #tpu.memory_space<vmem>>, vector<8x512xf32>
    %abs3A_3197 = math.absf %get3A_3193 : vector<8x512xf32>
    %neg3A_3198 = arith.constant 0.000000e+00 : f32
    %neg3A_3199 = vector.broadcast %neg3A_3198 : f32 to vector<8x512xf32>
    %neg3A_3200 = arith.subf %neg3A_3199, %abs3A_3197 : vector<8x512xf32>
    %exp3A_3201 = math.exp %neg3A_3200 : vector<8x512xf32>
    %add3A_3202 = arith.constant 1.000000e+00 : f32
    %add3A_3203 = vector.broadcast %add3A_3202 : f32 to vector<8x512xf32>
    %add3A_3204 = arith.addf %exp3A_3201, %add3A_3203 : vector<8x512xf32>
    %log3A_3205 = math.log %add3A_3204 : vector<8x512xf32>
    %add3A_3206 = arith.addf %add3A_3183, %log3A_3205 : vector<8x512xf32>
    %max3A_3207 = arith.constant 0.000000e+00 : f32
    %max3A_3208 = vector.broadcast %max3A_3207 : f32 to vector<8x512xf32>
    %max3A_3209 = arith.maximumf %get3A_3193, %max3A_3208 : vector<8x512xf32>
    %mul3A_3210 = arith.mulf %get3A_3193, %get3A_3196 : vector<8x512xf32>
    %sub3A_3211 = arith.subf %max3A_3209, %mul3A_3210 : vector<8x512xf32>
    %add3A_3212 = arith.addf %add3A_3189, %sub3A_3211 : vector<8x512xf32>
    %add3A_3213 = arith.addf %add3A_3190, %get3A_3196 : vector<8x512xf32>
    %get3A_3214 = arith.constant 1120 : index
    %get3A_3215 = arith.constant 0 : index
    %get3A_3216 = vector.load %arg1[%get3A_3214, %get3A_3215] : memref<1792x512xf32, #tpu.memory_space<vmem>>, vector<8x512xf32>
    %get3A_3217 = arith.constant 1120 : index
    %get3A_3218 = arith.constant 0 : index
    %get3A_3219 = vector.load %arg2[%get3A_3217, %get3A_3218] : memref<1792x512xf32, #tpu.memory_space<vmem>>, vector<8x512xf32>
    %abs3A_3220 = math.absf %get3A_3216 : vector<8x512xf32>
    %neg3A_3221 = arith.constant 0.000000e+00 : f32
    %neg3A_3222 = vector.broadcast %neg3A_3221 : f32 to vector<8x512xf32>
    %neg3A_3223 = arith.subf %neg3A_3222, %abs3A_3220 : vector<8x512xf32>
    %exp3A_3224 = math.exp %neg3A_3223 : vector<8x512xf32>
    %add3A_3225 = arith.constant 1.000000e+00 : f32
    %add3A_3226 = vector.broadcast %add3A_3225 : f32 to vector<8x512xf32>
    %add3A_3227 = arith.addf %exp3A_3224, %add3A_3226 : vector<8x512xf32>
    %log3A_3228 = math.log %add3A_3227 : vector<8x512xf32>
    %add3A_3229 = arith.addf %add3A_3206, %log3A_3228 : vector<8x512xf32>
    %max3A_3230 = arith.constant 0.000000e+00 : f32
    %max3A_3231 = vector.broadcast %max3A_3230 : f32 to vector<8x512xf32>
    %max3A_3232 = arith.maximumf %get3A_3216, %max3A_3231 : vector<8x512xf32>
    %mul3A_3233 = arith.mulf %get3A_3216, %get3A_3219 : vector<8x512xf32>
    %sub3A_3234 = arith.subf %max3A_3232, %mul3A_3233 : vector<8x512xf32>
    %add3A_3235 = arith.addf %add3A_3212, %sub3A_3234 : vector<8x512xf32>
    %add3A_3236 = arith.addf %add3A_3213, %get3A_3219 : vector<8x512xf32>
    %get3A_3237 = arith.constant 1128 : index
    %get3A_3238 = arith.constant 0 : index
    %get3A_3239 = vector.load %arg1[%get3A_3237, %get3A_3238] : memref<1792x512xf32, #tpu.memory_space<vmem>>, vector<8x512xf32>
    %get3A_3240 = arith.constant 1128 : index
    %get3A_3241 = arith.constant 0 : index
    %get3A_3242 = vector.load %arg2[%get3A_3240, %get3A_3241] : memref<1792x512xf32, #tpu.memory_space<vmem>>, vector<8x512xf32>
    %abs3A_3243 = math.absf %get3A_3239 : vector<8x512xf32>
    %neg3A_3244 = arith.constant 0.000000e+00 : f32
    %neg3A_3245 = vector.broadcast %neg3A_3244 : f32 to vector<8x512xf32>
    %neg3A_3246 = arith.subf %neg3A_3245, %abs3A_3243 : vector<8x512xf32>
    %exp3A_3247 = math.exp %neg3A_3246 : vector<8x512xf32>
    %add3A_3248 = arith.constant 1.000000e+00 : f32
    %add3A_3249 = vector.broadcast %add3A_3248 : f32 to vector<8x512xf32>
    %add3A_3250 = arith.addf %exp3A_3247, %add3A_3249 : vector<8x512xf32>
    %log3A_3251 = math.log %add3A_3250 : vector<8x512xf32>
    %add3A_3252 = arith.addf %add3A_3229, %log3A_3251 : vector<8x512xf32>
    %max3A_3253 = arith.constant 0.000000e+00 : f32
    %max3A_3254 = vector.broadcast %max3A_3253 : f32 to vector<8x512xf32>
    %max3A_3255 = arith.maximumf %get3A_3239, %max3A_3254 : vector<8x512xf32>
    %mul3A_3256 = arith.mulf %get3A_3239, %get3A_3242 : vector<8x512xf32>
    %sub3A_3257 = arith.subf %max3A_3255, %mul3A_3256 : vector<8x512xf32>
    %add3A_3258 = arith.addf %add3A_3235, %sub3A_3257 : vector<8x512xf32>
    %add3A_3259 = arith.addf %add3A_3236, %get3A_3242 : vector<8x512xf32>
    %get3A_3260 = arith.constant 1136 : index
    %get3A_3261 = arith.constant 0 : index
    %get3A_3262 = vector.load %arg1[%get3A_3260, %get3A_3261] : memref<1792x512xf32, #tpu.memory_space<vmem>>, vector<8x512xf32>
    %get3A_3263 = arith.constant 1136 : index
    %get3A_3264 = arith.constant 0 : index
    %get3A_3265 = vector.load %arg2[%get3A_3263, %get3A_3264] : memref<1792x512xf32, #tpu.memory_space<vmem>>, vector<8x512xf32>
    %abs3A_3266 = math.absf %get3A_3262 : vector<8x512xf32>
    %neg3A_3267 = arith.constant 0.000000e+00 : f32
    %neg3A_3268 = vector.broadcast %neg3A_3267 : f32 to vector<8x512xf32>
    %neg3A_3269 = arith.subf %neg3A_3268, %abs3A_3266 : vector<8x512xf32>
    %exp3A_3270 = math.exp %neg3A_3269 : vector<8x512xf32>
    %add3A_3271 = arith.constant 1.000000e+00 : f32
    %add3A_3272 = vector.broadcast %add3A_3271 : f32 to vector<8x512xf32>
    %add3A_3273 = arith.addf %exp3A_3270, %add3A_3272 : vector<8x512xf32>
    %log3A_3274 = math.log %add3A_3273 : vector<8x512xf32>
    %add3A_3275 = arith.addf %add3A_3252, %log3A_3274 : vector<8x512xf32>
    %max3A_3276 = arith.constant 0.000000e+00 : f32
    %max3A_3277 = vector.broadcast %max3A_3276 : f32 to vector<8x512xf32>
    %max3A_3278 = arith.maximumf %get3A_3262, %max3A_3277 : vector<8x512xf32>
    %mul3A_3279 = arith.mulf %get3A_3262, %get3A_3265 : vector<8x512xf32>
    %sub3A_3280 = arith.subf %max3A_3278, %mul3A_3279 : vector<8x512xf32>
    %add3A_3281 = arith.addf %add3A_3258, %sub3A_3280 : vector<8x512xf32>
    %add3A_3282 = arith.addf %add3A_3259, %get3A_3265 : vector<8x512xf32>
    %get3A_3283 = arith.constant 1144 : index
    %get3A_3284 = arith.constant 0 : index
    %get3A_3285 = vector.load %arg1[%get3A_3283, %get3A_3284] : memref<1792x512xf32, #tpu.memory_space<vmem>>, vector<8x512xf32>
    %get3A_3286 = arith.constant 1144 : index
    %get3A_3287 = arith.constant 0 : index
    %get3A_3288 = vector.load %arg2[%get3A_3286, %get3A_3287] : memref<1792x512xf32, #tpu.memory_space<vmem>>, vector<8x512xf32>
    %abs3A_3289 = math.absf %get3A_3285 : vector<8x512xf32>
    %neg3A_3290 = arith.constant 0.000000e+00 : f32
    %neg3A_3291 = vector.broadcast %neg3A_3290 : f32 to vector<8x512xf32>
    %neg3A_3292 = arith.subf %neg3A_3291, %abs3A_3289 : vector<8x512xf32>
    %exp3A_3293 = math.exp %neg3A_3292 : vector<8x512xf32>
    %add3A_3294 = arith.constant 1.000000e+00 : f32
    %add3A_3295 = vector.broadcast %add3A_3294 : f32 to vector<8x512xf32>
    %add3A_3296 = arith.addf %exp3A_3293, %add3A_3295 : vector<8x512xf32>
    %log3A_3297 = math.log %add3A_3296 : vector<8x512xf32>
    %add3A_3298 = arith.addf %add3A_3275, %log3A_3297 : vector<8x512xf32>
    %max3A_3299 = arith.constant 0.000000e+00 : f32
    %max3A_3300 = vector.broadcast %max3A_3299 : f32 to vector<8x512xf32>
    %max3A_3301 = arith.maximumf %get3A_3285, %max3A_3300 : vector<8x512xf32>
    %mul3A_3302 = arith.mulf %get3A_3285, %get3A_3288 : vector<8x512xf32>
    %sub3A_3303 = arith.subf %max3A_3301, %mul3A_3302 : vector<8x512xf32>
    %add3A_3304 = arith.addf %add3A_3281, %sub3A_3303 : vector<8x512xf32>
    %add3A_3305 = arith.addf %add3A_3282, %get3A_3288 : vector<8x512xf32>
    %get3A_3306 = arith.constant 1152 : index
    %get3A_3307 = arith.constant 0 : index
    %get3A_3308 = vector.load %arg1[%get3A_3306, %get3A_3307] : memref<1792x512xf32, #tpu.memory_space<vmem>>, vector<8x512xf32>
    %get3A_3309 = arith.constant 1152 : index
    %get3A_3310 = arith.constant 0 : index
    %get3A_3311 = vector.load %arg2[%get3A_3309, %get3A_3310] : memref<1792x512xf32, #tpu.memory_space<vmem>>, vector<8x512xf32>
    %abs3A_3312 = math.absf %get3A_3308 : vector<8x512xf32>
    %neg3A_3313 = arith.constant 0.000000e+00 : f32
    %neg3A_3314 = vector.broadcast %neg3A_3313 : f32 to vector<8x512xf32>
    %neg3A_3315 = arith.subf %neg3A_3314, %abs3A_3312 : vector<8x512xf32>
    %exp3A_3316 = math.exp %neg3A_3315 : vector<8x512xf32>
    %add3A_3317 = arith.constant 1.000000e+00 : f32
    %add3A_3318 = vector.broadcast %add3A_3317 : f32 to vector<8x512xf32>
    %add3A_3319 = arith.addf %exp3A_3316, %add3A_3318 : vector<8x512xf32>
    %log3A_3320 = math.log %add3A_3319 : vector<8x512xf32>
    %add3A_3321 = arith.addf %add3A_3298, %log3A_3320 : vector<8x512xf32>
    %max3A_3322 = arith.constant 0.000000e+00 : f32
    %max3A_3323 = vector.broadcast %max3A_3322 : f32 to vector<8x512xf32>
    %max3A_3324 = arith.maximumf %get3A_3308, %max3A_3323 : vector<8x512xf32>
    %mul3A_3325 = arith.mulf %get3A_3308, %get3A_3311 : vector<8x512xf32>
    %sub3A_3326 = arith.subf %max3A_3324, %mul3A_3325 : vector<8x512xf32>
    %add3A_3327 = arith.addf %add3A_3304, %sub3A_3326 : vector<8x512xf32>
    %add3A_3328 = arith.addf %add3A_3305, %get3A_3311 : vector<8x512xf32>
    %get3A_3329 = arith.constant 1160 : index
    %get3A_3330 = arith.constant 0 : index
    %get3A_3331 = vector.load %arg1[%get3A_3329, %get3A_3330] : memref<1792x512xf32, #tpu.memory_space<vmem>>, vector<8x512xf32>
    %get3A_3332 = arith.constant 1160 : index
    %get3A_3333 = arith.constant 0 : index
    %get3A_3334 = vector.load %arg2[%get3A_3332, %get3A_3333] : memref<1792x512xf32, #tpu.memory_space<vmem>>, vector<8x512xf32>
    %abs3A_3335 = math.absf %get3A_3331 : vector<8x512xf32>
    %neg3A_3336 = arith.constant 0.000000e+00 : f32
    %neg3A_3337 = vector.broadcast %neg3A_3336 : f32 to vector<8x512xf32>
    %neg3A_3338 = arith.subf %neg3A_3337, %abs3A_3335 : vector<8x512xf32>
    %exp3A_3339 = math.exp %neg3A_3338 : vector<8x512xf32>
    %add3A_3340 = arith.constant 1.000000e+00 : f32
    %add3A_3341 = vector.broadcast %add3A_3340 : f32 to vector<8x512xf32>
    %add3A_3342 = arith.addf %exp3A_3339, %add3A_3341 : vector<8x512xf32>
    %log3A_3343 = math.log %add3A_3342 : vector<8x512xf32>
    %add3A_3344 = arith.addf %add3A_3321, %log3A_3343 : vector<8x512xf32>
    %max3A_3345 = arith.constant 0.000000e+00 : f32
    %max3A_3346 = vector.broadcast %max3A_3345 : f32 to vector<8x512xf32>
    %max3A_3347 = arith.maximumf %get3A_3331, %max3A_3346 : vector<8x512xf32>
    %mul3A_3348 = arith.mulf %get3A_3331, %get3A_3334 : vector<8x512xf32>
    %sub3A_3349 = arith.subf %max3A_3347, %mul3A_3348 : vector<8x512xf32>
    %add3A_3350 = arith.addf %add3A_3327, %sub3A_3349 : vector<8x512xf32>
    %add3A_3351 = arith.addf %add3A_3328, %get3A_3334 : vector<8x512xf32>
    %get3A_3352 = arith.constant 1168 : index
    %get3A_3353 = arith.constant 0 : index
    %get3A_3354 = vector.load %arg1[%get3A_3352, %get3A_3353] : memref<1792x512xf32, #tpu.memory_space<vmem>>, vector<8x512xf32>
    %get3A_3355 = arith.constant 1168 : index
    %get3A_3356 = arith.constant 0 : index
    %get3A_3357 = vector.load %arg2[%get3A_3355, %get3A_3356] : memref<1792x512xf32, #tpu.memory_space<vmem>>, vector<8x512xf32>
    %abs3A_3358 = math.absf %get3A_3354 : vector<8x512xf32>
    %neg3A_3359 = arith.constant 0.000000e+00 : f32
    %neg3A_3360 = vector.broadcast %neg3A_3359 : f32 to vector<8x512xf32>
    %neg3A_3361 = arith.subf %neg3A_3360, %abs3A_3358 : vector<8x512xf32>
    %exp3A_3362 = math.exp %neg3A_3361 : vector<8x512xf32>
    %add3A_3363 = arith.constant 1.000000e+00 : f32
    %add3A_3364 = vector.broadcast %add3A_3363 : f32 to vector<8x512xf32>
    %add3A_3365 = arith.addf %exp3A_3362, %add3A_3364 : vector<8x512xf32>
    %log3A_3366 = math.log %add3A_3365 : vector<8x512xf32>
    %add3A_3367 = arith.addf %add3A_3344, %log3A_3366 : vector<8x512xf32>
    %max3A_3368 = arith.constant 0.000000e+00 : f32
    %max3A_3369 = vector.broadcast %max3A_3368 : f32 to vector<8x512xf32>
    %max3A_3370 = arith.maximumf %get3A_3354, %max3A_3369 : vector<8x512xf32>
    %mul3A_3371 = arith.mulf %get3A_3354, %get3A_3357 : vector<8x512xf32>
    %sub3A_3372 = arith.subf %max3A_3370, %mul3A_3371 : vector<8x512xf32>
    %add3A_3373 = arith.addf %add3A_3350, %sub3A_3372 : vector<8x512xf32>
    %add3A_3374 = arith.addf %add3A_3351, %get3A_3357 : vector<8x512xf32>
    %get3A_3375 = arith.constant 1176 : index
    %get3A_3376 = arith.constant 0 : index
    %get3A_3377 = vector.load %arg1[%get3A_3375, %get3A_3376] : memref<1792x512xf32, #tpu.memory_space<vmem>>, vector<8x512xf32>
    %get3A_3378 = arith.constant 1176 : index
    %get3A_3379 = arith.constant 0 : index
    %get3A_3380 = vector.load %arg2[%get3A_3378, %get3A_3379] : memref<1792x512xf32, #tpu.memory_space<vmem>>, vector<8x512xf32>
    %abs3A_3381 = math.absf %get3A_3377 : vector<8x512xf32>
    %neg3A_3382 = arith.constant 0.000000e+00 : f32
    %neg3A_3383 = vector.broadcast %neg3A_3382 : f32 to vector<8x512xf32>
    %neg3A_3384 = arith.subf %neg3A_3383, %abs3A_3381 : vector<8x512xf32>
    %exp3A_3385 = math.exp %neg3A_3384 : vector<8x512xf32>
    %add3A_3386 = arith.constant 1.000000e+00 : f32
    %add3A_3387 = vector.broadcast %add3A_3386 : f32 to vector<8x512xf32>
    %add3A_3388 = arith.addf %exp3A_3385, %add3A_3387 : vector<8x512xf32>
    %log3A_3389 = math.log %add3A_3388 : vector<8x512xf32>
    %add3A_3390 = arith.addf %add3A_3367, %log3A_3389 : vector<8x512xf32>
    %max3A_3391 = arith.constant 0.000000e+00 : f32
    %max3A_3392 = vector.broadcast %max3A_3391 : f32 to vector<8x512xf32>
    %max3A_3393 = arith.maximumf %get3A_3377, %max3A_3392 : vector<8x512xf32>
    %mul3A_3394 = arith.mulf %get3A_3377, %get3A_3380 : vector<8x512xf32>
    %sub3A_3395 = arith.subf %max3A_3393, %mul3A_3394 : vector<8x512xf32>
    %add3A_3396 = arith.addf %add3A_3373, %sub3A_3395 : vector<8x512xf32>
    %add3A_3397 = arith.addf %add3A_3374, %get3A_3380 : vector<8x512xf32>
    %get3A_3398 = arith.constant 1184 : index
    %get3A_3399 = arith.constant 0 : index
    %get3A_3400 = vector.load %arg1[%get3A_3398, %get3A_3399] : memref<1792x512xf32, #tpu.memory_space<vmem>>, vector<8x512xf32>
    %get3A_3401 = arith.constant 1184 : index
    %get3A_3402 = arith.constant 0 : index
    %get3A_3403 = vector.load %arg2[%get3A_3401, %get3A_3402] : memref<1792x512xf32, #tpu.memory_space<vmem>>, vector<8x512xf32>
    %abs3A_3404 = math.absf %get3A_3400 : vector<8x512xf32>
    %neg3A_3405 = arith.constant 0.000000e+00 : f32
    %neg3A_3406 = vector.broadcast %neg3A_3405 : f32 to vector<8x512xf32>
    %neg3A_3407 = arith.subf %neg3A_3406, %abs3A_3404 : vector<8x512xf32>
    %exp3A_3408 = math.exp %neg3A_3407 : vector<8x512xf32>
    %add3A_3409 = arith.constant 1.000000e+00 : f32
    %add3A_3410 = vector.broadcast %add3A_3409 : f32 to vector<8x512xf32>
    %add3A_3411 = arith.addf %exp3A_3408, %add3A_3410 : vector<8x512xf32>
    %log3A_3412 = math.log %add3A_3411 : vector<8x512xf32>
    %add3A_3413 = arith.addf %add3A_3390, %log3A_3412 : vector<8x512xf32>
    %max3A_3414 = arith.constant 0.000000e+00 : f32
    %max3A_3415 = vector.broadcast %max3A_3414 : f32 to vector<8x512xf32>
    %max3A_3416 = arith.maximumf %get3A_3400, %max3A_3415 : vector<8x512xf32>
    %mul3A_3417 = arith.mulf %get3A_3400, %get3A_3403 : vector<8x512xf32>
    %sub3A_3418 = arith.subf %max3A_3416, %mul3A_3417 : vector<8x512xf32>
    %add3A_3419 = arith.addf %add3A_3396, %sub3A_3418 : vector<8x512xf32>
    %add3A_3420 = arith.addf %add3A_3397, %get3A_3403 : vector<8x512xf32>
    %get3A_3421 = arith.constant 1192 : index
    %get3A_3422 = arith.constant 0 : index
    %get3A_3423 = vector.load %arg1[%get3A_3421, %get3A_3422] : memref<1792x512xf32, #tpu.memory_space<vmem>>, vector<8x512xf32>
    %get3A_3424 = arith.constant 1192 : index
    %get3A_3425 = arith.constant 0 : index
    %get3A_3426 = vector.load %arg2[%get3A_3424, %get3A_3425] : memref<1792x512xf32, #tpu.memory_space<vmem>>, vector<8x512xf32>
    %abs3A_3427 = math.absf %get3A_3423 : vector<8x512xf32>
    %neg3A_3428 = arith.constant 0.000000e+00 : f32
    %neg3A_3429 = vector.broadcast %neg3A_3428 : f32 to vector<8x512xf32>
    %neg3A_3430 = arith.subf %neg3A_3429, %abs3A_3427 : vector<8x512xf32>
    %exp3A_3431 = math.exp %neg3A_3430 : vector<8x512xf32>
    %add3A_3432 = arith.constant 1.000000e+00 : f32
    %add3A_3433 = vector.broadcast %add3A_3432 : f32 to vector<8x512xf32>
    %add3A_3434 = arith.addf %exp3A_3431, %add3A_3433 : vector<8x512xf32>
    %log3A_3435 = math.log %add3A_3434 : vector<8x512xf32>
    %add3A_3436 = arith.addf %add3A_3413, %log3A_3435 : vector<8x512xf32>
    %max3A_3437 = arith.constant 0.000000e+00 : f32
    %max3A_3438 = vector.broadcast %max3A_3437 : f32 to vector<8x512xf32>
    %max3A_3439 = arith.maximumf %get3A_3423, %max3A_3438 : vector<8x512xf32>
    %mul3A_3440 = arith.mulf %get3A_3423, %get3A_3426 : vector<8x512xf32>
    %sub3A_3441 = arith.subf %max3A_3439, %mul3A_3440 : vector<8x512xf32>
    %add3A_3442 = arith.addf %add3A_3419, %sub3A_3441 : vector<8x512xf32>
    %add3A_3443 = arith.addf %add3A_3420, %get3A_3426 : vector<8x512xf32>
    %get3A_3444 = arith.constant 1200 : index
    %get3A_3445 = arith.constant 0 : index
    %get3A_3446 = vector.load %arg1[%get3A_3444, %get3A_3445] : memref<1792x512xf32, #tpu.memory_space<vmem>>, vector<8x512xf32>
    %get3A_3447 = arith.constant 1200 : index
    %get3A_3448 = arith.constant 0 : index
    %get3A_3449 = vector.load %arg2[%get3A_3447, %get3A_3448] : memref<1792x512xf32, #tpu.memory_space<vmem>>, vector<8x512xf32>
    %abs3A_3450 = math.absf %get3A_3446 : vector<8x512xf32>
    %neg3A_3451 = arith.constant 0.000000e+00 : f32
    %neg3A_3452 = vector.broadcast %neg3A_3451 : f32 to vector<8x512xf32>
    %neg3A_3453 = arith.subf %neg3A_3452, %abs3A_3450 : vector<8x512xf32>
    %exp3A_3454 = math.exp %neg3A_3453 : vector<8x512xf32>
    %add3A_3455 = arith.constant 1.000000e+00 : f32
    %add3A_3456 = vector.broadcast %add3A_3455 : f32 to vector<8x512xf32>
    %add3A_3457 = arith.addf %exp3A_3454, %add3A_3456 : vector<8x512xf32>
    %log3A_3458 = math.log %add3A_3457 : vector<8x512xf32>
    %add3A_3459 = arith.addf %add3A_3436, %log3A_3458 : vector<8x512xf32>
    %max3A_3460 = arith.constant 0.000000e+00 : f32
    %max3A_3461 = vector.broadcast %max3A_3460 : f32 to vector<8x512xf32>
    %max3A_3462 = arith.maximumf %get3A_3446, %max3A_3461 : vector<8x512xf32>
    %mul3A_3463 = arith.mulf %get3A_3446, %get3A_3449 : vector<8x512xf32>
    %sub3A_3464 = arith.subf %max3A_3462, %mul3A_3463 : vector<8x512xf32>
    %add3A_3465 = arith.addf %add3A_3442, %sub3A_3464 : vector<8x512xf32>
    %add3A_3466 = arith.addf %add3A_3443, %get3A_3449 : vector<8x512xf32>
    %get3A_3467 = arith.constant 1208 : index
    %get3A_3468 = arith.constant 0 : index
    %get3A_3469 = vector.load %arg1[%get3A_3467, %get3A_3468] : memref<1792x512xf32, #tpu.memory_space<vmem>>, vector<8x512xf32>
    %get3A_3470 = arith.constant 1208 : index
    %get3A_3471 = arith.constant 0 : index
    %get3A_3472 = vector.load %arg2[%get3A_3470, %get3A_3471] : memref<1792x512xf32, #tpu.memory_space<vmem>>, vector<8x512xf32>
    %abs3A_3473 = math.absf %get3A_3469 : vector<8x512xf32>
    %neg3A_3474 = arith.constant 0.000000e+00 : f32
    %neg3A_3475 = vector.broadcast %neg3A_3474 : f32 to vector<8x512xf32>
    %neg3A_3476 = arith.subf %neg3A_3475, %abs3A_3473 : vector<8x512xf32>
    %exp3A_3477 = math.exp %neg3A_3476 : vector<8x512xf32>
    %add3A_3478 = arith.constant 1.000000e+00 : f32
    %add3A_3479 = vector.broadcast %add3A_3478 : f32 to vector<8x512xf32>
    %add3A_3480 = arith.addf %exp3A_3477, %add3A_3479 : vector<8x512xf32>
    %log3A_3481 = math.log %add3A_3480 : vector<8x512xf32>
    %add3A_3482 = arith.addf %add3A_3459, %log3A_3481 : vector<8x512xf32>
    %max3A_3483 = arith.constant 0.000000e+00 : f32
    %max3A_3484 = vector.broadcast %max3A_3483 : f32 to vector<8x512xf32>
    %max3A_3485 = arith.maximumf %get3A_3469, %max3A_3484 : vector<8x512xf32>
    %mul3A_3486 = arith.mulf %get3A_3469, %get3A_3472 : vector<8x512xf32>
    %sub3A_3487 = arith.subf %max3A_3485, %mul3A_3486 : vector<8x512xf32>
    %add3A_3488 = arith.addf %add3A_3465, %sub3A_3487 : vector<8x512xf32>
    %add3A_3489 = arith.addf %add3A_3466, %get3A_3472 : vector<8x512xf32>
    %get3A_3490 = arith.constant 1216 : index
    %get3A_3491 = arith.constant 0 : index
    %get3A_3492 = vector.load %arg1[%get3A_3490, %get3A_3491] : memref<1792x512xf32, #tpu.memory_space<vmem>>, vector<8x512xf32>
    %get3A_3493 = arith.constant 1216 : index
    %get3A_3494 = arith.constant 0 : index
    %get3A_3495 = vector.load %arg2[%get3A_3493, %get3A_3494] : memref<1792x512xf32, #tpu.memory_space<vmem>>, vector<8x512xf32>
    %abs3A_3496 = math.absf %get3A_3492 : vector<8x512xf32>
    %neg3A_3497 = arith.constant 0.000000e+00 : f32
    %neg3A_3498 = vector.broadcast %neg3A_3497 : f32 to vector<8x512xf32>
    %neg3A_3499 = arith.subf %neg3A_3498, %abs3A_3496 : vector<8x512xf32>
    %exp3A_3500 = math.exp %neg3A_3499 : vector<8x512xf32>
    %add3A_3501 = arith.constant 1.000000e+00 : f32
    %add3A_3502 = vector.broadcast %add3A_3501 : f32 to vector<8x512xf32>
    %add3A_3503 = arith.addf %exp3A_3500, %add3A_3502 : vector<8x512xf32>
    %log3A_3504 = math.log %add3A_3503 : vector<8x512xf32>
    %add3A_3505 = arith.addf %add3A_3482, %log3A_3504 : vector<8x512xf32>
    %max3A_3506 = arith.constant 0.000000e+00 : f32
    %max3A_3507 = vector.broadcast %max3A_3506 : f32 to vector<8x512xf32>
    %max3A_3508 = arith.maximumf %get3A_3492, %max3A_3507 : vector<8x512xf32>
    %mul3A_3509 = arith.mulf %get3A_3492, %get3A_3495 : vector<8x512xf32>
    %sub3A_3510 = arith.subf %max3A_3508, %mul3A_3509 : vector<8x512xf32>
    %add3A_3511 = arith.addf %add3A_3488, %sub3A_3510 : vector<8x512xf32>
    %add3A_3512 = arith.addf %add3A_3489, %get3A_3495 : vector<8x512xf32>
    %get3A_3513 = arith.constant 1224 : index
    %get3A_3514 = arith.constant 0 : index
    %get3A_3515 = vector.load %arg1[%get3A_3513, %get3A_3514] : memref<1792x512xf32, #tpu.memory_space<vmem>>, vector<8x512xf32>
    %get3A_3516 = arith.constant 1224 : index
    %get3A_3517 = arith.constant 0 : index
    %get3A_3518 = vector.load %arg2[%get3A_3516, %get3A_3517] : memref<1792x512xf32, #tpu.memory_space<vmem>>, vector<8x512xf32>
    %abs3A_3519 = math.absf %get3A_3515 : vector<8x512xf32>
    %neg3A_3520 = arith.constant 0.000000e+00 : f32
    %neg3A_3521 = vector.broadcast %neg3A_3520 : f32 to vector<8x512xf32>
    %neg3A_3522 = arith.subf %neg3A_3521, %abs3A_3519 : vector<8x512xf32>
    %exp3A_3523 = math.exp %neg3A_3522 : vector<8x512xf32>
    %add3A_3524 = arith.constant 1.000000e+00 : f32
    %add3A_3525 = vector.broadcast %add3A_3524 : f32 to vector<8x512xf32>
    %add3A_3526 = arith.addf %exp3A_3523, %add3A_3525 : vector<8x512xf32>
    %log3A_3527 = math.log %add3A_3526 : vector<8x512xf32>
    %add3A_3528 = arith.addf %add3A_3505, %log3A_3527 : vector<8x512xf32>
    %max3A_3529 = arith.constant 0.000000e+00 : f32
    %max3A_3530 = vector.broadcast %max3A_3529 : f32 to vector<8x512xf32>
    %max3A_3531 = arith.maximumf %get3A_3515, %max3A_3530 : vector<8x512xf32>
    %mul3A_3532 = arith.mulf %get3A_3515, %get3A_3518 : vector<8x512xf32>
    %sub3A_3533 = arith.subf %max3A_3531, %mul3A_3532 : vector<8x512xf32>
    %add3A_3534 = arith.addf %add3A_3511, %sub3A_3533 : vector<8x512xf32>
    %add3A_3535 = arith.addf %add3A_3512, %get3A_3518 : vector<8x512xf32>
    %get3A_3536 = arith.constant 1232 : index
    %get3A_3537 = arith.constant 0 : index
    %get3A_3538 = vector.load %arg1[%get3A_3536, %get3A_3537] : memref<1792x512xf32, #tpu.memory_space<vmem>>, vector<8x512xf32>
    %get3A_3539 = arith.constant 1232 : index
    %get3A_3540 = arith.constant 0 : index
    %get3A_3541 = vector.load %arg2[%get3A_3539, %get3A_3540] : memref<1792x512xf32, #tpu.memory_space<vmem>>, vector<8x512xf32>
    %abs3A_3542 = math.absf %get3A_3538 : vector<8x512xf32>
    %neg3A_3543 = arith.constant 0.000000e+00 : f32
    %neg3A_3544 = vector.broadcast %neg3A_3543 : f32 to vector<8x512xf32>
    %neg3A_3545 = arith.subf %neg3A_3544, %abs3A_3542 : vector<8x512xf32>
    %exp3A_3546 = math.exp %neg3A_3545 : vector<8x512xf32>
    %add3A_3547 = arith.constant 1.000000e+00 : f32
    %add3A_3548 = vector.broadcast %add3A_3547 : f32 to vector<8x512xf32>
    %add3A_3549 = arith.addf %exp3A_3546, %add3A_3548 : vector<8x512xf32>
    %log3A_3550 = math.log %add3A_3549 : vector<8x512xf32>
    %add3A_3551 = arith.addf %add3A_3528, %log3A_3550 : vector<8x512xf32>
    %max3A_3552 = arith.constant 0.000000e+00 : f32
    %max3A_3553 = vector.broadcast %max3A_3552 : f32 to vector<8x512xf32>
    %max3A_3554 = arith.maximumf %get3A_3538, %max3A_3553 : vector<8x512xf32>
    %mul3A_3555 = arith.mulf %get3A_3538, %get3A_3541 : vector<8x512xf32>
    %sub3A_3556 = arith.subf %max3A_3554, %mul3A_3555 : vector<8x512xf32>
    %add3A_3557 = arith.addf %add3A_3534, %sub3A_3556 : vector<8x512xf32>
    %add3A_3558 = arith.addf %add3A_3535, %get3A_3541 : vector<8x512xf32>
    %get3A_3559 = arith.constant 1240 : index
    %get3A_3560 = arith.constant 0 : index
    %get3A_3561 = vector.load %arg1[%get3A_3559, %get3A_3560] : memref<1792x512xf32, #tpu.memory_space<vmem>>, vector<8x512xf32>
    %get3A_3562 = arith.constant 1240 : index
    %get3A_3563 = arith.constant 0 : index
    %get3A_3564 = vector.load %arg2[%get3A_3562, %get3A_3563] : memref<1792x512xf32, #tpu.memory_space<vmem>>, vector<8x512xf32>
    %abs3A_3565 = math.absf %get3A_3561 : vector<8x512xf32>
    %neg3A_3566 = arith.constant 0.000000e+00 : f32
    %neg3A_3567 = vector.broadcast %neg3A_3566 : f32 to vector<8x512xf32>
    %neg3A_3568 = arith.subf %neg3A_3567, %abs3A_3565 : vector<8x512xf32>
    %exp3A_3569 = math.exp %neg3A_3568 : vector<8x512xf32>
    %add3A_3570 = arith.constant 1.000000e+00 : f32
    %add3A_3571 = vector.broadcast %add3A_3570 : f32 to vector<8x512xf32>
    %add3A_3572 = arith.addf %exp3A_3569, %add3A_3571 : vector<8x512xf32>
    %log3A_3573 = math.log %add3A_3572 : vector<8x512xf32>
    %add3A_3574 = arith.addf %add3A_3551, %log3A_3573 : vector<8x512xf32>
    %max3A_3575 = arith.constant 0.000000e+00 : f32
    %max3A_3576 = vector.broadcast %max3A_3575 : f32 to vector<8x512xf32>
    %max3A_3577 = arith.maximumf %get3A_3561, %max3A_3576 : vector<8x512xf32>
    %mul3A_3578 = arith.mulf %get3A_3561, %get3A_3564 : vector<8x512xf32>
    %sub3A_3579 = arith.subf %max3A_3577, %mul3A_3578 : vector<8x512xf32>
    %add3A_3580 = arith.addf %add3A_3557, %sub3A_3579 : vector<8x512xf32>
    %add3A_3581 = arith.addf %add3A_3558, %get3A_3564 : vector<8x512xf32>
    %get3A_3582 = arith.constant 1248 : index
    %get3A_3583 = arith.constant 0 : index
    %get3A_3584 = vector.load %arg1[%get3A_3582, %get3A_3583] : memref<1792x512xf32, #tpu.memory_space<vmem>>, vector<8x512xf32>
    %get3A_3585 = arith.constant 1248 : index
    %get3A_3586 = arith.constant 0 : index
    %get3A_3587 = vector.load %arg2[%get3A_3585, %get3A_3586] : memref<1792x512xf32, #tpu.memory_space<vmem>>, vector<8x512xf32>
    %abs3A_3588 = math.absf %get3A_3584 : vector<8x512xf32>
    %neg3A_3589 = arith.constant 0.000000e+00 : f32
    %neg3A_3590 = vector.broadcast %neg3A_3589 : f32 to vector<8x512xf32>
    %neg3A_3591 = arith.subf %neg3A_3590, %abs3A_3588 : vector<8x512xf32>
    %exp3A_3592 = math.exp %neg3A_3591 : vector<8x512xf32>
    %add3A_3593 = arith.constant 1.000000e+00 : f32
    %add3A_3594 = vector.broadcast %add3A_3593 : f32 to vector<8x512xf32>
    %add3A_3595 = arith.addf %exp3A_3592, %add3A_3594 : vector<8x512xf32>
    %log3A_3596 = math.log %add3A_3595 : vector<8x512xf32>
    %add3A_3597 = arith.addf %add3A_3574, %log3A_3596 : vector<8x512xf32>
    %max3A_3598 = arith.constant 0.000000e+00 : f32
    %max3A_3599 = vector.broadcast %max3A_3598 : f32 to vector<8x512xf32>
    %max3A_3600 = arith.maximumf %get3A_3584, %max3A_3599 : vector<8x512xf32>
    %mul3A_3601 = arith.mulf %get3A_3584, %get3A_3587 : vector<8x512xf32>
    %sub3A_3602 = arith.subf %max3A_3600, %mul3A_3601 : vector<8x512xf32>
    %add3A_3603 = arith.addf %add3A_3580, %sub3A_3602 : vector<8x512xf32>
    %add3A_3604 = arith.addf %add3A_3581, %get3A_3587 : vector<8x512xf32>
    %get3A_3605 = arith.constant 1256 : index
    %get3A_3606 = arith.constant 0 : index
    %get3A_3607 = vector.load %arg1[%get3A_3605, %get3A_3606] : memref<1792x512xf32, #tpu.memory_space<vmem>>, vector<8x512xf32>
    %get3A_3608 = arith.constant 1256 : index
    %get3A_3609 = arith.constant 0 : index
    %get3A_3610 = vector.load %arg2[%get3A_3608, %get3A_3609] : memref<1792x512xf32, #tpu.memory_space<vmem>>, vector<8x512xf32>
    %abs3A_3611 = math.absf %get3A_3607 : vector<8x512xf32>
    %neg3A_3612 = arith.constant 0.000000e+00 : f32
    %neg3A_3613 = vector.broadcast %neg3A_3612 : f32 to vector<8x512xf32>
    %neg3A_3614 = arith.subf %neg3A_3613, %abs3A_3611 : vector<8x512xf32>
    %exp3A_3615 = math.exp %neg3A_3614 : vector<8x512xf32>
    %add3A_3616 = arith.constant 1.000000e+00 : f32
    %add3A_3617 = vector.broadcast %add3A_3616 : f32 to vector<8x512xf32>
    %add3A_3618 = arith.addf %exp3A_3615, %add3A_3617 : vector<8x512xf32>
    %log3A_3619 = math.log %add3A_3618 : vector<8x512xf32>
    %add3A_3620 = arith.addf %add3A_3597, %log3A_3619 : vector<8x512xf32>
    %max3A_3621 = arith.constant 0.000000e+00 : f32
    %max3A_3622 = vector.broadcast %max3A_3621 : f32 to vector<8x512xf32>
    %max3A_3623 = arith.maximumf %get3A_3607, %max3A_3622 : vector<8x512xf32>
    %mul3A_3624 = arith.mulf %get3A_3607, %get3A_3610 : vector<8x512xf32>
    %sub3A_3625 = arith.subf %max3A_3623, %mul3A_3624 : vector<8x512xf32>
    %add3A_3626 = arith.addf %add3A_3603, %sub3A_3625 : vector<8x512xf32>
    %add3A_3627 = arith.addf %add3A_3604, %get3A_3610 : vector<8x512xf32>
    %get3A_3628 = arith.constant 1264 : index
    %get3A_3629 = arith.constant 0 : index
    %get3A_3630 = vector.load %arg1[%get3A_3628, %get3A_3629] : memref<1792x512xf32, #tpu.memory_space<vmem>>, vector<8x512xf32>
    %get3A_3631 = arith.constant 1264 : index
    %get3A_3632 = arith.constant 0 : index
    %get3A_3633 = vector.load %arg2[%get3A_3631, %get3A_3632] : memref<1792x512xf32, #tpu.memory_space<vmem>>, vector<8x512xf32>
    %abs3A_3634 = math.absf %get3A_3630 : vector<8x512xf32>
    %neg3A_3635 = arith.constant 0.000000e+00 : f32
    %neg3A_3636 = vector.broadcast %neg3A_3635 : f32 to vector<8x512xf32>
    %neg3A_3637 = arith.subf %neg3A_3636, %abs3A_3634 : vector<8x512xf32>
    %exp3A_3638 = math.exp %neg3A_3637 : vector<8x512xf32>
    %add3A_3639 = arith.constant 1.000000e+00 : f32
    %add3A_3640 = vector.broadcast %add3A_3639 : f32 to vector<8x512xf32>
    %add3A_3641 = arith.addf %exp3A_3638, %add3A_3640 : vector<8x512xf32>
    %log3A_3642 = math.log %add3A_3641 : vector<8x512xf32>
    %add3A_3643 = arith.addf %add3A_3620, %log3A_3642 : vector<8x512xf32>
    %max3A_3644 = arith.constant 0.000000e+00 : f32
    %max3A_3645 = vector.broadcast %max3A_3644 : f32 to vector<8x512xf32>
    %max3A_3646 = arith.maximumf %get3A_3630, %max3A_3645 : vector<8x512xf32>
    %mul3A_3647 = arith.mulf %get3A_3630, %get3A_3633 : vector<8x512xf32>
    %sub3A_3648 = arith.subf %max3A_3646, %mul3A_3647 : vector<8x512xf32>
    %add3A_3649 = arith.addf %add3A_3626, %sub3A_3648 : vector<8x512xf32>
    %add3A_3650 = arith.addf %add3A_3627, %get3A_3633 : vector<8x512xf32>
    %get3A_3651 = arith.constant 1272 : index
    %get3A_3652 = arith.constant 0 : index
    %get3A_3653 = vector.load %arg1[%get3A_3651, %get3A_3652] : memref<1792x512xf32, #tpu.memory_space<vmem>>, vector<8x512xf32>
    %get3A_3654 = arith.constant 1272 : index
    %get3A_3655 = arith.constant 0 : index
    %get3A_3656 = vector.load %arg2[%get3A_3654, %get3A_3655] : memref<1792x512xf32, #tpu.memory_space<vmem>>, vector<8x512xf32>
    %abs3A_3657 = math.absf %get3A_3653 : vector<8x512xf32>
    %neg3A_3658 = arith.constant 0.000000e+00 : f32
    %neg3A_3659 = vector.broadcast %neg3A_3658 : f32 to vector<8x512xf32>
    %neg3A_3660 = arith.subf %neg3A_3659, %abs3A_3657 : vector<8x512xf32>
    %exp3A_3661 = math.exp %neg3A_3660 : vector<8x512xf32>
    %add3A_3662 = arith.constant 1.000000e+00 : f32
    %add3A_3663 = vector.broadcast %add3A_3662 : f32 to vector<8x512xf32>
    %add3A_3664 = arith.addf %exp3A_3661, %add3A_3663 : vector<8x512xf32>
    %log3A_3665 = math.log %add3A_3664 : vector<8x512xf32>
    %add3A_3666 = arith.addf %add3A_3643, %log3A_3665 : vector<8x512xf32>
    %max3A_3667 = arith.constant 0.000000e+00 : f32
    %max3A_3668 = vector.broadcast %max3A_3667 : f32 to vector<8x512xf32>
    %max3A_3669 = arith.maximumf %get3A_3653, %max3A_3668 : vector<8x512xf32>
    %mul3A_3670 = arith.mulf %get3A_3653, %get3A_3656 : vector<8x512xf32>
    %sub3A_3671 = arith.subf %max3A_3669, %mul3A_3670 : vector<8x512xf32>
    %add3A_3672 = arith.addf %add3A_3649, %sub3A_3671 : vector<8x512xf32>
    %add3A_3673 = arith.addf %add3A_3650, %get3A_3656 : vector<8x512xf32>
    %get3A_3674 = arith.constant 1280 : index
    %get3A_3675 = arith.constant 0 : index
    %get3A_3676 = vector.load %arg1[%get3A_3674, %get3A_3675] : memref<1792x512xf32, #tpu.memory_space<vmem>>, vector<8x512xf32>
    %get3A_3677 = arith.constant 1280 : index
    %get3A_3678 = arith.constant 0 : index
    %get3A_3679 = vector.load %arg2[%get3A_3677, %get3A_3678] : memref<1792x512xf32, #tpu.memory_space<vmem>>, vector<8x512xf32>
    %abs3A_3680 = math.absf %get3A_3676 : vector<8x512xf32>
    %neg3A_3681 = arith.constant 0.000000e+00 : f32
    %neg3A_3682 = vector.broadcast %neg3A_3681 : f32 to vector<8x512xf32>
    %neg3A_3683 = arith.subf %neg3A_3682, %abs3A_3680 : vector<8x512xf32>
    %exp3A_3684 = math.exp %neg3A_3683 : vector<8x512xf32>
    %add3A_3685 = arith.constant 1.000000e+00 : f32
    %add3A_3686 = vector.broadcast %add3A_3685 : f32 to vector<8x512xf32>
    %add3A_3687 = arith.addf %exp3A_3684, %add3A_3686 : vector<8x512xf32>
    %log3A_3688 = math.log %add3A_3687 : vector<8x512xf32>
    %add3A_3689 = arith.addf %add3A_3666, %log3A_3688 : vector<8x512xf32>
    %max3A_3690 = arith.constant 0.000000e+00 : f32
    %max3A_3691 = vector.broadcast %max3A_3690 : f32 to vector<8x512xf32>
    %max3A_3692 = arith.maximumf %get3A_3676, %max3A_3691 : vector<8x512xf32>
    %mul3A_3693 = arith.mulf %get3A_3676, %get3A_3679 : vector<8x512xf32>
    %sub3A_3694 = arith.subf %max3A_3692, %mul3A_3693 : vector<8x512xf32>
    %add3A_3695 = arith.addf %add3A_3672, %sub3A_3694 : vector<8x512xf32>
    %add3A_3696 = arith.addf %add3A_3673, %get3A_3679 : vector<8x512xf32>
    %get3A_3697 = arith.constant 1288 : index
    %get3A_3698 = arith.constant 0 : index
    %get3A_3699 = vector.load %arg1[%get3A_3697, %get3A_3698] : memref<1792x512xf32, #tpu.memory_space<vmem>>, vector<8x512xf32>
    %get3A_3700 = arith.constant 1288 : index
    %get3A_3701 = arith.constant 0 : index
    %get3A_3702 = vector.load %arg2[%get3A_3700, %get3A_3701] : memref<1792x512xf32, #tpu.memory_space<vmem>>, vector<8x512xf32>
    %abs3A_3703 = math.absf %get3A_3699 : vector<8x512xf32>
    %neg3A_3704 = arith.constant 0.000000e+00 : f32
    %neg3A_3705 = vector.broadcast %neg3A_3704 : f32 to vector<8x512xf32>
    %neg3A_3706 = arith.subf %neg3A_3705, %abs3A_3703 : vector<8x512xf32>
    %exp3A_3707 = math.exp %neg3A_3706 : vector<8x512xf32>
    %add3A_3708 = arith.constant 1.000000e+00 : f32
    %add3A_3709 = vector.broadcast %add3A_3708 : f32 to vector<8x512xf32>
    %add3A_3710 = arith.addf %exp3A_3707, %add3A_3709 : vector<8x512xf32>
    %log3A_3711 = math.log %add3A_3710 : vector<8x512xf32>
    %add3A_3712 = arith.addf %add3A_3689, %log3A_3711 : vector<8x512xf32>
    %max3A_3713 = arith.constant 0.000000e+00 : f32
    %max3A_3714 = vector.broadcast %max3A_3713 : f32 to vector<8x512xf32>
    %max3A_3715 = arith.maximumf %get3A_3699, %max3A_3714 : vector<8x512xf32>
    %mul3A_3716 = arith.mulf %get3A_3699, %get3A_3702 : vector<8x512xf32>
    %sub3A_3717 = arith.subf %max3A_3715, %mul3A_3716 : vector<8x512xf32>
    %add3A_3718 = arith.addf %add3A_3695, %sub3A_3717 : vector<8x512xf32>
    %add3A_3719 = arith.addf %add3A_3696, %get3A_3702 : vector<8x512xf32>
    %get3A_3720 = arith.constant 1296 : index
    %get3A_3721 = arith.constant 0 : index
    %get3A_3722 = vector.load %arg1[%get3A_3720, %get3A_3721] : memref<1792x512xf32, #tpu.memory_space<vmem>>, vector<8x512xf32>
    %get3A_3723 = arith.constant 1296 : index
    %get3A_3724 = arith.constant 0 : index
    %get3A_3725 = vector.load %arg2[%get3A_3723, %get3A_3724] : memref<1792x512xf32, #tpu.memory_space<vmem>>, vector<8x512xf32>
    %abs3A_3726 = math.absf %get3A_3722 : vector<8x512xf32>
    %neg3A_3727 = arith.constant 0.000000e+00 : f32
    %neg3A_3728 = vector.broadcast %neg3A_3727 : f32 to vector<8x512xf32>
    %neg3A_3729 = arith.subf %neg3A_3728, %abs3A_3726 : vector<8x512xf32>
    %exp3A_3730 = math.exp %neg3A_3729 : vector<8x512xf32>
    %add3A_3731 = arith.constant 1.000000e+00 : f32
    %add3A_3732 = vector.broadcast %add3A_3731 : f32 to vector<8x512xf32>
    %add3A_3733 = arith.addf %exp3A_3730, %add3A_3732 : vector<8x512xf32>
    %log3A_3734 = math.log %add3A_3733 : vector<8x512xf32>
    %add3A_3735 = arith.addf %add3A_3712, %log3A_3734 : vector<8x512xf32>
    %max3A_3736 = arith.constant 0.000000e+00 : f32
    %max3A_3737 = vector.broadcast %max3A_3736 : f32 to vector<8x512xf32>
    %max3A_3738 = arith.maximumf %get3A_3722, %max3A_3737 : vector<8x512xf32>
    %mul3A_3739 = arith.mulf %get3A_3722, %get3A_3725 : vector<8x512xf32>
    %sub3A_3740 = arith.subf %max3A_3738, %mul3A_3739 : vector<8x512xf32>
    %add3A_3741 = arith.addf %add3A_3718, %sub3A_3740 : vector<8x512xf32>
    %add3A_3742 = arith.addf %add3A_3719, %get3A_3725 : vector<8x512xf32>
    %get3A_3743 = arith.constant 1304 : index
    %get3A_3744 = arith.constant 0 : index
    %get3A_3745 = vector.load %arg1[%get3A_3743, %get3A_3744] : memref<1792x512xf32, #tpu.memory_space<vmem>>, vector<8x512xf32>
    %get3A_3746 = arith.constant 1304 : index
    %get3A_3747 = arith.constant 0 : index
    %get3A_3748 = vector.load %arg2[%get3A_3746, %get3A_3747] : memref<1792x512xf32, #tpu.memory_space<vmem>>, vector<8x512xf32>
    %abs3A_3749 = math.absf %get3A_3745 : vector<8x512xf32>
    %neg3A_3750 = arith.constant 0.000000e+00 : f32
    %neg3A_3751 = vector.broadcast %neg3A_3750 : f32 to vector<8x512xf32>
    %neg3A_3752 = arith.subf %neg3A_3751, %abs3A_3749 : vector<8x512xf32>
    %exp3A_3753 = math.exp %neg3A_3752 : vector<8x512xf32>
    %add3A_3754 = arith.constant 1.000000e+00 : f32
    %add3A_3755 = vector.broadcast %add3A_3754 : f32 to vector<8x512xf32>
    %add3A_3756 = arith.addf %exp3A_3753, %add3A_3755 : vector<8x512xf32>
    %log3A_3757 = math.log %add3A_3756 : vector<8x512xf32>
    %add3A_3758 = arith.addf %add3A_3735, %log3A_3757 : vector<8x512xf32>
    %max3A_3759 = arith.constant 0.000000e+00 : f32
    %max3A_3760 = vector.broadcast %max3A_3759 : f32 to vector<8x512xf32>
    %max3A_3761 = arith.maximumf %get3A_3745, %max3A_3760 : vector<8x512xf32>
    %mul3A_3762 = arith.mulf %get3A_3745, %get3A_3748 : vector<8x512xf32>
    %sub3A_3763 = arith.subf %max3A_3761, %mul3A_3762 : vector<8x512xf32>
    %add3A_3764 = arith.addf %add3A_3741, %sub3A_3763 : vector<8x512xf32>
    %add3A_3765 = arith.addf %add3A_3742, %get3A_3748 : vector<8x512xf32>
    %get3A_3766 = arith.constant 1312 : index
    %get3A_3767 = arith.constant 0 : index
    %get3A_3768 = vector.load %arg1[%get3A_3766, %get3A_3767] : memref<1792x512xf32, #tpu.memory_space<vmem>>, vector<8x512xf32>
    %get3A_3769 = arith.constant 1312 : index
    %get3A_3770 = arith.constant 0 : index
    %get3A_3771 = vector.load %arg2[%get3A_3769, %get3A_3770] : memref<1792x512xf32, #tpu.memory_space<vmem>>, vector<8x512xf32>
    %abs3A_3772 = math.absf %get3A_3768 : vector<8x512xf32>
    %neg3A_3773 = arith.constant 0.000000e+00 : f32
    %neg3A_3774 = vector.broadcast %neg3A_3773 : f32 to vector<8x512xf32>
    %neg3A_3775 = arith.subf %neg3A_3774, %abs3A_3772 : vector<8x512xf32>
    %exp3A_3776 = math.exp %neg3A_3775 : vector<8x512xf32>
    %add3A_3777 = arith.constant 1.000000e+00 : f32
    %add3A_3778 = vector.broadcast %add3A_3777 : f32 to vector<8x512xf32>
    %add3A_3779 = arith.addf %exp3A_3776, %add3A_3778 : vector<8x512xf32>
    %log3A_3780 = math.log %add3A_3779 : vector<8x512xf32>
    %add3A_3781 = arith.addf %add3A_3758, %log3A_3780 : vector<8x512xf32>
    %max3A_3782 = arith.constant 0.000000e+00 : f32
    %max3A_3783 = vector.broadcast %max3A_3782 : f32 to vector<8x512xf32>
    %max3A_3784 = arith.maximumf %get3A_3768, %max3A_3783 : vector<8x512xf32>
    %mul3A_3785 = arith.mulf %get3A_3768, %get3A_3771 : vector<8x512xf32>
    %sub3A_3786 = arith.subf %max3A_3784, %mul3A_3785 : vector<8x512xf32>
    %add3A_3787 = arith.addf %add3A_3764, %sub3A_3786 : vector<8x512xf32>
    %add3A_3788 = arith.addf %add3A_3765, %get3A_3771 : vector<8x512xf32>
    %get3A_3789 = arith.constant 1320 : index
    %get3A_3790 = arith.constant 0 : index
    %get3A_3791 = vector.load %arg1[%get3A_3789, %get3A_3790] : memref<1792x512xf32, #tpu.memory_space<vmem>>, vector<8x512xf32>
    %get3A_3792 = arith.constant 1320 : index
    %get3A_3793 = arith.constant 0 : index
    %get3A_3794 = vector.load %arg2[%get3A_3792, %get3A_3793] : memref<1792x512xf32, #tpu.memory_space<vmem>>, vector<8x512xf32>
    %abs3A_3795 = math.absf %get3A_3791 : vector<8x512xf32>
    %neg3A_3796 = arith.constant 0.000000e+00 : f32
    %neg3A_3797 = vector.broadcast %neg3A_3796 : f32 to vector<8x512xf32>
    %neg3A_3798 = arith.subf %neg3A_3797, %abs3A_3795 : vector<8x512xf32>
    %exp3A_3799 = math.exp %neg3A_3798 : vector<8x512xf32>
    %add3A_3800 = arith.constant 1.000000e+00 : f32
    %add3A_3801 = vector.broadcast %add3A_3800 : f32 to vector<8x512xf32>
    %add3A_3802 = arith.addf %exp3A_3799, %add3A_3801 : vector<8x512xf32>
    %log3A_3803 = math.log %add3A_3802 : vector<8x512xf32>
    %add3A_3804 = arith.addf %add3A_3781, %log3A_3803 : vector<8x512xf32>
    %max3A_3805 = arith.constant 0.000000e+00 : f32
    %max3A_3806 = vector.broadcast %max3A_3805 : f32 to vector<8x512xf32>
    %max3A_3807 = arith.maximumf %get3A_3791, %max3A_3806 : vector<8x512xf32>
    %mul3A_3808 = arith.mulf %get3A_3791, %get3A_3794 : vector<8x512xf32>
    %sub3A_3809 = arith.subf %max3A_3807, %mul3A_3808 : vector<8x512xf32>
    %add3A_3810 = arith.addf %add3A_3787, %sub3A_3809 : vector<8x512xf32>
    %add3A_3811 = arith.addf %add3A_3788, %get3A_3794 : vector<8x512xf32>
    %get3A_3812 = arith.constant 1328 : index
    %get3A_3813 = arith.constant 0 : index
    %get3A_3814 = vector.load %arg1[%get3A_3812, %get3A_3813] : memref<1792x512xf32, #tpu.memory_space<vmem>>, vector<8x512xf32>
    %get3A_3815 = arith.constant 1328 : index
    %get3A_3816 = arith.constant 0 : index
    %get3A_3817 = vector.load %arg2[%get3A_3815, %get3A_3816] : memref<1792x512xf32, #tpu.memory_space<vmem>>, vector<8x512xf32>
    %abs3A_3818 = math.absf %get3A_3814 : vector<8x512xf32>
    %neg3A_3819 = arith.constant 0.000000e+00 : f32
    %neg3A_3820 = vector.broadcast %neg3A_3819 : f32 to vector<8x512xf32>
    %neg3A_3821 = arith.subf %neg3A_3820, %abs3A_3818 : vector<8x512xf32>
    %exp3A_3822 = math.exp %neg3A_3821 : vector<8x512xf32>
    %add3A_3823 = arith.constant 1.000000e+00 : f32
    %add3A_3824 = vector.broadcast %add3A_3823 : f32 to vector<8x512xf32>
    %add3A_3825 = arith.addf %exp3A_3822, %add3A_3824 : vector<8x512xf32>
    %log3A_3826 = math.log %add3A_3825 : vector<8x512xf32>
    %add3A_3827 = arith.addf %add3A_3804, %log3A_3826 : vector<8x512xf32>
    %max3A_3828 = arith.constant 0.000000e+00 : f32
    %max3A_3829 = vector.broadcast %max3A_3828 : f32 to vector<8x512xf32>
    %max3A_3830 = arith.maximumf %get3A_3814, %max3A_3829 : vector<8x512xf32>
    %mul3A_3831 = arith.mulf %get3A_3814, %get3A_3817 : vector<8x512xf32>
    %sub3A_3832 = arith.subf %max3A_3830, %mul3A_3831 : vector<8x512xf32>
    %add3A_3833 = arith.addf %add3A_3810, %sub3A_3832 : vector<8x512xf32>
    %add3A_3834 = arith.addf %add3A_3811, %get3A_3817 : vector<8x512xf32>
    %get3A_3835 = arith.constant 1336 : index
    %get3A_3836 = arith.constant 0 : index
    %get3A_3837 = vector.load %arg1[%get3A_3835, %get3A_3836] : memref<1792x512xf32, #tpu.memory_space<vmem>>, vector<8x512xf32>
    %get3A_3838 = arith.constant 1336 : index
    %get3A_3839 = arith.constant 0 : index
    %get3A_3840 = vector.load %arg2[%get3A_3838, %get3A_3839] : memref<1792x512xf32, #tpu.memory_space<vmem>>, vector<8x512xf32>
    %abs3A_3841 = math.absf %get3A_3837 : vector<8x512xf32>
    %neg3A_3842 = arith.constant 0.000000e+00 : f32
    %neg3A_3843 = vector.broadcast %neg3A_3842 : f32 to vector<8x512xf32>
    %neg3A_3844 = arith.subf %neg3A_3843, %abs3A_3841 : vector<8x512xf32>
    %exp3A_3845 = math.exp %neg3A_3844 : vector<8x512xf32>
    %add3A_3846 = arith.constant 1.000000e+00 : f32
    %add3A_3847 = vector.broadcast %add3A_3846 : f32 to vector<8x512xf32>
    %add3A_3848 = arith.addf %exp3A_3845, %add3A_3847 : vector<8x512xf32>
    %log3A_3849 = math.log %add3A_3848 : vector<8x512xf32>
    %add3A_3850 = arith.addf %add3A_3827, %log3A_3849 : vector<8x512xf32>
    %max3A_3851 = arith.constant 0.000000e+00 : f32
    %max3A_3852 = vector.broadcast %max3A_3851 : f32 to vector<8x512xf32>
    %max3A_3853 = arith.maximumf %get3A_3837, %max3A_3852 : vector<8x512xf32>
    %mul3A_3854 = arith.mulf %get3A_3837, %get3A_3840 : vector<8x512xf32>
    %sub3A_3855 = arith.subf %max3A_3853, %mul3A_3854 : vector<8x512xf32>
    %add3A_3856 = arith.addf %add3A_3833, %sub3A_3855 : vector<8x512xf32>
    %add3A_3857 = arith.addf %add3A_3834, %get3A_3840 : vector<8x512xf32>
    %get3A_3858 = arith.constant 1344 : index
    %get3A_3859 = arith.constant 0 : index
    %get3A_3860 = vector.load %arg1[%get3A_3858, %get3A_3859] : memref<1792x512xf32, #tpu.memory_space<vmem>>, vector<8x512xf32>
    %get3A_3861 = arith.constant 1344 : index
    %get3A_3862 = arith.constant 0 : index
    %get3A_3863 = vector.load %arg2[%get3A_3861, %get3A_3862] : memref<1792x512xf32, #tpu.memory_space<vmem>>, vector<8x512xf32>
    %abs3A_3864 = math.absf %get3A_3860 : vector<8x512xf32>
    %neg3A_3865 = arith.constant 0.000000e+00 : f32
    %neg3A_3866 = vector.broadcast %neg3A_3865 : f32 to vector<8x512xf32>
    %neg3A_3867 = arith.subf %neg3A_3866, %abs3A_3864 : vector<8x512xf32>
    %exp3A_3868 = math.exp %neg3A_3867 : vector<8x512xf32>
    %add3A_3869 = arith.constant 1.000000e+00 : f32
    %add3A_3870 = vector.broadcast %add3A_3869 : f32 to vector<8x512xf32>
    %add3A_3871 = arith.addf %exp3A_3868, %add3A_3870 : vector<8x512xf32>
    %log3A_3872 = math.log %add3A_3871 : vector<8x512xf32>
    %add3A_3873 = arith.addf %add3A_3850, %log3A_3872 : vector<8x512xf32>
    %max3A_3874 = arith.constant 0.000000e+00 : f32
    %max3A_3875 = vector.broadcast %max3A_3874 : f32 to vector<8x512xf32>
    %max3A_3876 = arith.maximumf %get3A_3860, %max3A_3875 : vector<8x512xf32>
    %mul3A_3877 = arith.mulf %get3A_3860, %get3A_3863 : vector<8x512xf32>
    %sub3A_3878 = arith.subf %max3A_3876, %mul3A_3877 : vector<8x512xf32>
    %add3A_3879 = arith.addf %add3A_3856, %sub3A_3878 : vector<8x512xf32>
    %add3A_3880 = arith.addf %add3A_3857, %get3A_3863 : vector<8x512xf32>
    %get3A_3881 = arith.constant 1352 : index
    %get3A_3882 = arith.constant 0 : index
    %get3A_3883 = vector.load %arg1[%get3A_3881, %get3A_3882] : memref<1792x512xf32, #tpu.memory_space<vmem>>, vector<8x512xf32>
    %get3A_3884 = arith.constant 1352 : index
    %get3A_3885 = arith.constant 0 : index
    %get3A_3886 = vector.load %arg2[%get3A_3884, %get3A_3885] : memref<1792x512xf32, #tpu.memory_space<vmem>>, vector<8x512xf32>
    %abs3A_3887 = math.absf %get3A_3883 : vector<8x512xf32>
    %neg3A_3888 = arith.constant 0.000000e+00 : f32
    %neg3A_3889 = vector.broadcast %neg3A_3888 : f32 to vector<8x512xf32>
    %neg3A_3890 = arith.subf %neg3A_3889, %abs3A_3887 : vector<8x512xf32>
    %exp3A_3891 = math.exp %neg3A_3890 : vector<8x512xf32>
    %add3A_3892 = arith.constant 1.000000e+00 : f32
    %add3A_3893 = vector.broadcast %add3A_3892 : f32 to vector<8x512xf32>
    %add3A_3894 = arith.addf %exp3A_3891, %add3A_3893 : vector<8x512xf32>
    %log3A_3895 = math.log %add3A_3894 : vector<8x512xf32>
    %add3A_3896 = arith.addf %add3A_3873, %log3A_3895 : vector<8x512xf32>
    %max3A_3897 = arith.constant 0.000000e+00 : f32
    %max3A_3898 = vector.broadcast %max3A_3897 : f32 to vector<8x512xf32>
    %max3A_3899 = arith.maximumf %get3A_3883, %max3A_3898 : vector<8x512xf32>
    %mul3A_3900 = arith.mulf %get3A_3883, %get3A_3886 : vector<8x512xf32>
    %sub3A_3901 = arith.subf %max3A_3899, %mul3A_3900 : vector<8x512xf32>
    %add3A_3902 = arith.addf %add3A_3879, %sub3A_3901 : vector<8x512xf32>
    %add3A_3903 = arith.addf %add3A_3880, %get3A_3886 : vector<8x512xf32>
    %get3A_3904 = arith.constant 1360 : index
    %get3A_3905 = arith.constant 0 : index
    %get3A_3906 = vector.load %arg1[%get3A_3904, %get3A_3905] : memref<1792x512xf32, #tpu.memory_space<vmem>>, vector<8x512xf32>
    %get3A_3907 = arith.constant 1360 : index
    %get3A_3908 = arith.constant 0 : index
    %get3A_3909 = vector.load %arg2[%get3A_3907, %get3A_3908] : memref<1792x512xf32, #tpu.memory_space<vmem>>, vector<8x512xf32>
    %abs3A_3910 = math.absf %get3A_3906 : vector<8x512xf32>
    %neg3A_3911 = arith.constant 0.000000e+00 : f32
    %neg3A_3912 = vector.broadcast %neg3A_3911 : f32 to vector<8x512xf32>
    %neg3A_3913 = arith.subf %neg3A_3912, %abs3A_3910 : vector<8x512xf32>
    %exp3A_3914 = math.exp %neg3A_3913 : vector<8x512xf32>
    %add3A_3915 = arith.constant 1.000000e+00 : f32
    %add3A_3916 = vector.broadcast %add3A_3915 : f32 to vector<8x512xf32>
    %add3A_3917 = arith.addf %exp3A_3914, %add3A_3916 : vector<8x512xf32>
    %log3A_3918 = math.log %add3A_3917 : vector<8x512xf32>
    %add3A_3919 = arith.addf %add3A_3896, %log3A_3918 : vector<8x512xf32>
    %max3A_3920 = arith.constant 0.000000e+00 : f32
    %max3A_3921 = vector.broadcast %max3A_3920 : f32 to vector<8x512xf32>
    %max3A_3922 = arith.maximumf %get3A_3906, %max3A_3921 : vector<8x512xf32>
    %mul3A_3923 = arith.mulf %get3A_3906, %get3A_3909 : vector<8x512xf32>
    %sub3A_3924 = arith.subf %max3A_3922, %mul3A_3923 : vector<8x512xf32>
    %add3A_3925 = arith.addf %add3A_3902, %sub3A_3924 : vector<8x512xf32>
    %add3A_3926 = arith.addf %add3A_3903, %get3A_3909 : vector<8x512xf32>
    %get3A_3927 = arith.constant 1368 : index
    %get3A_3928 = arith.constant 0 : index
    %get3A_3929 = vector.load %arg1[%get3A_3927, %get3A_3928] : memref<1792x512xf32, #tpu.memory_space<vmem>>, vector<8x512xf32>
    %get3A_3930 = arith.constant 1368 : index
    %get3A_3931 = arith.constant 0 : index
    %get3A_3932 = vector.load %arg2[%get3A_3930, %get3A_3931] : memref<1792x512xf32, #tpu.memory_space<vmem>>, vector<8x512xf32>
    %abs3A_3933 = math.absf %get3A_3929 : vector<8x512xf32>
    %neg3A_3934 = arith.constant 0.000000e+00 : f32
    %neg3A_3935 = vector.broadcast %neg3A_3934 : f32 to vector<8x512xf32>
    %neg3A_3936 = arith.subf %neg3A_3935, %abs3A_3933 : vector<8x512xf32>
    %exp3A_3937 = math.exp %neg3A_3936 : vector<8x512xf32>
    %add3A_3938 = arith.constant 1.000000e+00 : f32
    %add3A_3939 = vector.broadcast %add3A_3938 : f32 to vector<8x512xf32>
    %add3A_3940 = arith.addf %exp3A_3937, %add3A_3939 : vector<8x512xf32>
    %log3A_3941 = math.log %add3A_3940 : vector<8x512xf32>
    %add3A_3942 = arith.addf %add3A_3919, %log3A_3941 : vector<8x512xf32>
    %max3A_3943 = arith.constant 0.000000e+00 : f32
    %max3A_3944 = vector.broadcast %max3A_3943 : f32 to vector<8x512xf32>
    %max3A_3945 = arith.maximumf %get3A_3929, %max3A_3944 : vector<8x512xf32>
    %mul3A_3946 = arith.mulf %get3A_3929, %get3A_3932 : vector<8x512xf32>
    %sub3A_3947 = arith.subf %max3A_3945, %mul3A_3946 : vector<8x512xf32>
    %add3A_3948 = arith.addf %add3A_3925, %sub3A_3947 : vector<8x512xf32>
    %add3A_3949 = arith.addf %add3A_3926, %get3A_3932 : vector<8x512xf32>
    %get3A_3950 = arith.constant 1376 : index
    %get3A_3951 = arith.constant 0 : index
    %get3A_3952 = vector.load %arg1[%get3A_3950, %get3A_3951] : memref<1792x512xf32, #tpu.memory_space<vmem>>, vector<8x512xf32>
    %get3A_3953 = arith.constant 1376 : index
    %get3A_3954 = arith.constant 0 : index
    %get3A_3955 = vector.load %arg2[%get3A_3953, %get3A_3954] : memref<1792x512xf32, #tpu.memory_space<vmem>>, vector<8x512xf32>
    %abs3A_3956 = math.absf %get3A_3952 : vector<8x512xf32>
    %neg3A_3957 = arith.constant 0.000000e+00 : f32
    %neg3A_3958 = vector.broadcast %neg3A_3957 : f32 to vector<8x512xf32>
    %neg3A_3959 = arith.subf %neg3A_3958, %abs3A_3956 : vector<8x512xf32>
    %exp3A_3960 = math.exp %neg3A_3959 : vector<8x512xf32>
    %add3A_3961 = arith.constant 1.000000e+00 : f32
    %add3A_3962 = vector.broadcast %add3A_3961 : f32 to vector<8x512xf32>
    %add3A_3963 = arith.addf %exp3A_3960, %add3A_3962 : vector<8x512xf32>
    %log3A_3964 = math.log %add3A_3963 : vector<8x512xf32>
    %add3A_3965 = arith.addf %add3A_3942, %log3A_3964 : vector<8x512xf32>
    %max3A_3966 = arith.constant 0.000000e+00 : f32
    %max3A_3967 = vector.broadcast %max3A_3966 : f32 to vector<8x512xf32>
    %max3A_3968 = arith.maximumf %get3A_3952, %max3A_3967 : vector<8x512xf32>
    %mul3A_3969 = arith.mulf %get3A_3952, %get3A_3955 : vector<8x512xf32>
    %sub3A_3970 = arith.subf %max3A_3968, %mul3A_3969 : vector<8x512xf32>
    %add3A_3971 = arith.addf %add3A_3948, %sub3A_3970 : vector<8x512xf32>
    %add3A_3972 = arith.addf %add3A_3949, %get3A_3955 : vector<8x512xf32>
    %get3A_3973 = arith.constant 1384 : index
    %get3A_3974 = arith.constant 0 : index
    %get3A_3975 = vector.load %arg1[%get3A_3973, %get3A_3974] : memref<1792x512xf32, #tpu.memory_space<vmem>>, vector<8x512xf32>
    %get3A_3976 = arith.constant 1384 : index
    %get3A_3977 = arith.constant 0 : index
    %get3A_3978 = vector.load %arg2[%get3A_3976, %get3A_3977] : memref<1792x512xf32, #tpu.memory_space<vmem>>, vector<8x512xf32>
    %abs3A_3979 = math.absf %get3A_3975 : vector<8x512xf32>
    %neg3A_3980 = arith.constant 0.000000e+00 : f32
    %neg3A_3981 = vector.broadcast %neg3A_3980 : f32 to vector<8x512xf32>
    %neg3A_3982 = arith.subf %neg3A_3981, %abs3A_3979 : vector<8x512xf32>
    %exp3A_3983 = math.exp %neg3A_3982 : vector<8x512xf32>
    %add3A_3984 = arith.constant 1.000000e+00 : f32
    %add3A_3985 = vector.broadcast %add3A_3984 : f32 to vector<8x512xf32>
    %add3A_3986 = arith.addf %exp3A_3983, %add3A_3985 : vector<8x512xf32>
    %log3A_3987 = math.log %add3A_3986 : vector<8x512xf32>
    %add3A_3988 = arith.addf %add3A_3965, %log3A_3987 : vector<8x512xf32>
    %max3A_3989 = arith.constant 0.000000e+00 : f32
    %max3A_3990 = vector.broadcast %max3A_3989 : f32 to vector<8x512xf32>
    %max3A_3991 = arith.maximumf %get3A_3975, %max3A_3990 : vector<8x512xf32>
    %mul3A_3992 = arith.mulf %get3A_3975, %get3A_3978 : vector<8x512xf32>
    %sub3A_3993 = arith.subf %max3A_3991, %mul3A_3992 : vector<8x512xf32>
    %add3A_3994 = arith.addf %add3A_3971, %sub3A_3993 : vector<8x512xf32>
    %add3A_3995 = arith.addf %add3A_3972, %get3A_3978 : vector<8x512xf32>
    %get3A_3996 = arith.constant 1392 : index
    %get3A_3997 = arith.constant 0 : index
    %get3A_3998 = vector.load %arg1[%get3A_3996, %get3A_3997] : memref<1792x512xf32, #tpu.memory_space<vmem>>, vector<8x512xf32>
    %get3A_3999 = arith.constant 1392 : index
    %get3A_4000 = arith.constant 0 : index
    %get3A_4001 = vector.load %arg2[%get3A_3999, %get3A_4000] : memref<1792x512xf32, #tpu.memory_space<vmem>>, vector<8x512xf32>
    %abs3A_4002 = math.absf %get3A_3998 : vector<8x512xf32>
    %neg3A_4003 = arith.constant 0.000000e+00 : f32
    %neg3A_4004 = vector.broadcast %neg3A_4003 : f32 to vector<8x512xf32>
    %neg3A_4005 = arith.subf %neg3A_4004, %abs3A_4002 : vector<8x512xf32>
    %exp3A_4006 = math.exp %neg3A_4005 : vector<8x512xf32>
    %add3A_4007 = arith.constant 1.000000e+00 : f32
    %add3A_4008 = vector.broadcast %add3A_4007 : f32 to vector<8x512xf32>
    %add3A_4009 = arith.addf %exp3A_4006, %add3A_4008 : vector<8x512xf32>
    %log3A_4010 = math.log %add3A_4009 : vector<8x512xf32>
    %add3A_4011 = arith.addf %add3A_3988, %log3A_4010 : vector<8x512xf32>
    %max3A_4012 = arith.constant 0.000000e+00 : f32
    %max3A_4013 = vector.broadcast %max3A_4012 : f32 to vector<8x512xf32>
    %max3A_4014 = arith.maximumf %get3A_3998, %max3A_4013 : vector<8x512xf32>
    %mul3A_4015 = arith.mulf %get3A_3998, %get3A_4001 : vector<8x512xf32>
    %sub3A_4016 = arith.subf %max3A_4014, %mul3A_4015 : vector<8x512xf32>
    %add3A_4017 = arith.addf %add3A_3994, %sub3A_4016 : vector<8x512xf32>
    %add3A_4018 = arith.addf %add3A_3995, %get3A_4001 : vector<8x512xf32>
    %get3A_4019 = arith.constant 1400 : index
    %get3A_4020 = arith.constant 0 : index
    %get3A_4021 = vector.load %arg1[%get3A_4019, %get3A_4020] : memref<1792x512xf32, #tpu.memory_space<vmem>>, vector<8x512xf32>
    %get3A_4022 = arith.constant 1400 : index
    %get3A_4023 = arith.constant 0 : index
    %get3A_4024 = vector.load %arg2[%get3A_4022, %get3A_4023] : memref<1792x512xf32, #tpu.memory_space<vmem>>, vector<8x512xf32>
    %abs3A_4025 = math.absf %get3A_4021 : vector<8x512xf32>
    %neg3A_4026 = arith.constant 0.000000e+00 : f32
    %neg3A_4027 = vector.broadcast %neg3A_4026 : f32 to vector<8x512xf32>
    %neg3A_4028 = arith.subf %neg3A_4027, %abs3A_4025 : vector<8x512xf32>
    %exp3A_4029 = math.exp %neg3A_4028 : vector<8x512xf32>
    %add3A_4030 = arith.constant 1.000000e+00 : f32
    %add3A_4031 = vector.broadcast %add3A_4030 : f32 to vector<8x512xf32>
    %add3A_4032 = arith.addf %exp3A_4029, %add3A_4031 : vector<8x512xf32>
    %log3A_4033 = math.log %add3A_4032 : vector<8x512xf32>
    %add3A_4034 = arith.addf %add3A_4011, %log3A_4033 : vector<8x512xf32>
    %max3A_4035 = arith.constant 0.000000e+00 : f32
    %max3A_4036 = vector.broadcast %max3A_4035 : f32 to vector<8x512xf32>
    %max3A_4037 = arith.maximumf %get3A_4021, %max3A_4036 : vector<8x512xf32>
    %mul3A_4038 = arith.mulf %get3A_4021, %get3A_4024 : vector<8x512xf32>
    %sub3A_4039 = arith.subf %max3A_4037, %mul3A_4038 : vector<8x512xf32>
    %add3A_4040 = arith.addf %add3A_4017, %sub3A_4039 : vector<8x512xf32>
    %add3A_4041 = arith.addf %add3A_4018, %get3A_4024 : vector<8x512xf32>
    %get3A_4042 = arith.constant 1408 : index
    %get3A_4043 = arith.constant 0 : index
    %get3A_4044 = vector.load %arg1[%get3A_4042, %get3A_4043] : memref<1792x512xf32, #tpu.memory_space<vmem>>, vector<8x512xf32>
    %get3A_4045 = arith.constant 1408 : index
    %get3A_4046 = arith.constant 0 : index
    %get3A_4047 = vector.load %arg2[%get3A_4045, %get3A_4046] : memref<1792x512xf32, #tpu.memory_space<vmem>>, vector<8x512xf32>
    %abs3A_4048 = math.absf %get3A_4044 : vector<8x512xf32>
    %neg3A_4049 = arith.constant 0.000000e+00 : f32
    %neg3A_4050 = vector.broadcast %neg3A_4049 : f32 to vector<8x512xf32>
    %neg3A_4051 = arith.subf %neg3A_4050, %abs3A_4048 : vector<8x512xf32>
    %exp3A_4052 = math.exp %neg3A_4051 : vector<8x512xf32>
    %add3A_4053 = arith.constant 1.000000e+00 : f32
    %add3A_4054 = vector.broadcast %add3A_4053 : f32 to vector<8x512xf32>
    %add3A_4055 = arith.addf %exp3A_4052, %add3A_4054 : vector<8x512xf32>
    %log3A_4056 = math.log %add3A_4055 : vector<8x512xf32>
    %add3A_4057 = arith.addf %add3A_4034, %log3A_4056 : vector<8x512xf32>
    %max3A_4058 = arith.constant 0.000000e+00 : f32
    %max3A_4059 = vector.broadcast %max3A_4058 : f32 to vector<8x512xf32>
    %max3A_4060 = arith.maximumf %get3A_4044, %max3A_4059 : vector<8x512xf32>
    %mul3A_4061 = arith.mulf %get3A_4044, %get3A_4047 : vector<8x512xf32>
    %sub3A_4062 = arith.subf %max3A_4060, %mul3A_4061 : vector<8x512xf32>
    %add3A_4063 = arith.addf %add3A_4040, %sub3A_4062 : vector<8x512xf32>
    %add3A_4064 = arith.addf %add3A_4041, %get3A_4047 : vector<8x512xf32>
    %get3A_4065 = arith.constant 1416 : index
    %get3A_4066 = arith.constant 0 : index
    %get3A_4067 = vector.load %arg1[%get3A_4065, %get3A_4066] : memref<1792x512xf32, #tpu.memory_space<vmem>>, vector<8x512xf32>
    %get3A_4068 = arith.constant 1416 : index
    %get3A_4069 = arith.constant 0 : index
    %get3A_4070 = vector.load %arg2[%get3A_4068, %get3A_4069] : memref<1792x512xf32, #tpu.memory_space<vmem>>, vector<8x512xf32>
    %abs3A_4071 = math.absf %get3A_4067 : vector<8x512xf32>
    %neg3A_4072 = arith.constant 0.000000e+00 : f32
    %neg3A_4073 = vector.broadcast %neg3A_4072 : f32 to vector<8x512xf32>
    %neg3A_4074 = arith.subf %neg3A_4073, %abs3A_4071 : vector<8x512xf32>
    %exp3A_4075 = math.exp %neg3A_4074 : vector<8x512xf32>
    %add3A_4076 = arith.constant 1.000000e+00 : f32
    %add3A_4077 = vector.broadcast %add3A_4076 : f32 to vector<8x512xf32>
    %add3A_4078 = arith.addf %exp3A_4075, %add3A_4077 : vector<8x512xf32>
    %log3A_4079 = math.log %add3A_4078 : vector<8x512xf32>
    %add3A_4080 = arith.addf %add3A_4057, %log3A_4079 : vector<8x512xf32>
    %max3A_4081 = arith.constant 0.000000e+00 : f32
    %max3A_4082 = vector.broadcast %max3A_4081 : f32 to vector<8x512xf32>
    %max3A_4083 = arith.maximumf %get3A_4067, %max3A_4082 : vector<8x512xf32>
    %mul3A_4084 = arith.mulf %get3A_4067, %get3A_4070 : vector<8x512xf32>
    %sub3A_4085 = arith.subf %max3A_4083, %mul3A_4084 : vector<8x512xf32>
    %add3A_4086 = arith.addf %add3A_4063, %sub3A_4085 : vector<8x512xf32>
    %add3A_4087 = arith.addf %add3A_4064, %get3A_4070 : vector<8x512xf32>
    %get3A_4088 = arith.constant 1424 : index
    %get3A_4089 = arith.constant 0 : index
    %get3A_4090 = vector.load %arg1[%get3A_4088, %get3A_4089] : memref<1792x512xf32, #tpu.memory_space<vmem>>, vector<8x512xf32>
    %get3A_4091 = arith.constant 1424 : index
    %get3A_4092 = arith.constant 0 : index
    %get3A_4093 = vector.load %arg2[%get3A_4091, %get3A_4092] : memref<1792x512xf32, #tpu.memory_space<vmem>>, vector<8x512xf32>
    %abs3A_4094 = math.absf %get3A_4090 : vector<8x512xf32>
    %neg3A_4095 = arith.constant 0.000000e+00 : f32
    %neg3A_4096 = vector.broadcast %neg3A_4095 : f32 to vector<8x512xf32>
    %neg3A_4097 = arith.subf %neg3A_4096, %abs3A_4094 : vector<8x512xf32>
    %exp3A_4098 = math.exp %neg3A_4097 : vector<8x512xf32>
    %add3A_4099 = arith.constant 1.000000e+00 : f32
    %add3A_4100 = vector.broadcast %add3A_4099 : f32 to vector<8x512xf32>
    %add3A_4101 = arith.addf %exp3A_4098, %add3A_4100 : vector<8x512xf32>
    %log3A_4102 = math.log %add3A_4101 : vector<8x512xf32>
    %add3A_4103 = arith.addf %add3A_4080, %log3A_4102 : vector<8x512xf32>
    %max3A_4104 = arith.constant 0.000000e+00 : f32
    %max3A_4105 = vector.broadcast %max3A_4104 : f32 to vector<8x512xf32>
    %max3A_4106 = arith.maximumf %get3A_4090, %max3A_4105 : vector<8x512xf32>
    %mul3A_4107 = arith.mulf %get3A_4090, %get3A_4093 : vector<8x512xf32>
    %sub3A_4108 = arith.subf %max3A_4106, %mul3A_4107 : vector<8x512xf32>
    %add3A_4109 = arith.addf %add3A_4086, %sub3A_4108 : vector<8x512xf32>
    %add3A_4110 = arith.addf %add3A_4087, %get3A_4093 : vector<8x512xf32>
    %get3A_4111 = arith.constant 1432 : index
    %get3A_4112 = arith.constant 0 : index
    %get3A_4113 = vector.load %arg1[%get3A_4111, %get3A_4112] : memref<1792x512xf32, #tpu.memory_space<vmem>>, vector<8x512xf32>
    %get3A_4114 = arith.constant 1432 : index
    %get3A_4115 = arith.constant 0 : index
    %get3A_4116 = vector.load %arg2[%get3A_4114, %get3A_4115] : memref<1792x512xf32, #tpu.memory_space<vmem>>, vector<8x512xf32>
    %abs3A_4117 = math.absf %get3A_4113 : vector<8x512xf32>
    %neg3A_4118 = arith.constant 0.000000e+00 : f32
    %neg3A_4119 = vector.broadcast %neg3A_4118 : f32 to vector<8x512xf32>
    %neg3A_4120 = arith.subf %neg3A_4119, %abs3A_4117 : vector<8x512xf32>
    %exp3A_4121 = math.exp %neg3A_4120 : vector<8x512xf32>
    %add3A_4122 = arith.constant 1.000000e+00 : f32
    %add3A_4123 = vector.broadcast %add3A_4122 : f32 to vector<8x512xf32>
    %add3A_4124 = arith.addf %exp3A_4121, %add3A_4123 : vector<8x512xf32>
    %log3A_4125 = math.log %add3A_4124 : vector<8x512xf32>
    %add3A_4126 = arith.addf %add3A_4103, %log3A_4125 : vector<8x512xf32>
    %max3A_4127 = arith.constant 0.000000e+00 : f32
    %max3A_4128 = vector.broadcast %max3A_4127 : f32 to vector<8x512xf32>
    %max3A_4129 = arith.maximumf %get3A_4113, %max3A_4128 : vector<8x512xf32>
    %mul3A_4130 = arith.mulf %get3A_4113, %get3A_4116 : vector<8x512xf32>
    %sub3A_4131 = arith.subf %max3A_4129, %mul3A_4130 : vector<8x512xf32>
    %add3A_4132 = arith.addf %add3A_4109, %sub3A_4131 : vector<8x512xf32>
    %add3A_4133 = arith.addf %add3A_4110, %get3A_4116 : vector<8x512xf32>
    %get3A_4134 = arith.constant 1440 : index
    %get3A_4135 = arith.constant 0 : index
    %get3A_4136 = vector.load %arg1[%get3A_4134, %get3A_4135] : memref<1792x512xf32, #tpu.memory_space<vmem>>, vector<8x512xf32>
    %get3A_4137 = arith.constant 1440 : index
    %get3A_4138 = arith.constant 0 : index
    %get3A_4139 = vector.load %arg2[%get3A_4137, %get3A_4138] : memref<1792x512xf32, #tpu.memory_space<vmem>>, vector<8x512xf32>
    %abs3A_4140 = math.absf %get3A_4136 : vector<8x512xf32>
    %neg3A_4141 = arith.constant 0.000000e+00 : f32
    %neg3A_4142 = vector.broadcast %neg3A_4141 : f32 to vector<8x512xf32>
    %neg3A_4143 = arith.subf %neg3A_4142, %abs3A_4140 : vector<8x512xf32>
    %exp3A_4144 = math.exp %neg3A_4143 : vector<8x512xf32>
    %add3A_4145 = arith.constant 1.000000e+00 : f32
    %add3A_4146 = vector.broadcast %add3A_4145 : f32 to vector<8x512xf32>
    %add3A_4147 = arith.addf %exp3A_4144, %add3A_4146 : vector<8x512xf32>
    %log3A_4148 = math.log %add3A_4147 : vector<8x512xf32>
    %add3A_4149 = arith.addf %add3A_4126, %log3A_4148 : vector<8x512xf32>
    %max3A_4150 = arith.constant 0.000000e+00 : f32
    %max3A_4151 = vector.broadcast %max3A_4150 : f32 to vector<8x512xf32>
    %max3A_4152 = arith.maximumf %get3A_4136, %max3A_4151 : vector<8x512xf32>
    %mul3A_4153 = arith.mulf %get3A_4136, %get3A_4139 : vector<8x512xf32>
    %sub3A_4154 = arith.subf %max3A_4152, %mul3A_4153 : vector<8x512xf32>
    %add3A_4155 = arith.addf %add3A_4132, %sub3A_4154 : vector<8x512xf32>
    %add3A_4156 = arith.addf %add3A_4133, %get3A_4139 : vector<8x512xf32>
    %get3A_4157 = arith.constant 1448 : index
    %get3A_4158 = arith.constant 0 : index
    %get3A_4159 = vector.load %arg1[%get3A_4157, %get3A_4158] : memref<1792x512xf32, #tpu.memory_space<vmem>>, vector<8x512xf32>
    %get3A_4160 = arith.constant 1448 : index
    %get3A_4161 = arith.constant 0 : index
    %get3A_4162 = vector.load %arg2[%get3A_4160, %get3A_4161] : memref<1792x512xf32, #tpu.memory_space<vmem>>, vector<8x512xf32>
    %abs3A_4163 = math.absf %get3A_4159 : vector<8x512xf32>
    %neg3A_4164 = arith.constant 0.000000e+00 : f32
    %neg3A_4165 = vector.broadcast %neg3A_4164 : f32 to vector<8x512xf32>
    %neg3A_4166 = arith.subf %neg3A_4165, %abs3A_4163 : vector<8x512xf32>
    %exp3A_4167 = math.exp %neg3A_4166 : vector<8x512xf32>
    %add3A_4168 = arith.constant 1.000000e+00 : f32
    %add3A_4169 = vector.broadcast %add3A_4168 : f32 to vector<8x512xf32>
    %add3A_4170 = arith.addf %exp3A_4167, %add3A_4169 : vector<8x512xf32>
    %log3A_4171 = math.log %add3A_4170 : vector<8x512xf32>
    %add3A_4172 = arith.addf %add3A_4149, %log3A_4171 : vector<8x512xf32>
    %max3A_4173 = arith.constant 0.000000e+00 : f32
    %max3A_4174 = vector.broadcast %max3A_4173 : f32 to vector<8x512xf32>
    %max3A_4175 = arith.maximumf %get3A_4159, %max3A_4174 : vector<8x512xf32>
    %mul3A_4176 = arith.mulf %get3A_4159, %get3A_4162 : vector<8x512xf32>
    %sub3A_4177 = arith.subf %max3A_4175, %mul3A_4176 : vector<8x512xf32>
    %add3A_4178 = arith.addf %add3A_4155, %sub3A_4177 : vector<8x512xf32>
    %add3A_4179 = arith.addf %add3A_4156, %get3A_4162 : vector<8x512xf32>
    %get3A_4180 = arith.constant 1456 : index
    %get3A_4181 = arith.constant 0 : index
    %get3A_4182 = vector.load %arg1[%get3A_4180, %get3A_4181] : memref<1792x512xf32, #tpu.memory_space<vmem>>, vector<8x512xf32>
    %get3A_4183 = arith.constant 1456 : index
    %get3A_4184 = arith.constant 0 : index
    %get3A_4185 = vector.load %arg2[%get3A_4183, %get3A_4184] : memref<1792x512xf32, #tpu.memory_space<vmem>>, vector<8x512xf32>
    %abs3A_4186 = math.absf %get3A_4182 : vector<8x512xf32>
    %neg3A_4187 = arith.constant 0.000000e+00 : f32
    %neg3A_4188 = vector.broadcast %neg3A_4187 : f32 to vector<8x512xf32>
    %neg3A_4189 = arith.subf %neg3A_4188, %abs3A_4186 : vector<8x512xf32>
    %exp3A_4190 = math.exp %neg3A_4189 : vector<8x512xf32>
    %add3A_4191 = arith.constant 1.000000e+00 : f32
    %add3A_4192 = vector.broadcast %add3A_4191 : f32 to vector<8x512xf32>
    %add3A_4193 = arith.addf %exp3A_4190, %add3A_4192 : vector<8x512xf32>
    %log3A_4194 = math.log %add3A_4193 : vector<8x512xf32>
    %add3A_4195 = arith.addf %add3A_4172, %log3A_4194 : vector<8x512xf32>
    %max3A_4196 = arith.constant 0.000000e+00 : f32
    %max3A_4197 = vector.broadcast %max3A_4196 : f32 to vector<8x512xf32>
    %max3A_4198 = arith.maximumf %get3A_4182, %max3A_4197 : vector<8x512xf32>
    %mul3A_4199 = arith.mulf %get3A_4182, %get3A_4185 : vector<8x512xf32>
    %sub3A_4200 = arith.subf %max3A_4198, %mul3A_4199 : vector<8x512xf32>
    %add3A_4201 = arith.addf %add3A_4178, %sub3A_4200 : vector<8x512xf32>
    %add3A_4202 = arith.addf %add3A_4179, %get3A_4185 : vector<8x512xf32>
    %get3A_4203 = arith.constant 1464 : index
    %get3A_4204 = arith.constant 0 : index
    %get3A_4205 = vector.load %arg1[%get3A_4203, %get3A_4204] : memref<1792x512xf32, #tpu.memory_space<vmem>>, vector<8x512xf32>
    %get3A_4206 = arith.constant 1464 : index
    %get3A_4207 = arith.constant 0 : index
    %get3A_4208 = vector.load %arg2[%get3A_4206, %get3A_4207] : memref<1792x512xf32, #tpu.memory_space<vmem>>, vector<8x512xf32>
    %abs3A_4209 = math.absf %get3A_4205 : vector<8x512xf32>
    %neg3A_4210 = arith.constant 0.000000e+00 : f32
    %neg3A_4211 = vector.broadcast %neg3A_4210 : f32 to vector<8x512xf32>
    %neg3A_4212 = arith.subf %neg3A_4211, %abs3A_4209 : vector<8x512xf32>
    %exp3A_4213 = math.exp %neg3A_4212 : vector<8x512xf32>
    %add3A_4214 = arith.constant 1.000000e+00 : f32
    %add3A_4215 = vector.broadcast %add3A_4214 : f32 to vector<8x512xf32>
    %add3A_4216 = arith.addf %exp3A_4213, %add3A_4215 : vector<8x512xf32>
    %log3A_4217 = math.log %add3A_4216 : vector<8x512xf32>
    %add3A_4218 = arith.addf %add3A_4195, %log3A_4217 : vector<8x512xf32>
    %max3A_4219 = arith.constant 0.000000e+00 : f32
    %max3A_4220 = vector.broadcast %max3A_4219 : f32 to vector<8x512xf32>
    %max3A_4221 = arith.maximumf %get3A_4205, %max3A_4220 : vector<8x512xf32>
    %mul3A_4222 = arith.mulf %get3A_4205, %get3A_4208 : vector<8x512xf32>
    %sub3A_4223 = arith.subf %max3A_4221, %mul3A_4222 : vector<8x512xf32>
    %add3A_4224 = arith.addf %add3A_4201, %sub3A_4223 : vector<8x512xf32>
    %add3A_4225 = arith.addf %add3A_4202, %get3A_4208 : vector<8x512xf32>
    %get3A_4226 = arith.constant 1472 : index
    %get3A_4227 = arith.constant 0 : index
    %get3A_4228 = vector.load %arg1[%get3A_4226, %get3A_4227] : memref<1792x512xf32, #tpu.memory_space<vmem>>, vector<8x512xf32>
    %get3A_4229 = arith.constant 1472 : index
    %get3A_4230 = arith.constant 0 : index
    %get3A_4231 = vector.load %arg2[%get3A_4229, %get3A_4230] : memref<1792x512xf32, #tpu.memory_space<vmem>>, vector<8x512xf32>
    %abs3A_4232 = math.absf %get3A_4228 : vector<8x512xf32>
    %neg3A_4233 = arith.constant 0.000000e+00 : f32
    %neg3A_4234 = vector.broadcast %neg3A_4233 : f32 to vector<8x512xf32>
    %neg3A_4235 = arith.subf %neg3A_4234, %abs3A_4232 : vector<8x512xf32>
    %exp3A_4236 = math.exp %neg3A_4235 : vector<8x512xf32>
    %add3A_4237 = arith.constant 1.000000e+00 : f32
    %add3A_4238 = vector.broadcast %add3A_4237 : f32 to vector<8x512xf32>
    %add3A_4239 = arith.addf %exp3A_4236, %add3A_4238 : vector<8x512xf32>
    %log3A_4240 = math.log %add3A_4239 : vector<8x512xf32>
    %add3A_4241 = arith.addf %add3A_4218, %log3A_4240 : vector<8x512xf32>
    %max3A_4242 = arith.constant 0.000000e+00 : f32
    %max3A_4243 = vector.broadcast %max3A_4242 : f32 to vector<8x512xf32>
    %max3A_4244 = arith.maximumf %get3A_4228, %max3A_4243 : vector<8x512xf32>
    %mul3A_4245 = arith.mulf %get3A_4228, %get3A_4231 : vector<8x512xf32>
    %sub3A_4246 = arith.subf %max3A_4244, %mul3A_4245 : vector<8x512xf32>
    %add3A_4247 = arith.addf %add3A_4224, %sub3A_4246 : vector<8x512xf32>
    %add3A_4248 = arith.addf %add3A_4225, %get3A_4231 : vector<8x512xf32>
    %get3A_4249 = arith.constant 1480 : index
    %get3A_4250 = arith.constant 0 : index
    %get3A_4251 = vector.load %arg1[%get3A_4249, %get3A_4250] : memref<1792x512xf32, #tpu.memory_space<vmem>>, vector<8x512xf32>
    %get3A_4252 = arith.constant 1480 : index
    %get3A_4253 = arith.constant 0 : index
    %get3A_4254 = vector.load %arg2[%get3A_4252, %get3A_4253] : memref<1792x512xf32, #tpu.memory_space<vmem>>, vector<8x512xf32>
    %abs3A_4255 = math.absf %get3A_4251 : vector<8x512xf32>
    %neg3A_4256 = arith.constant 0.000000e+00 : f32
    %neg3A_4257 = vector.broadcast %neg3A_4256 : f32 to vector<8x512xf32>
    %neg3A_4258 = arith.subf %neg3A_4257, %abs3A_4255 : vector<8x512xf32>
    %exp3A_4259 = math.exp %neg3A_4258 : vector<8x512xf32>
    %add3A_4260 = arith.constant 1.000000e+00 : f32
    %add3A_4261 = vector.broadcast %add3A_4260 : f32 to vector<8x512xf32>
    %add3A_4262 = arith.addf %exp3A_4259, %add3A_4261 : vector<8x512xf32>
    %log3A_4263 = math.log %add3A_4262 : vector<8x512xf32>
    %add3A_4264 = arith.addf %add3A_4241, %log3A_4263 : vector<8x512xf32>
    %max3A_4265 = arith.constant 0.000000e+00 : f32
    %max3A_4266 = vector.broadcast %max3A_4265 : f32 to vector<8x512xf32>
    %max3A_4267 = arith.maximumf %get3A_4251, %max3A_4266 : vector<8x512xf32>
    %mul3A_4268 = arith.mulf %get3A_4251, %get3A_4254 : vector<8x512xf32>
    %sub3A_4269 = arith.subf %max3A_4267, %mul3A_4268 : vector<8x512xf32>
    %add3A_4270 = arith.addf %add3A_4247, %sub3A_4269 : vector<8x512xf32>
    %add3A_4271 = arith.addf %add3A_4248, %get3A_4254 : vector<8x512xf32>
    %get3A_4272 = arith.constant 1488 : index
    %get3A_4273 = arith.constant 0 : index
    %get3A_4274 = vector.load %arg1[%get3A_4272, %get3A_4273] : memref<1792x512xf32, #tpu.memory_space<vmem>>, vector<8x512xf32>
    %get3A_4275 = arith.constant 1488 : index
    %get3A_4276 = arith.constant 0 : index
    %get3A_4277 = vector.load %arg2[%get3A_4275, %get3A_4276] : memref<1792x512xf32, #tpu.memory_space<vmem>>, vector<8x512xf32>
    %abs3A_4278 = math.absf %get3A_4274 : vector<8x512xf32>
    %neg3A_4279 = arith.constant 0.000000e+00 : f32
    %neg3A_4280 = vector.broadcast %neg3A_4279 : f32 to vector<8x512xf32>
    %neg3A_4281 = arith.subf %neg3A_4280, %abs3A_4278 : vector<8x512xf32>
    %exp3A_4282 = math.exp %neg3A_4281 : vector<8x512xf32>
    %add3A_4283 = arith.constant 1.000000e+00 : f32
    %add3A_4284 = vector.broadcast %add3A_4283 : f32 to vector<8x512xf32>
    %add3A_4285 = arith.addf %exp3A_4282, %add3A_4284 : vector<8x512xf32>
    %log3A_4286 = math.log %add3A_4285 : vector<8x512xf32>
    %add3A_4287 = arith.addf %add3A_4264, %log3A_4286 : vector<8x512xf32>
    %max3A_4288 = arith.constant 0.000000e+00 : f32
    %max3A_4289 = vector.broadcast %max3A_4288 : f32 to vector<8x512xf32>
    %max3A_4290 = arith.maximumf %get3A_4274, %max3A_4289 : vector<8x512xf32>
    %mul3A_4291 = arith.mulf %get3A_4274, %get3A_4277 : vector<8x512xf32>
    %sub3A_4292 = arith.subf %max3A_4290, %mul3A_4291 : vector<8x512xf32>
    %add3A_4293 = arith.addf %add3A_4270, %sub3A_4292 : vector<8x512xf32>
    %add3A_4294 = arith.addf %add3A_4271, %get3A_4277 : vector<8x512xf32>
    %get3A_4295 = arith.constant 1496 : index
    %get3A_4296 = arith.constant 0 : index
    %get3A_4297 = vector.load %arg1[%get3A_4295, %get3A_4296] : memref<1792x512xf32, #tpu.memory_space<vmem>>, vector<8x512xf32>
    %get3A_4298 = arith.constant 1496 : index
    %get3A_4299 = arith.constant 0 : index
    %get3A_4300 = vector.load %arg2[%get3A_4298, %get3A_4299] : memref<1792x512xf32, #tpu.memory_space<vmem>>, vector<8x512xf32>
    %abs3A_4301 = math.absf %get3A_4297 : vector<8x512xf32>
    %neg3A_4302 = arith.constant 0.000000e+00 : f32
    %neg3A_4303 = vector.broadcast %neg3A_4302 : f32 to vector<8x512xf32>
    %neg3A_4304 = arith.subf %neg3A_4303, %abs3A_4301 : vector<8x512xf32>
    %exp3A_4305 = math.exp %neg3A_4304 : vector<8x512xf32>
    %add3A_4306 = arith.constant 1.000000e+00 : f32
    %add3A_4307 = vector.broadcast %add3A_4306 : f32 to vector<8x512xf32>
    %add3A_4308 = arith.addf %exp3A_4305, %add3A_4307 : vector<8x512xf32>
    %log3A_4309 = math.log %add3A_4308 : vector<8x512xf32>
    %add3A_4310 = arith.addf %add3A_4287, %log3A_4309 : vector<8x512xf32>
    %max3A_4311 = arith.constant 0.000000e+00 : f32
    %max3A_4312 = vector.broadcast %max3A_4311 : f32 to vector<8x512xf32>
    %max3A_4313 = arith.maximumf %get3A_4297, %max3A_4312 : vector<8x512xf32>
    %mul3A_4314 = arith.mulf %get3A_4297, %get3A_4300 : vector<8x512xf32>
    %sub3A_4315 = arith.subf %max3A_4313, %mul3A_4314 : vector<8x512xf32>
    %add3A_4316 = arith.addf %add3A_4293, %sub3A_4315 : vector<8x512xf32>
    %add3A_4317 = arith.addf %add3A_4294, %get3A_4300 : vector<8x512xf32>
    %get3A_4318 = arith.constant 1504 : index
    %get3A_4319 = arith.constant 0 : index
    %get3A_4320 = vector.load %arg1[%get3A_4318, %get3A_4319] : memref<1792x512xf32, #tpu.memory_space<vmem>>, vector<8x512xf32>
    %get3A_4321 = arith.constant 1504 : index
    %get3A_4322 = arith.constant 0 : index
    %get3A_4323 = vector.load %arg2[%get3A_4321, %get3A_4322] : memref<1792x512xf32, #tpu.memory_space<vmem>>, vector<8x512xf32>
    %abs3A_4324 = math.absf %get3A_4320 : vector<8x512xf32>
    %neg3A_4325 = arith.constant 0.000000e+00 : f32
    %neg3A_4326 = vector.broadcast %neg3A_4325 : f32 to vector<8x512xf32>
    %neg3A_4327 = arith.subf %neg3A_4326, %abs3A_4324 : vector<8x512xf32>
    %exp3A_4328 = math.exp %neg3A_4327 : vector<8x512xf32>
    %add3A_4329 = arith.constant 1.000000e+00 : f32
    %add3A_4330 = vector.broadcast %add3A_4329 : f32 to vector<8x512xf32>
    %add3A_4331 = arith.addf %exp3A_4328, %add3A_4330 : vector<8x512xf32>
    %log3A_4332 = math.log %add3A_4331 : vector<8x512xf32>
    %add3A_4333 = arith.addf %add3A_4310, %log3A_4332 : vector<8x512xf32>
    %max3A_4334 = arith.constant 0.000000e+00 : f32
    %max3A_4335 = vector.broadcast %max3A_4334 : f32 to vector<8x512xf32>
    %max3A_4336 = arith.maximumf %get3A_4320, %max3A_4335 : vector<8x512xf32>
    %mul3A_4337 = arith.mulf %get3A_4320, %get3A_4323 : vector<8x512xf32>
    %sub3A_4338 = arith.subf %max3A_4336, %mul3A_4337 : vector<8x512xf32>
    %add3A_4339 = arith.addf %add3A_4316, %sub3A_4338 : vector<8x512xf32>
    %add3A_4340 = arith.addf %add3A_4317, %get3A_4323 : vector<8x512xf32>
    %get3A_4341 = arith.constant 1512 : index
    %get3A_4342 = arith.constant 0 : index
    %get3A_4343 = vector.load %arg1[%get3A_4341, %get3A_4342] : memref<1792x512xf32, #tpu.memory_space<vmem>>, vector<8x512xf32>
    %get3A_4344 = arith.constant 1512 : index
    %get3A_4345 = arith.constant 0 : index
    %get3A_4346 = vector.load %arg2[%get3A_4344, %get3A_4345] : memref<1792x512xf32, #tpu.memory_space<vmem>>, vector<8x512xf32>
    %abs3A_4347 = math.absf %get3A_4343 : vector<8x512xf32>
    %neg3A_4348 = arith.constant 0.000000e+00 : f32
    %neg3A_4349 = vector.broadcast %neg3A_4348 : f32 to vector<8x512xf32>
    %neg3A_4350 = arith.subf %neg3A_4349, %abs3A_4347 : vector<8x512xf32>
    %exp3A_4351 = math.exp %neg3A_4350 : vector<8x512xf32>
    %add3A_4352 = arith.constant 1.000000e+00 : f32
    %add3A_4353 = vector.broadcast %add3A_4352 : f32 to vector<8x512xf32>
    %add3A_4354 = arith.addf %exp3A_4351, %add3A_4353 : vector<8x512xf32>
    %log3A_4355 = math.log %add3A_4354 : vector<8x512xf32>
    %add3A_4356 = arith.addf %add3A_4333, %log3A_4355 : vector<8x512xf32>
    %max3A_4357 = arith.constant 0.000000e+00 : f32
    %max3A_4358 = vector.broadcast %max3A_4357 : f32 to vector<8x512xf32>
    %max3A_4359 = arith.maximumf %get3A_4343, %max3A_4358 : vector<8x512xf32>
    %mul3A_4360 = arith.mulf %get3A_4343, %get3A_4346 : vector<8x512xf32>
    %sub3A_4361 = arith.subf %max3A_4359, %mul3A_4360 : vector<8x512xf32>
    %add3A_4362 = arith.addf %add3A_4339, %sub3A_4361 : vector<8x512xf32>
    %add3A_4363 = arith.addf %add3A_4340, %get3A_4346 : vector<8x512xf32>
    %get3A_4364 = arith.constant 1520 : index
    %get3A_4365 = arith.constant 0 : index
    %get3A_4366 = vector.load %arg1[%get3A_4364, %get3A_4365] : memref<1792x512xf32, #tpu.memory_space<vmem>>, vector<8x512xf32>
    %get3A_4367 = arith.constant 1520 : index
    %get3A_4368 = arith.constant 0 : index
    %get3A_4369 = vector.load %arg2[%get3A_4367, %get3A_4368] : memref<1792x512xf32, #tpu.memory_space<vmem>>, vector<8x512xf32>
    %abs3A_4370 = math.absf %get3A_4366 : vector<8x512xf32>
    %neg3A_4371 = arith.constant 0.000000e+00 : f32
    %neg3A_4372 = vector.broadcast %neg3A_4371 : f32 to vector<8x512xf32>
    %neg3A_4373 = arith.subf %neg3A_4372, %abs3A_4370 : vector<8x512xf32>
    %exp3A_4374 = math.exp %neg3A_4373 : vector<8x512xf32>
    %add3A_4375 = arith.constant 1.000000e+00 : f32
    %add3A_4376 = vector.broadcast %add3A_4375 : f32 to vector<8x512xf32>
    %add3A_4377 = arith.addf %exp3A_4374, %add3A_4376 : vector<8x512xf32>
    %log3A_4378 = math.log %add3A_4377 : vector<8x512xf32>
    %add3A_4379 = arith.addf %add3A_4356, %log3A_4378 : vector<8x512xf32>
    %max3A_4380 = arith.constant 0.000000e+00 : f32
    %max3A_4381 = vector.broadcast %max3A_4380 : f32 to vector<8x512xf32>
    %max3A_4382 = arith.maximumf %get3A_4366, %max3A_4381 : vector<8x512xf32>
    %mul3A_4383 = arith.mulf %get3A_4366, %get3A_4369 : vector<8x512xf32>
    %sub3A_4384 = arith.subf %max3A_4382, %mul3A_4383 : vector<8x512xf32>
    %add3A_4385 = arith.addf %add3A_4362, %sub3A_4384 : vector<8x512xf32>
    %add3A_4386 = arith.addf %add3A_4363, %get3A_4369 : vector<8x512xf32>
    %get3A_4387 = arith.constant 1528 : index
    %get3A_4388 = arith.constant 0 : index
    %get3A_4389 = vector.load %arg1[%get3A_4387, %get3A_4388] : memref<1792x512xf32, #tpu.memory_space<vmem>>, vector<8x512xf32>
    %get3A_4390 = arith.constant 1528 : index
    %get3A_4391 = arith.constant 0 : index
    %get3A_4392 = vector.load %arg2[%get3A_4390, %get3A_4391] : memref<1792x512xf32, #tpu.memory_space<vmem>>, vector<8x512xf32>
    %abs3A_4393 = math.absf %get3A_4389 : vector<8x512xf32>
    %neg3A_4394 = arith.constant 0.000000e+00 : f32
    %neg3A_4395 = vector.broadcast %neg3A_4394 : f32 to vector<8x512xf32>
    %neg3A_4396 = arith.subf %neg3A_4395, %abs3A_4393 : vector<8x512xf32>
    %exp3A_4397 = math.exp %neg3A_4396 : vector<8x512xf32>
    %add3A_4398 = arith.constant 1.000000e+00 : f32
    %add3A_4399 = vector.broadcast %add3A_4398 : f32 to vector<8x512xf32>
    %add3A_4400 = arith.addf %exp3A_4397, %add3A_4399 : vector<8x512xf32>
    %log3A_4401 = math.log %add3A_4400 : vector<8x512xf32>
    %add3A_4402 = arith.addf %add3A_4379, %log3A_4401 : vector<8x512xf32>
    %max3A_4403 = arith.constant 0.000000e+00 : f32
    %max3A_4404 = vector.broadcast %max3A_4403 : f32 to vector<8x512xf32>
    %max3A_4405 = arith.maximumf %get3A_4389, %max3A_4404 : vector<8x512xf32>
    %mul3A_4406 = arith.mulf %get3A_4389, %get3A_4392 : vector<8x512xf32>
    %sub3A_4407 = arith.subf %max3A_4405, %mul3A_4406 : vector<8x512xf32>
    %add3A_4408 = arith.addf %add3A_4385, %sub3A_4407 : vector<8x512xf32>
    %add3A_4409 = arith.addf %add3A_4386, %get3A_4392 : vector<8x512xf32>
    %get3A_4410 = arith.constant 1536 : index
    %get3A_4411 = arith.constant 0 : index
    %get3A_4412 = vector.load %arg1[%get3A_4410, %get3A_4411] : memref<1792x512xf32, #tpu.memory_space<vmem>>, vector<8x512xf32>
    %get3A_4413 = arith.constant 1536 : index
    %get3A_4414 = arith.constant 0 : index
    %get3A_4415 = vector.load %arg2[%get3A_4413, %get3A_4414] : memref<1792x512xf32, #tpu.memory_space<vmem>>, vector<8x512xf32>
    %abs3A_4416 = math.absf %get3A_4412 : vector<8x512xf32>
    %neg3A_4417 = arith.constant 0.000000e+00 : f32
    %neg3A_4418 = vector.broadcast %neg3A_4417 : f32 to vector<8x512xf32>
    %neg3A_4419 = arith.subf %neg3A_4418, %abs3A_4416 : vector<8x512xf32>
    %exp3A_4420 = math.exp %neg3A_4419 : vector<8x512xf32>
    %add3A_4421 = arith.constant 1.000000e+00 : f32
    %add3A_4422 = vector.broadcast %add3A_4421 : f32 to vector<8x512xf32>
    %add3A_4423 = arith.addf %exp3A_4420, %add3A_4422 : vector<8x512xf32>
    %log3A_4424 = math.log %add3A_4423 : vector<8x512xf32>
    %add3A_4425 = arith.addf %add3A_4402, %log3A_4424 : vector<8x512xf32>
    %max3A_4426 = arith.constant 0.000000e+00 : f32
    %max3A_4427 = vector.broadcast %max3A_4426 : f32 to vector<8x512xf32>
    %max3A_4428 = arith.maximumf %get3A_4412, %max3A_4427 : vector<8x512xf32>
    %mul3A_4429 = arith.mulf %get3A_4412, %get3A_4415 : vector<8x512xf32>
    %sub3A_4430 = arith.subf %max3A_4428, %mul3A_4429 : vector<8x512xf32>
    %add3A_4431 = arith.addf %add3A_4408, %sub3A_4430 : vector<8x512xf32>
    %add3A_4432 = arith.addf %add3A_4409, %get3A_4415 : vector<8x512xf32>
    %get3A_4433 = arith.constant 1544 : index
    %get3A_4434 = arith.constant 0 : index
    %get3A_4435 = vector.load %arg1[%get3A_4433, %get3A_4434] : memref<1792x512xf32, #tpu.memory_space<vmem>>, vector<8x512xf32>
    %get3A_4436 = arith.constant 1544 : index
    %get3A_4437 = arith.constant 0 : index
    %get3A_4438 = vector.load %arg2[%get3A_4436, %get3A_4437] : memref<1792x512xf32, #tpu.memory_space<vmem>>, vector<8x512xf32>
    %abs3A_4439 = math.absf %get3A_4435 : vector<8x512xf32>
    %neg3A_4440 = arith.constant 0.000000e+00 : f32
    %neg3A_4441 = vector.broadcast %neg3A_4440 : f32 to vector<8x512xf32>
    %neg3A_4442 = arith.subf %neg3A_4441, %abs3A_4439 : vector<8x512xf32>
    %exp3A_4443 = math.exp %neg3A_4442 : vector<8x512xf32>
    %add3A_4444 = arith.constant 1.000000e+00 : f32
    %add3A_4445 = vector.broadcast %add3A_4444 : f32 to vector<8x512xf32>
    %add3A_4446 = arith.addf %exp3A_4443, %add3A_4445 : vector<8x512xf32>
    %log3A_4447 = math.log %add3A_4446 : vector<8x512xf32>
    %add3A_4448 = arith.addf %add3A_4425, %log3A_4447 : vector<8x512xf32>
    %max3A_4449 = arith.constant 0.000000e+00 : f32
    %max3A_4450 = vector.broadcast %max3A_4449 : f32 to vector<8x512xf32>
    %max3A_4451 = arith.maximumf %get3A_4435, %max3A_4450 : vector<8x512xf32>
    %mul3A_4452 = arith.mulf %get3A_4435, %get3A_4438 : vector<8x512xf32>
    %sub3A_4453 = arith.subf %max3A_4451, %mul3A_4452 : vector<8x512xf32>
    %add3A_4454 = arith.addf %add3A_4431, %sub3A_4453 : vector<8x512xf32>
    %add3A_4455 = arith.addf %add3A_4432, %get3A_4438 : vector<8x512xf32>
    %get3A_4456 = arith.constant 1552 : index
    %get3A_4457 = arith.constant 0 : index
    %get3A_4458 = vector.load %arg1[%get3A_4456, %get3A_4457] : memref<1792x512xf32, #tpu.memory_space<vmem>>, vector<8x512xf32>
    %get3A_4459 = arith.constant 1552 : index
    %get3A_4460 = arith.constant 0 : index
    %get3A_4461 = vector.load %arg2[%get3A_4459, %get3A_4460] : memref<1792x512xf32, #tpu.memory_space<vmem>>, vector<8x512xf32>
    %abs3A_4462 = math.absf %get3A_4458 : vector<8x512xf32>
    %neg3A_4463 = arith.constant 0.000000e+00 : f32
    %neg3A_4464 = vector.broadcast %neg3A_4463 : f32 to vector<8x512xf32>
    %neg3A_4465 = arith.subf %neg3A_4464, %abs3A_4462 : vector<8x512xf32>
    %exp3A_4466 = math.exp %neg3A_4465 : vector<8x512xf32>
    %add3A_4467 = arith.constant 1.000000e+00 : f32
    %add3A_4468 = vector.broadcast %add3A_4467 : f32 to vector<8x512xf32>
    %add3A_4469 = arith.addf %exp3A_4466, %add3A_4468 : vector<8x512xf32>
    %log3A_4470 = math.log %add3A_4469 : vector<8x512xf32>
    %add3A_4471 = arith.addf %add3A_4448, %log3A_4470 : vector<8x512xf32>
    %max3A_4472 = arith.constant 0.000000e+00 : f32
    %max3A_4473 = vector.broadcast %max3A_4472 : f32 to vector<8x512xf32>
    %max3A_4474 = arith.maximumf %get3A_4458, %max3A_4473 : vector<8x512xf32>
    %mul3A_4475 = arith.mulf %get3A_4458, %get3A_4461 : vector<8x512xf32>
    %sub3A_4476 = arith.subf %max3A_4474, %mul3A_4475 : vector<8x512xf32>
    %add3A_4477 = arith.addf %add3A_4454, %sub3A_4476 : vector<8x512xf32>
    %add3A_4478 = arith.addf %add3A_4455, %get3A_4461 : vector<8x512xf32>
    %get3A_4479 = arith.constant 1560 : index
    %get3A_4480 = arith.constant 0 : index
    %get3A_4481 = vector.load %arg1[%get3A_4479, %get3A_4480] : memref<1792x512xf32, #tpu.memory_space<vmem>>, vector<8x512xf32>
    %get3A_4482 = arith.constant 1560 : index
    %get3A_4483 = arith.constant 0 : index
    %get3A_4484 = vector.load %arg2[%get3A_4482, %get3A_4483] : memref<1792x512xf32, #tpu.memory_space<vmem>>, vector<8x512xf32>
    %abs3A_4485 = math.absf %get3A_4481 : vector<8x512xf32>
    %neg3A_4486 = arith.constant 0.000000e+00 : f32
    %neg3A_4487 = vector.broadcast %neg3A_4486 : f32 to vector<8x512xf32>
    %neg3A_4488 = arith.subf %neg3A_4487, %abs3A_4485 : vector<8x512xf32>
    %exp3A_4489 = math.exp %neg3A_4488 : vector<8x512xf32>
    %add3A_4490 = arith.constant 1.000000e+00 : f32
    %add3A_4491 = vector.broadcast %add3A_4490 : f32 to vector<8x512xf32>
    %add3A_4492 = arith.addf %exp3A_4489, %add3A_4491 : vector<8x512xf32>
    %log3A_4493 = math.log %add3A_4492 : vector<8x512xf32>
    %add3A_4494 = arith.addf %add3A_4471, %log3A_4493 : vector<8x512xf32>
    %max3A_4495 = arith.constant 0.000000e+00 : f32
    %max3A_4496 = vector.broadcast %max3A_4495 : f32 to vector<8x512xf32>
    %max3A_4497 = arith.maximumf %get3A_4481, %max3A_4496 : vector<8x512xf32>
    %mul3A_4498 = arith.mulf %get3A_4481, %get3A_4484 : vector<8x512xf32>
    %sub3A_4499 = arith.subf %max3A_4497, %mul3A_4498 : vector<8x512xf32>
    %add3A_4500 = arith.addf %add3A_4477, %sub3A_4499 : vector<8x512xf32>
    %add3A_4501 = arith.addf %add3A_4478, %get3A_4484 : vector<8x512xf32>
    %get3A_4502 = arith.constant 1568 : index
    %get3A_4503 = arith.constant 0 : index
    %get3A_4504 = vector.load %arg1[%get3A_4502, %get3A_4503] : memref<1792x512xf32, #tpu.memory_space<vmem>>, vector<8x512xf32>
    %get3A_4505 = arith.constant 1568 : index
    %get3A_4506 = arith.constant 0 : index
    %get3A_4507 = vector.load %arg2[%get3A_4505, %get3A_4506] : memref<1792x512xf32, #tpu.memory_space<vmem>>, vector<8x512xf32>
    %abs3A_4508 = math.absf %get3A_4504 : vector<8x512xf32>
    %neg3A_4509 = arith.constant 0.000000e+00 : f32
    %neg3A_4510 = vector.broadcast %neg3A_4509 : f32 to vector<8x512xf32>
    %neg3A_4511 = arith.subf %neg3A_4510, %abs3A_4508 : vector<8x512xf32>
    %exp3A_4512 = math.exp %neg3A_4511 : vector<8x512xf32>
    %add3A_4513 = arith.constant 1.000000e+00 : f32
    %add3A_4514 = vector.broadcast %add3A_4513 : f32 to vector<8x512xf32>
    %add3A_4515 = arith.addf %exp3A_4512, %add3A_4514 : vector<8x512xf32>
    %log3A_4516 = math.log %add3A_4515 : vector<8x512xf32>
    %add3A_4517 = arith.addf %add3A_4494, %log3A_4516 : vector<8x512xf32>
    %max3A_4518 = arith.constant 0.000000e+00 : f32
    %max3A_4519 = vector.broadcast %max3A_4518 : f32 to vector<8x512xf32>
    %max3A_4520 = arith.maximumf %get3A_4504, %max3A_4519 : vector<8x512xf32>
    %mul3A_4521 = arith.mulf %get3A_4504, %get3A_4507 : vector<8x512xf32>
    %sub3A_4522 = arith.subf %max3A_4520, %mul3A_4521 : vector<8x512xf32>
    %add3A_4523 = arith.addf %add3A_4500, %sub3A_4522 : vector<8x512xf32>
    %add3A_4524 = arith.addf %add3A_4501, %get3A_4507 : vector<8x512xf32>
    %get3A_4525 = arith.constant 1576 : index
    %get3A_4526 = arith.constant 0 : index
    %get3A_4527 = vector.load %arg1[%get3A_4525, %get3A_4526] : memref<1792x512xf32, #tpu.memory_space<vmem>>, vector<8x512xf32>
    %get3A_4528 = arith.constant 1576 : index
    %get3A_4529 = arith.constant 0 : index
    %get3A_4530 = vector.load %arg2[%get3A_4528, %get3A_4529] : memref<1792x512xf32, #tpu.memory_space<vmem>>, vector<8x512xf32>
    %abs3A_4531 = math.absf %get3A_4527 : vector<8x512xf32>
    %neg3A_4532 = arith.constant 0.000000e+00 : f32
    %neg3A_4533 = vector.broadcast %neg3A_4532 : f32 to vector<8x512xf32>
    %neg3A_4534 = arith.subf %neg3A_4533, %abs3A_4531 : vector<8x512xf32>
    %exp3A_4535 = math.exp %neg3A_4534 : vector<8x512xf32>
    %add3A_4536 = arith.constant 1.000000e+00 : f32
    %add3A_4537 = vector.broadcast %add3A_4536 : f32 to vector<8x512xf32>
    %add3A_4538 = arith.addf %exp3A_4535, %add3A_4537 : vector<8x512xf32>
    %log3A_4539 = math.log %add3A_4538 : vector<8x512xf32>
    %add3A_4540 = arith.addf %add3A_4517, %log3A_4539 : vector<8x512xf32>
    %max3A_4541 = arith.constant 0.000000e+00 : f32
    %max3A_4542 = vector.broadcast %max3A_4541 : f32 to vector<8x512xf32>
    %max3A_4543 = arith.maximumf %get3A_4527, %max3A_4542 : vector<8x512xf32>
    %mul3A_4544 = arith.mulf %get3A_4527, %get3A_4530 : vector<8x512xf32>
    %sub3A_4545 = arith.subf %max3A_4543, %mul3A_4544 : vector<8x512xf32>
    %add3A_4546 = arith.addf %add3A_4523, %sub3A_4545 : vector<8x512xf32>
    %add3A_4547 = arith.addf %add3A_4524, %get3A_4530 : vector<8x512xf32>
    %get3A_4548 = arith.constant 1584 : index
    %get3A_4549 = arith.constant 0 : index
    %get3A_4550 = vector.load %arg1[%get3A_4548, %get3A_4549] : memref<1792x512xf32, #tpu.memory_space<vmem>>, vector<8x512xf32>
    %get3A_4551 = arith.constant 1584 : index
    %get3A_4552 = arith.constant 0 : index
    %get3A_4553 = vector.load %arg2[%get3A_4551, %get3A_4552] : memref<1792x512xf32, #tpu.memory_space<vmem>>, vector<8x512xf32>
    %abs3A_4554 = math.absf %get3A_4550 : vector<8x512xf32>
    %neg3A_4555 = arith.constant 0.000000e+00 : f32
    %neg3A_4556 = vector.broadcast %neg3A_4555 : f32 to vector<8x512xf32>
    %neg3A_4557 = arith.subf %neg3A_4556, %abs3A_4554 : vector<8x512xf32>
    %exp3A_4558 = math.exp %neg3A_4557 : vector<8x512xf32>
    %add3A_4559 = arith.constant 1.000000e+00 : f32
    %add3A_4560 = vector.broadcast %add3A_4559 : f32 to vector<8x512xf32>
    %add3A_4561 = arith.addf %exp3A_4558, %add3A_4560 : vector<8x512xf32>
    %log3A_4562 = math.log %add3A_4561 : vector<8x512xf32>
    %add3A_4563 = arith.addf %add3A_4540, %log3A_4562 : vector<8x512xf32>
    %max3A_4564 = arith.constant 0.000000e+00 : f32
    %max3A_4565 = vector.broadcast %max3A_4564 : f32 to vector<8x512xf32>
    %max3A_4566 = arith.maximumf %get3A_4550, %max3A_4565 : vector<8x512xf32>
    %mul3A_4567 = arith.mulf %get3A_4550, %get3A_4553 : vector<8x512xf32>
    %sub3A_4568 = arith.subf %max3A_4566, %mul3A_4567 : vector<8x512xf32>
    %add3A_4569 = arith.addf %add3A_4546, %sub3A_4568 : vector<8x512xf32>
    %add3A_4570 = arith.addf %add3A_4547, %get3A_4553 : vector<8x512xf32>
    %get3A_4571 = arith.constant 1592 : index
    %get3A_4572 = arith.constant 0 : index
    %get3A_4573 = vector.load %arg1[%get3A_4571, %get3A_4572] : memref<1792x512xf32, #tpu.memory_space<vmem>>, vector<8x512xf32>
    %get3A_4574 = arith.constant 1592 : index
    %get3A_4575 = arith.constant 0 : index
    %get3A_4576 = vector.load %arg2[%get3A_4574, %get3A_4575] : memref<1792x512xf32, #tpu.memory_space<vmem>>, vector<8x512xf32>
    %abs3A_4577 = math.absf %get3A_4573 : vector<8x512xf32>
    %neg3A_4578 = arith.constant 0.000000e+00 : f32
    %neg3A_4579 = vector.broadcast %neg3A_4578 : f32 to vector<8x512xf32>
    %neg3A_4580 = arith.subf %neg3A_4579, %abs3A_4577 : vector<8x512xf32>
    %exp3A_4581 = math.exp %neg3A_4580 : vector<8x512xf32>
    %add3A_4582 = arith.constant 1.000000e+00 : f32
    %add3A_4583 = vector.broadcast %add3A_4582 : f32 to vector<8x512xf32>
    %add3A_4584 = arith.addf %exp3A_4581, %add3A_4583 : vector<8x512xf32>
    %log3A_4585 = math.log %add3A_4584 : vector<8x512xf32>
    %add3A_4586 = arith.addf %add3A_4563, %log3A_4585 : vector<8x512xf32>
    %max3A_4587 = arith.constant 0.000000e+00 : f32
    %max3A_4588 = vector.broadcast %max3A_4587 : f32 to vector<8x512xf32>
    %max3A_4589 = arith.maximumf %get3A_4573, %max3A_4588 : vector<8x512xf32>
    %mul3A_4590 = arith.mulf %get3A_4573, %get3A_4576 : vector<8x512xf32>
    %sub3A_4591 = arith.subf %max3A_4589, %mul3A_4590 : vector<8x512xf32>
    %add3A_4592 = arith.addf %add3A_4569, %sub3A_4591 : vector<8x512xf32>
    %add3A_4593 = arith.addf %add3A_4570, %get3A_4576 : vector<8x512xf32>
    %get3A_4594 = arith.constant 1600 : index
    %get3A_4595 = arith.constant 0 : index
    %get3A_4596 = vector.load %arg1[%get3A_4594, %get3A_4595] : memref<1792x512xf32, #tpu.memory_space<vmem>>, vector<8x512xf32>
    %get3A_4597 = arith.constant 1600 : index
    %get3A_4598 = arith.constant 0 : index
    %get3A_4599 = vector.load %arg2[%get3A_4597, %get3A_4598] : memref<1792x512xf32, #tpu.memory_space<vmem>>, vector<8x512xf32>
    %abs3A_4600 = math.absf %get3A_4596 : vector<8x512xf32>
    %neg3A_4601 = arith.constant 0.000000e+00 : f32
    %neg3A_4602 = vector.broadcast %neg3A_4601 : f32 to vector<8x512xf32>
    %neg3A_4603 = arith.subf %neg3A_4602, %abs3A_4600 : vector<8x512xf32>
    %exp3A_4604 = math.exp %neg3A_4603 : vector<8x512xf32>
    %add3A_4605 = arith.constant 1.000000e+00 : f32
    %add3A_4606 = vector.broadcast %add3A_4605 : f32 to vector<8x512xf32>
    %add3A_4607 = arith.addf %exp3A_4604, %add3A_4606 : vector<8x512xf32>
    %log3A_4608 = math.log %add3A_4607 : vector<8x512xf32>
    %add3A_4609 = arith.addf %add3A_4586, %log3A_4608 : vector<8x512xf32>
    %max3A_4610 = arith.constant 0.000000e+00 : f32
    %max3A_4611 = vector.broadcast %max3A_4610 : f32 to vector<8x512xf32>
    %max3A_4612 = arith.maximumf %get3A_4596, %max3A_4611 : vector<8x512xf32>
    %mul3A_4613 = arith.mulf %get3A_4596, %get3A_4599 : vector<8x512xf32>
    %sub3A_4614 = arith.subf %max3A_4612, %mul3A_4613 : vector<8x512xf32>
    %add3A_4615 = arith.addf %add3A_4592, %sub3A_4614 : vector<8x512xf32>
    %add3A_4616 = arith.addf %add3A_4593, %get3A_4599 : vector<8x512xf32>
    %get3A_4617 = arith.constant 1608 : index
    %get3A_4618 = arith.constant 0 : index
    %get3A_4619 = vector.load %arg1[%get3A_4617, %get3A_4618] : memref<1792x512xf32, #tpu.memory_space<vmem>>, vector<8x512xf32>
    %get3A_4620 = arith.constant 1608 : index
    %get3A_4621 = arith.constant 0 : index
    %get3A_4622 = vector.load %arg2[%get3A_4620, %get3A_4621] : memref<1792x512xf32, #tpu.memory_space<vmem>>, vector<8x512xf32>
    %abs3A_4623 = math.absf %get3A_4619 : vector<8x512xf32>
    %neg3A_4624 = arith.constant 0.000000e+00 : f32
    %neg3A_4625 = vector.broadcast %neg3A_4624 : f32 to vector<8x512xf32>
    %neg3A_4626 = arith.subf %neg3A_4625, %abs3A_4623 : vector<8x512xf32>
    %exp3A_4627 = math.exp %neg3A_4626 : vector<8x512xf32>
    %add3A_4628 = arith.constant 1.000000e+00 : f32
    %add3A_4629 = vector.broadcast %add3A_4628 : f32 to vector<8x512xf32>
    %add3A_4630 = arith.addf %exp3A_4627, %add3A_4629 : vector<8x512xf32>
    %log3A_4631 = math.log %add3A_4630 : vector<8x512xf32>
    %add3A_4632 = arith.addf %add3A_4609, %log3A_4631 : vector<8x512xf32>
    %max3A_4633 = arith.constant 0.000000e+00 : f32
    %max3A_4634 = vector.broadcast %max3A_4633 : f32 to vector<8x512xf32>
    %max3A_4635 = arith.maximumf %get3A_4619, %max3A_4634 : vector<8x512xf32>
    %mul3A_4636 = arith.mulf %get3A_4619, %get3A_4622 : vector<8x512xf32>
    %sub3A_4637 = arith.subf %max3A_4635, %mul3A_4636 : vector<8x512xf32>
    %add3A_4638 = arith.addf %add3A_4615, %sub3A_4637 : vector<8x512xf32>
    %add3A_4639 = arith.addf %add3A_4616, %get3A_4622 : vector<8x512xf32>
    %get3A_4640 = arith.constant 1616 : index
    %get3A_4641 = arith.constant 0 : index
    %get3A_4642 = vector.load %arg1[%get3A_4640, %get3A_4641] : memref<1792x512xf32, #tpu.memory_space<vmem>>, vector<8x512xf32>
    %get3A_4643 = arith.constant 1616 : index
    %get3A_4644 = arith.constant 0 : index
    %get3A_4645 = vector.load %arg2[%get3A_4643, %get3A_4644] : memref<1792x512xf32, #tpu.memory_space<vmem>>, vector<8x512xf32>
    %abs3A_4646 = math.absf %get3A_4642 : vector<8x512xf32>
    %neg3A_4647 = arith.constant 0.000000e+00 : f32
    %neg3A_4648 = vector.broadcast %neg3A_4647 : f32 to vector<8x512xf32>
    %neg3A_4649 = arith.subf %neg3A_4648, %abs3A_4646 : vector<8x512xf32>
    %exp3A_4650 = math.exp %neg3A_4649 : vector<8x512xf32>
    %add3A_4651 = arith.constant 1.000000e+00 : f32
    %add3A_4652 = vector.broadcast %add3A_4651 : f32 to vector<8x512xf32>
    %add3A_4653 = arith.addf %exp3A_4650, %add3A_4652 : vector<8x512xf32>
    %log3A_4654 = math.log %add3A_4653 : vector<8x512xf32>
    %add3A_4655 = arith.addf %add3A_4632, %log3A_4654 : vector<8x512xf32>
    %max3A_4656 = arith.constant 0.000000e+00 : f32
    %max3A_4657 = vector.broadcast %max3A_4656 : f32 to vector<8x512xf32>
    %max3A_4658 = arith.maximumf %get3A_4642, %max3A_4657 : vector<8x512xf32>
    %mul3A_4659 = arith.mulf %get3A_4642, %get3A_4645 : vector<8x512xf32>
    %sub3A_4660 = arith.subf %max3A_4658, %mul3A_4659 : vector<8x512xf32>
    %add3A_4661 = arith.addf %add3A_4638, %sub3A_4660 : vector<8x512xf32>
    %add3A_4662 = arith.addf %add3A_4639, %get3A_4645 : vector<8x512xf32>
    %get3A_4663 = arith.constant 1624 : index
    %get3A_4664 = arith.constant 0 : index
    %get3A_4665 = vector.load %arg1[%get3A_4663, %get3A_4664] : memref<1792x512xf32, #tpu.memory_space<vmem>>, vector<8x512xf32>
    %get3A_4666 = arith.constant 1624 : index
    %get3A_4667 = arith.constant 0 : index
    %get3A_4668 = vector.load %arg2[%get3A_4666, %get3A_4667] : memref<1792x512xf32, #tpu.memory_space<vmem>>, vector<8x512xf32>
    %abs3A_4669 = math.absf %get3A_4665 : vector<8x512xf32>
    %neg3A_4670 = arith.constant 0.000000e+00 : f32
    %neg3A_4671 = vector.broadcast %neg3A_4670 : f32 to vector<8x512xf32>
    %neg3A_4672 = arith.subf %neg3A_4671, %abs3A_4669 : vector<8x512xf32>
    %exp3A_4673 = math.exp %neg3A_4672 : vector<8x512xf32>
    %add3A_4674 = arith.constant 1.000000e+00 : f32
    %add3A_4675 = vector.broadcast %add3A_4674 : f32 to vector<8x512xf32>
    %add3A_4676 = arith.addf %exp3A_4673, %add3A_4675 : vector<8x512xf32>
    %log3A_4677 = math.log %add3A_4676 : vector<8x512xf32>
    %add3A_4678 = arith.addf %add3A_4655, %log3A_4677 : vector<8x512xf32>
    %max3A_4679 = arith.constant 0.000000e+00 : f32
    %max3A_4680 = vector.broadcast %max3A_4679 : f32 to vector<8x512xf32>
    %max3A_4681 = arith.maximumf %get3A_4665, %max3A_4680 : vector<8x512xf32>
    %mul3A_4682 = arith.mulf %get3A_4665, %get3A_4668 : vector<8x512xf32>
    %sub3A_4683 = arith.subf %max3A_4681, %mul3A_4682 : vector<8x512xf32>
    %add3A_4684 = arith.addf %add3A_4661, %sub3A_4683 : vector<8x512xf32>
    %add3A_4685 = arith.addf %add3A_4662, %get3A_4668 : vector<8x512xf32>
    %get3A_4686 = arith.constant 1632 : index
    %get3A_4687 = arith.constant 0 : index
    %get3A_4688 = vector.load %arg1[%get3A_4686, %get3A_4687] : memref<1792x512xf32, #tpu.memory_space<vmem>>, vector<8x512xf32>
    %get3A_4689 = arith.constant 1632 : index
    %get3A_4690 = arith.constant 0 : index
    %get3A_4691 = vector.load %arg2[%get3A_4689, %get3A_4690] : memref<1792x512xf32, #tpu.memory_space<vmem>>, vector<8x512xf32>
    %abs3A_4692 = math.absf %get3A_4688 : vector<8x512xf32>
    %neg3A_4693 = arith.constant 0.000000e+00 : f32
    %neg3A_4694 = vector.broadcast %neg3A_4693 : f32 to vector<8x512xf32>
    %neg3A_4695 = arith.subf %neg3A_4694, %abs3A_4692 : vector<8x512xf32>
    %exp3A_4696 = math.exp %neg3A_4695 : vector<8x512xf32>
    %add3A_4697 = arith.constant 1.000000e+00 : f32
    %add3A_4698 = vector.broadcast %add3A_4697 : f32 to vector<8x512xf32>
    %add3A_4699 = arith.addf %exp3A_4696, %add3A_4698 : vector<8x512xf32>
    %log3A_4700 = math.log %add3A_4699 : vector<8x512xf32>
    %add3A_4701 = arith.addf %add3A_4678, %log3A_4700 : vector<8x512xf32>
    %max3A_4702 = arith.constant 0.000000e+00 : f32
    %max3A_4703 = vector.broadcast %max3A_4702 : f32 to vector<8x512xf32>
    %max3A_4704 = arith.maximumf %get3A_4688, %max3A_4703 : vector<8x512xf32>
    %mul3A_4705 = arith.mulf %get3A_4688, %get3A_4691 : vector<8x512xf32>
    %sub3A_4706 = arith.subf %max3A_4704, %mul3A_4705 : vector<8x512xf32>
    %add3A_4707 = arith.addf %add3A_4684, %sub3A_4706 : vector<8x512xf32>
    %add3A_4708 = arith.addf %add3A_4685, %get3A_4691 : vector<8x512xf32>
    %get3A_4709 = arith.constant 1640 : index
    %get3A_4710 = arith.constant 0 : index
    %get3A_4711 = vector.load %arg1[%get3A_4709, %get3A_4710] : memref<1792x512xf32, #tpu.memory_space<vmem>>, vector<8x512xf32>
    %get3A_4712 = arith.constant 1640 : index
    %get3A_4713 = arith.constant 0 : index
    %get3A_4714 = vector.load %arg2[%get3A_4712, %get3A_4713] : memref<1792x512xf32, #tpu.memory_space<vmem>>, vector<8x512xf32>
    %abs3A_4715 = math.absf %get3A_4711 : vector<8x512xf32>
    %neg3A_4716 = arith.constant 0.000000e+00 : f32
    %neg3A_4717 = vector.broadcast %neg3A_4716 : f32 to vector<8x512xf32>
    %neg3A_4718 = arith.subf %neg3A_4717, %abs3A_4715 : vector<8x512xf32>
    %exp3A_4719 = math.exp %neg3A_4718 : vector<8x512xf32>
    %add3A_4720 = arith.constant 1.000000e+00 : f32
    %add3A_4721 = vector.broadcast %add3A_4720 : f32 to vector<8x512xf32>
    %add3A_4722 = arith.addf %exp3A_4719, %add3A_4721 : vector<8x512xf32>
    %log3A_4723 = math.log %add3A_4722 : vector<8x512xf32>
    %add3A_4724 = arith.addf %add3A_4701, %log3A_4723 : vector<8x512xf32>
    %max3A_4725 = arith.constant 0.000000e+00 : f32
    %max3A_4726 = vector.broadcast %max3A_4725 : f32 to vector<8x512xf32>
    %max3A_4727 = arith.maximumf %get3A_4711, %max3A_4726 : vector<8x512xf32>
    %mul3A_4728 = arith.mulf %get3A_4711, %get3A_4714 : vector<8x512xf32>
    %sub3A_4729 = arith.subf %max3A_4727, %mul3A_4728 : vector<8x512xf32>
    %add3A_4730 = arith.addf %add3A_4707, %sub3A_4729 : vector<8x512xf32>
    %add3A_4731 = arith.addf %add3A_4708, %get3A_4714 : vector<8x512xf32>
    %get3A_4732 = arith.constant 1648 : index
    %get3A_4733 = arith.constant 0 : index
    %get3A_4734 = vector.load %arg1[%get3A_4732, %get3A_4733] : memref<1792x512xf32, #tpu.memory_space<vmem>>, vector<8x512xf32>
    %get3A_4735 = arith.constant 1648 : index
    %get3A_4736 = arith.constant 0 : index
    %get3A_4737 = vector.load %arg2[%get3A_4735, %get3A_4736] : memref<1792x512xf32, #tpu.memory_space<vmem>>, vector<8x512xf32>
    %abs3A_4738 = math.absf %get3A_4734 : vector<8x512xf32>
    %neg3A_4739 = arith.constant 0.000000e+00 : f32
    %neg3A_4740 = vector.broadcast %neg3A_4739 : f32 to vector<8x512xf32>
    %neg3A_4741 = arith.subf %neg3A_4740, %abs3A_4738 : vector<8x512xf32>
    %exp3A_4742 = math.exp %neg3A_4741 : vector<8x512xf32>
    %add3A_4743 = arith.constant 1.000000e+00 : f32
    %add3A_4744 = vector.broadcast %add3A_4743 : f32 to vector<8x512xf32>
    %add3A_4745 = arith.addf %exp3A_4742, %add3A_4744 : vector<8x512xf32>
    %log3A_4746 = math.log %add3A_4745 : vector<8x512xf32>
    %add3A_4747 = arith.addf %add3A_4724, %log3A_4746 : vector<8x512xf32>
    %max3A_4748 = arith.constant 0.000000e+00 : f32
    %max3A_4749 = vector.broadcast %max3A_4748 : f32 to vector<8x512xf32>
    %max3A_4750 = arith.maximumf %get3A_4734, %max3A_4749 : vector<8x512xf32>
    %mul3A_4751 = arith.mulf %get3A_4734, %get3A_4737 : vector<8x512xf32>
    %sub3A_4752 = arith.subf %max3A_4750, %mul3A_4751 : vector<8x512xf32>
    %add3A_4753 = arith.addf %add3A_4730, %sub3A_4752 : vector<8x512xf32>
    %add3A_4754 = arith.addf %add3A_4731, %get3A_4737 : vector<8x512xf32>
    %get3A_4755 = arith.constant 1656 : index
    %get3A_4756 = arith.constant 0 : index
    %get3A_4757 = vector.load %arg1[%get3A_4755, %get3A_4756] : memref<1792x512xf32, #tpu.memory_space<vmem>>, vector<8x512xf32>
    %get3A_4758 = arith.constant 1656 : index
    %get3A_4759 = arith.constant 0 : index
    %get3A_4760 = vector.load %arg2[%get3A_4758, %get3A_4759] : memref<1792x512xf32, #tpu.memory_space<vmem>>, vector<8x512xf32>
    %abs3A_4761 = math.absf %get3A_4757 : vector<8x512xf32>
    %neg3A_4762 = arith.constant 0.000000e+00 : f32
    %neg3A_4763 = vector.broadcast %neg3A_4762 : f32 to vector<8x512xf32>
    %neg3A_4764 = arith.subf %neg3A_4763, %abs3A_4761 : vector<8x512xf32>
    %exp3A_4765 = math.exp %neg3A_4764 : vector<8x512xf32>
    %add3A_4766 = arith.constant 1.000000e+00 : f32
    %add3A_4767 = vector.broadcast %add3A_4766 : f32 to vector<8x512xf32>
    %add3A_4768 = arith.addf %exp3A_4765, %add3A_4767 : vector<8x512xf32>
    %log3A_4769 = math.log %add3A_4768 : vector<8x512xf32>
    %add3A_4770 = arith.addf %add3A_4747, %log3A_4769 : vector<8x512xf32>
    %max3A_4771 = arith.constant 0.000000e+00 : f32
    %max3A_4772 = vector.broadcast %max3A_4771 : f32 to vector<8x512xf32>
    %max3A_4773 = arith.maximumf %get3A_4757, %max3A_4772 : vector<8x512xf32>
    %mul3A_4774 = arith.mulf %get3A_4757, %get3A_4760 : vector<8x512xf32>
    %sub3A_4775 = arith.subf %max3A_4773, %mul3A_4774 : vector<8x512xf32>
    %add3A_4776 = arith.addf %add3A_4753, %sub3A_4775 : vector<8x512xf32>
    %add3A_4777 = arith.addf %add3A_4754, %get3A_4760 : vector<8x512xf32>
    %get3A_4778 = arith.constant 1664 : index
    %get3A_4779 = arith.constant 0 : index
    %get3A_4780 = vector.load %arg1[%get3A_4778, %get3A_4779] : memref<1792x512xf32, #tpu.memory_space<vmem>>, vector<8x512xf32>
    %get3A_4781 = arith.constant 1664 : index
    %get3A_4782 = arith.constant 0 : index
    %get3A_4783 = vector.load %arg2[%get3A_4781, %get3A_4782] : memref<1792x512xf32, #tpu.memory_space<vmem>>, vector<8x512xf32>
    %abs3A_4784 = math.absf %get3A_4780 : vector<8x512xf32>
    %neg3A_4785 = arith.constant 0.000000e+00 : f32
    %neg3A_4786 = vector.broadcast %neg3A_4785 : f32 to vector<8x512xf32>
    %neg3A_4787 = arith.subf %neg3A_4786, %abs3A_4784 : vector<8x512xf32>
    %exp3A_4788 = math.exp %neg3A_4787 : vector<8x512xf32>
    %add3A_4789 = arith.constant 1.000000e+00 : f32
    %add3A_4790 = vector.broadcast %add3A_4789 : f32 to vector<8x512xf32>
    %add3A_4791 = arith.addf %exp3A_4788, %add3A_4790 : vector<8x512xf32>
    %log3A_4792 = math.log %add3A_4791 : vector<8x512xf32>
    %add3A_4793 = arith.addf %add3A_4770, %log3A_4792 : vector<8x512xf32>
    %max3A_4794 = arith.constant 0.000000e+00 : f32
    %max3A_4795 = vector.broadcast %max3A_4794 : f32 to vector<8x512xf32>
    %max3A_4796 = arith.maximumf %get3A_4780, %max3A_4795 : vector<8x512xf32>
    %mul3A_4797 = arith.mulf %get3A_4780, %get3A_4783 : vector<8x512xf32>
    %sub3A_4798 = arith.subf %max3A_4796, %mul3A_4797 : vector<8x512xf32>
    %add3A_4799 = arith.addf %add3A_4776, %sub3A_4798 : vector<8x512xf32>
    %add3A_4800 = arith.addf %add3A_4777, %get3A_4783 : vector<8x512xf32>
    %get3A_4801 = arith.constant 1672 : index
    %get3A_4802 = arith.constant 0 : index
    %get3A_4803 = vector.load %arg1[%get3A_4801, %get3A_4802] : memref<1792x512xf32, #tpu.memory_space<vmem>>, vector<8x512xf32>
    %get3A_4804 = arith.constant 1672 : index
    %get3A_4805 = arith.constant 0 : index
    %get3A_4806 = vector.load %arg2[%get3A_4804, %get3A_4805] : memref<1792x512xf32, #tpu.memory_space<vmem>>, vector<8x512xf32>
    %abs3A_4807 = math.absf %get3A_4803 : vector<8x512xf32>
    %neg3A_4808 = arith.constant 0.000000e+00 : f32
    %neg3A_4809 = vector.broadcast %neg3A_4808 : f32 to vector<8x512xf32>
    %neg3A_4810 = arith.subf %neg3A_4809, %abs3A_4807 : vector<8x512xf32>
    %exp3A_4811 = math.exp %neg3A_4810 : vector<8x512xf32>
    %add3A_4812 = arith.constant 1.000000e+00 : f32
    %add3A_4813 = vector.broadcast %add3A_4812 : f32 to vector<8x512xf32>
    %add3A_4814 = arith.addf %exp3A_4811, %add3A_4813 : vector<8x512xf32>
    %log3A_4815 = math.log %add3A_4814 : vector<8x512xf32>
    %add3A_4816 = arith.addf %add3A_4793, %log3A_4815 : vector<8x512xf32>
    %max3A_4817 = arith.constant 0.000000e+00 : f32
    %max3A_4818 = vector.broadcast %max3A_4817 : f32 to vector<8x512xf32>
    %max3A_4819 = arith.maximumf %get3A_4803, %max3A_4818 : vector<8x512xf32>
    %mul3A_4820 = arith.mulf %get3A_4803, %get3A_4806 : vector<8x512xf32>
    %sub3A_4821 = arith.subf %max3A_4819, %mul3A_4820 : vector<8x512xf32>
    %add3A_4822 = arith.addf %add3A_4799, %sub3A_4821 : vector<8x512xf32>
    %add3A_4823 = arith.addf %add3A_4800, %get3A_4806 : vector<8x512xf32>
    %get3A_4824 = arith.constant 1680 : index
    %get3A_4825 = arith.constant 0 : index
    %get3A_4826 = vector.load %arg1[%get3A_4824, %get3A_4825] : memref<1792x512xf32, #tpu.memory_space<vmem>>, vector<8x512xf32>
    %get3A_4827 = arith.constant 1680 : index
    %get3A_4828 = arith.constant 0 : index
    %get3A_4829 = vector.load %arg2[%get3A_4827, %get3A_4828] : memref<1792x512xf32, #tpu.memory_space<vmem>>, vector<8x512xf32>
    %abs3A_4830 = math.absf %get3A_4826 : vector<8x512xf32>
    %neg3A_4831 = arith.constant 0.000000e+00 : f32
    %neg3A_4832 = vector.broadcast %neg3A_4831 : f32 to vector<8x512xf32>
    %neg3A_4833 = arith.subf %neg3A_4832, %abs3A_4830 : vector<8x512xf32>
    %exp3A_4834 = math.exp %neg3A_4833 : vector<8x512xf32>
    %add3A_4835 = arith.constant 1.000000e+00 : f32
    %add3A_4836 = vector.broadcast %add3A_4835 : f32 to vector<8x512xf32>
    %add3A_4837 = arith.addf %exp3A_4834, %add3A_4836 : vector<8x512xf32>
    %log3A_4838 = math.log %add3A_4837 : vector<8x512xf32>
    %add3A_4839 = arith.addf %add3A_4816, %log3A_4838 : vector<8x512xf32>
    %max3A_4840 = arith.constant 0.000000e+00 : f32
    %max3A_4841 = vector.broadcast %max3A_4840 : f32 to vector<8x512xf32>
    %max3A_4842 = arith.maximumf %get3A_4826, %max3A_4841 : vector<8x512xf32>
    %mul3A_4843 = arith.mulf %get3A_4826, %get3A_4829 : vector<8x512xf32>
    %sub3A_4844 = arith.subf %max3A_4842, %mul3A_4843 : vector<8x512xf32>
    %add3A_4845 = arith.addf %add3A_4822, %sub3A_4844 : vector<8x512xf32>
    %add3A_4846 = arith.addf %add3A_4823, %get3A_4829 : vector<8x512xf32>
    %get3A_4847 = arith.constant 1688 : index
    %get3A_4848 = arith.constant 0 : index
    %get3A_4849 = vector.load %arg1[%get3A_4847, %get3A_4848] : memref<1792x512xf32, #tpu.memory_space<vmem>>, vector<8x512xf32>
    %get3A_4850 = arith.constant 1688 : index
    %get3A_4851 = arith.constant 0 : index
    %get3A_4852 = vector.load %arg2[%get3A_4850, %get3A_4851] : memref<1792x512xf32, #tpu.memory_space<vmem>>, vector<8x512xf32>
    %abs3A_4853 = math.absf %get3A_4849 : vector<8x512xf32>
    %neg3A_4854 = arith.constant 0.000000e+00 : f32
    %neg3A_4855 = vector.broadcast %neg3A_4854 : f32 to vector<8x512xf32>
    %neg3A_4856 = arith.subf %neg3A_4855, %abs3A_4853 : vector<8x512xf32>
    %exp3A_4857 = math.exp %neg3A_4856 : vector<8x512xf32>
    %add3A_4858 = arith.constant 1.000000e+00 : f32
    %add3A_4859 = vector.broadcast %add3A_4858 : f32 to vector<8x512xf32>
    %add3A_4860 = arith.addf %exp3A_4857, %add3A_4859 : vector<8x512xf32>
    %log3A_4861 = math.log %add3A_4860 : vector<8x512xf32>
    %add3A_4862 = arith.addf %add3A_4839, %log3A_4861 : vector<8x512xf32>
    %max3A_4863 = arith.constant 0.000000e+00 : f32
    %max3A_4864 = vector.broadcast %max3A_4863 : f32 to vector<8x512xf32>
    %max3A_4865 = arith.maximumf %get3A_4849, %max3A_4864 : vector<8x512xf32>
    %mul3A_4866 = arith.mulf %get3A_4849, %get3A_4852 : vector<8x512xf32>
    %sub3A_4867 = arith.subf %max3A_4865, %mul3A_4866 : vector<8x512xf32>
    %add3A_4868 = arith.addf %add3A_4845, %sub3A_4867 : vector<8x512xf32>
    %add3A_4869 = arith.addf %add3A_4846, %get3A_4852 : vector<8x512xf32>
    %get3A_4870 = arith.constant 1696 : index
    %get3A_4871 = arith.constant 0 : index
    %get3A_4872 = vector.load %arg1[%get3A_4870, %get3A_4871] : memref<1792x512xf32, #tpu.memory_space<vmem>>, vector<8x512xf32>
    %get3A_4873 = arith.constant 1696 : index
    %get3A_4874 = arith.constant 0 : index
    %get3A_4875 = vector.load %arg2[%get3A_4873, %get3A_4874] : memref<1792x512xf32, #tpu.memory_space<vmem>>, vector<8x512xf32>
    %abs3A_4876 = math.absf %get3A_4872 : vector<8x512xf32>
    %neg3A_4877 = arith.constant 0.000000e+00 : f32
    %neg3A_4878 = vector.broadcast %neg3A_4877 : f32 to vector<8x512xf32>
    %neg3A_4879 = arith.subf %neg3A_4878, %abs3A_4876 : vector<8x512xf32>
    %exp3A_4880 = math.exp %neg3A_4879 : vector<8x512xf32>
    %add3A_4881 = arith.constant 1.000000e+00 : f32
    %add3A_4882 = vector.broadcast %add3A_4881 : f32 to vector<8x512xf32>
    %add3A_4883 = arith.addf %exp3A_4880, %add3A_4882 : vector<8x512xf32>
    %log3A_4884 = math.log %add3A_4883 : vector<8x512xf32>
    %add3A_4885 = arith.addf %add3A_4862, %log3A_4884 : vector<8x512xf32>
    %max3A_4886 = arith.constant 0.000000e+00 : f32
    %max3A_4887 = vector.broadcast %max3A_4886 : f32 to vector<8x512xf32>
    %max3A_4888 = arith.maximumf %get3A_4872, %max3A_4887 : vector<8x512xf32>
    %mul3A_4889 = arith.mulf %get3A_4872, %get3A_4875 : vector<8x512xf32>
    %sub3A_4890 = arith.subf %max3A_4888, %mul3A_4889 : vector<8x512xf32>
    %add3A_4891 = arith.addf %add3A_4868, %sub3A_4890 : vector<8x512xf32>
    %add3A_4892 = arith.addf %add3A_4869, %get3A_4875 : vector<8x512xf32>
    %get3A_4893 = arith.constant 1704 : index
    %get3A_4894 = arith.constant 0 : index
    %get3A_4895 = vector.load %arg1[%get3A_4893, %get3A_4894] : memref<1792x512xf32, #tpu.memory_space<vmem>>, vector<8x512xf32>
    %get3A_4896 = arith.constant 1704 : index
    %get3A_4897 = arith.constant 0 : index
    %get3A_4898 = vector.load %arg2[%get3A_4896, %get3A_4897] : memref<1792x512xf32, #tpu.memory_space<vmem>>, vector<8x512xf32>
    %abs3A_4899 = math.absf %get3A_4895 : vector<8x512xf32>
    %neg3A_4900 = arith.constant 0.000000e+00 : f32
    %neg3A_4901 = vector.broadcast %neg3A_4900 : f32 to vector<8x512xf32>
    %neg3A_4902 = arith.subf %neg3A_4901, %abs3A_4899 : vector<8x512xf32>
    %exp3A_4903 = math.exp %neg3A_4902 : vector<8x512xf32>
    %add3A_4904 = arith.constant 1.000000e+00 : f32
    %add3A_4905 = vector.broadcast %add3A_4904 : f32 to vector<8x512xf32>
    %add3A_4906 = arith.addf %exp3A_4903, %add3A_4905 : vector<8x512xf32>
    %log3A_4907 = math.log %add3A_4906 : vector<8x512xf32>
    %add3A_4908 = arith.addf %add3A_4885, %log3A_4907 : vector<8x512xf32>
    %max3A_4909 = arith.constant 0.000000e+00 : f32
    %max3A_4910 = vector.broadcast %max3A_4909 : f32 to vector<8x512xf32>
    %max3A_4911 = arith.maximumf %get3A_4895, %max3A_4910 : vector<8x512xf32>
    %mul3A_4912 = arith.mulf %get3A_4895, %get3A_4898 : vector<8x512xf32>
    %sub3A_4913 = arith.subf %max3A_4911, %mul3A_4912 : vector<8x512xf32>
    %add3A_4914 = arith.addf %add3A_4891, %sub3A_4913 : vector<8x512xf32>
    %add3A_4915 = arith.addf %add3A_4892, %get3A_4898 : vector<8x512xf32>
    %get3A_4916 = arith.constant 1712 : index
    %get3A_4917 = arith.constant 0 : index
    %get3A_4918 = vector.load %arg1[%get3A_4916, %get3A_4917] : memref<1792x512xf32, #tpu.memory_space<vmem>>, vector<8x512xf32>
    %get3A_4919 = arith.constant 1712 : index
    %get3A_4920 = arith.constant 0 : index
    %get3A_4921 = vector.load %arg2[%get3A_4919, %get3A_4920] : memref<1792x512xf32, #tpu.memory_space<vmem>>, vector<8x512xf32>
    %abs3A_4922 = math.absf %get3A_4918 : vector<8x512xf32>
    %neg3A_4923 = arith.constant 0.000000e+00 : f32
    %neg3A_4924 = vector.broadcast %neg3A_4923 : f32 to vector<8x512xf32>
    %neg3A_4925 = arith.subf %neg3A_4924, %abs3A_4922 : vector<8x512xf32>
    %exp3A_4926 = math.exp %neg3A_4925 : vector<8x512xf32>
    %add3A_4927 = arith.constant 1.000000e+00 : f32
    %add3A_4928 = vector.broadcast %add3A_4927 : f32 to vector<8x512xf32>
    %add3A_4929 = arith.addf %exp3A_4926, %add3A_4928 : vector<8x512xf32>
    %log3A_4930 = math.log %add3A_4929 : vector<8x512xf32>
    %add3A_4931 = arith.addf %add3A_4908, %log3A_4930 : vector<8x512xf32>
    %max3A_4932 = arith.constant 0.000000e+00 : f32
    %max3A_4933 = vector.broadcast %max3A_4932 : f32 to vector<8x512xf32>
    %max3A_4934 = arith.maximumf %get3A_4918, %max3A_4933 : vector<8x512xf32>
    %mul3A_4935 = arith.mulf %get3A_4918, %get3A_4921 : vector<8x512xf32>
    %sub3A_4936 = arith.subf %max3A_4934, %mul3A_4935 : vector<8x512xf32>
    %add3A_4937 = arith.addf %add3A_4914, %sub3A_4936 : vector<8x512xf32>
    %add3A_4938 = arith.addf %add3A_4915, %get3A_4921 : vector<8x512xf32>
    %get3A_4939 = arith.constant 1720 : index
    %get3A_4940 = arith.constant 0 : index
    %get3A_4941 = vector.load %arg1[%get3A_4939, %get3A_4940] : memref<1792x512xf32, #tpu.memory_space<vmem>>, vector<8x512xf32>
    %get3A_4942 = arith.constant 1720 : index
    %get3A_4943 = arith.constant 0 : index
    %get3A_4944 = vector.load %arg2[%get3A_4942, %get3A_4943] : memref<1792x512xf32, #tpu.memory_space<vmem>>, vector<8x512xf32>
    %abs3A_4945 = math.absf %get3A_4941 : vector<8x512xf32>
    %neg3A_4946 = arith.constant 0.000000e+00 : f32
    %neg3A_4947 = vector.broadcast %neg3A_4946 : f32 to vector<8x512xf32>
    %neg3A_4948 = arith.subf %neg3A_4947, %abs3A_4945 : vector<8x512xf32>
    %exp3A_4949 = math.exp %neg3A_4948 : vector<8x512xf32>
    %add3A_4950 = arith.constant 1.000000e+00 : f32
    %add3A_4951 = vector.broadcast %add3A_4950 : f32 to vector<8x512xf32>
    %add3A_4952 = arith.addf %exp3A_4949, %add3A_4951 : vector<8x512xf32>
    %log3A_4953 = math.log %add3A_4952 : vector<8x512xf32>
    %add3A_4954 = arith.addf %add3A_4931, %log3A_4953 : vector<8x512xf32>
    %max3A_4955 = arith.constant 0.000000e+00 : f32
    %max3A_4956 = vector.broadcast %max3A_4955 : f32 to vector<8x512xf32>
    %max3A_4957 = arith.maximumf %get3A_4941, %max3A_4956 : vector<8x512xf32>
    %mul3A_4958 = arith.mulf %get3A_4941, %get3A_4944 : vector<8x512xf32>
    %sub3A_4959 = arith.subf %max3A_4957, %mul3A_4958 : vector<8x512xf32>
    %add3A_4960 = arith.addf %add3A_4937, %sub3A_4959 : vector<8x512xf32>
    %add3A_4961 = arith.addf %add3A_4938, %get3A_4944 : vector<8x512xf32>
    %get3A_4962 = arith.constant 1728 : index
    %get3A_4963 = arith.constant 0 : index
    %get3A_4964 = vector.load %arg1[%get3A_4962, %get3A_4963] : memref<1792x512xf32, #tpu.memory_space<vmem>>, vector<8x512xf32>
    %get3A_4965 = arith.constant 1728 : index
    %get3A_4966 = arith.constant 0 : index
    %get3A_4967 = vector.load %arg2[%get3A_4965, %get3A_4966] : memref<1792x512xf32, #tpu.memory_space<vmem>>, vector<8x512xf32>
    %abs3A_4968 = math.absf %get3A_4964 : vector<8x512xf32>
    %neg3A_4969 = arith.constant 0.000000e+00 : f32
    %neg3A_4970 = vector.broadcast %neg3A_4969 : f32 to vector<8x512xf32>
    %neg3A_4971 = arith.subf %neg3A_4970, %abs3A_4968 : vector<8x512xf32>
    %exp3A_4972 = math.exp %neg3A_4971 : vector<8x512xf32>
    %add3A_4973 = arith.constant 1.000000e+00 : f32
    %add3A_4974 = vector.broadcast %add3A_4973 : f32 to vector<8x512xf32>
    %add3A_4975 = arith.addf %exp3A_4972, %add3A_4974 : vector<8x512xf32>
    %log3A_4976 = math.log %add3A_4975 : vector<8x512xf32>
    %add3A_4977 = arith.addf %add3A_4954, %log3A_4976 : vector<8x512xf32>
    %max3A_4978 = arith.constant 0.000000e+00 : f32
    %max3A_4979 = vector.broadcast %max3A_4978 : f32 to vector<8x512xf32>
    %max3A_4980 = arith.maximumf %get3A_4964, %max3A_4979 : vector<8x512xf32>
    %mul3A_4981 = arith.mulf %get3A_4964, %get3A_4967 : vector<8x512xf32>
    %sub3A_4982 = arith.subf %max3A_4980, %mul3A_4981 : vector<8x512xf32>
    %add3A_4983 = arith.addf %add3A_4960, %sub3A_4982 : vector<8x512xf32>
    %add3A_4984 = arith.addf %add3A_4961, %get3A_4967 : vector<8x512xf32>
    %get3A_4985 = arith.constant 1736 : index
    %get3A_4986 = arith.constant 0 : index
    %get3A_4987 = vector.load %arg1[%get3A_4985, %get3A_4986] : memref<1792x512xf32, #tpu.memory_space<vmem>>, vector<8x512xf32>
    %get3A_4988 = arith.constant 1736 : index
    %get3A_4989 = arith.constant 0 : index
    %get3A_4990 = vector.load %arg2[%get3A_4988, %get3A_4989] : memref<1792x512xf32, #tpu.memory_space<vmem>>, vector<8x512xf32>
    %abs3A_4991 = math.absf %get3A_4987 : vector<8x512xf32>
    %neg3A_4992 = arith.constant 0.000000e+00 : f32
    %neg3A_4993 = vector.broadcast %neg3A_4992 : f32 to vector<8x512xf32>
    %neg3A_4994 = arith.subf %neg3A_4993, %abs3A_4991 : vector<8x512xf32>
    %exp3A_4995 = math.exp %neg3A_4994 : vector<8x512xf32>
    %add3A_4996 = arith.constant 1.000000e+00 : f32
    %add3A_4997 = vector.broadcast %add3A_4996 : f32 to vector<8x512xf32>
    %add3A_4998 = arith.addf %exp3A_4995, %add3A_4997 : vector<8x512xf32>
    %log3A_4999 = math.log %add3A_4998 : vector<8x512xf32>
    %add3A_5000 = arith.addf %add3A_4977, %log3A_4999 : vector<8x512xf32>
    %max3A_5001 = arith.constant 0.000000e+00 : f32
    %max3A_5002 = vector.broadcast %max3A_5001 : f32 to vector<8x512xf32>
    %max3A_5003 = arith.maximumf %get3A_4987, %max3A_5002 : vector<8x512xf32>
    %mul3A_5004 = arith.mulf %get3A_4987, %get3A_4990 : vector<8x512xf32>
    %sub3A_5005 = arith.subf %max3A_5003, %mul3A_5004 : vector<8x512xf32>
    %add3A_5006 = arith.addf %add3A_4983, %sub3A_5005 : vector<8x512xf32>
    %add3A_5007 = arith.addf %add3A_4984, %get3A_4990 : vector<8x512xf32>
    %get3A_5008 = arith.constant 1744 : index
    %get3A_5009 = arith.constant 0 : index
    %get3A_5010 = vector.load %arg1[%get3A_5008, %get3A_5009] : memref<1792x512xf32, #tpu.memory_space<vmem>>, vector<8x512xf32>
    %get3A_5011 = arith.constant 1744 : index
    %get3A_5012 = arith.constant 0 : index
    %get3A_5013 = vector.load %arg2[%get3A_5011, %get3A_5012] : memref<1792x512xf32, #tpu.memory_space<vmem>>, vector<8x512xf32>
    %abs3A_5014 = math.absf %get3A_5010 : vector<8x512xf32>
    %neg3A_5015 = arith.constant 0.000000e+00 : f32
    %neg3A_5016 = vector.broadcast %neg3A_5015 : f32 to vector<8x512xf32>
    %neg3A_5017 = arith.subf %neg3A_5016, %abs3A_5014 : vector<8x512xf32>
    %exp3A_5018 = math.exp %neg3A_5017 : vector<8x512xf32>
    %add3A_5019 = arith.constant 1.000000e+00 : f32
    %add3A_5020 = vector.broadcast %add3A_5019 : f32 to vector<8x512xf32>
    %add3A_5021 = arith.addf %exp3A_5018, %add3A_5020 : vector<8x512xf32>
    %log3A_5022 = math.log %add3A_5021 : vector<8x512xf32>
    %add3A_5023 = arith.addf %add3A_5000, %log3A_5022 : vector<8x512xf32>
    %max3A_5024 = arith.constant 0.000000e+00 : f32
    %max3A_5025 = vector.broadcast %max3A_5024 : f32 to vector<8x512xf32>
    %max3A_5026 = arith.maximumf %get3A_5010, %max3A_5025 : vector<8x512xf32>
    %mul3A_5027 = arith.mulf %get3A_5010, %get3A_5013 : vector<8x512xf32>
    %sub3A_5028 = arith.subf %max3A_5026, %mul3A_5027 : vector<8x512xf32>
    %add3A_5029 = arith.addf %add3A_5006, %sub3A_5028 : vector<8x512xf32>
    %add3A_5030 = arith.addf %add3A_5007, %get3A_5013 : vector<8x512xf32>
    %get3A_5031 = arith.constant 1752 : index
    %get3A_5032 = arith.constant 0 : index
    %get3A_5033 = vector.load %arg1[%get3A_5031, %get3A_5032] : memref<1792x512xf32, #tpu.memory_space<vmem>>, vector<8x512xf32>
    %get3A_5034 = arith.constant 1752 : index
    %get3A_5035 = arith.constant 0 : index
    %get3A_5036 = vector.load %arg2[%get3A_5034, %get3A_5035] : memref<1792x512xf32, #tpu.memory_space<vmem>>, vector<8x512xf32>
    %abs3A_5037 = math.absf %get3A_5033 : vector<8x512xf32>
    %neg3A_5038 = arith.constant 0.000000e+00 : f32
    %neg3A_5039 = vector.broadcast %neg3A_5038 : f32 to vector<8x512xf32>
    %neg3A_5040 = arith.subf %neg3A_5039, %abs3A_5037 : vector<8x512xf32>
    %exp3A_5041 = math.exp %neg3A_5040 : vector<8x512xf32>
    %add3A_5042 = arith.constant 1.000000e+00 : f32
    %add3A_5043 = vector.broadcast %add3A_5042 : f32 to vector<8x512xf32>
    %add3A_5044 = arith.addf %exp3A_5041, %add3A_5043 : vector<8x512xf32>
    %log3A_5045 = math.log %add3A_5044 : vector<8x512xf32>
    %add3A_5046 = arith.addf %add3A_5023, %log3A_5045 : vector<8x512xf32>
    %max3A_5047 = arith.constant 0.000000e+00 : f32
    %max3A_5048 = vector.broadcast %max3A_5047 : f32 to vector<8x512xf32>
    %max3A_5049 = arith.maximumf %get3A_5033, %max3A_5048 : vector<8x512xf32>
    %mul3A_5050 = arith.mulf %get3A_5033, %get3A_5036 : vector<8x512xf32>
    %sub3A_5051 = arith.subf %max3A_5049, %mul3A_5050 : vector<8x512xf32>
    %add3A_5052 = arith.addf %add3A_5029, %sub3A_5051 : vector<8x512xf32>
    %add3A_5053 = arith.addf %add3A_5030, %get3A_5036 : vector<8x512xf32>
    %get3A_5054 = arith.constant 1760 : index
    %get3A_5055 = arith.constant 0 : index
    %get3A_5056 = vector.load %arg1[%get3A_5054, %get3A_5055] : memref<1792x512xf32, #tpu.memory_space<vmem>>, vector<8x512xf32>
    %get3A_5057 = arith.constant 1760 : index
    %get3A_5058 = arith.constant 0 : index
    %get3A_5059 = vector.load %arg2[%get3A_5057, %get3A_5058] : memref<1792x512xf32, #tpu.memory_space<vmem>>, vector<8x512xf32>
    %abs3A_5060 = math.absf %get3A_5056 : vector<8x512xf32>
    %neg3A_5061 = arith.constant 0.000000e+00 : f32
    %neg3A_5062 = vector.broadcast %neg3A_5061 : f32 to vector<8x512xf32>
    %neg3A_5063 = arith.subf %neg3A_5062, %abs3A_5060 : vector<8x512xf32>
    %exp3A_5064 = math.exp %neg3A_5063 : vector<8x512xf32>
    %add3A_5065 = arith.constant 1.000000e+00 : f32
    %add3A_5066 = vector.broadcast %add3A_5065 : f32 to vector<8x512xf32>
    %add3A_5067 = arith.addf %exp3A_5064, %add3A_5066 : vector<8x512xf32>
    %log3A_5068 = math.log %add3A_5067 : vector<8x512xf32>
    %add3A_5069 = arith.addf %add3A_5046, %log3A_5068 : vector<8x512xf32>
    %max3A_5070 = arith.constant 0.000000e+00 : f32
    %max3A_5071 = vector.broadcast %max3A_5070 : f32 to vector<8x512xf32>
    %max3A_5072 = arith.maximumf %get3A_5056, %max3A_5071 : vector<8x512xf32>
    %mul3A_5073 = arith.mulf %get3A_5056, %get3A_5059 : vector<8x512xf32>
    %sub3A_5074 = arith.subf %max3A_5072, %mul3A_5073 : vector<8x512xf32>
    %add3A_5075 = arith.addf %add3A_5052, %sub3A_5074 : vector<8x512xf32>
    %add3A_5076 = arith.addf %add3A_5053, %get3A_5059 : vector<8x512xf32>
    %get3A_5077 = arith.constant 1768 : index
    %get3A_5078 = arith.constant 0 : index
    %get3A_5079 = vector.load %arg1[%get3A_5077, %get3A_5078] : memref<1792x512xf32, #tpu.memory_space<vmem>>, vector<8x512xf32>
    %get3A_5080 = arith.constant 1768 : index
    %get3A_5081 = arith.constant 0 : index
    %get3A_5082 = vector.load %arg2[%get3A_5080, %get3A_5081] : memref<1792x512xf32, #tpu.memory_space<vmem>>, vector<8x512xf32>
    %abs3A_5083 = math.absf %get3A_5079 : vector<8x512xf32>
    %neg3A_5084 = arith.constant 0.000000e+00 : f32
    %neg3A_5085 = vector.broadcast %neg3A_5084 : f32 to vector<8x512xf32>
    %neg3A_5086 = arith.subf %neg3A_5085, %abs3A_5083 : vector<8x512xf32>
    %exp3A_5087 = math.exp %neg3A_5086 : vector<8x512xf32>
    %add3A_5088 = arith.constant 1.000000e+00 : f32
    %add3A_5089 = vector.broadcast %add3A_5088 : f32 to vector<8x512xf32>
    %add3A_5090 = arith.addf %exp3A_5087, %add3A_5089 : vector<8x512xf32>
    %log3A_5091 = math.log %add3A_5090 : vector<8x512xf32>
    %add3A_5092 = arith.addf %add3A_5069, %log3A_5091 : vector<8x512xf32>
    %max3A_5093 = arith.constant 0.000000e+00 : f32
    %max3A_5094 = vector.broadcast %max3A_5093 : f32 to vector<8x512xf32>
    %max3A_5095 = arith.maximumf %get3A_5079, %max3A_5094 : vector<8x512xf32>
    %mul3A_5096 = arith.mulf %get3A_5079, %get3A_5082 : vector<8x512xf32>
    %sub3A_5097 = arith.subf %max3A_5095, %mul3A_5096 : vector<8x512xf32>
    %add3A_5098 = arith.addf %add3A_5075, %sub3A_5097 : vector<8x512xf32>
    %add3A_5099 = arith.addf %add3A_5076, %get3A_5082 : vector<8x512xf32>
    %get3A_5100 = arith.constant 1776 : index
    %get3A_5101 = arith.constant 0 : index
    %get3A_5102 = vector.load %arg1[%get3A_5100, %get3A_5101] : memref<1792x512xf32, #tpu.memory_space<vmem>>, vector<8x512xf32>
    %get3A_5103 = arith.constant 1776 : index
    %get3A_5104 = arith.constant 0 : index
    %get3A_5105 = vector.load %arg2[%get3A_5103, %get3A_5104] : memref<1792x512xf32, #tpu.memory_space<vmem>>, vector<8x512xf32>
    %abs3A_5106 = math.absf %get3A_5102 : vector<8x512xf32>
    %neg3A_5107 = arith.constant 0.000000e+00 : f32
    %neg3A_5108 = vector.broadcast %neg3A_5107 : f32 to vector<8x512xf32>
    %neg3A_5109 = arith.subf %neg3A_5108, %abs3A_5106 : vector<8x512xf32>
    %exp3A_5110 = math.exp %neg3A_5109 : vector<8x512xf32>
    %add3A_5111 = arith.constant 1.000000e+00 : f32
    %add3A_5112 = vector.broadcast %add3A_5111 : f32 to vector<8x512xf32>
    %add3A_5113 = arith.addf %exp3A_5110, %add3A_5112 : vector<8x512xf32>
    %log3A_5114 = math.log %add3A_5113 : vector<8x512xf32>
    %add3A_5115 = arith.addf %add3A_5092, %log3A_5114 : vector<8x512xf32>
    %max3A_5116 = arith.constant 0.000000e+00 : f32
    %max3A_5117 = vector.broadcast %max3A_5116 : f32 to vector<8x512xf32>
    %max3A_5118 = arith.maximumf %get3A_5102, %max3A_5117 : vector<8x512xf32>
    %mul3A_5119 = arith.mulf %get3A_5102, %get3A_5105 : vector<8x512xf32>
    %sub3A_5120 = arith.subf %max3A_5118, %mul3A_5119 : vector<8x512xf32>
    %add3A_5121 = arith.addf %add3A_5098, %sub3A_5120 : vector<8x512xf32>
    %add3A_5122 = arith.addf %add3A_5099, %get3A_5105 : vector<8x512xf32>
    %get3A_5123 = arith.constant 1784 : index
    %get3A_5124 = arith.constant 0 : index
    %get3A_5125 = vector.load %arg1[%get3A_5123, %get3A_5124] : memref<1792x512xf32, #tpu.memory_space<vmem>>, vector<8x512xf32>
    %get3A_5126 = arith.constant 1784 : index
    %get3A_5127 = arith.constant 0 : index
    %get3A_5128 = vector.load %arg2[%get3A_5126, %get3A_5127] : memref<1792x512xf32, #tpu.memory_space<vmem>>, vector<8x512xf32>
    %abs3A_5129 = math.absf %get3A_5125 : vector<8x512xf32>
    %neg3A_5130 = arith.constant 0.000000e+00 : f32
    %neg3A_5131 = vector.broadcast %neg3A_5130 : f32 to vector<8x512xf32>
    %neg3A_5132 = arith.subf %neg3A_5131, %abs3A_5129 : vector<8x512xf32>
    %exp3A_5133 = math.exp %neg3A_5132 : vector<8x512xf32>
    %add3A_5134 = arith.constant 1.000000e+00 : f32
    %add3A_5135 = vector.broadcast %add3A_5134 : f32 to vector<8x512xf32>
    %add3A_5136 = arith.addf %exp3A_5133, %add3A_5135 : vector<8x512xf32>
    %log3A_5137 = math.log %add3A_5136 : vector<8x512xf32>
    %add3A_5138 = arith.addf %add3A_5115, %log3A_5137 : vector<8x512xf32>
    %max3A_5139 = arith.constant 0.000000e+00 : f32
    %max3A_5140 = vector.broadcast %max3A_5139 : f32 to vector<8x512xf32>
    %max3A_5141 = arith.maximumf %get3A_5125, %max3A_5140 : vector<8x512xf32>
    %mul3A_5142 = arith.mulf %get3A_5125, %get3A_5128 : vector<8x512xf32>
    %sub3A_5143 = arith.subf %max3A_5141, %mul3A_5142 : vector<8x512xf32>
    %add3A_5144 = arith.addf %add3A_5121, %sub3A_5143 : vector<8x512xf32>
    %add3A_5145 = arith.addf %add3A_5122, %get3A_5128 : vector<8x512xf32>
    %get3A_5146 = arith.constant 0 : index
    %get3A_5147 = arith.constant 0 : index
    %get3A_5148 = vector.load %arg4[%get3A_5146, %get3A_5147] : memref<8x512xf32, #tpu.memory_space<vmem>>, vector<8x512xf32>
    %add3A_5149 = arith.addf %get3A_5148, %add3A_5144 : vector<8x512xf32>
    %swap3A = arith.constant 0 : index
    %swap3A_5150 = arith.constant 0 : index
    %swap3A_5151 = vector.load %arg4[%swap3A, %swap3A_5150] : memref<8x512xf32, #tpu.memory_space<vmem>>, vector<8x512xf32>
    tpu.vector_store %arg4[%swap3A, %swap3A_5150], %add3A_5149 {strides = array<i32>} : memref<8x512xf32, #tpu.memory_space<vmem>>, vector<8x512xf32>,
    %get3A_5152 = arith.constant 0 : index
    %get3A_5153 = arith.constant 0 : index
    %get3A_5154 = vector.load %arg5[%get3A_5152, %get3A_5153] : memref<8x512xf32, #tpu.memory_space<vmem>>, vector<8x512xf32>
    %add3A_5155 = arith.addf %get3A_5154, %add3A_5138 : vector<8x512xf32>
    %swap3A_5156 = arith.constant 0 : index
    %swap3A_5157 = arith.constant 0 : index
    %swap3A_5158 = vector.load %arg5[%swap3A_5156, %swap3A_5157] : memref<8x512xf32, #tpu.memory_space<vmem>>, vector<8x512xf32>
    tpu.vector_store %arg5[%swap3A_5156, %swap3A_5157], %add3A_5155 {strides = array<i32>} : memref<8x512xf32, #tpu.memory_space<vmem>>, vector<8x512xf32>,
    %get3A_5159 = arith.constant 0 : index
    %get3A_5160 = arith.constant 0 : index
    %get3A_5161 = vector.load %arg6[%get3A_5159, %get3A_5160] : memref<8x512xf32, #tpu.memory_space<vmem>>, vector<8x512xf32>
    %add3A_5162 = arith.addf %get3A_5161, %add3A_5145 : vector<8x512xf32>
    %swap3A_5163 = arith.constant 0 : index
    %swap3A_5164 = arith.constant 0 : index
    %swap3A_5165 = vector.load %arg6[%swap3A_5163, %swap3A_5164] : memref<8x512xf32, #tpu.memory_space<vmem>>, vector<8x512xf32>
    tpu.vector_store %arg6[%swap3A_5163, %swap3A_5164], %add3A_5162 {strides = array<i32>} : memref<8x512xf32, #tpu.memory_space<vmem>>, vector<8x512xf32>,
    %eq3A_5166 = arith.constant 3 : i32
    %eq3A_5167 = arith.cmpi eq, %arg0, %eq3A_5166 : i32
    %convert_element_type3A_5168 = arith.extui %eq3A_5167 : i1 to i32
    %cond3A_5169 = arith.constant 0 : i32
    %cond3A_5170 = arith.cmpi ne, %convert_element_type3A_5168, %cond3A_5169 : i32
    scf.if %cond3A_5170 {
      %get3A_5171 = arith.constant 0 : index
      %get3A_5172 = arith.constant 0 : index
      %get3A_5173 = vector.load %arg4[%get3A_5171, %get3A_5172] : memref<8x512xf32, #tpu.memory_space<vmem>>, vector<8x512xf32>
      %reduce_sum3A = vector.shape_cast %get3A_5173 : vector<8x512xf32> to vector<1x8x512xf32>
      %reduce_sum3A_5174 = arith.constant dense<0.000000e+00> : vector<1xf32>
      %reduce_sum3A_5175 = vector.multi_reduction <add>, %reduce_sum3A, %reduce_sum3A_5174 [1, 2] : vector<1x8x512xf32> to vector<1xf32>
      %reduce_sum3A_5176 = vector.shape_cast %reduce_sum3A_5175 : vector<1xf32> to vector<1x1x1xf32>
      %reduce_sum3A_5177 = vector.extract %reduce_sum3A_5176[0, 0, 0] : f32 from vector<1x1x1xf32>
      %get3A_5178 = arith.constant 0 : index
      %get3A_5179 = arith.constant 0 : index
      %get3A_5180 = vector.load %arg5[%get3A_5178, %get3A_5179] : memref<8x512xf32, #tpu.memory_space<vmem>>, vector<8x512xf32>
      %reduce_sum3A_5181 = vector.shape_cast %get3A_5180 : vector<8x512xf32> to vector<1x8x512xf32>
      %reduce_sum3A_5182 = arith.constant dense<0.000000e+00> : vector<1xf32>
      %reduce_sum3A_5183 = vector.multi_reduction <add>, %reduce_sum3A_5181, %reduce_sum3A_5182 [1, 2] : vector<1x8x512xf32> to vector<1xf32>
      %reduce_sum3A_5184 = vector.shape_cast %reduce_sum3A_5183 : vector<1xf32> to vector<1x1x1xf32>
      %reduce_sum3A_5185 = vector.extract %reduce_sum3A_5184[0, 0, 0] : f32 from vector<1x1x1xf32>
      %add3A_5186 = arith.addf %reduce_sum3A_5177, %reduce_sum3A_5185 : f32
      %swap3A_5187 = arith.constant 0 : index
      %swap3A_5188 = memref.load %arg3[%swap3A_5187] : memref<2xf32, #tpu.memory_space<smem>>
      memref.store %add3A_5186, %arg3[%swap3A_5187] : memref<2xf32, #tpu.memory_space<smem>>
      %get3A_5189 = arith.constant 0 : index
      %get3A_5190 = arith.constant 0 : index
      %get3A_5191 = vector.load %arg6[%get3A_5189, %get3A_5190] : memref<8x512xf32, #tpu.memory_space<vmem>>, vector<8x512xf32>
      %reduce_sum3A_5192 = vector.shape_cast %get3A_5191 : vector<8x512xf32> to vector<1x8x512xf32>
      %reduce_sum3A_5193 = arith.constant dense<0.000000e+00> : vector<1xf32>
      %reduce_sum3A_5194 = vector.multi_reduction <add>, %reduce_sum3A_5192, %reduce_sum3A_5193 [1, 2] : vector<1x8x512xf32> to vector<1xf32>
      %reduce_sum3A_5195 = vector.shape_cast %reduce_sum3A_5194 : vector<1xf32> to vector<1x1x1xf32>
      %reduce_sum3A_5196 = vector.extract %reduce_sum3A_5195[0, 0, 0] : f32 from vector<1x1x1xf32>
      %swap3A_5197 = arith.constant 1 : index
      %swap3A_5198 = memref.load %arg3[%swap3A_5197] : memref<2xf32, #tpu.memory_space<smem>>
      memref.store %reduce_sum3A_5196, %arg3[%swap3A_5197] : memref<2xf32, #tpu.memory_space<smem>>
    } else {
    }
    return
  }
  func.func @transform_0(%arg0: i32) -> (i32, i32) {
    %c0_i32 = arith.constant 0 : i32
    %c0_i32_0 = arith.constant 0 : i32
    return %arg0, %c0_i32 : i32, i32
  }
  func.func @transform_1(%arg0: i32) -> (i32, i32) {
    %c0_i32 = arith.constant 0 : i32
    %c0_i32_0 = arith.constant 0 : i32
    return %arg0, %c0_i32 : i32, i32
  }
  func.func @transform_2(%arg0: i32) -> i32 {
    %c0_i32 = arith.constant 0 : i32
    %c0_i32_0 = arith.constant 0 : i32
    return %c0_i32 : i32
  }
}

</mosaic_0001>

<sc_bundles>
// kernel: kernel.4.cloned.1.call-start
scs
__scs_entry_jumppad:
0x0: {  	(pc) =	sbr.rel $0x88, $3  }
0x1: {  	(tag) =	ssettag $0x0;
	lr =	simm.s32 $0x1  }
0x2: {  	[smem:$0x3F9F] =	sst lr;
	_ =	strace $0xD0000000  }
0x3: {  	_ = 	snop  }
0x4: {  	_ = 	snop  }
0x5: {  	_ = 	snop  }
0x6: {  	_ = 	snop  }
0x7: {  	_ = 	snop  }
__scs_overlays_trampoline_lowered:
0x8: {  	[smem:$0x3FAE] =	sst s0  }
0x9: {  	[smem:$0x3FAF] =	sst s1  }
0xa: {  	[smem:$0x3FB0] =	sst s2  }
0xb: {  	[smem:$0x3FB1] =	sst s3  }
0xc: {  	[smem:$0x3FB2] =	sst s4  }
0xd: {  	[smem:$0x3FB3] =	sst s5  }
0xe: {  	[smem:$0x3FB4] =	sst s6  }
0xf: {  	[smem:$0x3FB5] =	sst s7  }
0x10: {  	[smem:$0x3FB6] =	sst s8  }
0x11: {  	[smem:$0x3FB7] =	sst s9;
	s0 =	simm.s32 @!p0 $0x0  }
0x12: {  	s1 =	sld [smem:$0x3F9D];
	s0 =	simm.s32 @p0 $0x1  }
0x13: {  	[smem:$0x3FB8] =	sst s0;
	s0 =	simm.s32 @!p1 $0x0  }
0x14: {  	s2 =	sld [smem:$0x3F9C];
	s0 =	simm.s32 @p1 $0x1  }
0x15: {  	[smem:$0x3FB9] =	sst s0;
	s0 =	simm.s32 @!p2 $0x0  }
0x16: {  	s3 =	sld [smem:$0x3FDB];
	s0 =	simm.s32 @p2 $0x1  }
0x17: {  	s4 =	simm.s32 $0x1BF5;
	[smem:$0x3FBB] =	sst s0  }
0x18: {  	s0 =	sld [smem:$0x3F9E];
	_ =	swait.ge [sflag:s4], $0x0  }
0x19: {  	s7 =	sld [smem:$0x3F9F]  }
0x1a: {  	s8 =	sadd.s32 $0xFFFFE003, lr  }
0x1b: {  	s9 =	sadd.s32 $0xFFFFFEF7, lr;
	s5 =	simm.s32 $0xFFFFFFFF;
	p2 =	slt.u32 s8, $0xFFFFF086  }
0x1c: {  	p1 =	slt.u32 s9, $0xF7A;
	s5 =	simm.s32 @!p2 $0x0  }
0x1d: {  	s5 =	simm.s32 @p1 $0x1;
	p0 =	seq.s32 s7, s2  }
0x1e: {  	s7 =	smul.u32 @!p0 $0xF7A, s2;
	p2 =	seq.s32 @!p0 s5, $0x0  }
0x1f: {  	s9 =	smul.u32 $0xF7A, s1;
	s8 =	simm.s32 @!p0 $0x1BF5;
	p2 =	por !p2, p0  }
0x20: {  	[sflag:s8] =	ssyncset.s32 @!p0 $0xFFFFF086;
	s6 =	sadd.s32 @!p0 s3, s7;
	s7 =	simm.s32 @!p0 $0x108  }
0x21: {  	s3 =	sadd.s32 s3, s9;
	s6 =	sadd.s32 @!p0 $0x88, s6;
	s7 =	simm.s32 @p2 $0x1082  }
0x22: {  	[simem:s7], [sflag:s8] =	dma.local @!p0 [hbm:s6], $0xF7A  }
0x23: {  	s9 =	sor.u32 $0xD0000000, s2;
	s6 =	simm.s32 $0x108;
	_ =	swait.ge @!p0 [sflag:s8], $0x0  }
0x24: {  	s3 =	sadd.s32 $0x88, s3;
	s6 =	simm.s32 @!p1 $0x1082;
	[sflag:s4] =	ssyncset.s32 $0xFFFFF086  }
0x25: {  	[simem:s6], [sflag:s4] =	dma.local [hbm:s3], $0xF7A  }
0x26: {  	[smem:$0x3F9F] =	sst s1;
	(tag) =	ssettag s2;
	_ =	strace s9  }
0x27: {  	s1 =	sld [smem:$0x3FAF]  }
0x28: {  	s2 =	sld [smem:$0x3FB0]  }
0x29: {  	s4 =	sld [smem:$0x3FB2]  }
0x2a: {  	p0 =	seq.s32 s5, $0x0;
	s5 =	sld [smem:$0x3FB3]  }
0x2b: {  	s6 =	sld [smem:$0x3FB4]  }
0x2c: {  	s7 =	sld [smem:$0x3FB5]  }
0x2d: {  	s3 =	simm.s32 $0x108;
	s8 =	sld [smem:$0x3FB6]  }
0x2e: {  	s3 =	simm.s32 @!p0 $0x1082;
	s9 =	sld [smem:$0x3FB7]  }
0x2f: {  	lr =	sadd.s32 s0, s3;
	s0 =	sld [smem:$0x3FAE]  }
0x30: {  	s3 =	sld [smem:$0x3FB1]  }
0x31: {  	[smem:$0x3FBA] =	sst s10  }
0x32: {  	s10 =	sld [smem:$0x3FB8];
	_ =	sdelay $0x3  }
0x33: {  	p0 =	seq.s32 s10, $0x1;
	s10 =	sld [smem:$0x3FBA];
	_ =	sdelay $0x3  }
0x34: {  	[smem:$0x3FBA] =	sst s10  }
0x35: {  	s10 =	sld [smem:$0x3FB9];
	_ =	sdelay $0x3  }
0x36: {  	p1 =	seq.s32 s10, $0x1;
	s10 =	sld [smem:$0x3FBA];
	_ =	sdelay $0x3  }
0x37: {  	[smem:$0x3FBA] =	sst s10  }
0x38: {  	s10 =	sld [smem:$0x3FBB]  }
0x39: {  	_ = 	snop;
	(pc) =	sbr.ind lr, $3  }
0x3a: {  	_ = 	snop  }
0x3b: {  	_ = 	snop  }
0x3c: {  	p2 =	seq.s32 s10, $0x1;
	s10 =	sld [smem:$0x3FBA]  }
0x3d: {  	_ =	shalt  }
0x3e: {  	_ =	shalt  }
0x3f: {  	_ =	shalt  }
0x40: {  	_ =	shalt  }
0x41: {  	_ =	shalt  }
0x42: {  	_ =	shalt  }
0x43: {  	_ =	shalt  }
0x44: {  	_ =	shalt  }
0x45: {  	_ =	shalt  }
0x46: {  	_ =	shalt  }
0x47: {  	_ =	shalt  }
0x48: {  	_ =	shalt  }
0x49: {  	_ =	shalt  }
0x4a: {  	_ =	shalt  }
0x4b: {  	_ =	shalt  }
0x4c: {  	_ =	shalt  }
0x4d: {  	_ =	shalt  }
0x4e: {  	_ =	shalt  }
0x4f: {  	_ =	shalt  }
0x50: {  	_ =	shalt  }
0x51: {  	_ =	shalt  }
0x52: {  	_ =	shalt  }
0x53: {  	_ =	shalt  }
0x54: {  	_ =	shalt  }
0x55: {  	_ =	shalt  }
0x56: {  	_ =	shalt  }
0x57: {  	_ =	shalt  }
0x58: {  	_ =	shalt  }
0x59: {  	_ =	shalt  }
0x5a: {  	_ =	shalt  }
0x5b: {  	_ =	shalt  }
0x5c: {  	_ =	shalt  }
0x5d: {  	_ =	shalt  }
0x5e: {  	_ =	shalt  }
0x5f: {  	_ =	shalt  }
0x60: {  	_ =	shalt  }
0x61: {  	_ =	shalt  }
0x62: {  	_ =	shalt  }
0x63: {  	_ =	shalt  }
0x64: {  	_ =	shalt  }
0x65: {  	_ =	shalt  }
0x66: {  	_ =	shalt  }
0x67: {  	_ =	shalt  }
0x68: {  	_ =	shalt  }
0x69: {  	_ =	shalt  }
0x6a: {  	_ =	shalt  }
0x6b: {  	_ =	shalt  }
0x6c: {  	_ =	shalt  }
0x6d: {  	_ =	shalt  }
0x6e: {  	_ =	shalt  }
0x6f: {  	_ =	shalt  }
0x70: {  	_ =	shalt  }
0x71: {  	_ =	shalt  }
0x72: {  	_ =	shalt  }
0x73: {  	_ =	shalt  }
0x74: {  	_ =	shalt  }
0x75: {  	_ =	shalt  }
0x76: {  	_ =	shalt  }
0x77: {  	_ =	shalt  }
0x78: {  	_ =	shalt  }
0x79: {  	_ =	shalt  }
0x7a: {  	_ =	shalt  }
0x7b: {  	_ =	shalt  }
0x7c: {  	_ =	shalt  }
0x7d: {  	_ =	shalt  }
0x7e: {  	_ =	shalt  }
0x7f: {  	_ =	shalt  }
0x80: {  	_ =	shalt  }
0x81: {  	_ =	shalt  }
0x82: {  	_ =	shalt  }
0x83: {  	_ =	shalt  }
0x84: {  	_ =	shalt  }
0x85: {  	_ =	shalt  }
0x86: {  	_ =	shalt  }
0x87: {  	_ =	shalt  }
.Lfunc_end0:
.L_simem_size_0:
called_computation_lowered:
.L_overlay_start_0:
0x88: {  	s2 =	sld [smem:$0x3FD9]  }
0x89: {  	s3 =	sld [smem:$0x3FFE];
	_ =	sdelay $0x1  }
0x8a: {  	s1 =	srdreg.scid  }
0x8b: {  	s0 =	sand.u32 $0x1, s1  }
0x8c: {  	s16 =	sshll.u32 s0, $0xA;
	s2 =	sadd.s32 s3, s2  }
0x8d: {  	s2 =	sadd.s32 s2, s16  }
0x8e: {  	[smem:$0x3FC6] =	sst s2  }
0x8f: {  	_ = 	snop  }
0x90: {  	(tm) =	ssettm $0x1  }
0x91: {  	s17 =	sld [smem:$0x3FFB];
	_ =	sdelay $0x3  }
0x92: {  	_ =	strace s17  }
0x93: {  	s2 =	sld [smem:$0x3FFC];
	_ =	sdelay $0x3  }
0x94: {  	_ =	strace s2  }
0x95: {  	s2 =	sld [smem:$0x3FFD];
	_ =	sdelay $0x3  }
0x96: {  	_ =	strace s2  }
0x97: {  	_ =	strace $0x8FFFFFFF  }
0x98: {  	s18 =	sld [smem:$0x3FDB];
	_ =	sdelay $0x1  }
0x99: {  	s19 =	simm.s32 $_scs_section_size  }
0x9a: {  	s4 =	simm.s32 $_size__tile_overlayer_lowered;
	s5 =	simm.s32 $_tile_overlayer_lowered  }
0x9b: {  	s22 =	simm.s32 $0x1BFF;
	s21 =	sshll.u32 s5, $0x1;
	s2 =	sadd.s32 s19, s18  }
0x9c: {  	s6 =	simm.s32 $0x0;
	s20 =	sshll.u32 s4, $0x1;
	s4 =	sadd.s32 s21, s2  }
0x9d: {  	[timem:s6], [sflag:s22] =	dma.local [hbm:s4], s20  }
0x9e: {  	_ =	swait.ge [sflag:s22], s20  }
0x9f: {  	s3 =	ssub.s32 $0x0, s20;
	[sflag:s22] =	ssyncset.done $0x0  }
0xa0: {  	[sflag:s22] =	ssyncadd.s32 s3;
	_ =	sdelay $0x1  }
0xa1: {  	s23 =	simm.s32 $0x1B8B  }
0xa2: {  	_ =	swait.ge [sflag:s23], $0x1  }
0xa3: {  	[sflag:s23] =	ssyncset.done $0x0  }
0xa4: {  	s25 =	simm.s32 $0x1B8E;
	s24 =	sld [smem:$0x3FFE];
	[sflag:s23] =	ssyncadd.s32 $0xFFFFFFFF  }
0xa5: {  	s26 =	simm.s32 $execute0_lowered;
	[smem:$0x3FD2] =	sst s25  }
0xa6: {  	s4 =	sshll.u32 s26, $0x1;
	_ =	strace $0x80000046;
	[dreg:$0x1] =	wrdreg $0xFFFFFFFF  }
0xa7: {  	s28 =	simm.s32 $_size_execute0_lowered;
	s2 =	sadd.s32 s2, s4;
	[dreg:$0x0] =	wrdreg $0x0  }
0xa8: {  	s4 =	sshll.u32 s28, $0x1;
	[dreg:$0x2] =	wrdreg s2  }
0xa9: {  	[dreg:$0x3] =	wrdreg s4  }
0xaa: {  	[dreg:$0x4] =	wrdreg $0xC0  }
0xab: {  	_ =	task [dreg:s6], $0x5FFFF  }
0xac: {  	[dreg:$0x1] =	wrdreg $0xFFFFFFFF  }
0xad: {  	[dreg:$0x0] =	wrdreg $0x60  }
0xae: {  	[dreg:$0x2] =	wrdreg s24  }
0xaf: {  	[dreg:$0x3] =	wrdreg $0x9  }
0xb0: {  	_ =	task.clear_ibuf [dreg:s6], $0x4FFFF;
	_ =	strace $0x90000046  }
0xb1: {  	s29 =	simm.s32 $0x9;
	_ =	strace $0x80000048  }
0xb2: {  	_ =	swait.ge [sflag:s29], $0x1  }
0xb3: {  	[sflag:s29] =	ssyncadd.s32 $0xFFFFFFFF  }
0xb4: {  	_ =	strace $0x90000048  }
0xb5: {  	_ =	sfence  }
0xb6: {  	s30 =	sld [smem:$0x0];
	_ =	sdelay $0x2  }
0xb7: {  	s31 =	sshll.u32 s1, $0xD;
	s1 =	sshrl.u32 s1, $0x2  }
0xb8: {  	s3 =	sand.u32 $0x4000, s31;
	s1 =	sadd.s32 s1, s30  }
0xb9: {  	s0 =	sor.u32 s3, s0;
	s1 =	sshll.u32 s1, $0x11  }
0xba: {  	s0 =	sor.u32 s1, s0  }
0xbb: {  	s0 =	sadd.s32 $0x8F2B, s0  }
0xbc: {  	[sflag:s0] =	ssyncadd.remote.s32 $0x1  }
0xbd: {  	_ =	sfence.sel $0xFFFF  }
0xbe: {  	[dreg:$0x0] =	wrdreg $0xFFFFFFFF;
	(pc) =	sbr.abs _section_cstart, $3  }
0xbf: {  	[dreg:$0x1] =	wrdreg $0xFFFFFFFF  }
0xc0: {  	_ =	task.clear_ibuf [dreg:s6], $0x2FFFF;
	_ =	strace $0x9FFFFFFF  }
0xc1: {  	(tm) =	ssettm $0x7FFFFFFF  }
tec
execute0_lowered:
.L_overlay_start_1:
0x0: {  	(tag) =	ssettag $0x1  }
0x1: {  	s3 =	rddreg [dreg:$0x0]  }
0x2: {  	s0 =	rddreg [dreg:$0x1];
	s2 =	simm.s32 $0x0;
	s4 =	srdreg.scid  }
0x3: {  	s1 =	stileid.u32;
	s9 =	simm.s32 $0x2;
	s10 =	simm.s32 $0x10000  }
0x4: {  	s11 =	simm.s32 $0x3;
	s12 =	simm.s32 $0x10080;
	s13 =	simm.s32 $0x0  }
0x5: {  	[smem:$0x7FF] =	sst s2;
	s4 =	sand.u32 $0x1, s4;
	s5 =	sshll.u32 s1, $0x1  }
0x6: {  	_ =	strace $0x80000047;
	s5 =	sor.u32 s4, s5;
	s4 =	ssub.s32 $0x2, s4  }
0x7: {  	s6 =	sshll.u32 s5, $0xB;
	s5 =	sshll.u32 s5, $0x4;
	s31 =	sshrl.u32 s4, $0x1  }
0x8: {  	s6 =	sadd.s32 s6, s3;
	s7 =	sadd.s32 s5, s3;
	s8 =	ssub.s32 s4, s31  }
0x9: {  	s3 =	sadd.s32 $0x71200, s6;
	s4 =	sadd.s32 $0xF1200, s6;
	s5 =	sadd.s32 $0x101400, s7  }
0xa: {  	s6 =	sadd.s32 $0x101200, s7;
	s7 =	smax.u32 s8, $0x1;
	s8 =	simm.s32 $0x1  }
.LBB2_1:
0xb: {  	s14 =	simm.s32 $0x10  }
0xc: {  	s17 =	sadd.s32 $0x0, s3;
	s15 =	simm.s32 $0x100;
	s16 =	simm.s32 $0x0  }
.LBB2_2:
0xd: {  	[tilespmem:s16], [sflag:$0x1] =	stream.linear.gather [hbm4b:s17+s2], $0x80, $0x38;
	[tilespmem:$0x10100] =	vst v63  }
0xe: {  	s17 =	smov.u32 s14;
	s16 =	smov.u32 s15;
	p0 =	sne.s32 s14, $0x7F0  }
.Ltmp0:
0xf: {  	s14 =	sadd.s32 $0x10, s14;
	(pc) =	sbr.rel @p0 .LBB2_2-.Ltmp0, $2  }
0x10: {  	_ =	sdelay $0x2  }
0x11: {  	s15 =	sadd.s32 $0x100, s15;
	s17 =	sadd.s32 s17, s3  }
0x12: {  	[tilespmem:s16], [sflag:$0x1] =	stream.linear.gather [hbm4b:s17+s2], $0x80, $0x38;
	[tilespmem:$0x10100] =	vst v63  }
0x13: {  	s14 =	simm.s32 $0x8000  }
0x14: {  	s15 =	simm.s32 $0x10;
	s17 =	sadd.s32 $0x0, s4;
	s16 =	simm.s32 $0x8100  }
.LBB2_4:
0x15: {  	[tilespmem:s14], [sflag:$0x2] =	stream.linear.gather [hbm4b:s17+s2], $0x80, $0x38;
	[tilespmem:$0x10100] =	vst v63  }
0x16: {  	s17 =	smov.u32 s15;
	s14 =	smov.u32 s16;
	p0 =	sne.s32 s15, $0x7F0  }
.Ltmp1:
0x17: {  	s15 =	sadd.s32 $0x10, s15;
	(pc) =	sbr.rel @p0 .LBB2_4-.Ltmp1, $2  }
0x18: {  	_ =	sdelay $0x2  }
0x19: {  	s16 =	sadd.s32 $0x100, s16;
	s17 =	sadd.s32 s17, s4  }
0x1a: {  	[tilespmem:s14], [sflag:$0x2] =	stream.linear.gather [hbm4b:s17+s2], $0x80, $0x38;
	[tilespmem:$0x10100] =	vst v63  }
0x1b: {  	_ =	swait.ge [sflag:s8], $0x4000  }
0x1c: {  	[sflag:s8] =	ssyncset.done $0x0  }
0x1d: {  	[sflag:s8] =	ssyncadd.s32 $0xFFFFC000  }
0x1e: {  	_ =	swait.ge [sflag:s9], $0x4000  }
0x1f: {  	[sflag:s9] =	ssyncset.done $0x0  }
0x20: {  	s30 =	simm.s32 $0x0;
	[sflag:s9] =	ssyncadd.s32 $0xFFFFC000  }
0x21: {  	v0 =	vld [tilespmem:s30+$0x60]  }
0x22: {  	v1 =	vld [tilespmem:s30+$0x20]  }
0x23: {  	v2 =	vld [tilespmem:s30+$0x10]  }
0x24: {  	v4 =	vld [tilespmem:s30+$0x8010]  }
0x25: {  	v12 =	vld [tilespmem:s30+$0x8070]  }
0x26: {  	v7 =	vld [tilespmem:s30+$0x70]  }
0x27: {  	v6 =	vld [tilespmem:s30+$0x8020]  }
0x28: {  	v11 =	vld [tilespmem:s30+$0x50];
	v3 =	vand.u32 $0x7FFFFFFF, v0  }
0x29: {  	v13 =	vld [tilespmem:s30+$0x0];
	v3 =	vsub.f32 $0.0e+00, v3  }
0x2a: {  	v17 =	vld [tilespmem:s30+$0x8000];
	v5 =	vand.u32 $0x7FFFFFFF, v1;
	v8 =	vand.u32 $0x7FFFFFFF, v2  }
0x2b: {  	v10 =	vld [tilespmem:s30+$0x40];
	v14 =	vand.u32 $0x7FFFFFFF, v7;
	v15 =	vmul.f32 v12, v7;
	v3 =	vmul.f32 $1.442695020e+00, v3  }
0x2c: {  	v16 =	vld [tilespmem:s30+$0x30];
	v18 =	vmax.f32 v7, $0.0e+00;
	v20 =	vmax.f32 v1, $0.0e+00;
	v5 =	vsub.f32 $0.0e+00, v5  }
0x2d: {  	v21 =	vmul.f32 v4, v2;
	(erf) = vpow2.f32 v3;
	v3 =	vsub.f32 $0.0e+00, v8  }
0x2e: {  	v22 =	vand.u32 $0x7FFFFFFF, v11;
	v1 =	vmul.f32 v6, v1;
	v8 =	vmul.f32 $1.442695020e+00, v5  }
0x2f: {  	v2 =	vmax.f32 v2, $0.0e+00;
	v23 =	vmul.f32 v17, v13;
	v3 =	vmul.f32 $1.442695020e+00, v3  }
0x30: {  	(erf) = vpow2.f32 v8;
	v8 =	vsub.f32 $0.0e+00, v14;
	v14 =	vand.u32 $0x7FFFFFFF, v10  }
0x31: {  	v24 =	vmax.f32 v16, $0.0e+00;
	v14 =	vsub.f32 $0.0e+00, v14;
	(erf) = vpow2.f32 v3  }
0x32: {  	v7 =	vld [tilespmem:s30+$0x8040];
	v25 =	vmax.f32 v13, $0.0e+00;
	v13 =	vand.u32 $0x7FFFFFFF, v13;
	v22 =	vsub.f32 $0.0e+00, v22  }
0x33: {  	v13 =	vsub.f32 $0.0e+00, v13;
	v2 =	vsub.f32 v2, v21;
	v14 =	vmul.f32 $1.442695020e+00, v14  }
0x34: {  	v9 =	vld [tilespmem:s30+$0x8060];
	v21 =	vand.u32 $0x7FFFFFFF, v16;
	v23 =	vsub.f32 v25, v23;
	v1 =	vsub.f32 v20, v1  }
0x35: {  	v15 =	vsub.f32 v18, v15;
	v19 =	vmul.f32 $1.442695020e+00, v8;
	v8 =	vld [tilespmem:s30+$0x8030];
	(erf) = vpow2.f32 v14  }
0x36: {  	v21 =	vsub.f32 $0.0e+00, v21;
	v22 =	vmul.f32 $1.442695020e+00, v22;
	v5 =	vimm.f32 $0.0e+00  }
0x37: {  	v13 =	vmul.f32 $1.442695020e+00, v13;
	v25 =	vmul.f32 v7, v10;
	v23 =	vadd.f32 v23, v5;
	v14 =	vpop (erf)  }
0x38: {  	v21 =	vmul.f32 $1.442695020e+00, v21;
	v10 =	vmax.f32 v10, $0.0e+00;
	v26 =	vmul.f32 $2.397957260e-02, v14  }
0x39: {  	v2 =	vadd.f32 v2, v23;
	v10 =	vsub.f32 v10, v25;
	v3 =	vmul.f32 v9, v0;
	v27 =	vpop (erf)  }
0x3a: {  	v16 =	vmul.f32 v8, v16;
	(erf) = vpow2.f32 v19;
	v26 =	vsub.f32 $1.015000490e-01, v26;
	v29 =	vpop (erf)  }
0x3b: {  	v0 =	vmax.f32 v0, $0.0e+00;
	v28 =	vmul.f32 $2.397957260e-02, v27;
	v30 =	vmul.f32 $2.397957260e-02, v29  }
0x3c: {  	s31 =	simm.s32 $0x100;
	v1 =	vadd.f32 v1, v2;
	(erf) = vpow2.f32 v21;
	v26 =	vmul.f32 v26, v14  }
0x3d: {  	v35 =	vld [tilespmem:s31+$0x30];
	(erf) = vpow2.f32 v22;
	v21 =	vsub.f32 $1.015000490e-01, v28;
	v19 =	vsub.f32 $1.015000490e-01, v30  }
0x3e: {  	v20 =	vadd.f32 $-2.102936950e-01, v26;
	v22 =	vpop (erf);
	(erf) = vpow2.f32 v13;
	v13 =	vsub.f32 v24, v16  }
0x3f: {  	v2 =	vmul.f32 v21, v27;
	v24 =	vsub.f32 v0, v3;
	v16 =	vmul.f32 $2.397957260e-02, v22  }
0x40: {  	v21 =	vld [tilespmem:s30+$0x8050];
	v19 =	vmul.f32 v19, v29;
	v20 =	vmul.f32 v20, v14;
	v23 =	vadd.f32 v13, v1  }
0x41: {  	v2 =	vadd.f32 $-2.102936950e-01, v2;
	v16 =	vsub.f32 $1.015000490e-01, v16  }
0x42: {  	v51 =	vand.u32 $0x7FFFFFFF, v35;
	v19 =	vadd.f32 $-2.102936950e-01, v19;
	v20 =	vadd.f32 $3.252951500e-01, v20  }
0x43: {  	v2 =	vmul.f32 v2, v27;
	v10 =	vadd.f32 v10, v23;
	v13 =	vmul.f32 v16, v22  }
0x44: {  	v16 =	vadd.f32 v17, v5;
	v0 =	vmul.f32 v19, v29;
	v3 =	vmul.f32 v20, v14  }
0x45: {  	v20 =	vmul.f32 v21, v11;
	v2 =	vadd.f32 $3.252951500e-01, v2;
	v19 =	vadd.f32 $-2.102936950e-01, v13  }
0x46: {  	v11 =	vmax.f32 v11, $0.0e+00;
	v4 =	vadd.f32 v4, v16;
	v0 =	vadd.f32 $3.252951500e-01, v0  }
0x47: {  	v1 =	vpop (erf);
	v17 =	vadd.f32 $-4.993726020e-01, v3;
	v11 =	vsub.f32 v11, v20;
	v2 =	vmul.f32 v2, v27  }
0x48: {  	v13 =	vpop (erf);
	v19 =	vmul.f32 v19, v22;
	v4 =	vadd.f32 v6, v4;
	v0 =	vmul.f32 v0, v29  }
0x49: {  	v3 =	vpop (erf);
	v17 =	vmul.f32 v17, v14;
	v2 =	vadd.f32 $-4.993726020e-01, v2;
	v10 =	vadd.f32 v11, v10  }
0x4a: {  	v25 =	vpop (erf);
	v20 =	vmul.f32 $2.397957260e-02, v3;
	v8 =	vadd.f32 v8, v4;
	v0 =	vadd.f32 $-4.993726020e-01, v0  }
0x4b: {  	v18 =	vmul.f32 $2.397957260e-02, v25;
	v26 =	vadd.f32 $9.999918340e-01, v17;
	v17 =	vadd.f32 $3.252951500e-01, v19  }
0x4c: {  	v19 =	vmul.f32 $2.397957260e-02, v13;
	v23 =	vmul.f32 v2, v27;
	v10 =	vadd.f32 v24, v10  }
0x4d: {  	v8 =	vadd.f32 v7, v8;
	v0 =	vmul.f32 v0, v29;
	v18 =	vsub.f32 $1.015000490e-01, v18  }
0x4e: {  	v24 =	vld [tilespmem:s31+$0x70];
	v17 =	vmul.f32 v17, v22;
	v19 =	vsub.f32 $1.015000490e-01, v19;
	v23 =	vadd.f32 $9.999918340e-01, v23  }
0x4f: {  	v15 =	vadd.f32 v15, v10;
	v28 =	vadd.f32 $9.999918340e-01, v0;
	v0 =	vmul.f32 v18, v25  }
0x50: {  	v21 =	vadd.f32 v21, v8;
	v17 =	vadd.f32 $-4.993726020e-01, v17;
	v19 =	vmul.f32 v19, v13  }
0x51: {  	v6 =	vmul.f32 v26, v14;
	v26 =	vld [tilespmem:s31+$0x40];
	v18 =	vsub.f32 $1.015000490e-01, v20;
	v0 =	vadd.f32 $-2.102936950e-01, v0  }
0x52: {  	v20 =	vmul.f32 $2.397957260e-02, v1;
	v17 =	vmul.f32 v17, v22;
	v19 =	vadd.f32 $-2.102936950e-01, v19  }
0x53: {  	v2 =	vld [tilespmem:s31+$0x8060];
	v14 =	vmul.f32 v18, v3;
	v18 =	vand.u32 $0x7FFFFFFF, v24;
	v11 =	vmul.f32 v0, v25  }
0x54: {  	v21 =	vadd.f32 v9, v21;
	v18 =	vsub.f32 $0.0e+00, v18;
	v16 =	vmul.f32 v19, v13;
	v19 =	vld [tilespmem:s31+$0x60]  }
0x55: {  	v28 =	vmul.f32 v28, v29;
	v17 =	vadd.f32 $9.999918340e-01, v17;
	v0 =	vld [tilespmem:s31+$0x8070];
	v11 =	vadd.f32 $3.252951500e-01, v11  }
0x56: {  	v36 =	vand.u32 $0x7FFFFFFF, v26;
	v18 =	vmul.f32 $1.442695020e+00, v18;
	v16 =	vadd.f32 $3.252951500e-01, v16  }
0x57: {  	v7 =	vld [tilespmem:s31+$0x8020];
	v36 =	vsub.f32 $0.0e+00, v36;
	v17 =	vmul.f32 v17, v22;
	v10 =	vmul.f32 v11, v25  }
0x58: {  	v29 =	vmax.f32 v24, $0.0e+00;
	v22 =	vmul.f32 v23, v27;
	v11 =	vld [tilespmem:s31+$0x20];
	v16 =	vmul.f32 v16, v13  }
0x59: {  	v53 =	vmul.f32 $1.442695020e+00, v36;
	v30 =	vand.u32 $0x7FFFFFFF, v19;
	v10 =	vadd.f32 $-4.993726020e-01, v10  }
0x5a: {  	v27 =	vmul.f32 v0, v24;
	v24 =	vld [tilespmem:s31+$0x10];
	v30 =	vsub.f32 $0.0e+00, v30;
	v16 =	vadd.f32 $-4.993726020e-01, v16  }
0x5b: {  	v4 =	vld [tilespmem:s31+$0x8010];
	v12 =	vadd.f32 v12, v21;
	v31 =	vmul.f32 v2, v19;
	v10 =	vmul.f32 v10, v25  }
0x5c: {  	v8 =	vld [tilespmem:s31+$0x8030];
	v14 =	vadd.f32 $-2.102936950e-01, v14;
	v30 =	vmul.f32 $1.442695020e+00, v30;
	v16 =	vmul.f32 v16, v13  }
0x5d: {  	v32 =	vand.u32 $0x7FFFFFFF, v11;
	v33 =	vmax.f32 v11, $0.0e+00;
	v52 =	vmul.f32 v7, v11  }
0x5e: {  	v32 =	vsub.f32 $0.0e+00, v32;
	v10 =	vadd.f32 $9.999918340e-01, v10;
	(erf) = vpow2.f32 v30  }
0x5f: {  	v11 =	vmax.f32 v35, $0.0e+00;
	v37 =	vand.u32 $0x7FFFFFFF, v24;
	v30 =	vmul.f32 v14, v3;
	v14 =	vld [tilespmem:s31+$0x0]  }
0x60: {  	v37 =	vsub.f32 $0.0e+00, v37;
	v32 =	vmul.f32 $1.442695020e+00, v32;
	v10 =	vmul.f32 v10, v25;
	v25 =	vld [tilespmem:s31+$0x8000]  }
0x61: {  	v35 =	vmul.f32 v8, v35;
	v38 =	vmul.f32 v4, v24;
	v16 =	vadd.f32 $9.999918340e-01, v16  }
0x62: {  	v24 =	vmax.f32 v24, $0.0e+00;
	v50 =	vmul.f32 $1.442695020e+00, v37;
	(erf) = vpow2.f32 v32  }
0x63: {  	v59 =	vmul.f32 v16, v13;
	v16 =	vsub.f32 $1.015000490e-01, v20;
	v10 =	vadd.f32 v10, v5  }
0x64: {  	v23 =	vld [tilespmem:s31+$0x50];
	v55 =	vsub.f32 v11, v35;
	v24 =	vsub.f32 v24, v38;
	(erf) = vpow2.f32 v50  }
0x65: {  	v37 =	vsub.f32 $0.0e+00, v51;
	v61 =	vmul.f32 v16, v1;
	v54 =	vmul.f32 v25, v14  }
0x66: {  	v5 =	vld [tilespmem:s31+$0x8040];
	v9 =	vand.u32 $0x7FFFFFFF, v14;
	v28 =	vadd.f32 v28, v10;
	v14 =	vmax.f32 v14, $0.0e+00  }
0x67: {  	(erf) = vpow2.f32 v53;
	v9 =	vsub.f32 $0.0e+00, v9;
	v14 =	vsub.f32 v14, v54;
	v10 =	vpop (erf)  }
0x68: {  	v16 =	vadd.f32 v25, v12;
	v25 =	vadd.f32 $-2.102936950e-01, v61;
	v56 =	vmul.f32 $2.397957260e-02, v10  }
0x69: {  	v34 =	vand.u32 $0x7FFFFFFF, v23;
	v22 =	vadd.f32 v22, v28;
	v14 =	vadd.f32 v14, v15  }
0x6a: {  	v28 =	vmul.f32 $1.442695020e+00, v37;
	v39 =	vmul.f32 $1.442695020e+00, v9;
	v35 =	vsub.f32 $1.015000490e-01, v56  }
0x6b: {  	v57 =	vmul.f32 v5, v26;
	v11 =	vpop (erf);
	v14 =	vadd.f32 v24, v14;
	v24 =	vsub.f32 v33, v52  }
0x6c: {  	v34 =	vsub.f32 $0.0e+00, v34;
	(erf) = vpow2.f32 v18;
	v15 =	vmul.f32 $2.397957260e-02, v11  }
0x6d: {  	v25 =	vmul.f32 v25, v1;
	v35 =	vmul.f32 v35, v10;
	v60 =	vpop (erf);
	v9 =	vadd.f32 v24, v14  }
0x6e: {  	(erf) = vpow2.f32 v28;
	v13 =	vmul.f32 $2.397957260e-02, v60;
	v58 =	vsub.f32 $1.015000490e-01, v15  }
0x6f: {  	v24 =	vmax.f32 v26, $0.0e+00;
	v15 =	vadd.f32 v55, v9;
	v9 =	vadd.f32 $-2.102936950e-01, v35  }
0x70: {  	v26 =	vmul.f32 $1.442695020e+00, v34;
	v18 =	vsub.f32 $1.015000490e-01, v13;
	v13 =	vmax.f32 v19, $0.0e+00;
	v14 =	vpop (erf)  }
0x71: {  	v19 =	vmul.f32 $2.397957260e-02, v14;
	v13 =	vsub.f32 v13, v31;
	v31 =	vmul.f32 v9, v10  }
0x72: {  	v22 =	vadd.f32 v59, v22;
	v20 =	vmul.f32 v58, v11;
	v9 =	vld [tilespmem:s31+$0x8050];
	v18 =	vmul.f32 v18, v60  }
0x73: {  	(erf) = vpow2.f32 v26;
	v19 =	vsub.f32 $1.015000490e-01, v19;
	v21 =	vadd.f32 $3.252951500e-01, v31  }
0x74: {  	(erf) = vpow2.f32 v39;
	v12 =	vadd.f32 $-2.102936950e-01, v18;
	v18 =	vadd.f32 $-2.102936950e-01, v20  }
0x75: {  	v26 =	vadd.f32 v17, v22;
	v19 =	vmul.f32 v19, v14;
	v20 =	vmul.f32 v21, v10  }
0x76: {  	v12 =	vmul.f32 v12, v60;
	v21 =	vadd.f32 $3.252951500e-01, v30;
	v18 =	vmul.f32 v18, v11  }
0x77: {  	v28 =	vmul.f32 v9, v23;
	v19 =	vadd.f32 $-2.102936950e-01, v19;
	v23 =	vmax.f32 v23, $0.0e+00  }
0x78: {  	v20 =	vadd.f32 $-4.993726020e-01, v20;
	v12 =	vadd.f32 $3.252951500e-01, v12;
	v17 =	vmul.f32 v21, v3  }
0x79: {  	v30 =	vadd.f32 $3.252951500e-01, v18;
	v21 =	vsub.f32 v29, v27;
	v29 =	vmul.f32 v19, v14  }
0x7a: {  	v19 =	vsub.f32 v23, v28;
	v20 =	vmul.f32 v20, v10;
	v31 =	vmul.f32 v12, v60  }
0x7b: {  	v18 =	vpop (erf);
	v17 =	vadd.f32 $-4.993726020e-01, v17;
	v29 =	vadd.f32 $3.252951500e-01, v29  }
0x7c: {  	v28 =	vmul.f32 v30, v11;
	v22 =	vadd.f32 $9.999918340e-01, v20;
	v12 =	vpop (erf);
	v27 =	vadd.f32 $-4.993726020e-01, v31  }
0x7d: {  	v20 =	vadd.f32 $3.252951500e-01, v25;
	v32 =	vmul.f32 v17, v3;
	v25 =	vpop (erf);
	v30 =	vmul.f32 $2.397957260e-02, v12  }
0x7e: {  	v29 =	vmul.f32 v29, v14;
	v23 =	vpop (erf);
	v27 =	vmul.f32 v27, v60  }
0x7f: {  	v24 =	vsub.f32 v24, v57;
	v31 =	vmul.f32 v20, v1;
	v20 =	vmul.f32 $2.397957260e-02, v23  }
0x80: {  	v62 =	vmul.f32 $2.397957260e-02, v25;
	v30 =	vsub.f32 $1.015000490e-01, v30;
	v63 =	vadd.f32 $9.999918340e-01, v27  }
0x81: {  	v17 =	vmul.f32 $2.397957260e-02, v18;
	v29 =	vadd.f32 $-4.993726020e-01, v29;
	v33 =	vsub.f32 $1.015000490e-01, v20  }
0x82: {  	s14 =	simm.s32 $0x800;
	v27 =	vsub.f32 $1.015000490e-01, v62;
	v31 =	vadd.f32 $-4.993726020e-01, v31;
	v20 =	vmul.f32 v63, v60  }
.LBB2_6:
0x83: {  	s15 =	sshra.s32 s14, $0x2;
	p0 =	sne.s32 s14, $0x1FC00;
	s14 =	sadd.s32 $0x400, s14;
	v33 =	vmul.f32 v33, v23;
	v28 =	vadd.f32 $-4.993726020e-01, v28;
	v32 =	vadd.f32 $9.999918340e-01, v32  }
0x84: {  	v30 =	vmul.f32 v30, v12;
	v15 =	vadd.f32 v24, v15;
	v34 =	vld [tilespmem:s15+$0x8010];
	v24 =	vmul.f32 v29, v14  }
0x85: {  	v31 =	vmul.f32 v31, v1;
	v29 =	vld [tilespmem:s15+$0x8060];
	v33 =	vadd.f32 $-2.102936950e-01, v33;
	v28 =	vmul.f32 v28, v11  }
0x86: {  	v15 =	vadd.f32 v19, v15;
	v32 =	vmul.f32 v32, v3;
	v3 =	vmovc v25;
	v35 =	vld [tilespmem:s15+$0x8050];
	v36 =	vadd.f32 $9.999918340e-01, v24  }
0x87: {  	v31 =	vadd.f32 $9.999918340e-01, v31;
	v24 =	vld [tilespmem:s15+$0x8070];
	v25 =	vmul.f32 v33, v23;
	v28 =	vadd.f32 $9.999918340e-01, v28  }
0x88: {  	v30 =	vadd.f32 $-2.102936950e-01, v30;
	v13 =	vadd.f32 v13, v15;
	v33 =	vld [tilespmem:s15+$0x8040];
	v19 =	vmul.f32 v36, v14  }
0x89: {  	v14 =	vld [tilespmem:s15+$0x70];
	v15 =	vadd.f32 $3.252951500e-01, v25;
	v28 =	vmul.f32 v28, v11;
	v11 =	vadd.f32 v32, v26  }
0x8a: {  	v16 =	vadd.f32 v4, v16;
	v25 =	vmul.f32 v30, v12;
	v30 =	vadd.f32 v21, v13;
	v4 =	vmovc v34;
	v26 =	vld [tilespmem:s15+$0x8020]  }
0x8b: {  	v21 =	vmul.f32 v31, v1;
	v1 =	vmovc v18;
	v13 =	vld [tilespmem:s15+$0x60];
	v15 =	vmul.f32 v15, v23;
	v11 =	vadd.f32 v6, v11  }
0x8c: {  	v16 =	vadd.f32 v7, v16;
	v36 =	vadd.f32 $3.252951500e-01, v25;
	v6 =	vmul.f32 v22, v10;
	v18 =	vld [tilespmem:s15+$0x20]  }
0x8d: {  	v27 =	vmul.f32 v27, v3;
	v10 =	vld [tilespmem:s15+$0x10];
	v15 =	vadd.f32 $-4.993726020e-01, v15;
	v11 =	vadd.f32 v21, v11  }
0x8e: {  	v31 =	vmul.f32 v36, v12;
	v22 =	vld [tilespmem:s15+$0x50];
	v25 =	vand.u32 $0x7FFFFFFF, v14;
	v21 =	vmul.f32 v24, v14  }
0x8f: {  	v32 =	vld [tilespmem:s15+$0x40];
	v34 =	vsub.f32 $0.0e+00, v25;
	v25 =	vmax.f32 v14, $0.0e+00;
	v14 =	vmul.f32 v15, v23;
	v7 =	vmovc v26  }
0x90: {  	v8 =	vadd.f32 v8, v16;
	v15 =	vld [tilespmem:s15+$0x0];
	v26 =	vand.u32 $0x7FFFFFFF, v13;
	v36 =	vmul.f32 v29, v13  }
0x91: {  	v27 =	vadd.f32 $-2.102936950e-01, v27;
	v16 =	vand.u32 $0x7FFFFFFF, v18;
	v37 =	vld [tilespmem:s15+$0x30];
	v26 =	vsub.f32 $0.0e+00, v26  }
0x92: {  	v34 =	vmul.f32 $1.442695020e+00, v34;
	v14 =	vadd.f32 $9.999918340e-01, v14;
	v16 =	vsub.f32 $0.0e+00, v16  }
0x93: {  	v38 =	vmax.f32 v18, $0.0e+00;
	v39 =	vand.u32 $0x7FFFFFFF, v22;
	v26 =	vmul.f32 $1.442695020e+00, v26  }
0x94: {  	v41 =	vadd.f32 v5, v8;
	v5 =	vmovc v33;
	v16 =	vmul.f32 $1.442695020e+00, v16;
	v40 =	vand.u32 $0x7FFFFFFF, v32  }
0x95: {  	v8 =	vand.u32 $0x7FFFFFFF, v10;
	(erf) = vpow2.f32 v26;
	v26 =	vmul.f32 v27, v3  }
0x96: {  	v33 =	vmul.f32 v4, v10;
	v14 =	vmul.f32 v14, v23;
	v27 =	vsub.f32 $0.0e+00, v8;
	v8 =	vld [tilespmem:s15+$0x8030]  }
0x97: {  	v10 =	vmax.f32 v10, $0.0e+00;
	v23 =	vld [tilespmem:s15+$0x8000];
	(erf) = vpow2.f32 v16;
	v16 =	vadd.f32 v9, v41;
	v9 =	vmovc v35  }
0x98: {  	v33 =	vsub.f32 v10, v33;
	v10 =	vadd.f32 $-4.993726020e-01, v31;
	v27 =	vmul.f32 $1.442695020e+00, v27  }
0x99: {  	v11 =	vadd.f32 v14, v11;
	v31 =	vand.u32 $0x7FFFFFFF, v37;
	v35 =	vsub.f32 $0.0e+00, v40  }
0x9a: {  	v14 =	vmul.f32 v7, v18;
	v18 =	vsub.f32 $0.0e+00, v31;
	(erf) = vpow2.f32 v27  }
0x9b: {  	v31 =	vmul.f32 $1.442695020e+00, v35;
	v16 =	vadd.f32 v2, v16;
	v2 =	vmovc v29;
	v27 =	vmax.f32 v37, $0.0e+00  }
0x9c: {  	v40 =	vmul.f32 v10, v12;
	v29 =	vand.u32 $0x7FFFFFFF, v15;
	v35 =	vmul.f32 v23, v15  }
0x9d: {  	v41 =	vmax.f32 v15, $0.0e+00;
	v20 =	vadd.f32 v20, v11;
	v15 =	vmul.f32 v8, v37  }
0x9e: {  	v41 =	vsub.f32 v41, v35;
	(erf) = vpow2.f32 v31;
	v10 =	vpop (erf);
	v31 =	vadd.f32 $9.999918340e-01, v40  }
0x9f: {  	v15 =	vsub.f32 v27, v15;
	v27 =	vsub.f32 $0.0e+00, v39;
	v35 =	vmul.f32 $2.397957260e-02, v10  }
0xa0: {  	v29 =	vsub.f32 $0.0e+00, v29;
	v37 =	vmul.f32 v5, v32;
	v30 =	vadd.f32 v41, v30;
	v11 =	vpop (erf)  }
0xa1: {  	v20 =	vadd.f32 v28, v20;
	v39 =	vmul.f32 $2.397957260e-02, v11;
	v40 =	vsub.f32 $1.015000490e-01, v35  }
0xa2: {  	v14 =	vsub.f32 v38, v14;
	v18 =	vmul.f32 $1.442695020e+00, v18;
	v28 =	vadd.f32 v33, v30  }
0xa3: {  	v12 =	vmul.f32 v31, v12;
	v30 =	vsub.f32 $1.015000490e-01, v39;
	v33 =	vmul.f32 v40, v10;
	v35 =	vpop (erf)  }
0xa4: {  	v29 =	vmul.f32 $1.442695020e+00, v29;
	v38 =	vadd.f32 v14, v28;
	v28 =	vmax.f32 v32, $0.0e+00  }
0xa5: {  	v17 =	vsub.f32 $1.015000490e-01, v17;
	v27 =	vmul.f32 $1.442695020e+00, v27;
	v31 =	vmul.f32 $2.397957260e-02, v35  }
0xa6: {  	v32 =	vadd.f32 $-2.102936950e-01, v33;
	v15 =	vadd.f32 v15, v38;
	(erf) = vpow2.f32 v34  }
0xa7: {  	v13 =	vmax.f32 v13, $0.0e+00;
	v30 =	vmul.f32 v30, v11;
	v31 =	vsub.f32 $1.015000490e-01, v31;
	v14 =	vpop (erf)  }
0xa8: {  	v13 =	vsub.f32 v13, v36;
	v32 =	vmul.f32 v32, v10;
	v33 =	vmul.f32 $2.397957260e-02, v14  }
0xa9: {  	v17 =	vmul.f32 v17, v1;
	v16 =	vadd.f32 v0, v16;
	v0 =	vmovc v24;
	v31 =	vmul.f32 v31, v35  }
0xaa: {  	v24 =	vadd.f32 $3.252951500e-01, v32;
	v33 =	vsub.f32 $1.015000490e-01, v33;
	(erf) = vpow2.f32 v18  }
0xab: {  	v16 =	vadd.f32 v23, v16;
	v18 =	vadd.f32 $-2.102936950e-01, v31;
	(erf) = vpow2.f32 v27  }
0xac: {  	v23 =	vadd.f32 $-2.102936950e-01, v30;
	v27 =	vmul.f32 v24, v10;
	(erf) = vpow2.f32 v29  }
0xad: {  	v17 =	vadd.f32 $-2.102936950e-01, v17;
	v30 =	vadd.f32 $3.252951500e-01, v26;
	v29 =	vmul.f32 v18, v35  }
0xae: {  	v12 =	vadd.f32 v12, v20;
	v23 =	vmul.f32 v23, v11;
	v31 =	vmul.f32 v9, v22  }
0xaf: {  	v24 =	vsub.f32 v28, v37;
	v20 =	vmul.f32 v33, v14;
	v27 =	vadd.f32 $-4.993726020e-01, v27;
	v18 =	vpop (erf)  }
0xb0: {  	v26 =	vadd.f32 v19, v12;
	v28 =	vadd.f32 $3.252951500e-01, v29;
	v29 =	vmul.f32 v30, v3  }
0xb1: {  	v17 =	vmul.f32 v17, v1;
	v23 =	vadd.f32 $3.252951500e-01, v23;
	v27 =	vmul.f32 v27, v10  }
0xb2: {  	v21 =	vsub.f32 v25, v21;
	v20 =	vadd.f32 $-2.102936950e-01, v20;
	v19 =	vmul.f32 v28, v35  }
0xb3: {  	v17 =	vadd.f32 $3.252951500e-01, v17;
	v28 =	vmax.f32 v22, $0.0e+00;
	v22 =	vadd.f32 $9.999918340e-01, v27;
	v12 =	vpop (erf)  }
0xb4: {  	v20 =	vmul.f32 v20, v14;
	v27 =	vadd.f32 $-4.993726020e-01, v19;
	v19 =	vsub.f32 v28, v31;
	v25 =	vpop (erf)  }
0xb5: {  	v29 =	vadd.f32 $-4.993726020e-01, v29;
	v28 =	vmul.f32 v23, v11;
	v30 =	vmul.f32 $2.397957260e-02, v12;
	v23 =	vpop (erf)  }
.Ltmp2:
0xb6: {  	v20 =	vadd.f32 $3.252951500e-01, v20;
	v31 =	vmul.f32 v17, v1;
	v27 =	vmul.f32 v27, v35;
	(pc) =	sbr.rel @p0 .LBB2_6-.Ltmp2, $4  }
0xb7: {  	v34 =	vmul.f32 $2.397957260e-02, v25;
	v17 =	vmul.f32 $2.397957260e-02, v23;
	v30 =	vsub.f32 $1.015000490e-01, v30  }
0xb8: {  	v32 =	vmul.f32 v29, v3;
	v37 =	vmul.f32 v20, v14;
	v36 =	vadd.f32 $9.999918340e-01, v27  }
0xb9: {  	v27 =	vsub.f32 $1.015000490e-01, v34;
	v33 =	vsub.f32 $1.015000490e-01, v17;
	v17 =	vmul.f32 $2.397957260e-02, v18  }
0xba: {  	v31 =	vadd.f32 $-4.993726020e-01, v31;
	v29 =	vadd.f32 $-4.993726020e-01, v37;
	v20 =	vmul.f32 v36, v35  }
0xbb: {  	v33 =	vmul.f32 v33, v23;
	_ =	sdelay $0x1  }
0xbc: {  	v33 =	vadd.f32 $-2.102936950e-01, v33;
	_ =	sdelay $0x1  }
0xbd: {  	v33 =	vmul.f32 v33, v23;
	_ =	sdelay $0x1  }
0xbe: {  	v30 =	vmul.f32 v30, v12;
	v33 =	vadd.f32 $3.252951500e-01, v33;
	_ =	sdelay $0x1  }
0xbf: {  	v32 =	vadd.f32 $9.999918340e-01, v32;
	v30 =	vadd.f32 $-2.102936950e-01, v30;
	v42 =	vmul.f32 v33, v23  }
0xc0: {  	v27 =	vmul.f32 v27, v25;
	v17 =	vsub.f32 $1.015000490e-01, v17;
	v31 =	vmul.f32 v31, v1  }
0xc1: {  	v3 =	vmul.f32 v32, v3;
	v43 =	vmul.f32 v30, v12;
	v44 =	vadd.f32 $-4.993726020e-01, v42  }
0xc2: {  	v27 =	vadd.f32 $-2.102936950e-01, v27;
	v17 =	vmul.f32 v17, v18;
	v31 =	vadd.f32 $9.999918340e-01, v31  }
0xc3: {  	v3 =	vadd.f32 v3, v26;
	v45 =	vadd.f32 $3.252951500e-01, v43;
	v46 =	vmul.f32 v44, v23  }
0xc4: {  	v28 =	vadd.f32 $-4.993726020e-01, v28;
	v27 =	vmul.f32 v27, v25;
	v47 =	vmul.f32 v31, v1  }
0xc5: {  	v3 =	vadd.f32 v6, v3;
	v6 =	vmul.f32 v45, v12;
	v26 =	vadd.f32 $9.999918340e-01, v46  }
0xc6: {  	v28 =	vmul.f32 v28, v11;
	v17 =	vadd.f32 $-2.102936950e-01, v17;
	v49 =	vadd.f32 $3.252951500e-01, v27  }
0xc7: {  	v1 =	vadd.f32 v47, v3;
	v6 =	vadd.f32 $-4.993726020e-01, v6;
	v48 =	vmul.f32 v26, v23  }
0xc8: {  	v17 =	vmul.f32 v17, v18;
	v52 =	vmul.f32 v49, v25  }
0xc9: {  	v50 =	vadd.f32 $9.999918340e-01, v28;
	v51 =	vmul.f32 v6, v12;
	v1 =	vadd.f32 v48, v1  }
0xca: {  	v54 =	vmul.f32 v29, v14;
	v17 =	vadd.f32 $3.252951500e-01, v17;
	v6 =	vadd.f32 $-4.993726020e-01, v52  }
0xcb: {  	v53 =	vmul.f32 v50, v11;
	v3 =	vadd.f32 $9.999918340e-01, v51;
	v1 =	vadd.f32 v20, v1  }
0xcc: {  	v4 =	vadd.f32 v4, v16;
	v55 =	vadd.f32 $9.999918340e-01, v54;
	v56 =	vmul.f32 v17, v18  }
0xcd: {  	v6 =	vmul.f32 v6, v25;
	v3 =	vmul.f32 v3, v12;
	v1 =	vadd.f32 v53, v1  }
0xce: {  	v4 =	vadd.f32 v7, v4;
	v58 =	vadd.f32 $-4.993726020e-01, v56  }
0xcf: {  	v57 =	vmul.f32 v55, v14;
	v6 =	vadd.f32 $9.999918340e-01, v6;
	v1 =	vadd.f32 v3, v1  }
0xd0: {  	v59 =	vadd.f32 v24, v15;
	v4 =	vadd.f32 v8, v4  }
0xd1: {  	v60 =	vmul.f32 v58, v18;
	v6 =	vmul.f32 v6, v25;
	v1 =	vadd.f32 v57, v1  }
0xd2: {  	v61 =	vadd.f32 v19, v59;
	v4 =	vadd.f32 v5, v4  }
0xd3: {  	v62 =	vmul.f32 v22, v10;
	v3 =	vadd.f32 $9.999918340e-01, v60;
	v1 =	vadd.f32 v6, v1  }
0xd4: {  	v4 =	vadd.f32 v9, v4  }
0xd5: {  	v63 =	vadd.f32 v13, v61;
	v3 =	vmul.f32 v3, v18;
	v1 =	vadd.f32 v62, v1  }
0xd6: {  	v2 =	vadd.f32 v2, v4  }
0xd7: {  	v5 =	vadd.f32 v21, v63;
	v1 =	vadd.f32 v3, v1  }
0xd8: {  	v0 =	vadd.f32 v0, v2  }
0xd9: {  	v1 =	vadd.f32 v1, v5  }
0xda: {  	[tilespmem:$0x10080] =	vst v0  }
0xdb: {  	[tilespmem:$0x10000] =	vst v1  }
0xdc: {  	[hbm4b:s5+s2] =	stream.linear.scatter [tilespmem:s10], [sflag:$0x3], $0x80, $0x38;
	[tilespmem:$0x10100] =	vst v63  }
0xdd: {  	s13 =	sadd.s32 $0x1, s13;
	_ =	swait.ge [sflag:s11], $0x80  }
0xde: {  	p0 =	sne.s32 s13, s7;
	[sflag:s11] =	ssyncset.done $0x0  }
.Ltmp3:
0xdf: {  	[sflag:s11] =	ssyncadd.s32 $0xFFFFFF80;
	(pc) =	sbr.rel @p0 .LBB2_1-.Ltmp3, $4  }
0xe0: {  	[hbm4b:s6+s2] =	stream.linear.scatter [tilespmem:s12], [sflag:$0x3], $0x80, $0x38;
	[tilespmem:$0x10100] =	vst v63  }
0xe1: {  	_ =	swait.ge [sflag:s11], $0x80  }
0xe2: {  	[sflag:s11] =	ssyncset.done $0x0  }
0xe3: {  	[sflag:s11] =	ssyncadd.s32 $0xFFFFFF80  }
0xe4: {  	_ =	sfence.sel $0x180000  }
0xe5: {  	[bflag:$0x0] =	sbarrier.arrive $0xFFFF  }
0xe6: {  	p0 =	sne.s32 s1, $0x0;
	_ =	strace $0x90000047  }
0xe7: {  	s0 =	sadd.s32 @!p0 $0x100000, s0;
	[bflag:$0x2] =	sbarrier.arrive $0xFFFF  }
0xe8: {  	[sflag:s0] =	ssyncadd.tile.s32 @!p0 $0x1;
	_ =	shalt  }
.Lfunc_end2:
_tile_overlayer_lowered:
.L_overlay_start_2:
0xe9: {  	(tag) =	ssettag $0x2  }
0xea: {  	s0 =	rddreg [dreg:$0x0];
	s2 =	stileid.u32  }
0xeb: {  	s1 =	rddreg [dreg:$0x1];
	p0 =	sne.s32 s2, $0x0  }
0xec: {  	s3 =	rddreg [dreg:$0x2];
	[bflag:$0x3] =	sbarrier.arrive $0xFFFF;
	s2 =	simm.s32 @!p0 $0x1C03  }
0xed: {  	[timem:s3], [sflag:s2] =	dma.local @!p0 [hbm:s0], s1  }
0xee: {  	s0 =	simm.s32 @!p0 $0x3  }
0xef: {  	_ =	swait.ge @!p0 [sflag:s0], s1  }
0xf0: {  	s1 =	ssub.s32 @!p0 $0x0, s1;
	[sflag:s0] =	ssyncset.done @!p0 $0x0  }
0xf1: {  	[sflag:s0] =	ssyncadd.s32 @!p0 s1  }
0xf2: {  	[bflag:$0x3] =	sbarrier.arrive $0xFFFF  }
0xf3: {  	_ =	shalt  }

</sc_bundles>
